<compile_context>
chip_gen: v7x
topology: tpu7x:2x2x1
jax: 0.10.2.dev20260603
libtpu: 0.0.44.dev20260713+nightly
codegen_flags: <defaults>
</compile_context>

<pallas_src>
import functools

import jax
import jax.numpy as jnp
from jax import lax
from jax.experimental import pallas as pl
from jax.experimental.pallas import tpu as pltpu
from jax.experimental.pallas import tpu_sc as plsc

_EPS = 1e-6
_K = 16
_T2 = 256
_T = 128

_DN = (((1,), (1,)), ((), ()))


def _mm(x, w):
    return lax.dot_general(x, w, _DN, preferred_element_type=jnp.float32)


def _knn_body(qpt_ref, qp_ref, idx_ref):
    b = pl.program_id(0)
    n = qpt_ref.shape[2]
    t = qp_ref.shape[1]
    qa = qpt_ref[0]
    qt = qp_ref[0]
    mm = lax.dot_general(qt, qa, (((1,), (0,)), ((), ())),
                         preferred_element_type=jnp.float32)
    sqx = jnp.sum(qt * qt, axis=1, keepdims=True)
    sqy = jnp.sum(qa * qa, axis=0, keepdims=True)
    neg = -((-2.0) * mm + sqx + sqy)
    lane = lax.broadcasted_iota(jnp.int32, (t, n), 1)
    kio = lax.broadcasted_iota(jnp.int32, (t, _K), 1)
    acc = jnp.zeros((t, _K), jnp.int32)
    for j in range(_K):
        m = jnp.max(neg, axis=1, keepdims=True)
        cand = jnp.where(neg == m, lane, n)
        am = jnp.min(cand, axis=1, keepdims=True)
        acc = jnp.where(kio == j, am + b * n, acc)
        neg = jnp.where(lane == am, -jnp.inf, neg)
    idx_ref[0] = acc


def _knn(q_pos, q_post):
    b, n, _ = q_pos.shape
    return pl.pallas_call(
        _knn_body,
        grid=(b, n // _T2),
        in_specs=[
            pl.BlockSpec((1, 3, n), lambda bi, i: (bi, 0, 0)),
            pl.BlockSpec((1, _T2, 3), lambda bi, i: (bi, i, 0)),
        ],
        out_specs=pl.BlockSpec((1, _T2, _K), lambda bi, i: (bi, i, 0)),
        out_shape=jax.ShapeDtypeStruct((b, n, _K), jnp.int32),
    )(q_post, q_pos)


def _sc_gather(qtab, gidx2d):
    rows = gidx2d.shape[0] * gidx2d.shape[1]
    dcol = qtab.shape[1]
    nw = 32
    per_w = rows // nw
    ch = 128
    nch = per_w // ch
    mesh = plsc.VectorSubcoreMesh(core_axis_name="c", subcore_axis_name="s")

    @functools.partial(
        pl.kernel,
        out_type=jax.ShapeDtypeStruct((rows, dcol), jnp.float32),
        mesh=mesh,
        compiler_params=pltpu.CompilerParams(use_tc_tiling_on_sc=True),
        scratch_types=[
            pltpu.VMEM((nch, ch), jnp.int32),
            pltpu.VMEM((ch, dcol), jnp.float32),
            pltpu.VMEM((ch, dcol), jnp.float32),
            pltpu.SemaphoreType.DMA,
            pltpu.SemaphoreType.DMA,
        ],
    )
    def gk(qtab_hbm, gidx_hbm, out_hbm, idx_v, buf0, buf1, sem0, sem1):
        wid = lax.axis_index("s") * 2 + lax.axis_index("c")
        pltpu.sync_copy(gidx_hbm.at[pl.ds(wid * nch, nch)], idx_v)
        bufs = (buf0, buf1)
        sems = (sem0, sem1)
        cps = [None, None]
        cps[0] = pltpu.async_copy(qtab_hbm.at[idx_v.at[0]], buf0, sem0)
        for i in range(nch):
            cur = i % 2
            if i + 1 < nch:
                cps[1 - cur] = pltpu.async_copy(
                    qtab_hbm.at[idx_v.at[i + 1]], bufs[1 - cur], sems[1 - cur])
            cps[cur].wait()
            pltpu.sync_copy(bufs[cur], out_hbm.at[pl.ds((wid * nch + i) * ch, ch)])

    return gk(qtab, gidx2d)


def _main_body(qg_ref, qt_ref, wk_ref, wa_ref, wp_ref, o_ref):
    t = qt_ref.shape[1]
    c = wa_ref.shape[0]
    r = t * _K
    h = []
    for d in range(3):
        lv = qg_ref[0, :, d, :]
        qrep = jnp.broadcast_to(
            qt_ref[0, :, d, :][:, None, :], (t, _K, c)).reshape(r, c)
        fe = jnp.concatenate([lv - qrep, qrep], axis=1)
        h.append(_mm(fe, wk_ref[...]))
    dm = [_mm(h[d], wa_ref[...]) for d in range(3)]
    dnorm = jnp.sqrt(dm[0] * dm[0] + dm[1] * dm[1] + dm[2] * dm[2]) + _EPS
    inv = 1.0 / dnorm
    ddir = [dm[d] * inv for d in range(3)]
    dot = h[0] * ddir[0] + h[1] * ddir[1] + h[2] * ddir[2]
    acted = jnp.where(dot >= 0, dot, 0.2 * dot)
    ha = [h[d] + (acted - dot) * ddir[d] for d in range(3)]
    dp = [_mm(ha[d], wp_ref[...]) for d in range(3)]
    dotp = (ha[0] * dp[0] + ha[1] * dp[1] + ha[2] * dp[2]).reshape(t, _K, c)
    m = jnp.max(dotp, axis=1)
    ha3 = [x.reshape(t, _K, c) for x in ha]
    outd = [x[:, _K - 1, :] for x in ha3]
    for k in range(_K - 2, -1, -1):
        sel = dotp[:, k, :] == m
        outd = [jnp.where(sel, ha3[d][:, k, :], outd[d]) for d in range(3)]
    o_ref[0] = jnp.stack(outd, axis=1)


def _main(qg, qt, wk, wa, wp):
    b, nk, _, c = qg.shape
    n = qt.shape[1]
    r = _T * _K
    return pl.pallas_call(
        _main_body,
        grid=(b, n // _T),
        in_specs=[
            pl.BlockSpec((1, r, 3, c), lambda bi, i: (bi, i, 0, 0)),
            pl.BlockSpec((1, _T, 3, c), lambda bi, i: (bi, i, 0, 0)),
            pl.BlockSpec((c, 2 * c), lambda bi, i: (0, 0)),
            pl.BlockSpec((c, c), lambda bi, i: (0, 0)),
            pl.BlockSpec((c, c), lambda bi, i: (0, 0)),
        ],
        out_specs=pl.BlockSpec((1, _T, 3, c), lambda bi, i: (bi, i, 0, 0)),
        out_shape=jax.ShapeDtypeStruct((b, n, 3, c), jnp.float32),
    )(qg, qt, wk, wa, wp)


def kernel(q, q_pos, W_knn, W_act, W_pool):
    b, n, c, _ = q.shape
    qtab = jnp.transpose(q, (0, 1, 3, 2))
    q_post = jnp.transpose(q_pos, (0, 2, 1))
    gidx = _knn(q_pos, q_post)
    qg = _sc_gather(qtab.reshape(b * n, 3 * c),
                    gidx.reshape(b * n * _K // 128, 128))
    out = _main(qg.reshape(b, n * _K, 3, c), qtab, W_knn, W_act, W_pool)
    return jnp.transpose(out, (0, 1, 3, 2))

# --- scband reference (transcript-rebuilt; emitter-appended) ---
"""Pipeline reference for scband-vndynamic-graph-attention-28982439313691 (READ-ONLY COPY).

The authoritative reference and input builder live on the scoring server;
editing this copy changes nothing except your own understanding.
"""

import jax, jax.numpy as jnp
import numpy as np

EPS = 1e-06
K = 16


def _vec_linear(W, x):
    # W: [O, Cin], x: [B, Cin, 3, N, K] -> [B, O, 3, N, K]
    return jnp.einsum('oc,bcdnk->bodnk', W, x)


def _vec_act(W_dir, x, slope=0.2):
    # VecActivation (so3): activate the component of x along a learned direction
    d = _vec_linear(W_dir, x)
    d_norm = jnp.linalg.norm(d, axis=2, keepdims=True) + EPS
    d_dir = d / d_norm
    dot = jnp.sum(x * d_dir, axis=2, keepdims=True)
    acted = jnp.where(dot >= 0, dot, slope * dot)  # LeakyReLU(0.2) on the scalar projection
    return x + (acted - dot) * d_dir


def _vec_max_pool(W_dir, x):
    # VecMaxPool: per-channel select neighbor with max projection onto learned direction
    d = _vec_linear(W_dir, x)
    dot = jnp.sum(x * d, axis=2)  # [B, C, N, K]
    idx = jnp.argmax(dot, axis=-1)  # [B, C, N]
    idx_e = idx[:, :, None, :, None]  # [B, C, 1, N, 1]
    pooled = jnp.take_along_axis(x, idx_e, axis=-1)  # [B, C, 3, N, 1]
    return pooled[..., 0]  # [B, C, 3, N]


def _forward(q, q_pos, W_knn, W_act, W_pool):
    B, N, C, _ = q.shape
    # square_distance(q_pos, q_pos)
    sq = jnp.sum(q_pos ** 2, axis=-1)
    d2 = -2.0 * jnp.einsum('bnc,bmc->bnm', q_pos, q_pos) + sq[:, :, None] + sq[:, None, :]
    # knn_point: k smallest distances
    _, idx = jax.lax.top_k(-d2, K)  # [B, N, K]
    # index_points
    local_v = jax.vmap(lambda pts, i: pts[i])(q, idx)  # [B, N, K, C, 3]
    q_exp = jnp.broadcast_to(q[:, :, None, :, :], (B, N, K, C, 3))
    feature = jnp.concatenate([local_v - q_exp, q_exp], axis=-2)  # [B, N, K, 2C, 3]
    feature = jnp.transpose(feature, (0, 3, 4, 1, 2))  # [B, 2C, 3, N, K]
    h = _vec_linear(W_knn, feature)  # [B, C, 3, N, K]
    h = _vec_act(W_act, h)
    out = _vec_max_pool(W_pool, h)  # [B, C, 3, N]
    return jnp.transpose(out, (0, 3, 1, 2))  # [B, N, C, 3]


def setup_inputs(seed: int = 0) -> dict:
    key = jax.random.key(seed)
    ks = jax.random.split(key, 5)
    B, N, C = 4, 1024, 128
    q = jax.random.normal(ks[0], (B, N, C, 3), dtype=jnp.float32)
    q_pos = jax.random.normal(ks[1], (B, N, 3), dtype=jnp.float32)
    b1 = 1.0 / np.sqrt(2 * C)
    b2 = 1.0 / np.sqrt(C)
    W_knn = jax.random.uniform(ks[2], (C, 2 * C), jnp.float32, -b1, b1)
    W_act = jax.random.uniform(ks[3], (C, C), jnp.float32, -b2, b2)
    W_pool = jax.random.uniform(ks[4], (C, C), jnp.float32, -b2, b2)
    return {'q': q, 'q_pos': q_pos, 'W_knn': W_knn, 'W_act': W_act, 'W_pool': W_pool}


def reference(q, q_pos, W_knn, W_act, W_pool):
    return _forward(q, q_pos, W_knn, W_act, W_pool)

if __name__ == "__main__":
    import jax
    _d = setup_inputs()
    print(jax.jit(kernel)(*tuple(_d.values())))

</pallas_src>

<mosaic_0001>
#map = affine_map<(d0, d1) -> (0, 0)>
module attributes {stable_mosaic.version = 14 : i64} {
  func.func @gk(%arg0: i32, %arg1: i32, %arg2: memref<4096x384xf32, #tpu.memory_space<hbm>>, %arg3: memref<512x128xi32, #tpu.memory_space<hbm>>, %arg4: memref<65536x384xf32, #tpu.memory_space<hbm>>, %arg5: memref<16x128xi32, #tpu.memory_space<vmem>>, %arg6: memref<128x384xf32, #tpu.memory_space<vmem>>, %arg7: memref<128x384xf32, #tpu.memory_space<vmem>>, %arg8: memref<!tpu.dma_semaphore, #tpu.memory_space<semaphore_mem>>, %arg9: memref<!tpu.dma_semaphore, #tpu.memory_space<semaphore_mem>>) attributes {dimension_semantics = [#tpu.dimension_semantics<core_parallel>, #tpu.dimension_semantics<subcore_parallel>], iteration_bounds = array<i64: 2, 16>, scalar_prefetch = 0 : i64, scratch_operands = 5 : i64, tpu.core_type = #tpu.core_type<sc_vector_subcore>, window_params = [{transform_indices = #map}, {transform_indices = #map}, {transform_indices = #map}]} {
    %mul3A = arith.constant 2 : i32
    %mul3A_0 = arith.muli %arg1, %mul3A : i32
    %add3A = arith.addi %mul3A_0, %arg0 : i32
    %mul3A_1 = arith.constant 16 : i32
    %mul3A_2 = arith.muli %add3A, %mul3A_1 : i32
    "tpu.region"() ({
      %run_scoped3A = tpu.sem_alloc : memref<!tpu.dma_semaphore, #tpu.memory_space<semaphore_mem>>
      %dma_start3A_321 = arith.constant 0 : i32
      %dma_start3A_322 = tpu.memref_slice %arg3[%mul3A_2, %dma_start3A_321] : memref<512x128xi32, #tpu.memory_space<hbm>> -> memref<16x128xi32, #tpu.memory_space<hbm>>
      %dma_start3A_323 = arith.constant 0 : i32
      %dma_start3A_324 = tpu.memref_slice %arg3[%mul3A_2, %dma_start3A_323] : memref<512x128xi32, #tpu.memory_space<hbm>> -> memref<16x128xi32, #tpu.memory_space<hbm>>
      tpu.enqueue_dma source(%dma_start3A_324 : memref<16x128xi32, #tpu.memory_space<hbm>>) target(%arg5 : memref<16x128xi32, #tpu.memory_space<vmem>>) target_semaphore(%run_scoped3A : memref<!tpu.dma_semaphore, #tpu.memory_space<semaphore_mem>>)
      %dma_wait3A_325 = arith.constant 0 : i32
      %dma_wait3A_326 = tpu.memref_slice %arg3[%mul3A_2, %dma_wait3A_325] : memref<512x128xi32, #tpu.memory_space<hbm>> -> memref<16x128xi32, #tpu.memory_space<hbm>>
      %dma_wait3A_327 = arith.constant 0 : i32
      %dma_wait3A_328 = tpu.memref_slice %arg3[%mul3A_2, %dma_wait3A_327] : memref<512x128xi32, #tpu.memory_space<hbm>> -> memref<16x128xi32, #tpu.memory_space<hbm>>
      tpu.wait_dma2 semaphore(%run_scoped3A : memref<!tpu.dma_semaphore, #tpu.memory_space<semaphore_mem>>) src(%dma_wait3A_328 : memref<16x128xi32, #tpu.memory_space<hbm>>) dst(%arg5 : memref<16x128xi32, #tpu.memory_space<vmem>>)
      tpu.yield
    }) : () -> ()
    %dma_start3A = arith.constant 0 : i32
    %dma_start3A_3 = arith.constant 0 : i32
    %dma_start3A_4 = tpu.memref_slice %arg5[%dma_start3A, %dma_start3A_3] : memref<16x128xi32, #tpu.memory_space<vmem>> -> memref<1x128xi32, #tpu.memory_space<vmem>>
    %dma_start3A_5 = tpu.memref_squeeze %dma_start3A_4 : memref<1x128xi32, #tpu.memory_space<vmem>> -> memref<128xi32, #tpu.memory_space<vmem>>
    %dma_start3A_6 = arith.constant 0 : i32
    %dma_start3A_7 = arith.constant 0 : i32
    %dma_start3A_8 = tpu.memref_slice %arg2[%dma_start3A_6, %dma_start3A_7] : memref<4096x384xf32, #tpu.memory_space<hbm>> -> memref<4096x384xf32, #tpu.memory_space<hbm>>
    tpu.enqueue_indirect_dma source(%dma_start3A_8 : memref<4096x384xf32, #tpu.memory_space<hbm>>) target(%arg6 : memref<128x384xf32, #tpu.memory_space<vmem>>) offsets(%dma_start3A_5 : memref<128xi32, #tpu.memory_space<vmem>>) semaphore(%arg8 : memref<!tpu.dma_semaphore, #tpu.memory_space<semaphore_mem>>)
    %dma_start3A_9 = arith.constant 1 : i32
    %dma_start3A_10 = arith.constant 0 : i32
    %dma_start3A_11 = tpu.memref_slice %arg5[%dma_start3A_9, %dma_start3A_10] : memref<16x128xi32, #tpu.memory_space<vmem>> -> memref<1x128xi32, #tpu.memory_space<vmem>>
    %dma_start3A_12 = tpu.memref_squeeze %dma_start3A_11 : memref<1x128xi32, #tpu.memory_space<vmem>> -> memref<128xi32, #tpu.memory_space<vmem>>
    %dma_start3A_13 = arith.constant 0 : i32
    %dma_start3A_14 = arith.constant 0 : i32
    %dma_start3A_15 = tpu.memref_slice %arg2[%dma_start3A_13, %dma_start3A_14] : memref<4096x384xf32, #tpu.memory_space<hbm>> -> memref<4096x384xf32, #tpu.memory_space<hbm>>
    tpu.enqueue_indirect_dma source(%dma_start3A_15 : memref<4096x384xf32, #tpu.memory_space<hbm>>) target(%arg7 : memref<128x384xf32, #tpu.memory_space<vmem>>) offsets(%dma_start3A_12 : memref<128xi32, #tpu.memory_space<vmem>>) semaphore(%arg9 : memref<!tpu.dma_semaphore, #tpu.memory_space<semaphore_mem>>)
    %dma_wait3A = arith.constant 0 : i32
    %dma_wait3A_16 = arith.constant 0 : i32
    %dma_wait3A_17 = tpu.memref_slice %arg5[%dma_wait3A, %dma_wait3A_16] : memref<16x128xi32, #tpu.memory_space<vmem>> -> memref<1x128xi32, #tpu.memory_space<vmem>>
    %dma_wait3A_18 = tpu.memref_squeeze %dma_wait3A_17 : memref<1x128xi32, #tpu.memory_space<vmem>> -> memref<128xi32, #tpu.memory_space<vmem>>
    %dma_wait3A_19 = arith.constant 0 : i32
    %dma_wait3A_20 = arith.constant 0 : i32
    %dma_wait3A_21 = tpu.memref_slice %arg2[%dma_wait3A_19, %dma_wait3A_20] : memref<4096x384xf32, #tpu.memory_space<hbm>> -> memref<4096x384xf32, #tpu.memory_space<hbm>>
    tpu.wait_indirect_dma semaphore(%arg8 : memref<!tpu.dma_semaphore, #tpu.memory_space<semaphore_mem>>) src(%dma_wait3A_21 : memref<4096x384xf32, #tpu.memory_space<hbm>>) dst(%arg6 : memref<128x384xf32, #tpu.memory_space<vmem>>)
    %mul3A_22 = arith.constant 16 : i32
    %mul3A_23 = arith.muli %add3A, %mul3A_22 : i32
    %add3A_24 = arith.constant 0 : i32
    %add3A_25 = arith.addi %mul3A_23, %add3A_24 : i32
    %mul3A_26 = arith.constant 128 : i32
    %mul3A_27 = arith.muli %add3A_25, %mul3A_26 : i32
    "tpu.region"() ({
      %run_scoped3A = tpu.sem_alloc : memref<!tpu.dma_semaphore, #tpu.memory_space<semaphore_mem>>
      %dma_start3A_321 = arith.constant 0 : i32
      %dma_start3A_322 = tpu.memref_slice %arg4[%mul3A_27, %dma_start3A_321] : memref<65536x384xf32, #tpu.memory_space<hbm>> -> memref<128x384xf32, #tpu.memory_space<hbm>>
      %dma_start3A_323 = arith.constant 0 : i32
      %dma_start3A_324 = tpu.memref_slice %arg4[%mul3A_27, %dma_start3A_323] : memref<65536x384xf32, #tpu.memory_space<hbm>> -> memref<128x384xf32, #tpu.memory_space<hbm>>
      tpu.enqueue_dma source(%arg6 : memref<128x384xf32, #tpu.memory_space<vmem>>) target(%dma_start3A_324 : memref<128x384xf32, #tpu.memory_space<hbm>>) target_semaphore(%run_scoped3A : memref<!tpu.dma_semaphore, #tpu.memory_space<semaphore_mem>>)
      %dma_wait3A_325 = arith.constant 0 : i32
      %dma_wait3A_326 = tpu.memref_slice %arg4[%mul3A_27, %dma_wait3A_325] : memref<65536x384xf32, #tpu.memory_space<hbm>> -> memref<128x384xf32, #tpu.memory_space<hbm>>
      %dma_wait3A_327 = arith.constant 0 : i32
      %dma_wait3A_328 = tpu.memref_slice %arg4[%mul3A_27, %dma_wait3A_327] : memref<65536x384xf32, #tpu.memory_space<hbm>> -> memref<128x384xf32, #tpu.memory_space<hbm>>
      tpu.wait_dma2 semaphore(%run_scoped3A : memref<!tpu.dma_semaphore, #tpu.memory_space<semaphore_mem>>) src(%arg6 : memref<128x384xf32, #tpu.memory_space<vmem>>) dst(%dma_wait3A_328 : memref<128x384xf32, #tpu.memory_space<hbm>>)
      tpu.yield
    }) : () -> ()
    %dma_start3A_28 = arith.constant 2 : i32
    %dma_start3A_29 = arith.constant 0 : i32
    %dma_start3A_30 = tpu.memref_slice %arg5[%dma_start3A_28, %dma_start3A_29] : memref<16x128xi32, #tpu.memory_space<vmem>> -> memref<1x128xi32, #tpu.memory_space<vmem>>
    %dma_start3A_31 = tpu.memref_squeeze %dma_start3A_30 : memref<1x128xi32, #tpu.memory_space<vmem>> -> memref<128xi32, #tpu.memory_space<vmem>>
    %dma_start3A_32 = arith.constant 0 : i32
    %dma_start3A_33 = arith.constant 0 : i32
    %dma_start3A_34 = tpu.memref_slice %arg2[%dma_start3A_32, %dma_start3A_33] : memref<4096x384xf32, #tpu.memory_space<hbm>> -> memref<4096x384xf32, #tpu.memory_space<hbm>>
    tpu.enqueue_indirect_dma source(%dma_start3A_34 : memref<4096x384xf32, #tpu.memory_space<hbm>>) target(%arg6 : memref<128x384xf32, #tpu.memory_space<vmem>>) offsets(%dma_start3A_31 : memref<128xi32, #tpu.memory_space<vmem>>) semaphore(%arg8 : memref<!tpu.dma_semaphore, #tpu.memory_space<semaphore_mem>>)
    %dma_wait3A_35 = arith.constant 1 : i32
    %dma_wait3A_36 = arith.constant 0 : i32
    %dma_wait3A_37 = tpu.memref_slice %arg5[%dma_wait3A_35, %dma_wait3A_36] : memref<16x128xi32, #tpu.memory_space<vmem>> -> memref<1x128xi32, #tpu.memory_space<vmem>>
    %dma_wait3A_38 = tpu.memref_squeeze %dma_wait3A_37 : memref<1x128xi32, #tpu.memory_space<vmem>> -> memref<128xi32, #tpu.memory_space<vmem>>
    %dma_wait3A_39 = arith.constant 0 : i32
    %dma_wait3A_40 = arith.constant 0 : i32
    %dma_wait3A_41 = tpu.memref_slice %arg2[%dma_wait3A_39, %dma_wait3A_40] : memref<4096x384xf32, #tpu.memory_space<hbm>> -> memref<4096x384xf32, #tpu.memory_space<hbm>>
    tpu.wait_indirect_dma semaphore(%arg9 : memref<!tpu.dma_semaphore, #tpu.memory_space<semaphore_mem>>) src(%dma_wait3A_41 : memref<4096x384xf32, #tpu.memory_space<hbm>>) dst(%arg7 : memref<128x384xf32, #tpu.memory_space<vmem>>)
    %mul3A_42 = arith.constant 16 : i32
    %mul3A_43 = arith.muli %add3A, %mul3A_42 : i32
    %add3A_44 = arith.constant 1 : i32
    %add3A_45 = arith.addi %mul3A_43, %add3A_44 : i32
    %mul3A_46 = arith.constant 128 : i32
    %mul3A_47 = arith.muli %add3A_45, %mul3A_46 : i32
    "tpu.region"() ({
      %run_scoped3A = tpu.sem_alloc : memref<!tpu.dma_semaphore, #tpu.memory_space<semaphore_mem>>
      %dma_start3A_321 = arith.constant 0 : i32
      %dma_start3A_322 = tpu.memref_slice %arg4[%mul3A_47, %dma_start3A_321] : memref<65536x384xf32, #tpu.memory_space<hbm>> -> memref<128x384xf32, #tpu.memory_space<hbm>>
      %dma_start3A_323 = arith.constant 0 : i32
      %dma_start3A_324 = tpu.memref_slice %arg4[%mul3A_47, %dma_start3A_323] : memref<65536x384xf32, #tpu.memory_space<hbm>> -> memref<128x384xf32, #tpu.memory_space<hbm>>
      tpu.enqueue_dma source(%arg7 : memref<128x384xf32, #tpu.memory_space<vmem>>) target(%dma_start3A_324 : memref<128x384xf32, #tpu.memory_space<hbm>>) target_semaphore(%run_scoped3A : memref<!tpu.dma_semaphore, #tpu.memory_space<semaphore_mem>>)
      %dma_wait3A_325 = arith.constant 0 : i32
      %dma_wait3A_326 = tpu.memref_slice %arg4[%mul3A_47, %dma_wait3A_325] : memref<65536x384xf32, #tpu.memory_space<hbm>> -> memref<128x384xf32, #tpu.memory_space<hbm>>
      %dma_wait3A_327 = arith.constant 0 : i32
      %dma_wait3A_328 = tpu.memref_slice %arg4[%mul3A_47, %dma_wait3A_327] : memref<65536x384xf32, #tpu.memory_space<hbm>> -> memref<128x384xf32, #tpu.memory_space<hbm>>
      tpu.wait_dma2 semaphore(%run_scoped3A : memref<!tpu.dma_semaphore, #tpu.memory_space<semaphore_mem>>) src(%arg7 : memref<128x384xf32, #tpu.memory_space<vmem>>) dst(%dma_wait3A_328 : memref<128x384xf32, #tpu.memory_space<hbm>>)
      tpu.yield
    }) : () -> ()
    %dma_start3A_48 = arith.constant 3 : i32
    %dma_start3A_49 = arith.constant 0 : i32
    %dma_start3A_50 = tpu.memref_slice %arg5[%dma_start3A_48, %dma_start3A_49] : memref<16x128xi32, #tpu.memory_space<vmem>> -> memref<1x128xi32, #tpu.memory_space<vmem>>
    %dma_start3A_51 = tpu.memref_squeeze %dma_start3A_50 : memref<1x128xi32, #tpu.memory_space<vmem>> -> memref<128xi32, #tpu.memory_space<vmem>>
    %dma_start3A_52 = arith.constant 0 : i32
    %dma_start3A_53 = arith.constant 0 : i32
    %dma_start3A_54 = tpu.memref_slice %arg2[%dma_start3A_52, %dma_start3A_53] : memref<4096x384xf32, #tpu.memory_space<hbm>> -> memref<4096x384xf32, #tpu.memory_space<hbm>>
    tpu.enqueue_indirect_dma source(%dma_start3A_54 : memref<4096x384xf32, #tpu.memory_space<hbm>>) target(%arg7 : memref<128x384xf32, #tpu.memory_space<vmem>>) offsets(%dma_start3A_51 : memref<128xi32, #tpu.memory_space<vmem>>) semaphore(%arg9 : memref<!tpu.dma_semaphore, #tpu.memory_space<semaphore_mem>>)
    %dma_wait3A_55 = arith.constant 2 : i32
    %dma_wait3A_56 = arith.constant 0 : i32
    %dma_wait3A_57 = tpu.memref_slice %arg5[%dma_wait3A_55, %dma_wait3A_56] : memref<16x128xi32, #tpu.memory_space<vmem>> -> memref<1x128xi32, #tpu.memory_space<vmem>>
    %dma_wait3A_58 = tpu.memref_squeeze %dma_wait3A_57 : memref<1x128xi32, #tpu.memory_space<vmem>> -> memref<128xi32, #tpu.memory_space<vmem>>
    %dma_wait3A_59 = arith.constant 0 : i32
    %dma_wait3A_60 = arith.constant 0 : i32
    %dma_wait3A_61 = tpu.memref_slice %arg2[%dma_wait3A_59, %dma_wait3A_60] : memref<4096x384xf32, #tpu.memory_space<hbm>> -> memref<4096x384xf32, #tpu.memory_space<hbm>>
    tpu.wait_indirect_dma semaphore(%arg8 : memref<!tpu.dma_semaphore, #tpu.memory_space<semaphore_mem>>) src(%dma_wait3A_61 : memref<4096x384xf32, #tpu.memory_space<hbm>>) dst(%arg6 : memref<128x384xf32, #tpu.memory_space<vmem>>)
    %mul3A_62 = arith.constant 16 : i32
    %mul3A_63 = arith.muli %add3A, %mul3A_62 : i32
    %add3A_64 = arith.constant 2 : i32
    %add3A_65 = arith.addi %mul3A_63, %add3A_64 : i32
    %mul3A_66 = arith.constant 128 : i32
    %mul3A_67 = arith.muli %add3A_65, %mul3A_66 : i32
    "tpu.region"() ({
      %run_scoped3A = tpu.sem_alloc : memref<!tpu.dma_semaphore, #tpu.memory_space<semaphore_mem>>
      %dma_start3A_321 = arith.constant 0 : i32
      %dma_start3A_322 = tpu.memref_slice %arg4[%mul3A_67, %dma_start3A_321] : memref<65536x384xf32, #tpu.memory_space<hbm>> -> memref<128x384xf32, #tpu.memory_space<hbm>>
      %dma_start3A_323 = arith.constant 0 : i32
      %dma_start3A_324 = tpu.memref_slice %arg4[%mul3A_67, %dma_start3A_323] : memref<65536x384xf32, #tpu.memory_space<hbm>> -> memref<128x384xf32, #tpu.memory_space<hbm>>
      tpu.enqueue_dma source(%arg6 : memref<128x384xf32, #tpu.memory_space<vmem>>) target(%dma_start3A_324 : memref<128x384xf32, #tpu.memory_space<hbm>>) target_semaphore(%run_scoped3A : memref<!tpu.dma_semaphore, #tpu.memory_space<semaphore_mem>>)
      %dma_wait3A_325 = arith.constant 0 : i32
      %dma_wait3A_326 = tpu.memref_slice %arg4[%mul3A_67, %dma_wait3A_325] : memref<65536x384xf32, #tpu.memory_space<hbm>> -> memref<128x384xf32, #tpu.memory_space<hbm>>
      %dma_wait3A_327 = arith.constant 0 : i32
      %dma_wait3A_328 = tpu.memref_slice %arg4[%mul3A_67, %dma_wait3A_327] : memref<65536x384xf32, #tpu.memory_space<hbm>> -> memref<128x384xf32, #tpu.memory_space<hbm>>
      tpu.wait_dma2 semaphore(%run_scoped3A : memref<!tpu.dma_semaphore, #tpu.memory_space<semaphore_mem>>) src(%arg6 : memref<128x384xf32, #tpu.memory_space<vmem>>) dst(%dma_wait3A_328 : memref<128x384xf32, #tpu.memory_space<hbm>>)
      tpu.yield
    }) : () -> ()
    %dma_start3A_68 = arith.constant 4 : i32
    %dma_start3A_69 = arith.constant 0 : i32
    %dma_start3A_70 = tpu.memref_slice %arg5[%dma_start3A_68, %dma_start3A_69] : memref<16x128xi32, #tpu.memory_space<vmem>> -> memref<1x128xi32, #tpu.memory_space<vmem>>
    %dma_start3A_71 = tpu.memref_squeeze %dma_start3A_70 : memref<1x128xi32, #tpu.memory_space<vmem>> -> memref<128xi32, #tpu.memory_space<vmem>>
    %dma_start3A_72 = arith.constant 0 : i32
    %dma_start3A_73 = arith.constant 0 : i32
    %dma_start3A_74 = tpu.memref_slice %arg2[%dma_start3A_72, %dma_start3A_73] : memref<4096x384xf32, #tpu.memory_space<hbm>> -> memref<4096x384xf32, #tpu.memory_space<hbm>>
    tpu.enqueue_indirect_dma source(%dma_start3A_74 : memref<4096x384xf32, #tpu.memory_space<hbm>>) target(%arg6 : memref<128x384xf32, #tpu.memory_space<vmem>>) offsets(%dma_start3A_71 : memref<128xi32, #tpu.memory_space<vmem>>) semaphore(%arg8 : memref<!tpu.dma_semaphore, #tpu.memory_space<semaphore_mem>>)
    %dma_wait3A_75 = arith.constant 3 : i32
    %dma_wait3A_76 = arith.constant 0 : i32
    %dma_wait3A_77 = tpu.memref_slice %arg5[%dma_wait3A_75, %dma_wait3A_76] : memref<16x128xi32, #tpu.memory_space<vmem>> -> memref<1x128xi32, #tpu.memory_space<vmem>>
    %dma_wait3A_78 = tpu.memref_squeeze %dma_wait3A_77 : memref<1x128xi32, #tpu.memory_space<vmem>> -> memref<128xi32, #tpu.memory_space<vmem>>
    %dma_wait3A_79 = arith.constant 0 : i32
    %dma_wait3A_80 = arith.constant 0 : i32
    %dma_wait3A_81 = tpu.memref_slice %arg2[%dma_wait3A_79, %dma_wait3A_80] : memref<4096x384xf32, #tpu.memory_space<hbm>> -> memref<4096x384xf32, #tpu.memory_space<hbm>>
    tpu.wait_indirect_dma semaphore(%arg9 : memref<!tpu.dma_semaphore, #tpu.memory_space<semaphore_mem>>) src(%dma_wait3A_81 : memref<4096x384xf32, #tpu.memory_space<hbm>>) dst(%arg7 : memref<128x384xf32, #tpu.memory_space<vmem>>)
    %mul3A_82 = arith.constant 16 : i32
    %mul3A_83 = arith.muli %add3A, %mul3A_82 : i32
    %add3A_84 = arith.constant 3 : i32
    %add3A_85 = arith.addi %mul3A_83, %add3A_84 : i32
    %mul3A_86 = arith.constant 128 : i32
    %mul3A_87 = arith.muli %add3A_85, %mul3A_86 : i32
    "tpu.region"() ({
      %run_scoped3A = tpu.sem_alloc : memref<!tpu.dma_semaphore, #tpu.memory_space<semaphore_mem>>
      %dma_start3A_321 = arith.constant 0 : i32
      %dma_start3A_322 = tpu.memref_slice %arg4[%mul3A_87, %dma_start3A_321] : memref<65536x384xf32, #tpu.memory_space<hbm>> -> memref<128x384xf32, #tpu.memory_space<hbm>>
      %dma_start3A_323 = arith.constant 0 : i32
      %dma_start3A_324 = tpu.memref_slice %arg4[%mul3A_87, %dma_start3A_323] : memref<65536x384xf32, #tpu.memory_space<hbm>> -> memref<128x384xf32, #tpu.memory_space<hbm>>
      tpu.enqueue_dma source(%arg7 : memref<128x384xf32, #tpu.memory_space<vmem>>) target(%dma_start3A_324 : memref<128x384xf32, #tpu.memory_space<hbm>>) target_semaphore(%run_scoped3A : memref<!tpu.dma_semaphore, #tpu.memory_space<semaphore_mem>>)
      %dma_wait3A_325 = arith.constant 0 : i32
      %dma_wait3A_326 = tpu.memref_slice %arg4[%mul3A_87, %dma_wait3A_325] : memref<65536x384xf32, #tpu.memory_space<hbm>> -> memref<128x384xf32, #tpu.memory_space<hbm>>
      %dma_wait3A_327 = arith.constant 0 : i32
      %dma_wait3A_328 = tpu.memref_slice %arg4[%mul3A_87, %dma_wait3A_327] : memref<65536x384xf32, #tpu.memory_space<hbm>> -> memref<128x384xf32, #tpu.memory_space<hbm>>
      tpu.wait_dma2 semaphore(%run_scoped3A : memref<!tpu.dma_semaphore, #tpu.memory_space<semaphore_mem>>) src(%arg7 : memref<128x384xf32, #tpu.memory_space<vmem>>) dst(%dma_wait3A_328 : memref<128x384xf32, #tpu.memory_space<hbm>>)
      tpu.yield
    }) : () -> ()
    %dma_start3A_88 = arith.constant 5 : i32
    %dma_start3A_89 = arith.constant 0 : i32
    %dma_start3A_90 = tpu.memref_slice %arg5[%dma_start3A_88, %dma_start3A_89] : memref<16x128xi32, #tpu.memory_space<vmem>> -> memref<1x128xi32, #tpu.memory_space<vmem>>
    %dma_start3A_91 = tpu.memref_squeeze %dma_start3A_90 : memref<1x128xi32, #tpu.memory_space<vmem>> -> memref<128xi32, #tpu.memory_space<vmem>>
    %dma_start3A_92 = arith.constant 0 : i32
    %dma_start3A_93 = arith.constant 0 : i32
    %dma_start3A_94 = tpu.memref_slice %arg2[%dma_start3A_92, %dma_start3A_93] : memref<4096x384xf32, #tpu.memory_space<hbm>> -> memref<4096x384xf32, #tpu.memory_space<hbm>>
    tpu.enqueue_indirect_dma source(%dma_start3A_94 : memref<4096x384xf32, #tpu.memory_space<hbm>>) target(%arg7 : memref<128x384xf32, #tpu.memory_space<vmem>>) offsets(%dma_start3A_91 : memref<128xi32, #tpu.memory_space<vmem>>) semaphore(%arg9 : memref<!tpu.dma_semaphore, #tpu.memory_space<semaphore_mem>>)
    %dma_wait3A_95 = arith.constant 4 : i32
    %dma_wait3A_96 = arith.constant 0 : i32
    %dma_wait3A_97 = tpu.memref_slice %arg5[%dma_wait3A_95, %dma_wait3A_96] : memref<16x128xi32, #tpu.memory_space<vmem>> -> memref<1x128xi32, #tpu.memory_space<vmem>>
    %dma_wait3A_98 = tpu.memref_squeeze %dma_wait3A_97 : memref<1x128xi32, #tpu.memory_space<vmem>> -> memref<128xi32, #tpu.memory_space<vmem>>
    %dma_wait3A_99 = arith.constant 0 : i32
    %dma_wait3A_100 = arith.constant 0 : i32
    %dma_wait3A_101 = tpu.memref_slice %arg2[%dma_wait3A_99, %dma_wait3A_100] : memref<4096x384xf32, #tpu.memory_space<hbm>> -> memref<4096x384xf32, #tpu.memory_space<hbm>>
    tpu.wait_indirect_dma semaphore(%arg8 : memref<!tpu.dma_semaphore, #tpu.memory_space<semaphore_mem>>) src(%dma_wait3A_101 : memref<4096x384xf32, #tpu.memory_space<hbm>>) dst(%arg6 : memref<128x384xf32, #tpu.memory_space<vmem>>)
    %mul3A_102 = arith.constant 16 : i32
    %mul3A_103 = arith.muli %add3A, %mul3A_102 : i32
    %add3A_104 = arith.constant 4 : i32
    %add3A_105 = arith.addi %mul3A_103, %add3A_104 : i32
    %mul3A_106 = arith.constant 128 : i32
    %mul3A_107 = arith.muli %add3A_105, %mul3A_106 : i32
    "tpu.region"() ({
      %run_scoped3A = tpu.sem_alloc : memref<!tpu.dma_semaphore, #tpu.memory_space<semaphore_mem>>
      %dma_start3A_321 = arith.constant 0 : i32
      %dma_start3A_322 = tpu.memref_slice %arg4[%mul3A_107, %dma_start3A_321] : memref<65536x384xf32, #tpu.memory_space<hbm>> -> memref<128x384xf32, #tpu.memory_space<hbm>>
      %dma_start3A_323 = arith.constant 0 : i32
      %dma_start3A_324 = tpu.memref_slice %arg4[%mul3A_107, %dma_start3A_323] : memref<65536x384xf32, #tpu.memory_space<hbm>> -> memref<128x384xf32, #tpu.memory_space<hbm>>
      tpu.enqueue_dma source(%arg6 : memref<128x384xf32, #tpu.memory_space<vmem>>) target(%dma_start3A_324 : memref<128x384xf32, #tpu.memory_space<hbm>>) target_semaphore(%run_scoped3A : memref<!tpu.dma_semaphore, #tpu.memory_space<semaphore_mem>>)
      %dma_wait3A_325 = arith.constant 0 : i32
      %dma_wait3A_326 = tpu.memref_slice %arg4[%mul3A_107, %dma_wait3A_325] : memref<65536x384xf32, #tpu.memory_space<hbm>> -> memref<128x384xf32, #tpu.memory_space<hbm>>
      %dma_wait3A_327 = arith.constant 0 : i32
      %dma_wait3A_328 = tpu.memref_slice %arg4[%mul3A_107, %dma_wait3A_327] : memref<65536x384xf32, #tpu.memory_space<hbm>> -> memref<128x384xf32, #tpu.memory_space<hbm>>
      tpu.wait_dma2 semaphore(%run_scoped3A : memref<!tpu.dma_semaphore, #tpu.memory_space<semaphore_mem>>) src(%arg6 : memref<128x384xf32, #tpu.memory_space<vmem>>) dst(%dma_wait3A_328 : memref<128x384xf32, #tpu.memory_space<hbm>>)
      tpu.yield
    }) : () -> ()
    %dma_start3A_108 = arith.constant 6 : i32
    %dma_start3A_109 = arith.constant 0 : i32
    %dma_start3A_110 = tpu.memref_slice %arg5[%dma_start3A_108, %dma_start3A_109] : memref<16x128xi32, #tpu.memory_space<vmem>> -> memref<1x128xi32, #tpu.memory_space<vmem>>
    %dma_start3A_111 = tpu.memref_squeeze %dma_start3A_110 : memref<1x128xi32, #tpu.memory_space<vmem>> -> memref<128xi32, #tpu.memory_space<vmem>>
    %dma_start3A_112 = arith.constant 0 : i32
    %dma_start3A_113 = arith.constant 0 : i32
    %dma_start3A_114 = tpu.memref_slice %arg2[%dma_start3A_112, %dma_start3A_113] : memref<4096x384xf32, #tpu.memory_space<hbm>> -> memref<4096x384xf32, #tpu.memory_space<hbm>>
    tpu.enqueue_indirect_dma source(%dma_start3A_114 : memref<4096x384xf32, #tpu.memory_space<hbm>>) target(%arg6 : memref<128x384xf32, #tpu.memory_space<vmem>>) offsets(%dma_start3A_111 : memref<128xi32, #tpu.memory_space<vmem>>) semaphore(%arg8 : memref<!tpu.dma_semaphore, #tpu.memory_space<semaphore_mem>>)
    %dma_wait3A_115 = arith.constant 5 : i32
    %dma_wait3A_116 = arith.constant 0 : i32
    %dma_wait3A_117 = tpu.memref_slice %arg5[%dma_wait3A_115, %dma_wait3A_116] : memref<16x128xi32, #tpu.memory_space<vmem>> -> memref<1x128xi32, #tpu.memory_space<vmem>>
    %dma_wait3A_118 = tpu.memref_squeeze %dma_wait3A_117 : memref<1x128xi32, #tpu.memory_space<vmem>> -> memref<128xi32, #tpu.memory_space<vmem>>
    %dma_wait3A_119 = arith.constant 0 : i32
    %dma_wait3A_120 = arith.constant 0 : i32
    %dma_wait3A_121 = tpu.memref_slice %arg2[%dma_wait3A_119, %dma_wait3A_120] : memref<4096x384xf32, #tpu.memory_space<hbm>> -> memref<4096x384xf32, #tpu.memory_space<hbm>>
    tpu.wait_indirect_dma semaphore(%arg9 : memref<!tpu.dma_semaphore, #tpu.memory_space<semaphore_mem>>) src(%dma_wait3A_121 : memref<4096x384xf32, #tpu.memory_space<hbm>>) dst(%arg7 : memref<128x384xf32, #tpu.memory_space<vmem>>)
    %mul3A_122 = arith.constant 16 : i32
    %mul3A_123 = arith.muli %add3A, %mul3A_122 : i32
    %add3A_124 = arith.constant 5 : i32
    %add3A_125 = arith.addi %mul3A_123, %add3A_124 : i32
    %mul3A_126 = arith.constant 128 : i32
    %mul3A_127 = arith.muli %add3A_125, %mul3A_126 : i32
    "tpu.region"() ({
      %run_scoped3A = tpu.sem_alloc : memref<!tpu.dma_semaphore, #tpu.memory_space<semaphore_mem>>
      %dma_start3A_321 = arith.constant 0 : i32
      %dma_start3A_322 = tpu.memref_slice %arg4[%mul3A_127, %dma_start3A_321] : memref<65536x384xf32, #tpu.memory_space<hbm>> -> memref<128x384xf32, #tpu.memory_space<hbm>>
      %dma_start3A_323 = arith.constant 0 : i32
      %dma_start3A_324 = tpu.memref_slice %arg4[%mul3A_127, %dma_start3A_323] : memref<65536x384xf32, #tpu.memory_space<hbm>> -> memref<128x384xf32, #tpu.memory_space<hbm>>
      tpu.enqueue_dma source(%arg7 : memref<128x384xf32, #tpu.memory_space<vmem>>) target(%dma_start3A_324 : memref<128x384xf32, #tpu.memory_space<hbm>>) target_semaphore(%run_scoped3A : memref<!tpu.dma_semaphore, #tpu.memory_space<semaphore_mem>>)
      %dma_wait3A_325 = arith.constant 0 : i32
      %dma_wait3A_326 = tpu.memref_slice %arg4[%mul3A_127, %dma_wait3A_325] : memref<65536x384xf32, #tpu.memory_space<hbm>> -> memref<128x384xf32, #tpu.memory_space<hbm>>
      %dma_wait3A_327 = arith.constant 0 : i32
      %dma_wait3A_328 = tpu.memref_slice %arg4[%mul3A_127, %dma_wait3A_327] : memref<65536x384xf32, #tpu.memory_space<hbm>> -> memref<128x384xf32, #tpu.memory_space<hbm>>
      tpu.wait_dma2 semaphore(%run_scoped3A : memref<!tpu.dma_semaphore, #tpu.memory_space<semaphore_mem>>) src(%arg7 : memref<128x384xf32, #tpu.memory_space<vmem>>) dst(%dma_wait3A_328 : memref<128x384xf32, #tpu.memory_space<hbm>>)
      tpu.yield
    }) : () -> ()
    %dma_start3A_128 = arith.constant 7 : i32
    %dma_start3A_129 = arith.constant 0 : i32
    %dma_start3A_130 = tpu.memref_slice %arg5[%dma_start3A_128, %dma_start3A_129] : memref<16x128xi32, #tpu.memory_space<vmem>> -> memref<1x128xi32, #tpu.memory_space<vmem>>
    %dma_start3A_131 = tpu.memref_squeeze %dma_start3A_130 : memref<1x128xi32, #tpu.memory_space<vmem>> -> memref<128xi32, #tpu.memory_space<vmem>>
    %dma_start3A_132 = arith.constant 0 : i32
    %dma_start3A_133 = arith.constant 0 : i32
    %dma_start3A_134 = tpu.memref_slice %arg2[%dma_start3A_132, %dma_start3A_133] : memref<4096x384xf32, #tpu.memory_space<hbm>> -> memref<4096x384xf32, #tpu.memory_space<hbm>>
    tpu.enqueue_indirect_dma source(%dma_start3A_134 : memref<4096x384xf32, #tpu.memory_space<hbm>>) target(%arg7 : memref<128x384xf32, #tpu.memory_space<vmem>>) offsets(%dma_start3A_131 : memref<128xi32, #tpu.memory_space<vmem>>) semaphore(%arg9 : memref<!tpu.dma_semaphore, #tpu.memory_space<semaphore_mem>>)
    %dma_wait3A_135 = arith.constant 6 : i32
    %dma_wait3A_136 = arith.constant 0 : i32
    %dma_wait3A_137 = tpu.memref_slice %arg5[%dma_wait3A_135, %dma_wait3A_136] : memref<16x128xi32, #tpu.memory_space<vmem>> -> memref<1x128xi32, #tpu.memory_space<vmem>>
    %dma_wait3A_138 = tpu.memref_squeeze %dma_wait3A_137 : memref<1x128xi32, #tpu.memory_space<vmem>> -> memref<128xi32, #tpu.memory_space<vmem>>
    %dma_wait3A_139 = arith.constant 0 : i32
    %dma_wait3A_140 = arith.constant 0 : i32
    %dma_wait3A_141 = tpu.memref_slice %arg2[%dma_wait3A_139, %dma_wait3A_140] : memref<4096x384xf32, #tpu.memory_space<hbm>> -> memref<4096x384xf32, #tpu.memory_space<hbm>>
    tpu.wait_indirect_dma semaphore(%arg8 : memref<!tpu.dma_semaphore, #tpu.memory_space<semaphore_mem>>) src(%dma_wait3A_141 : memref<4096x384xf32, #tpu.memory_space<hbm>>) dst(%arg6 : memref<128x384xf32, #tpu.memory_space<vmem>>)
    %mul3A_142 = arith.constant 16 : i32
    %mul3A_143 = arith.muli %add3A, %mul3A_142 : i32
    %add3A_144 = arith.constant 6 : i32
    %add3A_145 = arith.addi %mul3A_143, %add3A_144 : i32
    %mul3A_146 = arith.constant 128 : i32
    %mul3A_147 = arith.muli %add3A_145, %mul3A_146 : i32
    "tpu.region"() ({
      %run_scoped3A = tpu.sem_alloc : memref<!tpu.dma_semaphore, #tpu.memory_space<semaphore_mem>>
      %dma_start3A_321 = arith.constant 0 : i32
      %dma_start3A_322 = tpu.memref_slice %arg4[%mul3A_147, %dma_start3A_321] : memref<65536x384xf32, #tpu.memory_space<hbm>> -> memref<128x384xf32, #tpu.memory_space<hbm>>
      %dma_start3A_323 = arith.constant 0 : i32
      %dma_start3A_324 = tpu.memref_slice %arg4[%mul3A_147, %dma_start3A_323] : memref<65536x384xf32, #tpu.memory_space<hbm>> -> memref<128x384xf32, #tpu.memory_space<hbm>>
      tpu.enqueue_dma source(%arg6 : memref<128x384xf32, #tpu.memory_space<vmem>>) target(%dma_start3A_324 : memref<128x384xf32, #tpu.memory_space<hbm>>) target_semaphore(%run_scoped3A : memref<!tpu.dma_semaphore, #tpu.memory_space<semaphore_mem>>)
      %dma_wait3A_325 = arith.constant 0 : i32
      %dma_wait3A_326 = tpu.memref_slice %arg4[%mul3A_147, %dma_wait3A_325] : memref<65536x384xf32, #tpu.memory_space<hbm>> -> memref<128x384xf32, #tpu.memory_space<hbm>>
      %dma_wait3A_327 = arith.constant 0 : i32
      %dma_wait3A_328 = tpu.memref_slice %arg4[%mul3A_147, %dma_wait3A_327] : memref<65536x384xf32, #tpu.memory_space<hbm>> -> memref<128x384xf32, #tpu.memory_space<hbm>>
      tpu.wait_dma2 semaphore(%run_scoped3A : memref<!tpu.dma_semaphore, #tpu.memory_space<semaphore_mem>>) src(%arg6 : memref<128x384xf32, #tpu.memory_space<vmem>>) dst(%dma_wait3A_328 : memref<128x384xf32, #tpu.memory_space<hbm>>)
      tpu.yield
    }) : () -> ()
    %dma_start3A_148 = arith.constant 8 : i32
    %dma_start3A_149 = arith.constant 0 : i32
    %dma_start3A_150 = tpu.memref_slice %arg5[%dma_start3A_148, %dma_start3A_149] : memref<16x128xi32, #tpu.memory_space<vmem>> -> memref<1x128xi32, #tpu.memory_space<vmem>>
    %dma_start3A_151 = tpu.memref_squeeze %dma_start3A_150 : memref<1x128xi32, #tpu.memory_space<vmem>> -> memref<128xi32, #tpu.memory_space<vmem>>
    %dma_start3A_152 = arith.constant 0 : i32
    %dma_start3A_153 = arith.constant 0 : i32
    %dma_start3A_154 = tpu.memref_slice %arg2[%dma_start3A_152, %dma_start3A_153] : memref<4096x384xf32, #tpu.memory_space<hbm>> -> memref<4096x384xf32, #tpu.memory_space<hbm>>
    tpu.enqueue_indirect_dma source(%dma_start3A_154 : memref<4096x384xf32, #tpu.memory_space<hbm>>) target(%arg6 : memref<128x384xf32, #tpu.memory_space<vmem>>) offsets(%dma_start3A_151 : memref<128xi32, #tpu.memory_space<vmem>>) semaphore(%arg8 : memref<!tpu.dma_semaphore, #tpu.memory_space<semaphore_mem>>)
    %dma_wait3A_155 = arith.constant 7 : i32
    %dma_wait3A_156 = arith.constant 0 : i32
    %dma_wait3A_157 = tpu.memref_slice %arg5[%dma_wait3A_155, %dma_wait3A_156] : memref<16x128xi32, #tpu.memory_space<vmem>> -> memref<1x128xi32, #tpu.memory_space<vmem>>
    %dma_wait3A_158 = tpu.memref_squeeze %dma_wait3A_157 : memref<1x128xi32, #tpu.memory_space<vmem>> -> memref<128xi32, #tpu.memory_space<vmem>>
    %dma_wait3A_159 = arith.constant 0 : i32
    %dma_wait3A_160 = arith.constant 0 : i32
    %dma_wait3A_161 = tpu.memref_slice %arg2[%dma_wait3A_159, %dma_wait3A_160] : memref<4096x384xf32, #tpu.memory_space<hbm>> -> memref<4096x384xf32, #tpu.memory_space<hbm>>
    tpu.wait_indirect_dma semaphore(%arg9 : memref<!tpu.dma_semaphore, #tpu.memory_space<semaphore_mem>>) src(%dma_wait3A_161 : memref<4096x384xf32, #tpu.memory_space<hbm>>) dst(%arg7 : memref<128x384xf32, #tpu.memory_space<vmem>>)
    %mul3A_162 = arith.constant 16 : i32
    %mul3A_163 = arith.muli %add3A, %mul3A_162 : i32
    %add3A_164 = arith.constant 7 : i32
    %add3A_165 = arith.addi %mul3A_163, %add3A_164 : i32
    %mul3A_166 = arith.constant 128 : i32
    %mul3A_167 = arith.muli %add3A_165, %mul3A_166 : i32
    "tpu.region"() ({
      %run_scoped3A = tpu.sem_alloc : memref<!tpu.dma_semaphore, #tpu.memory_space<semaphore_mem>>
      %dma_start3A_321 = arith.constant 0 : i32
      %dma_start3A_322 = tpu.memref_slice %arg4[%mul3A_167, %dma_start3A_321] : memref<65536x384xf32, #tpu.memory_space<hbm>> -> memref<128x384xf32, #tpu.memory_space<hbm>>
      %dma_start3A_323 = arith.constant 0 : i32
      %dma_start3A_324 = tpu.memref_slice %arg4[%mul3A_167, %dma_start3A_323] : memref<65536x384xf32, #tpu.memory_space<hbm>> -> memref<128x384xf32, #tpu.memory_space<hbm>>
      tpu.enqueue_dma source(%arg7 : memref<128x384xf32, #tpu.memory_space<vmem>>) target(%dma_start3A_324 : memref<128x384xf32, #tpu.memory_space<hbm>>) target_semaphore(%run_scoped3A : memref<!tpu.dma_semaphore, #tpu.memory_space<semaphore_mem>>)
      %dma_wait3A_325 = arith.constant 0 : i32
      %dma_wait3A_326 = tpu.memref_slice %arg4[%mul3A_167, %dma_wait3A_325] : memref<65536x384xf32, #tpu.memory_space<hbm>> -> memref<128x384xf32, #tpu.memory_space<hbm>>
      %dma_wait3A_327 = arith.constant 0 : i32
      %dma_wait3A_328 = tpu.memref_slice %arg4[%mul3A_167, %dma_wait3A_327] : memref<65536x384xf32, #tpu.memory_space<hbm>> -> memref<128x384xf32, #tpu.memory_space<hbm>>
      tpu.wait_dma2 semaphore(%run_scoped3A : memref<!tpu.dma_semaphore, #tpu.memory_space<semaphore_mem>>) src(%arg7 : memref<128x384xf32, #tpu.memory_space<vmem>>) dst(%dma_wait3A_328 : memref<128x384xf32, #tpu.memory_space<hbm>>)
      tpu.yield
    }) : () -> ()
    %dma_start3A_168 = arith.constant 9 : i32
    %dma_start3A_169 = arith.constant 0 : i32
    %dma_start3A_170 = tpu.memref_slice %arg5[%dma_start3A_168, %dma_start3A_169] : memref<16x128xi32, #tpu.memory_space<vmem>> -> memref<1x128xi32, #tpu.memory_space<vmem>>
    %dma_start3A_171 = tpu.memref_squeeze %dma_start3A_170 : memref<1x128xi32, #tpu.memory_space<vmem>> -> memref<128xi32, #tpu.memory_space<vmem>>
    %dma_start3A_172 = arith.constant 0 : i32
    %dma_start3A_173 = arith.constant 0 : i32
    %dma_start3A_174 = tpu.memref_slice %arg2[%dma_start3A_172, %dma_start3A_173] : memref<4096x384xf32, #tpu.memory_space<hbm>> -> memref<4096x384xf32, #tpu.memory_space<hbm>>
    tpu.enqueue_indirect_dma source(%dma_start3A_174 : memref<4096x384xf32, #tpu.memory_space<hbm>>) target(%arg7 : memref<128x384xf32, #tpu.memory_space<vmem>>) offsets(%dma_start3A_171 : memref<128xi32, #tpu.memory_space<vmem>>) semaphore(%arg9 : memref<!tpu.dma_semaphore, #tpu.memory_space<semaphore_mem>>)
    %dma_wait3A_175 = arith.constant 8 : i32
    %dma_wait3A_176 = arith.constant 0 : i32
    %dma_wait3A_177 = tpu.memref_slice %arg5[%dma_wait3A_175, %dma_wait3A_176] : memref<16x128xi32, #tpu.memory_space<vmem>> -> memref<1x128xi32, #tpu.memory_space<vmem>>
    %dma_wait3A_178 = tpu.memref_squeeze %dma_wait3A_177 : memref<1x128xi32, #tpu.memory_space<vmem>> -> memref<128xi32, #tpu.memory_space<vmem>>
    %dma_wait3A_179 = arith.constant 0 : i32
    %dma_wait3A_180 = arith.constant 0 : i32
    %dma_wait3A_181 = tpu.memref_slice %arg2[%dma_wait3A_179, %dma_wait3A_180] : memref<4096x384xf32, #tpu.memory_space<hbm>> -> memref<4096x384xf32, #tpu.memory_space<hbm>>
    tpu.wait_indirect_dma semaphore(%arg8 : memref<!tpu.dma_semaphore, #tpu.memory_space<semaphore_mem>>) src(%dma_wait3A_181 : memref<4096x384xf32, #tpu.memory_space<hbm>>) dst(%arg6 : memref<128x384xf32, #tpu.memory_space<vmem>>)
    %mul3A_182 = arith.constant 16 : i32
    %mul3A_183 = arith.muli %add3A, %mul3A_182 : i32
    %add3A_184 = arith.constant 8 : i32
    %add3A_185 = arith.addi %mul3A_183, %add3A_184 : i32
    %mul3A_186 = arith.constant 128 : i32
    %mul3A_187 = arith.muli %add3A_185, %mul3A_186 : i32
    "tpu.region"() ({
      %run_scoped3A = tpu.sem_alloc : memref<!tpu.dma_semaphore, #tpu.memory_space<semaphore_mem>>
      %dma_start3A_321 = arith.constant 0 : i32
      %dma_start3A_322 = tpu.memref_slice %arg4[%mul3A_187, %dma_start3A_321] : memref<65536x384xf32, #tpu.memory_space<hbm>> -> memref<128x384xf32, #tpu.memory_space<hbm>>
      %dma_start3A_323 = arith.constant 0 : i32
      %dma_start3A_324 = tpu.memref_slice %arg4[%mul3A_187, %dma_start3A_323] : memref<65536x384xf32, #tpu.memory_space<hbm>> -> memref<128x384xf32, #tpu.memory_space<hbm>>
      tpu.enqueue_dma source(%arg6 : memref<128x384xf32, #tpu.memory_space<vmem>>) target(%dma_start3A_324 : memref<128x384xf32, #tpu.memory_space<hbm>>) target_semaphore(%run_scoped3A : memref<!tpu.dma_semaphore, #tpu.memory_space<semaphore_mem>>)
      %dma_wait3A_325 = arith.constant 0 : i32
      %dma_wait3A_326 = tpu.memref_slice %arg4[%mul3A_187, %dma_wait3A_325] : memref<65536x384xf32, #tpu.memory_space<hbm>> -> memref<128x384xf32, #tpu.memory_space<hbm>>
      %dma_wait3A_327 = arith.constant 0 : i32
      %dma_wait3A_328 = tpu.memref_slice %arg4[%mul3A_187, %dma_wait3A_327] : memref<65536x384xf32, #tpu.memory_space<hbm>> -> memref<128x384xf32, #tpu.memory_space<hbm>>
      tpu.wait_dma2 semaphore(%run_scoped3A : memref<!tpu.dma_semaphore, #tpu.memory_space<semaphore_mem>>) src(%arg6 : memref<128x384xf32, #tpu.memory_space<vmem>>) dst(%dma_wait3A_328 : memref<128x384xf32, #tpu.memory_space<hbm>>)
      tpu.yield
    }) : () -> ()
    %dma_start3A_188 = arith.constant 10 : i32
    %dma_start3A_189 = arith.constant 0 : i32
    %dma_start3A_190 = tpu.memref_slice %arg5[%dma_start3A_188, %dma_start3A_189] : memref<16x128xi32, #tpu.memory_space<vmem>> -> memref<1x128xi32, #tpu.memory_space<vmem>>
    %dma_start3A_191 = tpu.memref_squeeze %dma_start3A_190 : memref<1x128xi32, #tpu.memory_space<vmem>> -> memref<128xi32, #tpu.memory_space<vmem>>
    %dma_start3A_192 = arith.constant 0 : i32
    %dma_start3A_193 = arith.constant 0 : i32
    %dma_start3A_194 = tpu.memref_slice %arg2[%dma_start3A_192, %dma_start3A_193] : memref<4096x384xf32, #tpu.memory_space<hbm>> -> memref<4096x384xf32, #tpu.memory_space<hbm>>
    tpu.enqueue_indirect_dma source(%dma_start3A_194 : memref<4096x384xf32, #tpu.memory_space<hbm>>) target(%arg6 : memref<128x384xf32, #tpu.memory_space<vmem>>) offsets(%dma_start3A_191 : memref<128xi32, #tpu.memory_space<vmem>>) semaphore(%arg8 : memref<!tpu.dma_semaphore, #tpu.memory_space<semaphore_mem>>)
    %dma_wait3A_195 = arith.constant 9 : i32
    %dma_wait3A_196 = arith.constant 0 : i32
    %dma_wait3A_197 = tpu.memref_slice %arg5[%dma_wait3A_195, %dma_wait3A_196] : memref<16x128xi32, #tpu.memory_space<vmem>> -> memref<1x128xi32, #tpu.memory_space<vmem>>
    %dma_wait3A_198 = tpu.memref_squeeze %dma_wait3A_197 : memref<1x128xi32, #tpu.memory_space<vmem>> -> memref<128xi32, #tpu.memory_space<vmem>>
    %dma_wait3A_199 = arith.constant 0 : i32
    %dma_wait3A_200 = arith.constant 0 : i32
    %dma_wait3A_201 = tpu.memref_slice %arg2[%dma_wait3A_199, %dma_wait3A_200] : memref<4096x384xf32, #tpu.memory_space<hbm>> -> memref<4096x384xf32, #tpu.memory_space<hbm>>
    tpu.wait_indirect_dma semaphore(%arg9 : memref<!tpu.dma_semaphore, #tpu.memory_space<semaphore_mem>>) src(%dma_wait3A_201 : memref<4096x384xf32, #tpu.memory_space<hbm>>) dst(%arg7 : memref<128x384xf32, #tpu.memory_space<vmem>>)
    %mul3A_202 = arith.constant 16 : i32
    %mul3A_203 = arith.muli %add3A, %mul3A_202 : i32
    %add3A_204 = arith.constant 9 : i32
    %add3A_205 = arith.addi %mul3A_203, %add3A_204 : i32
    %mul3A_206 = arith.constant 128 : i32
    %mul3A_207 = arith.muli %add3A_205, %mul3A_206 : i32
    "tpu.region"() ({
      %run_scoped3A = tpu.sem_alloc : memref<!tpu.dma_semaphore, #tpu.memory_space<semaphore_mem>>
      %dma_start3A_321 = arith.constant 0 : i32
      %dma_start3A_322 = tpu.memref_slice %arg4[%mul3A_207, %dma_start3A_321] : memref<65536x384xf32, #tpu.memory_space<hbm>> -> memref<128x384xf32, #tpu.memory_space<hbm>>
      %dma_start3A_323 = arith.constant 0 : i32
      %dma_start3A_324 = tpu.memref_slice %arg4[%mul3A_207, %dma_start3A_323] : memref<65536x384xf32, #tpu.memory_space<hbm>> -> memref<128x384xf32, #tpu.memory_space<hbm>>
      tpu.enqueue_dma source(%arg7 : memref<128x384xf32, #tpu.memory_space<vmem>>) target(%dma_start3A_324 : memref<128x384xf32, #tpu.memory_space<hbm>>) target_semaphore(%run_scoped3A : memref<!tpu.dma_semaphore, #tpu.memory_space<semaphore_mem>>)
      %dma_wait3A_325 = arith.constant 0 : i32
      %dma_wait3A_326 = tpu.memref_slice %arg4[%mul3A_207, %dma_wait3A_325] : memref<65536x384xf32, #tpu.memory_space<hbm>> -> memref<128x384xf32, #tpu.memory_space<hbm>>
      %dma_wait3A_327 = arith.constant 0 : i32
      %dma_wait3A_328 = tpu.memref_slice %arg4[%mul3A_207, %dma_wait3A_327] : memref<65536x384xf32, #tpu.memory_space<hbm>> -> memref<128x384xf32, #tpu.memory_space<hbm>>
      tpu.wait_dma2 semaphore(%run_scoped3A : memref<!tpu.dma_semaphore, #tpu.memory_space<semaphore_mem>>) src(%arg7 : memref<128x384xf32, #tpu.memory_space<vmem>>) dst(%dma_wait3A_328 : memref<128x384xf32, #tpu.memory_space<hbm>>)
      tpu.yield
    }) : () -> ()
    %dma_start3A_208 = arith.constant 11 : i32
    %dma_start3A_209 = arith.constant 0 : i32
    %dma_start3A_210 = tpu.memref_slice %arg5[%dma_start3A_208, %dma_start3A_209] : memref<16x128xi32, #tpu.memory_space<vmem>> -> memref<1x128xi32, #tpu.memory_space<vmem>>
    %dma_start3A_211 = tpu.memref_squeeze %dma_start3A_210 : memref<1x128xi32, #tpu.memory_space<vmem>> -> memref<128xi32, #tpu.memory_space<vmem>>
    %dma_start3A_212 = arith.constant 0 : i32
    %dma_start3A_213 = arith.constant 0 : i32
    %dma_start3A_214 = tpu.memref_slice %arg2[%dma_start3A_212, %dma_start3A_213] : memref<4096x384xf32, #tpu.memory_space<hbm>> -> memref<4096x384xf32, #tpu.memory_space<hbm>>
    tpu.enqueue_indirect_dma source(%dma_start3A_214 : memref<4096x384xf32, #tpu.memory_space<hbm>>) target(%arg7 : memref<128x384xf32, #tpu.memory_space<vmem>>) offsets(%dma_start3A_211 : memref<128xi32, #tpu.memory_space<vmem>>) semaphore(%arg9 : memref<!tpu.dma_semaphore, #tpu.memory_space<semaphore_mem>>)
    %dma_wait3A_215 = arith.constant 10 : i32
    %dma_wait3A_216 = arith.constant 0 : i32
    %dma_wait3A_217 = tpu.memref_slice %arg5[%dma_wait3A_215, %dma_wait3A_216] : memref<16x128xi32, #tpu.memory_space<vmem>> -> memref<1x128xi32, #tpu.memory_space<vmem>>
    %dma_wait3A_218 = tpu.memref_squeeze %dma_wait3A_217 : memref<1x128xi32, #tpu.memory_space<vmem>> -> memref<128xi32, #tpu.memory_space<vmem>>
    %dma_wait3A_219 = arith.constant 0 : i32
    %dma_wait3A_220 = arith.constant 0 : i32
    %dma_wait3A_221 = tpu.memref_slice %arg2[%dma_wait3A_219, %dma_wait3A_220] : memref<4096x384xf32, #tpu.memory_space<hbm>> -> memref<4096x384xf32, #tpu.memory_space<hbm>>
    tpu.wait_indirect_dma semaphore(%arg8 : memref<!tpu.dma_semaphore, #tpu.memory_space<semaphore_mem>>) src(%dma_wait3A_221 : memref<4096x384xf32, #tpu.memory_space<hbm>>) dst(%arg6 : memref<128x384xf32, #tpu.memory_space<vmem>>)
    %mul3A_222 = arith.constant 16 : i32
    %mul3A_223 = arith.muli %add3A, %mul3A_222 : i32
    %add3A_224 = arith.constant 10 : i32
    %add3A_225 = arith.addi %mul3A_223, %add3A_224 : i32
    %mul3A_226 = arith.constant 128 : i32
    %mul3A_227 = arith.muli %add3A_225, %mul3A_226 : i32
    "tpu.region"() ({
      %run_scoped3A = tpu.sem_alloc : memref<!tpu.dma_semaphore, #tpu.memory_space<semaphore_mem>>
      %dma_start3A_321 = arith.constant 0 : i32
      %dma_start3A_322 = tpu.memref_slice %arg4[%mul3A_227, %dma_start3A_321] : memref<65536x384xf32, #tpu.memory_space<hbm>> -> memref<128x384xf32, #tpu.memory_space<hbm>>
      %dma_start3A_323 = arith.constant 0 : i32
      %dma_start3A_324 = tpu.memref_slice %arg4[%mul3A_227, %dma_start3A_323] : memref<65536x384xf32, #tpu.memory_space<hbm>> -> memref<128x384xf32, #tpu.memory_space<hbm>>
      tpu.enqueue_dma source(%arg6 : memref<128x384xf32, #tpu.memory_space<vmem>>) target(%dma_start3A_324 : memref<128x384xf32, #tpu.memory_space<hbm>>) target_semaphore(%run_scoped3A : memref<!tpu.dma_semaphore, #tpu.memory_space<semaphore_mem>>)
      %dma_wait3A_325 = arith.constant 0 : i32
      %dma_wait3A_326 = tpu.memref_slice %arg4[%mul3A_227, %dma_wait3A_325] : memref<65536x384xf32, #tpu.memory_space<hbm>> -> memref<128x384xf32, #tpu.memory_space<hbm>>
      %dma_wait3A_327 = arith.constant 0 : i32
      %dma_wait3A_328 = tpu.memref_slice %arg4[%mul3A_227, %dma_wait3A_327] : memref<65536x384xf32, #tpu.memory_space<hbm>> -> memref<128x384xf32, #tpu.memory_space<hbm>>
      tpu.wait_dma2 semaphore(%run_scoped3A : memref<!tpu.dma_semaphore, #tpu.memory_space<semaphore_mem>>) src(%arg6 : memref<128x384xf32, #tpu.memory_space<vmem>>) dst(%dma_wait3A_328 : memref<128x384xf32, #tpu.memory_space<hbm>>)
      tpu.yield
    }) : () -> ()
    %dma_start3A_228 = arith.constant 12 : i32
    %dma_start3A_229 = arith.constant 0 : i32
    %dma_start3A_230 = tpu.memref_slice %arg5[%dma_start3A_228, %dma_start3A_229] : memref<16x128xi32, #tpu.memory_space<vmem>> -> memref<1x128xi32, #tpu.memory_space<vmem>>
    %dma_start3A_231 = tpu.memref_squeeze %dma_start3A_230 : memref<1x128xi32, #tpu.memory_space<vmem>> -> memref<128xi32, #tpu.memory_space<vmem>>
    %dma_start3A_232 = arith.constant 0 : i32
    %dma_start3A_233 = arith.constant 0 : i32
    %dma_start3A_234 = tpu.memref_slice %arg2[%dma_start3A_232, %dma_start3A_233] : memref<4096x384xf32, #tpu.memory_space<hbm>> -> memref<4096x384xf32, #tpu.memory_space<hbm>>
    tpu.enqueue_indirect_dma source(%dma_start3A_234 : memref<4096x384xf32, #tpu.memory_space<hbm>>) target(%arg6 : memref<128x384xf32, #tpu.memory_space<vmem>>) offsets(%dma_start3A_231 : memref<128xi32, #tpu.memory_space<vmem>>) semaphore(%arg8 : memref<!tpu.dma_semaphore, #tpu.memory_space<semaphore_mem>>)
    %dma_wait3A_235 = arith.constant 11 : i32
    %dma_wait3A_236 = arith.constant 0 : i32
    %dma_wait3A_237 = tpu.memref_slice %arg5[%dma_wait3A_235, %dma_wait3A_236] : memref<16x128xi32, #tpu.memory_space<vmem>> -> memref<1x128xi32, #tpu.memory_space<vmem>>
    %dma_wait3A_238 = tpu.memref_squeeze %dma_wait3A_237 : memref<1x128xi32, #tpu.memory_space<vmem>> -> memref<128xi32, #tpu.memory_space<vmem>>
    %dma_wait3A_239 = arith.constant 0 : i32
    %dma_wait3A_240 = arith.constant 0 : i32
    %dma_wait3A_241 = tpu.memref_slice %arg2[%dma_wait3A_239, %dma_wait3A_240] : memref<4096x384xf32, #tpu.memory_space<hbm>> -> memref<4096x384xf32, #tpu.memory_space<hbm>>
    tpu.wait_indirect_dma semaphore(%arg9 : memref<!tpu.dma_semaphore, #tpu.memory_space<semaphore_mem>>) src(%dma_wait3A_241 : memref<4096x384xf32, #tpu.memory_space<hbm>>) dst(%arg7 : memref<128x384xf32, #tpu.memory_space<vmem>>)
    %mul3A_242 = arith.constant 16 : i32
    %mul3A_243 = arith.muli %add3A, %mul3A_242 : i32
    %add3A_244 = arith.constant 11 : i32
    %add3A_245 = arith.addi %mul3A_243, %add3A_244 : i32
    %mul3A_246 = arith.constant 128 : i32
    %mul3A_247 = arith.muli %add3A_245, %mul3A_246 : i32
    "tpu.region"() ({
      %run_scoped3A = tpu.sem_alloc : memref<!tpu.dma_semaphore, #tpu.memory_space<semaphore_mem>>
      %dma_start3A_321 = arith.constant 0 : i32
      %dma_start3A_322 = tpu.memref_slice %arg4[%mul3A_247, %dma_start3A_321] : memref<65536x384xf32, #tpu.memory_space<hbm>> -> memref<128x384xf32, #tpu.memory_space<hbm>>
      %dma_start3A_323 = arith.constant 0 : i32
      %dma_start3A_324 = tpu.memref_slice %arg4[%mul3A_247, %dma_start3A_323] : memref<65536x384xf32, #tpu.memory_space<hbm>> -> memref<128x384xf32, #tpu.memory_space<hbm>>
      tpu.enqueue_dma source(%arg7 : memref<128x384xf32, #tpu.memory_space<vmem>>) target(%dma_start3A_324 : memref<128x384xf32, #tpu.memory_space<hbm>>) target_semaphore(%run_scoped3A : memref<!tpu.dma_semaphore, #tpu.memory_space<semaphore_mem>>)
      %dma_wait3A_325 = arith.constant 0 : i32
      %dma_wait3A_326 = tpu.memref_slice %arg4[%mul3A_247, %dma_wait3A_325] : memref<65536x384xf32, #tpu.memory_space<hbm>> -> memref<128x384xf32, #tpu.memory_space<hbm>>
      %dma_wait3A_327 = arith.constant 0 : i32
      %dma_wait3A_328 = tpu.memref_slice %arg4[%mul3A_247, %dma_wait3A_327] : memref<65536x384xf32, #tpu.memory_space<hbm>> -> memref<128x384xf32, #tpu.memory_space<hbm>>
      tpu.wait_dma2 semaphore(%run_scoped3A : memref<!tpu.dma_semaphore, #tpu.memory_space<semaphore_mem>>) src(%arg7 : memref<128x384xf32, #tpu.memory_space<vmem>>) dst(%dma_wait3A_328 : memref<128x384xf32, #tpu.memory_space<hbm>>)
      tpu.yield
    }) : () -> ()
    %dma_start3A_248 = arith.constant 13 : i32
    %dma_start3A_249 = arith.constant 0 : i32
    %dma_start3A_250 = tpu.memref_slice %arg5[%dma_start3A_248, %dma_start3A_249] : memref<16x128xi32, #tpu.memory_space<vmem>> -> memref<1x128xi32, #tpu.memory_space<vmem>>
    %dma_start3A_251 = tpu.memref_squeeze %dma_start3A_250 : memref<1x128xi32, #tpu.memory_space<vmem>> -> memref<128xi32, #tpu.memory_space<vmem>>
    %dma_start3A_252 = arith.constant 0 : i32
    %dma_start3A_253 = arith.constant 0 : i32
    %dma_start3A_254 = tpu.memref_slice %arg2[%dma_start3A_252, %dma_start3A_253] : memref<4096x384xf32, #tpu.memory_space<hbm>> -> memref<4096x384xf32, #tpu.memory_space<hbm>>
    tpu.enqueue_indirect_dma source(%dma_start3A_254 : memref<4096x384xf32, #tpu.memory_space<hbm>>) target(%arg7 : memref<128x384xf32, #tpu.memory_space<vmem>>) offsets(%dma_start3A_251 : memref<128xi32, #tpu.memory_space<vmem>>) semaphore(%arg9 : memref<!tpu.dma_semaphore, #tpu.memory_space<semaphore_mem>>)
    %dma_wait3A_255 = arith.constant 12 : i32
    %dma_wait3A_256 = arith.constant 0 : i32
    %dma_wait3A_257 = tpu.memref_slice %arg5[%dma_wait3A_255, %dma_wait3A_256] : memref<16x128xi32, #tpu.memory_space<vmem>> -> memref<1x128xi32, #tpu.memory_space<vmem>>
    %dma_wait3A_258 = tpu.memref_squeeze %dma_wait3A_257 : memref<1x128xi32, #tpu.memory_space<vmem>> -> memref<128xi32, #tpu.memory_space<vmem>>
    %dma_wait3A_259 = arith.constant 0 : i32
    %dma_wait3A_260 = arith.constant 0 : i32
    %dma_wait3A_261 = tpu.memref_slice %arg2[%dma_wait3A_259, %dma_wait3A_260] : memref<4096x384xf32, #tpu.memory_space<hbm>> -> memref<4096x384xf32, #tpu.memory_space<hbm>>
    tpu.wait_indirect_dma semaphore(%arg8 : memref<!tpu.dma_semaphore, #tpu.memory_space<semaphore_mem>>) src(%dma_wait3A_261 : memref<4096x384xf32, #tpu.memory_space<hbm>>) dst(%arg6 : memref<128x384xf32, #tpu.memory_space<vmem>>)
    %mul3A_262 = arith.constant 16 : i32
    %mul3A_263 = arith.muli %add3A, %mul3A_262 : i32
    %add3A_264 = arith.constant 12 : i32
    %add3A_265 = arith.addi %mul3A_263, %add3A_264 : i32
    %mul3A_266 = arith.constant 128 : i32
    %mul3A_267 = arith.muli %add3A_265, %mul3A_266 : i32
    "tpu.region"() ({
      %run_scoped3A = tpu.sem_alloc : memref<!tpu.dma_semaphore, #tpu.memory_space<semaphore_mem>>
      %dma_start3A_321 = arith.constant 0 : i32
      %dma_start3A_322 = tpu.memref_slice %arg4[%mul3A_267, %dma_start3A_321] : memref<65536x384xf32, #tpu.memory_space<hbm>> -> memref<128x384xf32, #tpu.memory_space<hbm>>
      %dma_start3A_323 = arith.constant 0 : i32
      %dma_start3A_324 = tpu.memref_slice %arg4[%mul3A_267, %dma_start3A_323] : memref<65536x384xf32, #tpu.memory_space<hbm>> -> memref<128x384xf32, #tpu.memory_space<hbm>>
      tpu.enqueue_dma source(%arg6 : memref<128x384xf32, #tpu.memory_space<vmem>>) target(%dma_start3A_324 : memref<128x384xf32, #tpu.memory_space<hbm>>) target_semaphore(%run_scoped3A : memref<!tpu.dma_semaphore, #tpu.memory_space<semaphore_mem>>)
      %dma_wait3A_325 = arith.constant 0 : i32
      %dma_wait3A_326 = tpu.memref_slice %arg4[%mul3A_267, %dma_wait3A_325] : memref<65536x384xf32, #tpu.memory_space<hbm>> -> memref<128x384xf32, #tpu.memory_space<hbm>>
      %dma_wait3A_327 = arith.constant 0 : i32
      %dma_wait3A_328 = tpu.memref_slice %arg4[%mul3A_267, %dma_wait3A_327] : memref<65536x384xf32, #tpu.memory_space<hbm>> -> memref<128x384xf32, #tpu.memory_space<hbm>>
      tpu.wait_dma2 semaphore(%run_scoped3A : memref<!tpu.dma_semaphore, #tpu.memory_space<semaphore_mem>>) src(%arg6 : memref<128x384xf32, #tpu.memory_space<vmem>>) dst(%dma_wait3A_328 : memref<128x384xf32, #tpu.memory_space<hbm>>)
      tpu.yield
    }) : () -> ()
    %dma_start3A_268 = arith.constant 14 : i32
    %dma_start3A_269 = arith.constant 0 : i32
    %dma_start3A_270 = tpu.memref_slice %arg5[%dma_start3A_268, %dma_start3A_269] : memref<16x128xi32, #tpu.memory_space<vmem>> -> memref<1x128xi32, #tpu.memory_space<vmem>>
    %dma_start3A_271 = tpu.memref_squeeze %dma_start3A_270 : memref<1x128xi32, #tpu.memory_space<vmem>> -> memref<128xi32, #tpu.memory_space<vmem>>
    %dma_start3A_272 = arith.constant 0 : i32
    %dma_start3A_273 = arith.constant 0 : i32
    %dma_start3A_274 = tpu.memref_slice %arg2[%dma_start3A_272, %dma_start3A_273] : memref<4096x384xf32, #tpu.memory_space<hbm>> -> memref<4096x384xf32, #tpu.memory_space<hbm>>
    tpu.enqueue_indirect_dma source(%dma_start3A_274 : memref<4096x384xf32, #tpu.memory_space<hbm>>) target(%arg6 : memref<128x384xf32, #tpu.memory_space<vmem>>) offsets(%dma_start3A_271 : memref<128xi32, #tpu.memory_space<vmem>>) semaphore(%arg8 : memref<!tpu.dma_semaphore, #tpu.memory_space<semaphore_mem>>)
    %dma_wait3A_275 = arith.constant 13 : i32
    %dma_wait3A_276 = arith.constant 0 : i32
    %dma_wait3A_277 = tpu.memref_slice %arg5[%dma_wait3A_275, %dma_wait3A_276] : memref<16x128xi32, #tpu.memory_space<vmem>> -> memref<1x128xi32, #tpu.memory_space<vmem>>
    %dma_wait3A_278 = tpu.memref_squeeze %dma_wait3A_277 : memref<1x128xi32, #tpu.memory_space<vmem>> -> memref<128xi32, #tpu.memory_space<vmem>>
    %dma_wait3A_279 = arith.constant 0 : i32
    %dma_wait3A_280 = arith.constant 0 : i32
    %dma_wait3A_281 = tpu.memref_slice %arg2[%dma_wait3A_279, %dma_wait3A_280] : memref<4096x384xf32, #tpu.memory_space<hbm>> -> memref<4096x384xf32, #tpu.memory_space<hbm>>
    tpu.wait_indirect_dma semaphore(%arg9 : memref<!tpu.dma_semaphore, #tpu.memory_space<semaphore_mem>>) src(%dma_wait3A_281 : memref<4096x384xf32, #tpu.memory_space<hbm>>) dst(%arg7 : memref<128x384xf32, #tpu.memory_space<vmem>>)
    %mul3A_282 = arith.constant 16 : i32
    %mul3A_283 = arith.muli %add3A, %mul3A_282 : i32
    %add3A_284 = arith.constant 13 : i32
    %add3A_285 = arith.addi %mul3A_283, %add3A_284 : i32
    %mul3A_286 = arith.constant 128 : i32
    %mul3A_287 = arith.muli %add3A_285, %mul3A_286 : i32
    "tpu.region"() ({
      %run_scoped3A = tpu.sem_alloc : memref<!tpu.dma_semaphore, #tpu.memory_space<semaphore_mem>>
      %dma_start3A_321 = arith.constant 0 : i32
      %dma_start3A_322 = tpu.memref_slice %arg4[%mul3A_287, %dma_start3A_321] : memref<65536x384xf32, #tpu.memory_space<hbm>> -> memref<128x384xf32, #tpu.memory_space<hbm>>
      %dma_start3A_323 = arith.constant 0 : i32
      %dma_start3A_324 = tpu.memref_slice %arg4[%mul3A_287, %dma_start3A_323] : memref<65536x384xf32, #tpu.memory_space<hbm>> -> memref<128x384xf32, #tpu.memory_space<hbm>>
      tpu.enqueue_dma source(%arg7 : memref<128x384xf32, #tpu.memory_space<vmem>>) target(%dma_start3A_324 : memref<128x384xf32, #tpu.memory_space<hbm>>) target_semaphore(%run_scoped3A : memref<!tpu.dma_semaphore, #tpu.memory_space<semaphore_mem>>)
      %dma_wait3A_325 = arith.constant 0 : i32
      %dma_wait3A_326 = tpu.memref_slice %arg4[%mul3A_287, %dma_wait3A_325] : memref<65536x384xf32, #tpu.memory_space<hbm>> -> memref<128x384xf32, #tpu.memory_space<hbm>>
      %dma_wait3A_327 = arith.constant 0 : i32
      %dma_wait3A_328 = tpu.memref_slice %arg4[%mul3A_287, %dma_wait3A_327] : memref<65536x384xf32, #tpu.memory_space<hbm>> -> memref<128x384xf32, #tpu.memory_space<hbm>>
      tpu.wait_dma2 semaphore(%run_scoped3A : memref<!tpu.dma_semaphore, #tpu.memory_space<semaphore_mem>>) src(%arg7 : memref<128x384xf32, #tpu.memory_space<vmem>>) dst(%dma_wait3A_328 : memref<128x384xf32, #tpu.memory_space<hbm>>)
      tpu.yield
    }) : () -> ()
    %dma_start3A_288 = arith.constant 15 : i32
    %dma_start3A_289 = arith.constant 0 : i32
    %dma_start3A_290 = tpu.memref_slice %arg5[%dma_start3A_288, %dma_start3A_289] : memref<16x128xi32, #tpu.memory_space<vmem>> -> memref<1x128xi32, #tpu.memory_space<vmem>>
    %dma_start3A_291 = tpu.memref_squeeze %dma_start3A_290 : memref<1x128xi32, #tpu.memory_space<vmem>> -> memref<128xi32, #tpu.memory_space<vmem>>
    %dma_start3A_292 = arith.constant 0 : i32
    %dma_start3A_293 = arith.constant 0 : i32
    %dma_start3A_294 = tpu.memref_slice %arg2[%dma_start3A_292, %dma_start3A_293] : memref<4096x384xf32, #tpu.memory_space<hbm>> -> memref<4096x384xf32, #tpu.memory_space<hbm>>
    tpu.enqueue_indirect_dma source(%dma_start3A_294 : memref<4096x384xf32, #tpu.memory_space<hbm>>) target(%arg7 : memref<128x384xf32, #tpu.memory_space<vmem>>) offsets(%dma_start3A_291 : memref<128xi32, #tpu.memory_space<vmem>>) semaphore(%arg9 : memref<!tpu.dma_semaphore, #tpu.memory_space<semaphore_mem>>)
    %dma_wait3A_295 = arith.constant 14 : i32
    %dma_wait3A_296 = arith.constant 0 : i32
    %dma_wait3A_297 = tpu.memref_slice %arg5[%dma_wait3A_295, %dma_wait3A_296] : memref<16x128xi32, #tpu.memory_space<vmem>> -> memref<1x128xi32, #tpu.memory_space<vmem>>
    %dma_wait3A_298 = tpu.memref_squeeze %dma_wait3A_297 : memref<1x128xi32, #tpu.memory_space<vmem>> -> memref<128xi32, #tpu.memory_space<vmem>>
    %dma_wait3A_299 = arith.constant 0 : i32
    %dma_wait3A_300 = arith.constant 0 : i32
    %dma_wait3A_301 = tpu.memref_slice %arg2[%dma_wait3A_299, %dma_wait3A_300] : memref<4096x384xf32, #tpu.memory_space<hbm>> -> memref<4096x384xf32, #tpu.memory_space<hbm>>
    tpu.wait_indirect_dma semaphore(%arg8 : memref<!tpu.dma_semaphore, #tpu.memory_space<semaphore_mem>>) src(%dma_wait3A_301 : memref<4096x384xf32, #tpu.memory_space<hbm>>) dst(%arg6 : memref<128x384xf32, #tpu.memory_space<vmem>>)
    %mul3A_302 = arith.constant 16 : i32
    %mul3A_303 = arith.muli %add3A, %mul3A_302 : i32
    %add3A_304 = arith.constant 14 : i32
    %add3A_305 = arith.addi %mul3A_303, %add3A_304 : i32
    %mul3A_306 = arith.constant 128 : i32
    %mul3A_307 = arith.muli %add3A_305, %mul3A_306 : i32
    "tpu.region"() ({
      %run_scoped3A = tpu.sem_alloc : memref<!tpu.dma_semaphore, #tpu.memory_space<semaphore_mem>>
      %dma_start3A_321 = arith.constant 0 : i32
      %dma_start3A_322 = tpu.memref_slice %arg4[%mul3A_307, %dma_start3A_321] : memref<65536x384xf32, #tpu.memory_space<hbm>> -> memref<128x384xf32, #tpu.memory_space<hbm>>
      %dma_start3A_323 = arith.constant 0 : i32
      %dma_start3A_324 = tpu.memref_slice %arg4[%mul3A_307, %dma_start3A_323] : memref<65536x384xf32, #tpu.memory_space<hbm>> -> memref<128x384xf32, #tpu.memory_space<hbm>>
      tpu.enqueue_dma source(%arg6 : memref<128x384xf32, #tpu.memory_space<vmem>>) target(%dma_start3A_324 : memref<128x384xf32, #tpu.memory_space<hbm>>) target_semaphore(%run_scoped3A : memref<!tpu.dma_semaphore, #tpu.memory_space<semaphore_mem>>)
      %dma_wait3A_325 = arith.constant 0 : i32
      %dma_wait3A_326 = tpu.memref_slice %arg4[%mul3A_307, %dma_wait3A_325] : memref<65536x384xf32, #tpu.memory_space<hbm>> -> memref<128x384xf32, #tpu.memory_space<hbm>>
      %dma_wait3A_327 = arith.constant 0 : i32
      %dma_wait3A_328 = tpu.memref_slice %arg4[%mul3A_307, %dma_wait3A_327] : memref<65536x384xf32, #tpu.memory_space<hbm>> -> memref<128x384xf32, #tpu.memory_space<hbm>>
      tpu.wait_dma2 semaphore(%run_scoped3A : memref<!tpu.dma_semaphore, #tpu.memory_space<semaphore_mem>>) src(%arg6 : memref<128x384xf32, #tpu.memory_space<vmem>>) dst(%dma_wait3A_328 : memref<128x384xf32, #tpu.memory_space<hbm>>)
      tpu.yield
    }) : () -> ()
    %dma_wait3A_308 = arith.constant 15 : i32
    %dma_wait3A_309 = arith.constant 0 : i32
    %dma_wait3A_310 = tpu.memref_slice %arg5[%dma_wait3A_308, %dma_wait3A_309] : memref<16x128xi32, #tpu.memory_space<vmem>> -> memref<1x128xi32, #tpu.memory_space<vmem>>
    %dma_wait3A_311 = tpu.memref_squeeze %dma_wait3A_310 : memref<1x128xi32, #tpu.memory_space<vmem>> -> memref<128xi32, #tpu.memory_space<vmem>>
    %dma_wait3A_312 = arith.constant 0 : i32
    %dma_wait3A_313 = arith.constant 0 : i32
    %dma_wait3A_314 = tpu.memref_slice %arg2[%dma_wait3A_312, %dma_wait3A_313] : memref<4096x384xf32, #tpu.memory_space<hbm>> -> memref<4096x384xf32, #tpu.memory_space<hbm>>
    tpu.wait_indirect_dma semaphore(%arg9 : memref<!tpu.dma_semaphore, #tpu.memory_space<semaphore_mem>>) src(%dma_wait3A_314 : memref<4096x384xf32, #tpu.memory_space<hbm>>) dst(%arg7 : memref<128x384xf32, #tpu.memory_space<vmem>>)
    %mul3A_315 = arith.constant 16 : i32
    %mul3A_316 = arith.muli %add3A, %mul3A_315 : i32
    %add3A_317 = arith.constant 15 : i32
    %add3A_318 = arith.addi %mul3A_316, %add3A_317 : i32
    %mul3A_319 = arith.constant 128 : i32
    %mul3A_320 = arith.muli %add3A_318, %mul3A_319 : i32
    "tpu.region"() ({
      %run_scoped3A = tpu.sem_alloc : memref<!tpu.dma_semaphore, #tpu.memory_space<semaphore_mem>>
      %dma_start3A_321 = arith.constant 0 : i32
      %dma_start3A_322 = tpu.memref_slice %arg4[%mul3A_320, %dma_start3A_321] : memref<65536x384xf32, #tpu.memory_space<hbm>> -> memref<128x384xf32, #tpu.memory_space<hbm>>
      %dma_start3A_323 = arith.constant 0 : i32
      %dma_start3A_324 = tpu.memref_slice %arg4[%mul3A_320, %dma_start3A_323] : memref<65536x384xf32, #tpu.memory_space<hbm>> -> memref<128x384xf32, #tpu.memory_space<hbm>>
      tpu.enqueue_dma source(%arg7 : memref<128x384xf32, #tpu.memory_space<vmem>>) target(%dma_start3A_324 : memref<128x384xf32, #tpu.memory_space<hbm>>) target_semaphore(%run_scoped3A : memref<!tpu.dma_semaphore, #tpu.memory_space<semaphore_mem>>)
      %dma_wait3A_325 = arith.constant 0 : i32
      %dma_wait3A_326 = tpu.memref_slice %arg4[%mul3A_320, %dma_wait3A_325] : memref<65536x384xf32, #tpu.memory_space<hbm>> -> memref<128x384xf32, #tpu.memory_space<hbm>>
      %dma_wait3A_327 = arith.constant 0 : i32
      %dma_wait3A_328 = tpu.memref_slice %arg4[%mul3A_320, %dma_wait3A_327] : memref<65536x384xf32, #tpu.memory_space<hbm>> -> memref<128x384xf32, #tpu.memory_space<hbm>>
      tpu.wait_dma2 semaphore(%run_scoped3A : memref<!tpu.dma_semaphore, #tpu.memory_space<semaphore_mem>>) src(%arg7 : memref<128x384xf32, #tpu.memory_space<vmem>>) dst(%dma_wait3A_328 : memref<128x384xf32, #tpu.memory_space<hbm>>)
      tpu.yield
    }) : () -> ()
    return
  }
}

module attributes {stable_mosaic.version = 14 : i64} {
  func.func @_knn_body(%arg0: i32, %arg1: i32, %arg2: memref<1x3x1024xf32, #tpu.memory_space<vmem>>, %arg3: memref<1x256x3xf32, #tpu.memory_space<vmem>>, %arg4: memref<1x256x16xi32, #tpu.memory_space<vmem>>) attributes {dimension_semantics = [#tpu.dimension_semantics<arbitrary>, #tpu.dimension_semantics<arbitrary>], iteration_bounds = array<i64: 4, 4>, scalar_prefetch = 0 : i64, scratch_operands = 0 : i64, tpu.core_type = #tpu.core_type<tc>, window_params = [{transform_indices = @transform_0, window_bounds = array<i64: 1, 3, 1024>}, {transform_indices = @transform_1, window_bounds = array<i64: 1, 256, 3>}, {transform_indices = @transform_2, window_bounds = array<i64: 1, 256, 16>}]} {
    %get3A = arith.constant 0 : index
    %get3A_0 = arith.constant 0 : index
    %get3A_1 = arith.constant 0 : index
    %get3A_2 = vector.load %arg2[%get3A, %get3A_0, %get3A_1] : memref<1x3x1024xf32, #tpu.memory_space<vmem>>, vector<1x3x1024xf32>
    %get3A_3 = vector.shape_cast %get3A_2 : vector<1x3x1024xf32> to vector<3x1024xf32>
    %get3A_4 = arith.constant 0 : index
    %get3A_5 = arith.constant 0 : index
    %get3A_6 = arith.constant 0 : index
    %get3A_7 = vector.load %arg3[%get3A_4, %get3A_5, %get3A_6] : memref<1x256x3xf32, #tpu.memory_space<vmem>>, vector<1x256x3xf32>
    %get3A_8 = vector.shape_cast %get3A_7 : vector<1x256x3xf32> to vector<256x3xf32>
    %dot_general3A = arith.constant dense<0.000000e+00> : vector<256x1024xf32>
    %dot_general3A_9 = tpu.matmul %get3A_8, %get3A_3, %dot_general3A {dimension_numbers = #tpu.dot_dimension_numbers<[1], [0], [0], [1], [0, 0, 1, 1], [], []>, transpose_lhs_hint = false} : vector<256x3xf32>, vector<3x1024xf32>, vector<256x1024xf32> -> vector<256x1024xf32>
    %mul3A = arith.mulf %get3A_8, %get3A_8 : vector<256x3xf32>
    %reduce_sum3A = arith.constant dense<0.000000e+00> : vector<256xf32>
    %reduce_sum3A_10 = vector.multi_reduction <add>, %mul3A, %reduce_sum3A [1] : vector<256x3xf32> to vector<256xf32>
    %broadcast_in_dim3A = vector.shape_cast %reduce_sum3A_10 : vector<256xf32> to vector<256x1xf32>
    %mul3A_11 = arith.mulf %get3A_3, %get3A_3 : vector<3x1024xf32>
    %reduce_sum3A_12 = arith.constant dense<0.000000e+00> : vector<1024xf32>
    %reduce_sum3A_13 = vector.multi_reduction <add>, %mul3A_11, %reduce_sum3A_12 [0] : vector<3x1024xf32> to vector<1024xf32>
    %broadcast_in_dim3A_14 = vector.shape_cast %reduce_sum3A_13 : vector<1024xf32> to vector<1x1024xf32>
    %mul3A_15 = arith.constant -2.000000e+00 : f32
    %mul3A_16 = vector.broadcast %mul3A_15 : f32 to vector<256x1024xf32>
    %mul3A_17 = arith.mulf %mul3A_16, %dot_general3A_9 : vector<256x1024xf32>
    %add3A = vector.broadcast %broadcast_in_dim3A : vector<256x1xf32> to vector<256x1024xf32>
    %add3A_18 = arith.addf %mul3A_17, %add3A : vector<256x1024xf32>
    %add3A_19 = vector.broadcast %broadcast_in_dim3A_14 : vector<1x1024xf32> to vector<256x1024xf32>
    %add3A_20 = arith.addf %add3A_18, %add3A_19 : vector<256x1024xf32>
    %neg3A = arith.constant 0.000000e+00 : f32
    %neg3A_21 = vector.broadcast %neg3A : f32 to vector<256x1024xf32>
    %neg3A_22 = arith.subf %neg3A_21, %add3A_20 : vector<256x1024xf32>
    %iota3A = tpu.iota {dimensions = array<i32: 1>} : vector<256x1024xi32>
    %iota3A_23 = tpu.iota {dimensions = array<i32: 1>} : vector<256x16xi32>
    %broadcast_in_dim3A_24 = arith.constant 0 : i32
    %broadcast_in_dim3A_25 = vector.broadcast %broadcast_in_dim3A_24 : i32 to vector<256x16xi32>
    %reduce_max3A = arith.constant dense<0xFF800000> : vector<256xf32>
    %reduce_max3A_26 = vector.multi_reduction <maximumf>, %neg3A_22, %reduce_max3A [1] : vector<256x1024xf32> to vector<256xf32>
    %broadcast_in_dim3A_27 = vector.shape_cast %reduce_max3A_26 : vector<256xf32> to vector<256x1xf32>
    %eq3A = vector.broadcast %broadcast_in_dim3A_27 : vector<256x1xf32> to vector<256x1024xf32>
    %eq3A_28 = arith.cmpf oeq, %neg3A_22, %eq3A : vector<256x1024xf32>
    %jit3A = arith.constant 1024 : i32
    %broadcast_in_dim3A_29 = vector.broadcast %jit3A : i32 to vector<256x1024xi32>
    %select_n3A = arith.select %eq3A_28, %iota3A, %broadcast_in_dim3A_29 : vector<256x1024xi1>, vector<256x1024xi32>
    %reduce_min3A = arith.constant dense<2147483647> : vector<256xi32>
    %reduce_min3A_30 = vector.multi_reduction <minsi>, %select_n3A, %reduce_min3A [1] : vector<256x1024xi32> to vector<256xi32>
    %broadcast_in_dim3A_31 = vector.shape_cast %reduce_min3A_30 : vector<256xi32> to vector<256x1xi32>
    %eq3A_32 = arith.constant 0 : i32
    %eq3A_33 = vector.broadcast %eq3A_32 : i32 to vector<256x16xi32>
    %eq3A_34 = arith.cmpi eq, %iota3A_23, %eq3A_33 : vector<256x16xi32>
    %mul3A_35 = arith.constant 1024 : i32
    %mul3A_36 = arith.muli %arg0, %mul3A_35 : i32
    %add3A_37 = vector.broadcast %mul3A_36 : i32 to vector<256x1xi32>
    %add3A_38 = arith.addi %broadcast_in_dim3A_31, %add3A_37 : vector<256x1xi32>
    %broadcast_in_dim3A_39 = vector.shape_cast %add3A_38 : vector<256x1xi32> to vector<256x1xi32>
    %broadcast_in_dim3A_40 = vector.broadcast %broadcast_in_dim3A_39 : vector<256x1xi32> to vector<256x16xi32>
    %select_n3A_41 = arith.select %eq3A_34, %broadcast_in_dim3A_40, %broadcast_in_dim3A_25 : vector<256x16xi1>, vector<256x16xi32>
    %eq3A_42 = vector.broadcast %broadcast_in_dim3A_31 : vector<256x1xi32> to vector<256x1024xi32>
    %eq3A_43 = arith.cmpi eq, %iota3A, %eq3A_42 : vector<256x1024xi32>
    %jit3A_44 = arith.constant 0xFF800000 : f32
    %broadcast_in_dim3A_45 = vector.broadcast %jit3A_44 : f32 to vector<256x1024xf32>
    %select_n3A_46 = arith.select %eq3A_43, %broadcast_in_dim3A_45, %neg3A_22 : vector<256x1024xi1>, vector<256x1024xf32>
    %reduce_max3A_47 = arith.constant dense<0xFF800000> : vector<256xf32>
    %reduce_max3A_48 = vector.multi_reduction <maximumf>, %select_n3A_46, %reduce_max3A_47 [1] : vector<256x1024xf32> to vector<256xf32>
    %broadcast_in_dim3A_49 = vector.shape_cast %reduce_max3A_48 : vector<256xf32> to vector<256x1xf32>
    %eq3A_50 = vector.broadcast %broadcast_in_dim3A_49 : vector<256x1xf32> to vector<256x1024xf32>
    %eq3A_51 = arith.cmpf oeq, %select_n3A_46, %eq3A_50 : vector<256x1024xf32>
    %jit3A_52 = arith.constant 1024 : i32
    %broadcast_in_dim3A_53 = vector.broadcast %jit3A_52 : i32 to vector<256x1024xi32>
    %select_n3A_54 = arith.select %eq3A_51, %iota3A, %broadcast_in_dim3A_53 : vector<256x1024xi1>, vector<256x1024xi32>
    %reduce_min3A_55 = arith.constant dense<2147483647> : vector<256xi32>
    %reduce_min3A_56 = vector.multi_reduction <minsi>, %select_n3A_54, %reduce_min3A_55 [1] : vector<256x1024xi32> to vector<256xi32>
    %broadcast_in_dim3A_57 = vector.shape_cast %reduce_min3A_56 : vector<256xi32> to vector<256x1xi32>
    %eq3A_58 = arith.constant 1 : i32
    %eq3A_59 = vector.broadcast %eq3A_58 : i32 to vector<256x16xi32>
    %eq3A_60 = arith.cmpi eq, %iota3A_23, %eq3A_59 : vector<256x16xi32>
    %mul3A_61 = arith.constant 1024 : i32
    %mul3A_62 = arith.muli %arg0, %mul3A_61 : i32
    %add3A_63 = vector.broadcast %mul3A_62 : i32 to vector<256x1xi32>
    %add3A_64 = arith.addi %broadcast_in_dim3A_57, %add3A_63 : vector<256x1xi32>
    %broadcast_in_dim3A_65 = vector.shape_cast %add3A_64 : vector<256x1xi32> to vector<256x1xi32>
    %broadcast_in_dim3A_66 = vector.broadcast %broadcast_in_dim3A_65 : vector<256x1xi32> to vector<256x16xi32>
    %select_n3A_67 = arith.select %eq3A_60, %broadcast_in_dim3A_66, %select_n3A_41 : vector<256x16xi1>, vector<256x16xi32>
    %eq3A_68 = vector.broadcast %broadcast_in_dim3A_57 : vector<256x1xi32> to vector<256x1024xi32>
    %eq3A_69 = arith.cmpi eq, %iota3A, %eq3A_68 : vector<256x1024xi32>
    %jit3A_70 = arith.constant 0xFF800000 : f32
    %broadcast_in_dim3A_71 = vector.broadcast %jit3A_70 : f32 to vector<256x1024xf32>
    %select_n3A_72 = arith.select %eq3A_69, %broadcast_in_dim3A_71, %select_n3A_46 : vector<256x1024xi1>, vector<256x1024xf32>
    %reduce_max3A_73 = arith.constant dense<0xFF800000> : vector<256xf32>
    %reduce_max3A_74 = vector.multi_reduction <maximumf>, %select_n3A_72, %reduce_max3A_73 [1] : vector<256x1024xf32> to vector<256xf32>
    %broadcast_in_dim3A_75 = vector.shape_cast %reduce_max3A_74 : vector<256xf32> to vector<256x1xf32>
    %eq3A_76 = vector.broadcast %broadcast_in_dim3A_75 : vector<256x1xf32> to vector<256x1024xf32>
    %eq3A_77 = arith.cmpf oeq, %select_n3A_72, %eq3A_76 : vector<256x1024xf32>
    %jit3A_78 = arith.constant 1024 : i32
    %broadcast_in_dim3A_79 = vector.broadcast %jit3A_78 : i32 to vector<256x1024xi32>
    %select_n3A_80 = arith.select %eq3A_77, %iota3A, %broadcast_in_dim3A_79 : vector<256x1024xi1>, vector<256x1024xi32>
    %reduce_min3A_81 = arith.constant dense<2147483647> : vector<256xi32>
    %reduce_min3A_82 = vector.multi_reduction <minsi>, %select_n3A_80, %reduce_min3A_81 [1] : vector<256x1024xi32> to vector<256xi32>
    %broadcast_in_dim3A_83 = vector.shape_cast %reduce_min3A_82 : vector<256xi32> to vector<256x1xi32>
    %eq3A_84 = arith.constant 2 : i32
    %eq3A_85 = vector.broadcast %eq3A_84 : i32 to vector<256x16xi32>
    %eq3A_86 = arith.cmpi eq, %iota3A_23, %eq3A_85 : vector<256x16xi32>
    %mul3A_87 = arith.constant 1024 : i32
    %mul3A_88 = arith.muli %arg0, %mul3A_87 : i32
    %add3A_89 = vector.broadcast %mul3A_88 : i32 to vector<256x1xi32>
    %add3A_90 = arith.addi %broadcast_in_dim3A_83, %add3A_89 : vector<256x1xi32>
    %broadcast_in_dim3A_91 = vector.shape_cast %add3A_90 : vector<256x1xi32> to vector<256x1xi32>
    %broadcast_in_dim3A_92 = vector.broadcast %broadcast_in_dim3A_91 : vector<256x1xi32> to vector<256x16xi32>
    %select_n3A_93 = arith.select %eq3A_86, %broadcast_in_dim3A_92, %select_n3A_67 : vector<256x16xi1>, vector<256x16xi32>
    %eq3A_94 = vector.broadcast %broadcast_in_dim3A_83 : vector<256x1xi32> to vector<256x1024xi32>
    %eq3A_95 = arith.cmpi eq, %iota3A, %eq3A_94 : vector<256x1024xi32>
    %jit3A_96 = arith.constant 0xFF800000 : f32
    %broadcast_in_dim3A_97 = vector.broadcast %jit3A_96 : f32 to vector<256x1024xf32>
    %select_n3A_98 = arith.select %eq3A_95, %broadcast_in_dim3A_97, %select_n3A_72 : vector<256x1024xi1>, vector<256x1024xf32>
    %reduce_max3A_99 = arith.constant dense<0xFF800000> : vector<256xf32>
    %reduce_max3A_100 = vector.multi_reduction <maximumf>, %select_n3A_98, %reduce_max3A_99 [1] : vector<256x1024xf32> to vector<256xf32>
    %broadcast_in_dim3A_101 = vector.shape_cast %reduce_max3A_100 : vector<256xf32> to vector<256x1xf32>
    %eq3A_102 = vector.broadcast %broadcast_in_dim3A_101 : vector<256x1xf32> to vector<256x1024xf32>
    %eq3A_103 = arith.cmpf oeq, %select_n3A_98, %eq3A_102 : vector<256x1024xf32>
    %jit3A_104 = arith.constant 1024 : i32
    %broadcast_in_dim3A_105 = vector.broadcast %jit3A_104 : i32 to vector<256x1024xi32>
    %select_n3A_106 = arith.select %eq3A_103, %iota3A, %broadcast_in_dim3A_105 : vector<256x1024xi1>, vector<256x1024xi32>
    %reduce_min3A_107 = arith.constant dense<2147483647> : vector<256xi32>
    %reduce_min3A_108 = vector.multi_reduction <minsi>, %select_n3A_106, %reduce_min3A_107 [1] : vector<256x1024xi32> to vector<256xi32>
    %broadcast_in_dim3A_109 = vector.shape_cast %reduce_min3A_108 : vector<256xi32> to vector<256x1xi32>
    %eq3A_110 = arith.constant 3 : i32
    %eq3A_111 = vector.broadcast %eq3A_110 : i32 to vector<256x16xi32>
    %eq3A_112 = arith.cmpi eq, %iota3A_23, %eq3A_111 : vector<256x16xi32>
    %mul3A_113 = arith.constant 1024 : i32
    %mul3A_114 = arith.muli %arg0, %mul3A_113 : i32
    %add3A_115 = vector.broadcast %mul3A_114 : i32 to vector<256x1xi32>
    %add3A_116 = arith.addi %broadcast_in_dim3A_109, %add3A_115 : vector<256x1xi32>
    %broadcast_in_dim3A_117 = vector.shape_cast %add3A_116 : vector<256x1xi32> to vector<256x1xi32>
    %broadcast_in_dim3A_118 = vector.broadcast %broadcast_in_dim3A_117 : vector<256x1xi32> to vector<256x16xi32>
    %select_n3A_119 = arith.select %eq3A_112, %broadcast_in_dim3A_118, %select_n3A_93 : vector<256x16xi1>, vector<256x16xi32>
    %eq3A_120 = vector.broadcast %broadcast_in_dim3A_109 : vector<256x1xi32> to vector<256x1024xi32>
    %eq3A_121 = arith.cmpi eq, %iota3A, %eq3A_120 : vector<256x1024xi32>
    %jit3A_122 = arith.constant 0xFF800000 : f32
    %broadcast_in_dim3A_123 = vector.broadcast %jit3A_122 : f32 to vector<256x1024xf32>
    %select_n3A_124 = arith.select %eq3A_121, %broadcast_in_dim3A_123, %select_n3A_98 : vector<256x1024xi1>, vector<256x1024xf32>
    %reduce_max3A_125 = arith.constant dense<0xFF800000> : vector<256xf32>
    %reduce_max3A_126 = vector.multi_reduction <maximumf>, %select_n3A_124, %reduce_max3A_125 [1] : vector<256x1024xf32> to vector<256xf32>
    %broadcast_in_dim3A_127 = vector.shape_cast %reduce_max3A_126 : vector<256xf32> to vector<256x1xf32>
    %eq3A_128 = vector.broadcast %broadcast_in_dim3A_127 : vector<256x1xf32> to vector<256x1024xf32>
    %eq3A_129 = arith.cmpf oeq, %select_n3A_124, %eq3A_128 : vector<256x1024xf32>
    %jit3A_130 = arith.constant 1024 : i32
    %broadcast_in_dim3A_131 = vector.broadcast %jit3A_130 : i32 to vector<256x1024xi32>
    %select_n3A_132 = arith.select %eq3A_129, %iota3A, %broadcast_in_dim3A_131 : vector<256x1024xi1>, vector<256x1024xi32>
    %reduce_min3A_133 = arith.constant dense<2147483647> : vector<256xi32>
    %reduce_min3A_134 = vector.multi_reduction <minsi>, %select_n3A_132, %reduce_min3A_133 [1] : vector<256x1024xi32> to vector<256xi32>
    %broadcast_in_dim3A_135 = vector.shape_cast %reduce_min3A_134 : vector<256xi32> to vector<256x1xi32>
    %eq3A_136 = arith.constant 4 : i32
    %eq3A_137 = vector.broadcast %eq3A_136 : i32 to vector<256x16xi32>
    %eq3A_138 = arith.cmpi eq, %iota3A_23, %eq3A_137 : vector<256x16xi32>
    %mul3A_139 = arith.constant 1024 : i32
    %mul3A_140 = arith.muli %arg0, %mul3A_139 : i32
    %add3A_141 = vector.broadcast %mul3A_140 : i32 to vector<256x1xi32>
    %add3A_142 = arith.addi %broadcast_in_dim3A_135, %add3A_141 : vector<256x1xi32>
    %broadcast_in_dim3A_143 = vector.shape_cast %add3A_142 : vector<256x1xi32> to vector<256x1xi32>
    %broadcast_in_dim3A_144 = vector.broadcast %broadcast_in_dim3A_143 : vector<256x1xi32> to vector<256x16xi32>
    %select_n3A_145 = arith.select %eq3A_138, %broadcast_in_dim3A_144, %select_n3A_119 : vector<256x16xi1>, vector<256x16xi32>
    %eq3A_146 = vector.broadcast %broadcast_in_dim3A_135 : vector<256x1xi32> to vector<256x1024xi32>
    %eq3A_147 = arith.cmpi eq, %iota3A, %eq3A_146 : vector<256x1024xi32>
    %jit3A_148 = arith.constant 0xFF800000 : f32
    %broadcast_in_dim3A_149 = vector.broadcast %jit3A_148 : f32 to vector<256x1024xf32>
    %select_n3A_150 = arith.select %eq3A_147, %broadcast_in_dim3A_149, %select_n3A_124 : vector<256x1024xi1>, vector<256x1024xf32>
    %reduce_max3A_151 = arith.constant dense<0xFF800000> : vector<256xf32>
    %reduce_max3A_152 = vector.multi_reduction <maximumf>, %select_n3A_150, %reduce_max3A_151 [1] : vector<256x1024xf32> to vector<256xf32>
    %broadcast_in_dim3A_153 = vector.shape_cast %reduce_max3A_152 : vector<256xf32> to vector<256x1xf32>
    %eq3A_154 = vector.broadcast %broadcast_in_dim3A_153 : vector<256x1xf32> to vector<256x1024xf32>
    %eq3A_155 = arith.cmpf oeq, %select_n3A_150, %eq3A_154 : vector<256x1024xf32>
    %jit3A_156 = arith.constant 1024 : i32
    %broadcast_in_dim3A_157 = vector.broadcast %jit3A_156 : i32 to vector<256x1024xi32>
    %select_n3A_158 = arith.select %eq3A_155, %iota3A, %broadcast_in_dim3A_157 : vector<256x1024xi1>, vector<256x1024xi32>
    %reduce_min3A_159 = arith.constant dense<2147483647> : vector<256xi32>
    %reduce_min3A_160 = vector.multi_reduction <minsi>, %select_n3A_158, %reduce_min3A_159 [1] : vector<256x1024xi32> to vector<256xi32>
    %broadcast_in_dim3A_161 = vector.shape_cast %reduce_min3A_160 : vector<256xi32> to vector<256x1xi32>
    %eq3A_162 = arith.constant 5 : i32
    %eq3A_163 = vector.broadcast %eq3A_162 : i32 to vector<256x16xi32>
    %eq3A_164 = arith.cmpi eq, %iota3A_23, %eq3A_163 : vector<256x16xi32>
    %mul3A_165 = arith.constant 1024 : i32
    %mul3A_166 = arith.muli %arg0, %mul3A_165 : i32
    %add3A_167 = vector.broadcast %mul3A_166 : i32 to vector<256x1xi32>
    %add3A_168 = arith.addi %broadcast_in_dim3A_161, %add3A_167 : vector<256x1xi32>
    %broadcast_in_dim3A_169 = vector.shape_cast %add3A_168 : vector<256x1xi32> to vector<256x1xi32>
    %broadcast_in_dim3A_170 = vector.broadcast %broadcast_in_dim3A_169 : vector<256x1xi32> to vector<256x16xi32>
    %select_n3A_171 = arith.select %eq3A_164, %broadcast_in_dim3A_170, %select_n3A_145 : vector<256x16xi1>, vector<256x16xi32>
    %eq3A_172 = vector.broadcast %broadcast_in_dim3A_161 : vector<256x1xi32> to vector<256x1024xi32>
    %eq3A_173 = arith.cmpi eq, %iota3A, %eq3A_172 : vector<256x1024xi32>
    %jit3A_174 = arith.constant 0xFF800000 : f32
    %broadcast_in_dim3A_175 = vector.broadcast %jit3A_174 : f32 to vector<256x1024xf32>
    %select_n3A_176 = arith.select %eq3A_173, %broadcast_in_dim3A_175, %select_n3A_150 : vector<256x1024xi1>, vector<256x1024xf32>
    %reduce_max3A_177 = arith.constant dense<0xFF800000> : vector<256xf32>
    %reduce_max3A_178 = vector.multi_reduction <maximumf>, %select_n3A_176, %reduce_max3A_177 [1] : vector<256x1024xf32> to vector<256xf32>
    %broadcast_in_dim3A_179 = vector.shape_cast %reduce_max3A_178 : vector<256xf32> to vector<256x1xf32>
    %eq3A_180 = vector.broadcast %broadcast_in_dim3A_179 : vector<256x1xf32> to vector<256x1024xf32>
    %eq3A_181 = arith.cmpf oeq, %select_n3A_176, %eq3A_180 : vector<256x1024xf32>
    %jit3A_182 = arith.constant 1024 : i32
    %broadcast_in_dim3A_183 = vector.broadcast %jit3A_182 : i32 to vector<256x1024xi32>
    %select_n3A_184 = arith.select %eq3A_181, %iota3A, %broadcast_in_dim3A_183 : vector<256x1024xi1>, vector<256x1024xi32>
    %reduce_min3A_185 = arith.constant dense<2147483647> : vector<256xi32>
    %reduce_min3A_186 = vector.multi_reduction <minsi>, %select_n3A_184, %reduce_min3A_185 [1] : vector<256x1024xi32> to vector<256xi32>
    %broadcast_in_dim3A_187 = vector.shape_cast %reduce_min3A_186 : vector<256xi32> to vector<256x1xi32>
    %eq3A_188 = arith.constant 6 : i32
    %eq3A_189 = vector.broadcast %eq3A_188 : i32 to vector<256x16xi32>
    %eq3A_190 = arith.cmpi eq, %iota3A_23, %eq3A_189 : vector<256x16xi32>
    %mul3A_191 = arith.constant 1024 : i32
    %mul3A_192 = arith.muli %arg0, %mul3A_191 : i32
    %add3A_193 = vector.broadcast %mul3A_192 : i32 to vector<256x1xi32>
    %add3A_194 = arith.addi %broadcast_in_dim3A_187, %add3A_193 : vector<256x1xi32>
    %broadcast_in_dim3A_195 = vector.shape_cast %add3A_194 : vector<256x1xi32> to vector<256x1xi32>
    %broadcast_in_dim3A_196 = vector.broadcast %broadcast_in_dim3A_195 : vector<256x1xi32> to vector<256x16xi32>
    %select_n3A_197 = arith.select %eq3A_190, %broadcast_in_dim3A_196, %select_n3A_171 : vector<256x16xi1>, vector<256x16xi32>
    %eq3A_198 = vector.broadcast %broadcast_in_dim3A_187 : vector<256x1xi32> to vector<256x1024xi32>
    %eq3A_199 = arith.cmpi eq, %iota3A, %eq3A_198 : vector<256x1024xi32>
    %jit3A_200 = arith.constant 0xFF800000 : f32
    %broadcast_in_dim3A_201 = vector.broadcast %jit3A_200 : f32 to vector<256x1024xf32>
    %select_n3A_202 = arith.select %eq3A_199, %broadcast_in_dim3A_201, %select_n3A_176 : vector<256x1024xi1>, vector<256x1024xf32>
    %reduce_max3A_203 = arith.constant dense<0xFF800000> : vector<256xf32>
    %reduce_max3A_204 = vector.multi_reduction <maximumf>, %select_n3A_202, %reduce_max3A_203 [1] : vector<256x1024xf32> to vector<256xf32>
    %broadcast_in_dim3A_205 = vector.shape_cast %reduce_max3A_204 : vector<256xf32> to vector<256x1xf32>
    %eq3A_206 = vector.broadcast %broadcast_in_dim3A_205 : vector<256x1xf32> to vector<256x1024xf32>
    %eq3A_207 = arith.cmpf oeq, %select_n3A_202, %eq3A_206 : vector<256x1024xf32>
    %jit3A_208 = arith.constant 1024 : i32
    %broadcast_in_dim3A_209 = vector.broadcast %jit3A_208 : i32 to vector<256x1024xi32>
    %select_n3A_210 = arith.select %eq3A_207, %iota3A, %broadcast_in_dim3A_209 : vector<256x1024xi1>, vector<256x1024xi32>
    %reduce_min3A_211 = arith.constant dense<2147483647> : vector<256xi32>
    %reduce_min3A_212 = vector.multi_reduction <minsi>, %select_n3A_210, %reduce_min3A_211 [1] : vector<256x1024xi32> to vector<256xi32>
    %broadcast_in_dim3A_213 = vector.shape_cast %reduce_min3A_212 : vector<256xi32> to vector<256x1xi32>
    %eq3A_214 = arith.constant 7 : i32
    %eq3A_215 = vector.broadcast %eq3A_214 : i32 to vector<256x16xi32>
    %eq3A_216 = arith.cmpi eq, %iota3A_23, %eq3A_215 : vector<256x16xi32>
    %mul3A_217 = arith.constant 1024 : i32
    %mul3A_218 = arith.muli %arg0, %mul3A_217 : i32
    %add3A_219 = vector.broadcast %mul3A_218 : i32 to vector<256x1xi32>
    %add3A_220 = arith.addi %broadcast_in_dim3A_213, %add3A_219 : vector<256x1xi32>
    %broadcast_in_dim3A_221 = vector.shape_cast %add3A_220 : vector<256x1xi32> to vector<256x1xi32>
    %broadcast_in_dim3A_222 = vector.broadcast %broadcast_in_dim3A_221 : vector<256x1xi32> to vector<256x16xi32>
    %select_n3A_223 = arith.select %eq3A_216, %broadcast_in_dim3A_222, %select_n3A_197 : vector<256x16xi1>, vector<256x16xi32>
    %eq3A_224 = vector.broadcast %broadcast_in_dim3A_213 : vector<256x1xi32> to vector<256x1024xi32>
    %eq3A_225 = arith.cmpi eq, %iota3A, %eq3A_224 : vector<256x1024xi32>
    %jit3A_226 = arith.constant 0xFF800000 : f32
    %broadcast_in_dim3A_227 = vector.broadcast %jit3A_226 : f32 to vector<256x1024xf32>
    %select_n3A_228 = arith.select %eq3A_225, %broadcast_in_dim3A_227, %select_n3A_202 : vector<256x1024xi1>, vector<256x1024xf32>
    %reduce_max3A_229 = arith.constant dense<0xFF800000> : vector<256xf32>
    %reduce_max3A_230 = vector.multi_reduction <maximumf>, %select_n3A_228, %reduce_max3A_229 [1] : vector<256x1024xf32> to vector<256xf32>
    %broadcast_in_dim3A_231 = vector.shape_cast %reduce_max3A_230 : vector<256xf32> to vector<256x1xf32>
    %eq3A_232 = vector.broadcast %broadcast_in_dim3A_231 : vector<256x1xf32> to vector<256x1024xf32>
    %eq3A_233 = arith.cmpf oeq, %select_n3A_228, %eq3A_232 : vector<256x1024xf32>
    %jit3A_234 = arith.constant 1024 : i32
    %broadcast_in_dim3A_235 = vector.broadcast %jit3A_234 : i32 to vector<256x1024xi32>
    %select_n3A_236 = arith.select %eq3A_233, %iota3A, %broadcast_in_dim3A_235 : vector<256x1024xi1>, vector<256x1024xi32>
    %reduce_min3A_237 = arith.constant dense<2147483647> : vector<256xi32>
    %reduce_min3A_238 = vector.multi_reduction <minsi>, %select_n3A_236, %reduce_min3A_237 [1] : vector<256x1024xi32> to vector<256xi32>
    %broadcast_in_dim3A_239 = vector.shape_cast %reduce_min3A_238 : vector<256xi32> to vector<256x1xi32>
    %eq3A_240 = arith.constant 8 : i32
    %eq3A_241 = vector.broadcast %eq3A_240 : i32 to vector<256x16xi32>
    %eq3A_242 = arith.cmpi eq, %iota3A_23, %eq3A_241 : vector<256x16xi32>
    %mul3A_243 = arith.constant 1024 : i32
    %mul3A_244 = arith.muli %arg0, %mul3A_243 : i32
    %add3A_245 = vector.broadcast %mul3A_244 : i32 to vector<256x1xi32>
    %add3A_246 = arith.addi %broadcast_in_dim3A_239, %add3A_245 : vector<256x1xi32>
    %broadcast_in_dim3A_247 = vector.shape_cast %add3A_246 : vector<256x1xi32> to vector<256x1xi32>
    %broadcast_in_dim3A_248 = vector.broadcast %broadcast_in_dim3A_247 : vector<256x1xi32> to vector<256x16xi32>
    %select_n3A_249 = arith.select %eq3A_242, %broadcast_in_dim3A_248, %select_n3A_223 : vector<256x16xi1>, vector<256x16xi32>
    %eq3A_250 = vector.broadcast %broadcast_in_dim3A_239 : vector<256x1xi32> to vector<256x1024xi32>
    %eq3A_251 = arith.cmpi eq, %iota3A, %eq3A_250 : vector<256x1024xi32>
    %jit3A_252 = arith.constant 0xFF800000 : f32
    %broadcast_in_dim3A_253 = vector.broadcast %jit3A_252 : f32 to vector<256x1024xf32>
    %select_n3A_254 = arith.select %eq3A_251, %broadcast_in_dim3A_253, %select_n3A_228 : vector<256x1024xi1>, vector<256x1024xf32>
    %reduce_max3A_255 = arith.constant dense<0xFF800000> : vector<256xf32>
    %reduce_max3A_256 = vector.multi_reduction <maximumf>, %select_n3A_254, %reduce_max3A_255 [1] : vector<256x1024xf32> to vector<256xf32>
    %broadcast_in_dim3A_257 = vector.shape_cast %reduce_max3A_256 : vector<256xf32> to vector<256x1xf32>
    %eq3A_258 = vector.broadcast %broadcast_in_dim3A_257 : vector<256x1xf32> to vector<256x1024xf32>
    %eq3A_259 = arith.cmpf oeq, %select_n3A_254, %eq3A_258 : vector<256x1024xf32>
    %jit3A_260 = arith.constant 1024 : i32
    %broadcast_in_dim3A_261 = vector.broadcast %jit3A_260 : i32 to vector<256x1024xi32>
    %select_n3A_262 = arith.select %eq3A_259, %iota3A, %broadcast_in_dim3A_261 : vector<256x1024xi1>, vector<256x1024xi32>
    %reduce_min3A_263 = arith.constant dense<2147483647> : vector<256xi32>
    %reduce_min3A_264 = vector.multi_reduction <minsi>, %select_n3A_262, %reduce_min3A_263 [1] : vector<256x1024xi32> to vector<256xi32>
    %broadcast_in_dim3A_265 = vector.shape_cast %reduce_min3A_264 : vector<256xi32> to vector<256x1xi32>
    %eq3A_266 = arith.constant 9 : i32
    %eq3A_267 = vector.broadcast %eq3A_266 : i32 to vector<256x16xi32>
    %eq3A_268 = arith.cmpi eq, %iota3A_23, %eq3A_267 : vector<256x16xi32>
    %mul3A_269 = arith.constant 1024 : i32
    %mul3A_270 = arith.muli %arg0, %mul3A_269 : i32
    %add3A_271 = vector.broadcast %mul3A_270 : i32 to vector<256x1xi32>
    %add3A_272 = arith.addi %broadcast_in_dim3A_265, %add3A_271 : vector<256x1xi32>
    %broadcast_in_dim3A_273 = vector.shape_cast %add3A_272 : vector<256x1xi32> to vector<256x1xi32>
    %broadcast_in_dim3A_274 = vector.broadcast %broadcast_in_dim3A_273 : vector<256x1xi32> to vector<256x16xi32>
    %select_n3A_275 = arith.select %eq3A_268, %broadcast_in_dim3A_274, %select_n3A_249 : vector<256x16xi1>, vector<256x16xi32>
    %eq3A_276 = vector.broadcast %broadcast_in_dim3A_265 : vector<256x1xi32> to vector<256x1024xi32>
    %eq3A_277 = arith.cmpi eq, %iota3A, %eq3A_276 : vector<256x1024xi32>
    %jit3A_278 = arith.constant 0xFF800000 : f32
    %broadcast_in_dim3A_279 = vector.broadcast %jit3A_278 : f32 to vector<256x1024xf32>
    %select_n3A_280 = arith.select %eq3A_277, %broadcast_in_dim3A_279, %select_n3A_254 : vector<256x1024xi1>, vector<256x1024xf32>
    %reduce_max3A_281 = arith.constant dense<0xFF800000> : vector<256xf32>
    %reduce_max3A_282 = vector.multi_reduction <maximumf>, %select_n3A_280, %reduce_max3A_281 [1] : vector<256x1024xf32> to vector<256xf32>
    %broadcast_in_dim3A_283 = vector.shape_cast %reduce_max3A_282 : vector<256xf32> to vector<256x1xf32>
    %eq3A_284 = vector.broadcast %broadcast_in_dim3A_283 : vector<256x1xf32> to vector<256x1024xf32>
    %eq3A_285 = arith.cmpf oeq, %select_n3A_280, %eq3A_284 : vector<256x1024xf32>
    %jit3A_286 = arith.constant 1024 : i32
    %broadcast_in_dim3A_287 = vector.broadcast %jit3A_286 : i32 to vector<256x1024xi32>
    %select_n3A_288 = arith.select %eq3A_285, %iota3A, %broadcast_in_dim3A_287 : vector<256x1024xi1>, vector<256x1024xi32>
    %reduce_min3A_289 = arith.constant dense<2147483647> : vector<256xi32>
    %reduce_min3A_290 = vector.multi_reduction <minsi>, %select_n3A_288, %reduce_min3A_289 [1] : vector<256x1024xi32> to vector<256xi32>
    %broadcast_in_dim3A_291 = vector.shape_cast %reduce_min3A_290 : vector<256xi32> to vector<256x1xi32>
    %eq3A_292 = arith.constant 10 : i32
    %eq3A_293 = vector.broadcast %eq3A_292 : i32 to vector<256x16xi32>
    %eq3A_294 = arith.cmpi eq, %iota3A_23, %eq3A_293 : vector<256x16xi32>
    %mul3A_295 = arith.constant 1024 : i32
    %mul3A_296 = arith.muli %arg0, %mul3A_295 : i32
    %add3A_297 = vector.broadcast %mul3A_296 : i32 to vector<256x1xi32>
    %add3A_298 = arith.addi %broadcast_in_dim3A_291, %add3A_297 : vector<256x1xi32>
    %broadcast_in_dim3A_299 = vector.shape_cast %add3A_298 : vector<256x1xi32> to vector<256x1xi32>
    %broadcast_in_dim3A_300 = vector.broadcast %broadcast_in_dim3A_299 : vector<256x1xi32> to vector<256x16xi32>
    %select_n3A_301 = arith.select %eq3A_294, %broadcast_in_dim3A_300, %select_n3A_275 : vector<256x16xi1>, vector<256x16xi32>
    %eq3A_302 = vector.broadcast %broadcast_in_dim3A_291 : vector<256x1xi32> to vector<256x1024xi32>
    %eq3A_303 = arith.cmpi eq, %iota3A, %eq3A_302 : vector<256x1024xi32>
    %jit3A_304 = arith.constant 0xFF800000 : f32
    %broadcast_in_dim3A_305 = vector.broadcast %jit3A_304 : f32 to vector<256x1024xf32>
    %select_n3A_306 = arith.select %eq3A_303, %broadcast_in_dim3A_305, %select_n3A_280 : vector<256x1024xi1>, vector<256x1024xf32>
    %reduce_max3A_307 = arith.constant dense<0xFF800000> : vector<256xf32>
    %reduce_max3A_308 = vector.multi_reduction <maximumf>, %select_n3A_306, %reduce_max3A_307 [1] : vector<256x1024xf32> to vector<256xf32>
    %broadcast_in_dim3A_309 = vector.shape_cast %reduce_max3A_308 : vector<256xf32> to vector<256x1xf32>
    %eq3A_310 = vector.broadcast %broadcast_in_dim3A_309 : vector<256x1xf32> to vector<256x1024xf32>
    %eq3A_311 = arith.cmpf oeq, %select_n3A_306, %eq3A_310 : vector<256x1024xf32>
    %jit3A_312 = arith.constant 1024 : i32
    %broadcast_in_dim3A_313 = vector.broadcast %jit3A_312 : i32 to vector<256x1024xi32>
    %select_n3A_314 = arith.select %eq3A_311, %iota3A, %broadcast_in_dim3A_313 : vector<256x1024xi1>, vector<256x1024xi32>
    %reduce_min3A_315 = arith.constant dense<2147483647> : vector<256xi32>
    %reduce_min3A_316 = vector.multi_reduction <minsi>, %select_n3A_314, %reduce_min3A_315 [1] : vector<256x1024xi32> to vector<256xi32>
    %broadcast_in_dim3A_317 = vector.shape_cast %reduce_min3A_316 : vector<256xi32> to vector<256x1xi32>
    %eq3A_318 = arith.constant 11 : i32
    %eq3A_319 = vector.broadcast %eq3A_318 : i32 to vector<256x16xi32>
    %eq3A_320 = arith.cmpi eq, %iota3A_23, %eq3A_319 : vector<256x16xi32>
    %mul3A_321 = arith.constant 1024 : i32
    %mul3A_322 = arith.muli %arg0, %mul3A_321 : i32
    %add3A_323 = vector.broadcast %mul3A_322 : i32 to vector<256x1xi32>
    %add3A_324 = arith.addi %broadcast_in_dim3A_317, %add3A_323 : vector<256x1xi32>
    %broadcast_in_dim3A_325 = vector.shape_cast %add3A_324 : vector<256x1xi32> to vector<256x1xi32>
    %broadcast_in_dim3A_326 = vector.broadcast %broadcast_in_dim3A_325 : vector<256x1xi32> to vector<256x16xi32>
    %select_n3A_327 = arith.select %eq3A_320, %broadcast_in_dim3A_326, %select_n3A_301 : vector<256x16xi1>, vector<256x16xi32>
    %eq3A_328 = vector.broadcast %broadcast_in_dim3A_317 : vector<256x1xi32> to vector<256x1024xi32>
    %eq3A_329 = arith.cmpi eq, %iota3A, %eq3A_328 : vector<256x1024xi32>
    %jit3A_330 = arith.constant 0xFF800000 : f32
    %broadcast_in_dim3A_331 = vector.broadcast %jit3A_330 : f32 to vector<256x1024xf32>
    %select_n3A_332 = arith.select %eq3A_329, %broadcast_in_dim3A_331, %select_n3A_306 : vector<256x1024xi1>, vector<256x1024xf32>
    %reduce_max3A_333 = arith.constant dense<0xFF800000> : vector<256xf32>
    %reduce_max3A_334 = vector.multi_reduction <maximumf>, %select_n3A_332, %reduce_max3A_333 [1] : vector<256x1024xf32> to vector<256xf32>
    %broadcast_in_dim3A_335 = vector.shape_cast %reduce_max3A_334 : vector<256xf32> to vector<256x1xf32>
    %eq3A_336 = vector.broadcast %broadcast_in_dim3A_335 : vector<256x1xf32> to vector<256x1024xf32>
    %eq3A_337 = arith.cmpf oeq, %select_n3A_332, %eq3A_336 : vector<256x1024xf32>
    %jit3A_338 = arith.constant 1024 : i32
    %broadcast_in_dim3A_339 = vector.broadcast %jit3A_338 : i32 to vector<256x1024xi32>
    %select_n3A_340 = arith.select %eq3A_337, %iota3A, %broadcast_in_dim3A_339 : vector<256x1024xi1>, vector<256x1024xi32>
    %reduce_min3A_341 = arith.constant dense<2147483647> : vector<256xi32>
    %reduce_min3A_342 = vector.multi_reduction <minsi>, %select_n3A_340, %reduce_min3A_341 [1] : vector<256x1024xi32> to vector<256xi32>
    %broadcast_in_dim3A_343 = vector.shape_cast %reduce_min3A_342 : vector<256xi32> to vector<256x1xi32>
    %eq3A_344 = arith.constant 12 : i32
    %eq3A_345 = vector.broadcast %eq3A_344 : i32 to vector<256x16xi32>
    %eq3A_346 = arith.cmpi eq, %iota3A_23, %eq3A_345 : vector<256x16xi32>
    %mul3A_347 = arith.constant 1024 : i32
    %mul3A_348 = arith.muli %arg0, %mul3A_347 : i32
    %add3A_349 = vector.broadcast %mul3A_348 : i32 to vector<256x1xi32>
    %add3A_350 = arith.addi %broadcast_in_dim3A_343, %add3A_349 : vector<256x1xi32>
    %broadcast_in_dim3A_351 = vector.shape_cast %add3A_350 : vector<256x1xi32> to vector<256x1xi32>
    %broadcast_in_dim3A_352 = vector.broadcast %broadcast_in_dim3A_351 : vector<256x1xi32> to vector<256x16xi32>
    %select_n3A_353 = arith.select %eq3A_346, %broadcast_in_dim3A_352, %select_n3A_327 : vector<256x16xi1>, vector<256x16xi32>
    %eq3A_354 = vector.broadcast %broadcast_in_dim3A_343 : vector<256x1xi32> to vector<256x1024xi32>
    %eq3A_355 = arith.cmpi eq, %iota3A, %eq3A_354 : vector<256x1024xi32>
    %jit3A_356 = arith.constant 0xFF800000 : f32
    %broadcast_in_dim3A_357 = vector.broadcast %jit3A_356 : f32 to vector<256x1024xf32>
    %select_n3A_358 = arith.select %eq3A_355, %broadcast_in_dim3A_357, %select_n3A_332 : vector<256x1024xi1>, vector<256x1024xf32>
    %reduce_max3A_359 = arith.constant dense<0xFF800000> : vector<256xf32>
    %reduce_max3A_360 = vector.multi_reduction <maximumf>, %select_n3A_358, %reduce_max3A_359 [1] : vector<256x1024xf32> to vector<256xf32>
    %broadcast_in_dim3A_361 = vector.shape_cast %reduce_max3A_360 : vector<256xf32> to vector<256x1xf32>
    %eq3A_362 = vector.broadcast %broadcast_in_dim3A_361 : vector<256x1xf32> to vector<256x1024xf32>
    %eq3A_363 = arith.cmpf oeq, %select_n3A_358, %eq3A_362 : vector<256x1024xf32>
    %jit3A_364 = arith.constant 1024 : i32
    %broadcast_in_dim3A_365 = vector.broadcast %jit3A_364 : i32 to vector<256x1024xi32>
    %select_n3A_366 = arith.select %eq3A_363, %iota3A, %broadcast_in_dim3A_365 : vector<256x1024xi1>, vector<256x1024xi32>
    %reduce_min3A_367 = arith.constant dense<2147483647> : vector<256xi32>
    %reduce_min3A_368 = vector.multi_reduction <minsi>, %select_n3A_366, %reduce_min3A_367 [1] : vector<256x1024xi32> to vector<256xi32>
    %broadcast_in_dim3A_369 = vector.shape_cast %reduce_min3A_368 : vector<256xi32> to vector<256x1xi32>
    %eq3A_370 = arith.constant 13 : i32
    %eq3A_371 = vector.broadcast %eq3A_370 : i32 to vector<256x16xi32>
    %eq3A_372 = arith.cmpi eq, %iota3A_23, %eq3A_371 : vector<256x16xi32>
    %mul3A_373 = arith.constant 1024 : i32
    %mul3A_374 = arith.muli %arg0, %mul3A_373 : i32
    %add3A_375 = vector.broadcast %mul3A_374 : i32 to vector<256x1xi32>
    %add3A_376 = arith.addi %broadcast_in_dim3A_369, %add3A_375 : vector<256x1xi32>
    %broadcast_in_dim3A_377 = vector.shape_cast %add3A_376 : vector<256x1xi32> to vector<256x1xi32>
    %broadcast_in_dim3A_378 = vector.broadcast %broadcast_in_dim3A_377 : vector<256x1xi32> to vector<256x16xi32>
    %select_n3A_379 = arith.select %eq3A_372, %broadcast_in_dim3A_378, %select_n3A_353 : vector<256x16xi1>, vector<256x16xi32>
    %eq3A_380 = vector.broadcast %broadcast_in_dim3A_369 : vector<256x1xi32> to vector<256x1024xi32>
    %eq3A_381 = arith.cmpi eq, %iota3A, %eq3A_380 : vector<256x1024xi32>
    %jit3A_382 = arith.constant 0xFF800000 : f32
    %broadcast_in_dim3A_383 = vector.broadcast %jit3A_382 : f32 to vector<256x1024xf32>
    %select_n3A_384 = arith.select %eq3A_381, %broadcast_in_dim3A_383, %select_n3A_358 : vector<256x1024xi1>, vector<256x1024xf32>
    %reduce_max3A_385 = arith.constant dense<0xFF800000> : vector<256xf32>
    %reduce_max3A_386 = vector.multi_reduction <maximumf>, %select_n3A_384, %reduce_max3A_385 [1] : vector<256x1024xf32> to vector<256xf32>
    %broadcast_in_dim3A_387 = vector.shape_cast %reduce_max3A_386 : vector<256xf32> to vector<256x1xf32>
    %eq3A_388 = vector.broadcast %broadcast_in_dim3A_387 : vector<256x1xf32> to vector<256x1024xf32>
    %eq3A_389 = arith.cmpf oeq, %select_n3A_384, %eq3A_388 : vector<256x1024xf32>
    %jit3A_390 = arith.constant 1024 : i32
    %broadcast_in_dim3A_391 = vector.broadcast %jit3A_390 : i32 to vector<256x1024xi32>
    %select_n3A_392 = arith.select %eq3A_389, %iota3A, %broadcast_in_dim3A_391 : vector<256x1024xi1>, vector<256x1024xi32>
    %reduce_min3A_393 = arith.constant dense<2147483647> : vector<256xi32>
    %reduce_min3A_394 = vector.multi_reduction <minsi>, %select_n3A_392, %reduce_min3A_393 [1] : vector<256x1024xi32> to vector<256xi32>
    %broadcast_in_dim3A_395 = vector.shape_cast %reduce_min3A_394 : vector<256xi32> to vector<256x1xi32>
    %eq3A_396 = arith.constant 14 : i32
    %eq3A_397 = vector.broadcast %eq3A_396 : i32 to vector<256x16xi32>
    %eq3A_398 = arith.cmpi eq, %iota3A_23, %eq3A_397 : vector<256x16xi32>
    %mul3A_399 = arith.constant 1024 : i32
    %mul3A_400 = arith.muli %arg0, %mul3A_399 : i32
    %add3A_401 = vector.broadcast %mul3A_400 : i32 to vector<256x1xi32>
    %add3A_402 = arith.addi %broadcast_in_dim3A_395, %add3A_401 : vector<256x1xi32>
    %broadcast_in_dim3A_403 = vector.shape_cast %add3A_402 : vector<256x1xi32> to vector<256x1xi32>
    %broadcast_in_dim3A_404 = vector.broadcast %broadcast_in_dim3A_403 : vector<256x1xi32> to vector<256x16xi32>
    %select_n3A_405 = arith.select %eq3A_398, %broadcast_in_dim3A_404, %select_n3A_379 : vector<256x16xi1>, vector<256x16xi32>
    %eq3A_406 = vector.broadcast %broadcast_in_dim3A_395 : vector<256x1xi32> to vector<256x1024xi32>
    %eq3A_407 = arith.cmpi eq, %iota3A, %eq3A_406 : vector<256x1024xi32>
    %jit3A_408 = arith.constant 0xFF800000 : f32
    %broadcast_in_dim3A_409 = vector.broadcast %jit3A_408 : f32 to vector<256x1024xf32>
    %select_n3A_410 = arith.select %eq3A_407, %broadcast_in_dim3A_409, %select_n3A_384 : vector<256x1024xi1>, vector<256x1024xf32>
    %reduce_max3A_411 = arith.constant dense<0xFF800000> : vector<256xf32>
    %reduce_max3A_412 = vector.multi_reduction <maximumf>, %select_n3A_410, %reduce_max3A_411 [1] : vector<256x1024xf32> to vector<256xf32>
    %broadcast_in_dim3A_413 = vector.shape_cast %reduce_max3A_412 : vector<256xf32> to vector<256x1xf32>
    %eq3A_414 = vector.broadcast %broadcast_in_dim3A_413 : vector<256x1xf32> to vector<256x1024xf32>
    %eq3A_415 = arith.cmpf oeq, %select_n3A_410, %eq3A_414 : vector<256x1024xf32>
    %jit3A_416 = arith.constant 1024 : i32
    %broadcast_in_dim3A_417 = vector.broadcast %jit3A_416 : i32 to vector<256x1024xi32>
    %select_n3A_418 = arith.select %eq3A_415, %iota3A, %broadcast_in_dim3A_417 : vector<256x1024xi1>, vector<256x1024xi32>
    %reduce_min3A_419 = arith.constant dense<2147483647> : vector<256xi32>
    %reduce_min3A_420 = vector.multi_reduction <minsi>, %select_n3A_418, %reduce_min3A_419 [1] : vector<256x1024xi32> to vector<256xi32>
    %broadcast_in_dim3A_421 = vector.shape_cast %reduce_min3A_420 : vector<256xi32> to vector<256x1xi32>
    %eq3A_422 = arith.constant 15 : i32
    %eq3A_423 = vector.broadcast %eq3A_422 : i32 to vector<256x16xi32>
    %eq3A_424 = arith.cmpi eq, %iota3A_23, %eq3A_423 : vector<256x16xi32>
    %mul3A_425 = arith.constant 1024 : i32
    %mul3A_426 = arith.muli %arg0, %mul3A_425 : i32
    %add3A_427 = vector.broadcast %mul3A_426 : i32 to vector<256x1xi32>
    %add3A_428 = arith.addi %broadcast_in_dim3A_421, %add3A_427 : vector<256x1xi32>
    %broadcast_in_dim3A_429 = vector.shape_cast %add3A_428 : vector<256x1xi32> to vector<256x1xi32>
    %broadcast_in_dim3A_430 = vector.broadcast %broadcast_in_dim3A_429 : vector<256x1xi32> to vector<256x16xi32>
    %select_n3A_431 = arith.select %eq3A_424, %broadcast_in_dim3A_430, %select_n3A_405 : vector<256x16xi1>, vector<256x16xi32>
    %swap3A = arith.constant 0 : index
    %swap3A_432 = arith.constant 0 : index
    %swap3A_433 = arith.constant 0 : index
    %swap3A_434 = vector.load %arg4[%swap3A, %swap3A_432, %swap3A_433] : memref<1x256x16xi32, #tpu.memory_space<vmem>>, vector<1x256x16xi32>
    %swap3A_435 = vector.shape_cast %swap3A_434 : vector<1x256x16xi32> to vector<256x16xi32>
    %swap3A_436 = vector.shape_cast %select_n3A_431 : vector<256x16xi32> to vector<1x256x16xi32>
    tpu.vector_store %arg4[%swap3A, %swap3A_432, %swap3A_433], %swap3A_436 {strides = array<i32>} : memref<1x256x16xi32, #tpu.memory_space<vmem>>, vector<1x256x16xi32>,
    return
  }
  func.func @transform_0(%arg0: i32, %arg1: i32) -> (i32, i32, i32) {
    %c0_i32 = arith.constant 0 : i32
    %c0_i32_0 = arith.constant 0 : i32
    %c0_i32_1 = arith.constant 0 : i32
    return %arg0, %c0_i32, %c0_i32_0 : i32, i32, i32
  }
  func.func @transform_1(%arg0: i32, %arg1: i32) -> (i32, i32, i32) {
    %c0_i32 = arith.constant 0 : i32
    %c0_i32_0 = arith.constant 0 : i32
    return %arg0, %arg1, %c0_i32 : i32, i32, i32
  }
  func.func @transform_2(%arg0: i32, %arg1: i32) -> (i32, i32, i32) {
    %c0_i32 = arith.constant 0 : i32
    %c0_i32_0 = arith.constant 0 : i32
    return %arg0, %arg1, %c0_i32 : i32, i32, i32
  }
}

module attributes {stable_mosaic.version = 14 : i64} {
  func.func @_main_body(%arg0: i32, %arg1: i32, %arg2: memref<1x2048x3x128xf32, #tpu.memory_space<vmem>>, %arg3: memref<1x128x3x128xf32, #tpu.memory_space<vmem>>, %arg4: memref<128x256xf32, #tpu.memory_space<vmem>>, %arg5: memref<128x128xf32, #tpu.memory_space<vmem>>, %arg6: memref<128x128xf32, #tpu.memory_space<vmem>>, %arg7: memref<1x128x3x128xf32, #tpu.memory_space<vmem>>) attributes {dimension_semantics = [#tpu.dimension_semantics<arbitrary>, #tpu.dimension_semantics<arbitrary>], iteration_bounds = array<i64: 4, 8>, scalar_prefetch = 0 : i64, scratch_operands = 0 : i64, tpu.core_type = #tpu.core_type<tc>, window_params = [{transform_indices = @transform_0, window_bounds = array<i64: 1, 2048, 3, 128>}, {transform_indices = @transform_1, window_bounds = array<i64: 1, 128, 3, 128>}, {pipeline_mode = #tpu.pipeline_mode<synchronous>, transform_indices = @transform_2, window_bounds = array<i64: 128, 256>}, {pipeline_mode = #tpu.pipeline_mode<synchronous>, transform_indices = @transform_3, window_bounds = array<i64: 128, 128>}, {pipeline_mode = #tpu.pipeline_mode<synchronous>, transform_indices = @transform_4, window_bounds = array<i64: 128, 128>}, {transform_indices = @transform_5, window_bounds = array<i64: 1, 128, 3, 128>}]} {
    %get3A = arith.constant 0 : index
    %get3A_0 = arith.constant 0 : index
    %get3A_1 = arith.constant 0 : index
    %get3A_2 = arith.constant 0 : index
    %get3A_3 = vector.load %arg2[%get3A, %get3A_0, %get3A_1, %get3A_2] : memref<1x2048x3x128xf32, #tpu.memory_space<vmem>>, vector<1x2048x1x128xf32>
    %get3A_4 = vector.shape_cast %get3A_3 : vector<1x2048x1x128xf32> to vector<2048x128xf32>
    %get3A_5 = arith.constant 0 : index
    %get3A_6 = arith.constant 0 : index
    %get3A_7 = arith.constant 0 : index
    %get3A_8 = arith.constant 0 : index
    %get3A_9 = vector.load %arg3[%get3A_5, %get3A_6, %get3A_7, %get3A_8] : memref<1x128x3x128xf32, #tpu.memory_space<vmem>>, vector<1x128x1x128xf32>
    %get3A_10 = vector.shape_cast %get3A_9 : vector<1x128x1x128xf32> to vector<128x128xf32>
    %broadcast_in_dim3A = vector.shape_cast %get3A_10 : vector<128x128xf32> to vector<128x1x128xf32>
    %broadcast_in_dim3A_11 = vector.shape_cast %broadcast_in_dim3A : vector<128x1x128xf32> to vector<128x1x128xf32>
    %broadcast_in_dim3A_12 = vector.broadcast %broadcast_in_dim3A_11 : vector<128x1x128xf32> to vector<128x16x128xf32>
    %reshape3A = vector.shape_cast %broadcast_in_dim3A_12 : vector<128x16x128xf32> to vector<2048x128xf32>
    %sub3A = arith.subf %get3A_4, %reshape3A : vector<2048x128xf32>
    %concatenate3A = tpu.concatenate %sub3A, %reshape3A in 1 : vector<2048x128xf32>, vector<2048x128xf32> -> vector<2048x256xf32>
    %get3A_13 = arith.constant 0 : index
    %get3A_14 = arith.constant 0 : index
    %get3A_15 = vector.load %arg4[%get3A_13, %get3A_14] : memref<128x256xf32, #tpu.memory_space<vmem>>, vector<128x256xf32>
    %dot_general3A = arith.constant dense<0.000000e+00> : vector<2048x128xf32>
    %dot_general3A_16 = tpu.matmul %concatenate3A, %get3A_15, %dot_general3A {dimension_numbers = #tpu.dot_dimension_numbers<[1], [1], [0], [0], [0, 0, 1, 0], [], []>, transpose_lhs_hint = false} : vector<2048x256xf32>, vector<128x256xf32>, vector<2048x128xf32> -> vector<2048x128xf32>
    %get3A_17 = arith.constant 0 : index
    %get3A_18 = arith.constant 0 : index
    %get3A_19 = arith.constant 1 : index
    %get3A_20 = arith.constant 0 : index
    %get3A_21 = vector.load %arg2[%get3A_17, %get3A_18, %get3A_19, %get3A_20] : memref<1x2048x3x128xf32, #tpu.memory_space<vmem>>, vector<1x2048x1x128xf32>
    %get3A_22 = vector.shape_cast %get3A_21 : vector<1x2048x1x128xf32> to vector<2048x128xf32>
    %get3A_23 = arith.constant 0 : index
    %get3A_24 = arith.constant 0 : index
    %get3A_25 = arith.constant 1 : index
    %get3A_26 = arith.constant 0 : index
    %get3A_27 = vector.load %arg3[%get3A_23, %get3A_24, %get3A_25, %get3A_26] : memref<1x128x3x128xf32, #tpu.memory_space<vmem>>, vector<1x128x1x128xf32>
    %get3A_28 = vector.shape_cast %get3A_27 : vector<1x128x1x128xf32> to vector<128x128xf32>
    %broadcast_in_dim3A_29 = vector.shape_cast %get3A_28 : vector<128x128xf32> to vector<128x1x128xf32>
    %broadcast_in_dim3A_30 = vector.shape_cast %broadcast_in_dim3A_29 : vector<128x1x128xf32> to vector<128x1x128xf32>
    %broadcast_in_dim3A_31 = vector.broadcast %broadcast_in_dim3A_30 : vector<128x1x128xf32> to vector<128x16x128xf32>
    %reshape3A_32 = vector.shape_cast %broadcast_in_dim3A_31 : vector<128x16x128xf32> to vector<2048x128xf32>
    %sub3A_33 = arith.subf %get3A_22, %reshape3A_32 : vector<2048x128xf32>
    %concatenate3A_34 = tpu.concatenate %sub3A_33, %reshape3A_32 in 1 : vector<2048x128xf32>, vector<2048x128xf32> -> vector<2048x256xf32>
    %get3A_35 = arith.constant 0 : index
    %get3A_36 = arith.constant 0 : index
    %get3A_37 = vector.load %arg4[%get3A_35, %get3A_36] : memref<128x256xf32, #tpu.memory_space<vmem>>, vector<128x256xf32>
    %dot_general3A_38 = arith.constant dense<0.000000e+00> : vector<2048x128xf32>
    %dot_general3A_39 = tpu.matmul %concatenate3A_34, %get3A_37, %dot_general3A_38 {dimension_numbers = #tpu.dot_dimension_numbers<[1], [1], [0], [0], [0, 0, 1, 0], [], []>, transpose_lhs_hint = false} : vector<2048x256xf32>, vector<128x256xf32>, vector<2048x128xf32> -> vector<2048x128xf32>
    %get3A_40 = arith.constant 0 : index
    %get3A_41 = arith.constant 0 : index
    %get3A_42 = arith.constant 2 : index
    %get3A_43 = arith.constant 0 : index
    %get3A_44 = vector.load %arg2[%get3A_40, %get3A_41, %get3A_42, %get3A_43] : memref<1x2048x3x128xf32, #tpu.memory_space<vmem>>, vector<1x2048x1x128xf32>
    %get3A_45 = vector.shape_cast %get3A_44 : vector<1x2048x1x128xf32> to vector<2048x128xf32>
    %get3A_46 = arith.constant 0 : index
    %get3A_47 = arith.constant 0 : index
    %get3A_48 = arith.constant 2 : index
    %get3A_49 = arith.constant 0 : index
    %get3A_50 = vector.load %arg3[%get3A_46, %get3A_47, %get3A_48, %get3A_49] : memref<1x128x3x128xf32, #tpu.memory_space<vmem>>, vector<1x128x1x128xf32>
    %get3A_51 = vector.shape_cast %get3A_50 : vector<1x128x1x128xf32> to vector<128x128xf32>
    %broadcast_in_dim3A_52 = vector.shape_cast %get3A_51 : vector<128x128xf32> to vector<128x1x128xf32>
    %broadcast_in_dim3A_53 = vector.shape_cast %broadcast_in_dim3A_52 : vector<128x1x128xf32> to vector<128x1x128xf32>
    %broadcast_in_dim3A_54 = vector.broadcast %broadcast_in_dim3A_53 : vector<128x1x128xf32> to vector<128x16x128xf32>
    %reshape3A_55 = vector.shape_cast %broadcast_in_dim3A_54 : vector<128x16x128xf32> to vector<2048x128xf32>
    %sub3A_56 = arith.subf %get3A_45, %reshape3A_55 : vector<2048x128xf32>
    %concatenate3A_57 = tpu.concatenate %sub3A_56, %reshape3A_55 in 1 : vector<2048x128xf32>, vector<2048x128xf32> -> vector<2048x256xf32>
    %get3A_58 = arith.constant 0 : index
    %get3A_59 = arith.constant 0 : index
    %get3A_60 = vector.load %arg4[%get3A_58, %get3A_59] : memref<128x256xf32, #tpu.memory_space<vmem>>, vector<128x256xf32>
    %dot_general3A_61 = arith.constant dense<0.000000e+00> : vector<2048x128xf32>
    %dot_general3A_62 = tpu.matmul %concatenate3A_57, %get3A_60, %dot_general3A_61 {dimension_numbers = #tpu.dot_dimension_numbers<[1], [1], [0], [0], [0, 0, 1, 0], [], []>, transpose_lhs_hint = false} : vector<2048x256xf32>, vector<128x256xf32>, vector<2048x128xf32> -> vector<2048x128xf32>
    %get3A_63 = arith.constant 0 : index
    %get3A_64 = arith.constant 0 : index
    %get3A_65 = vector.load %arg5[%get3A_63, %get3A_64] : memref<128x128xf32, #tpu.memory_space<vmem>>, vector<128x128xf32>
    %dot_general3A_66 = arith.constant dense<0.000000e+00> : vector<2048x128xf32>
    %dot_general3A_67 = tpu.matmul %dot_general3A_16, %get3A_65, %dot_general3A_66 {dimension_numbers = #tpu.dot_dimension_numbers<[1], [1], [0], [0], [0, 0, 1, 0], [], []>, transpose_lhs_hint = false} : vector<2048x128xf32>, vector<128x128xf32>, vector<2048x128xf32> -> vector<2048x128xf32>
    %get3A_68 = arith.constant 0 : index
    %get3A_69 = arith.constant 0 : index
    %get3A_70 = vector.load %arg5[%get3A_68, %get3A_69] : memref<128x128xf32, #tpu.memory_space<vmem>>, vector<128x128xf32>
    %dot_general3A_71 = arith.constant dense<0.000000e+00> : vector<2048x128xf32>
    %dot_general3A_72 = tpu.matmul %dot_general3A_39, %get3A_70, %dot_general3A_71 {dimension_numbers = #tpu.dot_dimension_numbers<[1], [1], [0], [0], [0, 0, 1, 0], [], []>, transpose_lhs_hint = false} : vector<2048x128xf32>, vector<128x128xf32>, vector<2048x128xf32> -> vector<2048x128xf32>
    %get3A_73 = arith.constant 0 : index
    %get3A_74 = arith.constant 0 : index
    %get3A_75 = vector.load %arg5[%get3A_73, %get3A_74] : memref<128x128xf32, #tpu.memory_space<vmem>>, vector<128x128xf32>
    %dot_general3A_76 = arith.constant dense<0.000000e+00> : vector<2048x128xf32>
    %dot_general3A_77 = tpu.matmul %dot_general3A_62, %get3A_75, %dot_general3A_76 {dimension_numbers = #tpu.dot_dimension_numbers<[1], [1], [0], [0], [0, 0, 1, 0], [], []>, transpose_lhs_hint = false} : vector<2048x128xf32>, vector<128x128xf32>, vector<2048x128xf32> -> vector<2048x128xf32>
    %mul3A = arith.mulf %dot_general3A_67, %dot_general3A_67 : vector<2048x128xf32>
    %mul3A_78 = arith.mulf %dot_general3A_72, %dot_general3A_72 : vector<2048x128xf32>
    %add3A = arith.addf %mul3A, %mul3A_78 : vector<2048x128xf32>
    %mul3A_79 = arith.mulf %dot_general3A_77, %dot_general3A_77 : vector<2048x128xf32>
    %add3A_80 = arith.addf %add3A, %mul3A_79 : vector<2048x128xf32>
    %sqrt3A = math.sqrt %add3A_80 : vector<2048x128xf32>
    %add3A_81 = arith.constant 9.99999997E-7 : f32
    %add3A_82 = vector.broadcast %add3A_81 : f32 to vector<2048x128xf32>
    %add3A_83 = arith.addf %sqrt3A, %add3A_82 : vector<2048x128xf32>
    %div3A = arith.constant 1.000000e+00 : f32
    %div3A_84 = vector.broadcast %div3A : f32 to vector<2048x128xf32>
    %div3A_85 = arith.divf %div3A_84, %add3A_83 : vector<2048x128xf32>
    %mul3A_86 = arith.mulf %dot_general3A_67, %div3A_85 : vector<2048x128xf32>
    %mul3A_87 = arith.mulf %dot_general3A_72, %div3A_85 : vector<2048x128xf32>
    %mul3A_88 = arith.mulf %dot_general3A_77, %div3A_85 : vector<2048x128xf32>
    %mul3A_89 = arith.mulf %dot_general3A_16, %mul3A_86 : vector<2048x128xf32>
    %mul3A_90 = arith.mulf %dot_general3A_39, %mul3A_87 : vector<2048x128xf32>
    %add3A_91 = arith.addf %mul3A_89, %mul3A_90 : vector<2048x128xf32>
    %mul3A_92 = arith.mulf %dot_general3A_62, %mul3A_88 : vector<2048x128xf32>
    %add3A_93 = arith.addf %add3A_91, %mul3A_92 : vector<2048x128xf32>
    %ge3A = arith.constant 0.000000e+00 : f32
    %ge3A_94 = vector.broadcast %ge3A : f32 to vector<2048x128xf32>
    %ge3A_95 = arith.cmpf oge, %add3A_93, %ge3A_94 : vector<2048x128xf32>
    %mul3A_96 = arith.constant 2.000000e-01 : f32
    %mul3A_97 = vector.broadcast %mul3A_96 : f32 to vector<2048x128xf32>
    %mul3A_98 = arith.mulf %mul3A_97, %add3A_93 : vector<2048x128xf32>
    %select_n3A = arith.select %ge3A_95, %add3A_93, %mul3A_98 : vector<2048x128xi1>, vector<2048x128xf32>
    %sub3A_99 = arith.subf %select_n3A, %add3A_93 : vector<2048x128xf32>
    %mul3A_100 = arith.mulf %sub3A_99, %mul3A_86 : vector<2048x128xf32>
    %add3A_101 = arith.addf %dot_general3A_16, %mul3A_100 : vector<2048x128xf32>
    %sub3A_102 = arith.subf %select_n3A, %add3A_93 : vector<2048x128xf32>
    %mul3A_103 = arith.mulf %sub3A_102, %mul3A_87 : vector<2048x128xf32>
    %add3A_104 = arith.addf %dot_general3A_39, %mul3A_103 : vector<2048x128xf32>
    %sub3A_105 = arith.subf %select_n3A, %add3A_93 : vector<2048x128xf32>
    %mul3A_106 = arith.mulf %sub3A_105, %mul3A_88 : vector<2048x128xf32>
    %add3A_107 = arith.addf %dot_general3A_62, %mul3A_106 : vector<2048x128xf32>
    %get3A_108 = arith.constant 0 : index
    %get3A_109 = arith.constant 0 : index
    %get3A_110 = vector.load %arg6[%get3A_108, %get3A_109] : memref<128x128xf32, #tpu.memory_space<vmem>>, vector<128x128xf32>
    %dot_general3A_111 = arith.constant dense<0.000000e+00> : vector<2048x128xf32>
    %dot_general3A_112 = tpu.matmul %add3A_101, %get3A_110, %dot_general3A_111 {dimension_numbers = #tpu.dot_dimension_numbers<[1], [1], [0], [0], [0, 0, 1, 0], [], []>, transpose_lhs_hint = false} : vector<2048x128xf32>, vector<128x128xf32>, vector<2048x128xf32> -> vector<2048x128xf32>
    %get3A_113 = arith.constant 0 : index
    %get3A_114 = arith.constant 0 : index
    %get3A_115 = vector.load %arg6[%get3A_113, %get3A_114] : memref<128x128xf32, #tpu.memory_space<vmem>>, vector<128x128xf32>
    %dot_general3A_116 = arith.constant dense<0.000000e+00> : vector<2048x128xf32>
    %dot_general3A_117 = tpu.matmul %add3A_104, %get3A_115, %dot_general3A_116 {dimension_numbers = #tpu.dot_dimension_numbers<[1], [1], [0], [0], [0, 0, 1, 0], [], []>, transpose_lhs_hint = false} : vector<2048x128xf32>, vector<128x128xf32>, vector<2048x128xf32> -> vector<2048x128xf32>
    %get3A_118 = arith.constant 0 : index
    %get3A_119 = arith.constant 0 : index
    %get3A_120 = vector.load %arg6[%get3A_118, %get3A_119] : memref<128x128xf32, #tpu.memory_space<vmem>>, vector<128x128xf32>
    %dot_general3A_121 = arith.constant dense<0.000000e+00> : vector<2048x128xf32>
    %dot_general3A_122 = tpu.matmul %add3A_107, %get3A_120, %dot_general3A_121 {dimension_numbers = #tpu.dot_dimension_numbers<[1], [1], [0], [0], [0, 0, 1, 0], [], []>, transpose_lhs_hint = false} : vector<2048x128xf32>, vector<128x128xf32>, vector<2048x128xf32> -> vector<2048x128xf32>
    %mul3A_123 = arith.mulf %add3A_101, %dot_general3A_112 : vector<2048x128xf32>
    %mul3A_124 = arith.mulf %add3A_104, %dot_general3A_117 : vector<2048x128xf32>
    %add3A_125 = arith.addf %mul3A_123, %mul3A_124 : vector<2048x128xf32>
    %mul3A_126 = arith.mulf %add3A_107, %dot_general3A_122 : vector<2048x128xf32>
    %add3A_127 = arith.addf %add3A_125, %mul3A_126 : vector<2048x128xf32>
    %reshape3A_128 = vector.shape_cast %add3A_127 : vector<2048x128xf32> to vector<128x16x128xf32>
    %reduce_max3A = arith.constant dense<0xFF800000> : vector<128x128xf32>
    %reduce_max3A_129 = vector.multi_reduction <maximumf>, %reshape3A_128, %reduce_max3A [1] : vector<128x16x128xf32> to vector<128x128xf32>
    %reshape3A_130 = vector.shape_cast %add3A_101 : vector<2048x128xf32> to vector<128x16x128xf32>
    %reshape3A_131 = vector.shape_cast %add3A_104 : vector<2048x128xf32> to vector<128x16x128xf32>
    %reshape3A_132 = vector.shape_cast %add3A_107 : vector<2048x128xf32> to vector<128x16x128xf32>
    %slice3A = vector.extract_strided_slice %reshape3A_130 {offsets = [0, 15, 0], sizes = [128, 1, 128], strides = [1, 1, 1]} : vector<128x16x128xf32> to vector<128x1x128xf32>
    %squeeze3A = vector.shape_cast %slice3A : vector<128x1x128xf32> to vector<128x128xf32>
    %slice3A_133 = vector.extract_strided_slice %reshape3A_131 {offsets = [0, 15, 0], sizes = [128, 1, 128], strides = [1, 1, 1]} : vector<128x16x128xf32> to vector<128x1x128xf32>
    %squeeze3A_134 = vector.shape_cast %slice3A_133 : vector<128x1x128xf32> to vector<128x128xf32>
    %slice3A_135 = vector.extract_strided_slice %reshape3A_132 {offsets = [0, 15, 0], sizes = [128, 1, 128], strides = [1, 1, 1]} : vector<128x16x128xf32> to vector<128x1x128xf32>
    %squeeze3A_136 = vector.shape_cast %slice3A_135 : vector<128x1x128xf32> to vector<128x128xf32>
    %slice3A_137 = vector.extract_strided_slice %reshape3A_128 {offsets = [0, 14, 0], sizes = [128, 1, 128], strides = [1, 1, 1]} : vector<128x16x128xf32> to vector<128x1x128xf32>
    %squeeze3A_138 = vector.shape_cast %slice3A_137 : vector<128x1x128xf32> to vector<128x128xf32>
    %eq3A = arith.cmpf oeq, %squeeze3A_138, %reduce_max3A_129 : vector<128x128xf32>
    %slice3A_139 = vector.extract_strided_slice %reshape3A_130 {offsets = [0, 14, 0], sizes = [128, 1, 128], strides = [1, 1, 1]} : vector<128x16x128xf32> to vector<128x1x128xf32>
    %squeeze3A_140 = vector.shape_cast %slice3A_139 : vector<128x1x128xf32> to vector<128x128xf32>
    %select_n3A_141 = arith.select %eq3A, %squeeze3A_140, %squeeze3A : vector<128x128xi1>, vector<128x128xf32>
    %slice3A_142 = vector.extract_strided_slice %reshape3A_131 {offsets = [0, 14, 0], sizes = [128, 1, 128], strides = [1, 1, 1]} : vector<128x16x128xf32> to vector<128x1x128xf32>
    %squeeze3A_143 = vector.shape_cast %slice3A_142 : vector<128x1x128xf32> to vector<128x128xf32>
    %select_n3A_144 = arith.select %eq3A, %squeeze3A_143, %squeeze3A_134 : vector<128x128xi1>, vector<128x128xf32>
    %slice3A_145 = vector.extract_strided_slice %reshape3A_132 {offsets = [0, 14, 0], sizes = [128, 1, 128], strides = [1, 1, 1]} : vector<128x16x128xf32> to vector<128x1x128xf32>
    %squeeze3A_146 = vector.shape_cast %slice3A_145 : vector<128x1x128xf32> to vector<128x128xf32>
    %select_n3A_147 = arith.select %eq3A, %squeeze3A_146, %squeeze3A_136 : vector<128x128xi1>, vector<128x128xf32>
    %slice3A_148 = vector.extract_strided_slice %reshape3A_128 {offsets = [0, 13, 0], sizes = [128, 1, 128], strides = [1, 1, 1]} : vector<128x16x128xf32> to vector<128x1x128xf32>
    %squeeze3A_149 = vector.shape_cast %slice3A_148 : vector<128x1x128xf32> to vector<128x128xf32>
    %eq3A_150 = arith.cmpf oeq, %squeeze3A_149, %reduce_max3A_129 : vector<128x128xf32>
    %slice3A_151 = vector.extract_strided_slice %reshape3A_130 {offsets = [0, 13, 0], sizes = [128, 1, 128], strides = [1, 1, 1]} : vector<128x16x128xf32> to vector<128x1x128xf32>
    %squeeze3A_152 = vector.shape_cast %slice3A_151 : vector<128x1x128xf32> to vector<128x128xf32>
    %select_n3A_153 = arith.select %eq3A_150, %squeeze3A_152, %select_n3A_141 : vector<128x128xi1>, vector<128x128xf32>
    %slice3A_154 = vector.extract_strided_slice %reshape3A_131 {offsets = [0, 13, 0], sizes = [128, 1, 128], strides = [1, 1, 1]} : vector<128x16x128xf32> to vector<128x1x128xf32>
    %squeeze3A_155 = vector.shape_cast %slice3A_154 : vector<128x1x128xf32> to vector<128x128xf32>
    %select_n3A_156 = arith.select %eq3A_150, %squeeze3A_155, %select_n3A_144 : vector<128x128xi1>, vector<128x128xf32>
    %slice3A_157 = vector.extract_strided_slice %reshape3A_132 {offsets = [0, 13, 0], sizes = [128, 1, 128], strides = [1, 1, 1]} : vector<128x16x128xf32> to vector<128x1x128xf32>
    %squeeze3A_158 = vector.shape_cast %slice3A_157 : vector<128x1x128xf32> to vector<128x128xf32>
    %select_n3A_159 = arith.select %eq3A_150, %squeeze3A_158, %select_n3A_147 : vector<128x128xi1>, vector<128x128xf32>
    %slice3A_160 = vector.extract_strided_slice %reshape3A_128 {offsets = [0, 12, 0], sizes = [128, 1, 128], strides = [1, 1, 1]} : vector<128x16x128xf32> to vector<128x1x128xf32>
    %squeeze3A_161 = vector.shape_cast %slice3A_160 : vector<128x1x128xf32> to vector<128x128xf32>
    %eq3A_162 = arith.cmpf oeq, %squeeze3A_161, %reduce_max3A_129 : vector<128x128xf32>
    %slice3A_163 = vector.extract_strided_slice %reshape3A_130 {offsets = [0, 12, 0], sizes = [128, 1, 128], strides = [1, 1, 1]} : vector<128x16x128xf32> to vector<128x1x128xf32>
    %squeeze3A_164 = vector.shape_cast %slice3A_163 : vector<128x1x128xf32> to vector<128x128xf32>
    %select_n3A_165 = arith.select %eq3A_162, %squeeze3A_164, %select_n3A_153 : vector<128x128xi1>, vector<128x128xf32>
    %slice3A_166 = vector.extract_strided_slice %reshape3A_131 {offsets = [0, 12, 0], sizes = [128, 1, 128], strides = [1, 1, 1]} : vector<128x16x128xf32> to vector<128x1x128xf32>
    %squeeze3A_167 = vector.shape_cast %slice3A_166 : vector<128x1x128xf32> to vector<128x128xf32>
    %select_n3A_168 = arith.select %eq3A_162, %squeeze3A_167, %select_n3A_156 : vector<128x128xi1>, vector<128x128xf32>
    %slice3A_169 = vector.extract_strided_slice %reshape3A_132 {offsets = [0, 12, 0], sizes = [128, 1, 128], strides = [1, 1, 1]} : vector<128x16x128xf32> to vector<128x1x128xf32>
    %squeeze3A_170 = vector.shape_cast %slice3A_169 : vector<128x1x128xf32> to vector<128x128xf32>
    %select_n3A_171 = arith.select %eq3A_162, %squeeze3A_170, %select_n3A_159 : vector<128x128xi1>, vector<128x128xf32>
    %slice3A_172 = vector.extract_strided_slice %reshape3A_128 {offsets = [0, 11, 0], sizes = [128, 1, 128], strides = [1, 1, 1]} : vector<128x16x128xf32> to vector<128x1x128xf32>
    %squeeze3A_173 = vector.shape_cast %slice3A_172 : vector<128x1x128xf32> to vector<128x128xf32>
    %eq3A_174 = arith.cmpf oeq, %squeeze3A_173, %reduce_max3A_129 : vector<128x128xf32>
    %slice3A_175 = vector.extract_strided_slice %reshape3A_130 {offsets = [0, 11, 0], sizes = [128, 1, 128], strides = [1, 1, 1]} : vector<128x16x128xf32> to vector<128x1x128xf32>
    %squeeze3A_176 = vector.shape_cast %slice3A_175 : vector<128x1x128xf32> to vector<128x128xf32>
    %select_n3A_177 = arith.select %eq3A_174, %squeeze3A_176, %select_n3A_165 : vector<128x128xi1>, vector<128x128xf32>
    %slice3A_178 = vector.extract_strided_slice %reshape3A_131 {offsets = [0, 11, 0], sizes = [128, 1, 128], strides = [1, 1, 1]} : vector<128x16x128xf32> to vector<128x1x128xf32>
    %squeeze3A_179 = vector.shape_cast %slice3A_178 : vector<128x1x128xf32> to vector<128x128xf32>
    %select_n3A_180 = arith.select %eq3A_174, %squeeze3A_179, %select_n3A_168 : vector<128x128xi1>, vector<128x128xf32>
    %slice3A_181 = vector.extract_strided_slice %reshape3A_132 {offsets = [0, 11, 0], sizes = [128, 1, 128], strides = [1, 1, 1]} : vector<128x16x128xf32> to vector<128x1x128xf32>
    %squeeze3A_182 = vector.shape_cast %slice3A_181 : vector<128x1x128xf32> to vector<128x128xf32>
    %select_n3A_183 = arith.select %eq3A_174, %squeeze3A_182, %select_n3A_171 : vector<128x128xi1>, vector<128x128xf32>
    %slice3A_184 = vector.extract_strided_slice %reshape3A_128 {offsets = [0, 10, 0], sizes = [128, 1, 128], strides = [1, 1, 1]} : vector<128x16x128xf32> to vector<128x1x128xf32>
    %squeeze3A_185 = vector.shape_cast %slice3A_184 : vector<128x1x128xf32> to vector<128x128xf32>
    %eq3A_186 = arith.cmpf oeq, %squeeze3A_185, %reduce_max3A_129 : vector<128x128xf32>
    %slice3A_187 = vector.extract_strided_slice %reshape3A_130 {offsets = [0, 10, 0], sizes = [128, 1, 128], strides = [1, 1, 1]} : vector<128x16x128xf32> to vector<128x1x128xf32>
    %squeeze3A_188 = vector.shape_cast %slice3A_187 : vector<128x1x128xf32> to vector<128x128xf32>
    %select_n3A_189 = arith.select %eq3A_186, %squeeze3A_188, %select_n3A_177 : vector<128x128xi1>, vector<128x128xf32>
    %slice3A_190 = vector.extract_strided_slice %reshape3A_131 {offsets = [0, 10, 0], sizes = [128, 1, 128], strides = [1, 1, 1]} : vector<128x16x128xf32> to vector<128x1x128xf32>
    %squeeze3A_191 = vector.shape_cast %slice3A_190 : vector<128x1x128xf32> to vector<128x128xf32>
    %select_n3A_192 = arith.select %eq3A_186, %squeeze3A_191, %select_n3A_180 : vector<128x128xi1>, vector<128x128xf32>
    %slice3A_193 = vector.extract_strided_slice %reshape3A_132 {offsets = [0, 10, 0], sizes = [128, 1, 128], strides = [1, 1, 1]} : vector<128x16x128xf32> to vector<128x1x128xf32>
    %squeeze3A_194 = vector.shape_cast %slice3A_193 : vector<128x1x128xf32> to vector<128x128xf32>
    %select_n3A_195 = arith.select %eq3A_186, %squeeze3A_194, %select_n3A_183 : vector<128x128xi1>, vector<128x128xf32>
    %slice3A_196 = vector.extract_strided_slice %reshape3A_128 {offsets = [0, 9, 0], sizes = [128, 1, 128], strides = [1, 1, 1]} : vector<128x16x128xf32> to vector<128x1x128xf32>
    %squeeze3A_197 = vector.shape_cast %slice3A_196 : vector<128x1x128xf32> to vector<128x128xf32>
    %eq3A_198 = arith.cmpf oeq, %squeeze3A_197, %reduce_max3A_129 : vector<128x128xf32>
    %slice3A_199 = vector.extract_strided_slice %reshape3A_130 {offsets = [0, 9, 0], sizes = [128, 1, 128], strides = [1, 1, 1]} : vector<128x16x128xf32> to vector<128x1x128xf32>
    %squeeze3A_200 = vector.shape_cast %slice3A_199 : vector<128x1x128xf32> to vector<128x128xf32>
    %select_n3A_201 = arith.select %eq3A_198, %squeeze3A_200, %select_n3A_189 : vector<128x128xi1>, vector<128x128xf32>
    %slice3A_202 = vector.extract_strided_slice %reshape3A_131 {offsets = [0, 9, 0], sizes = [128, 1, 128], strides = [1, 1, 1]} : vector<128x16x128xf32> to vector<128x1x128xf32>
    %squeeze3A_203 = vector.shape_cast %slice3A_202 : vector<128x1x128xf32> to vector<128x128xf32>
    %select_n3A_204 = arith.select %eq3A_198, %squeeze3A_203, %select_n3A_192 : vector<128x128xi1>, vector<128x128xf32>
    %slice3A_205 = vector.extract_strided_slice %reshape3A_132 {offsets = [0, 9, 0], sizes = [128, 1, 128], strides = [1, 1, 1]} : vector<128x16x128xf32> to vector<128x1x128xf32>
    %squeeze3A_206 = vector.shape_cast %slice3A_205 : vector<128x1x128xf32> to vector<128x128xf32>
    %select_n3A_207 = arith.select %eq3A_198, %squeeze3A_206, %select_n3A_195 : vector<128x128xi1>, vector<128x128xf32>
    %slice3A_208 = vector.extract_strided_slice %reshape3A_128 {offsets = [0, 8, 0], sizes = [128, 1, 128], strides = [1, 1, 1]} : vector<128x16x128xf32> to vector<128x1x128xf32>
    %squeeze3A_209 = vector.shape_cast %slice3A_208 : vector<128x1x128xf32> to vector<128x128xf32>
    %eq3A_210 = arith.cmpf oeq, %squeeze3A_209, %reduce_max3A_129 : vector<128x128xf32>
    %slice3A_211 = vector.extract_strided_slice %reshape3A_130 {offsets = [0, 8, 0], sizes = [128, 1, 128], strides = [1, 1, 1]} : vector<128x16x128xf32> to vector<128x1x128xf32>
    %squeeze3A_212 = vector.shape_cast %slice3A_211 : vector<128x1x128xf32> to vector<128x128xf32>
    %select_n3A_213 = arith.select %eq3A_210, %squeeze3A_212, %select_n3A_201 : vector<128x128xi1>, vector<128x128xf32>
    %slice3A_214 = vector.extract_strided_slice %reshape3A_131 {offsets = [0, 8, 0], sizes = [128, 1, 128], strides = [1, 1, 1]} : vector<128x16x128xf32> to vector<128x1x128xf32>
    %squeeze3A_215 = vector.shape_cast %slice3A_214 : vector<128x1x128xf32> to vector<128x128xf32>
    %select_n3A_216 = arith.select %eq3A_210, %squeeze3A_215, %select_n3A_204 : vector<128x128xi1>, vector<128x128xf32>
    %slice3A_217 = vector.extract_strided_slice %reshape3A_132 {offsets = [0, 8, 0], sizes = [128, 1, 128], strides = [1, 1, 1]} : vector<128x16x128xf32> to vector<128x1x128xf32>
    %squeeze3A_218 = vector.shape_cast %slice3A_217 : vector<128x1x128xf32> to vector<128x128xf32>
    %select_n3A_219 = arith.select %eq3A_210, %squeeze3A_218, %select_n3A_207 : vector<128x128xi1>, vector<128x128xf32>
    %slice3A_220 = vector.extract_strided_slice %reshape3A_128 {offsets = [0, 7, 0], sizes = [128, 1, 128], strides = [1, 1, 1]} : vector<128x16x128xf32> to vector<128x1x128xf32>
    %squeeze3A_221 = vector.shape_cast %slice3A_220 : vector<128x1x128xf32> to vector<128x128xf32>
    %eq3A_222 = arith.cmpf oeq, %squeeze3A_221, %reduce_max3A_129 : vector<128x128xf32>
    %slice3A_223 = vector.extract_strided_slice %reshape3A_130 {offsets = [0, 7, 0], sizes = [128, 1, 128], strides = [1, 1, 1]} : vector<128x16x128xf32> to vector<128x1x128xf32>
    %squeeze3A_224 = vector.shape_cast %slice3A_223 : vector<128x1x128xf32> to vector<128x128xf32>
    %select_n3A_225 = arith.select %eq3A_222, %squeeze3A_224, %select_n3A_213 : vector<128x128xi1>, vector<128x128xf32>
    %slice3A_226 = vector.extract_strided_slice %reshape3A_131 {offsets = [0, 7, 0], sizes = [128, 1, 128], strides = [1, 1, 1]} : vector<128x16x128xf32> to vector<128x1x128xf32>
    %squeeze3A_227 = vector.shape_cast %slice3A_226 : vector<128x1x128xf32> to vector<128x128xf32>
    %select_n3A_228 = arith.select %eq3A_222, %squeeze3A_227, %select_n3A_216 : vector<128x128xi1>, vector<128x128xf32>
    %slice3A_229 = vector.extract_strided_slice %reshape3A_132 {offsets = [0, 7, 0], sizes = [128, 1, 128], strides = [1, 1, 1]} : vector<128x16x128xf32> to vector<128x1x128xf32>
    %squeeze3A_230 = vector.shape_cast %slice3A_229 : vector<128x1x128xf32> to vector<128x128xf32>
    %select_n3A_231 = arith.select %eq3A_222, %squeeze3A_230, %select_n3A_219 : vector<128x128xi1>, vector<128x128xf32>
    %slice3A_232 = vector.extract_strided_slice %reshape3A_128 {offsets = [0, 6, 0], sizes = [128, 1, 128], strides = [1, 1, 1]} : vector<128x16x128xf32> to vector<128x1x128xf32>
    %squeeze3A_233 = vector.shape_cast %slice3A_232 : vector<128x1x128xf32> to vector<128x128xf32>
    %eq3A_234 = arith.cmpf oeq, %squeeze3A_233, %reduce_max3A_129 : vector<128x128xf32>
    %slice3A_235 = vector.extract_strided_slice %reshape3A_130 {offsets = [0, 6, 0], sizes = [128, 1, 128], strides = [1, 1, 1]} : vector<128x16x128xf32> to vector<128x1x128xf32>
    %squeeze3A_236 = vector.shape_cast %slice3A_235 : vector<128x1x128xf32> to vector<128x128xf32>
    %select_n3A_237 = arith.select %eq3A_234, %squeeze3A_236, %select_n3A_225 : vector<128x128xi1>, vector<128x128xf32>
    %slice3A_238 = vector.extract_strided_slice %reshape3A_131 {offsets = [0, 6, 0], sizes = [128, 1, 128], strides = [1, 1, 1]} : vector<128x16x128xf32> to vector<128x1x128xf32>
    %squeeze3A_239 = vector.shape_cast %slice3A_238 : vector<128x1x128xf32> to vector<128x128xf32>
    %select_n3A_240 = arith.select %eq3A_234, %squeeze3A_239, %select_n3A_228 : vector<128x128xi1>, vector<128x128xf32>
    %slice3A_241 = vector.extract_strided_slice %reshape3A_132 {offsets = [0, 6, 0], sizes = [128, 1, 128], strides = [1, 1, 1]} : vector<128x16x128xf32> to vector<128x1x128xf32>
    %squeeze3A_242 = vector.shape_cast %slice3A_241 : vector<128x1x128xf32> to vector<128x128xf32>
    %select_n3A_243 = arith.select %eq3A_234, %squeeze3A_242, %select_n3A_231 : vector<128x128xi1>, vector<128x128xf32>
    %slice3A_244 = vector.extract_strided_slice %reshape3A_128 {offsets = [0, 5, 0], sizes = [128, 1, 128], strides = [1, 1, 1]} : vector<128x16x128xf32> to vector<128x1x128xf32>
    %squeeze3A_245 = vector.shape_cast %slice3A_244 : vector<128x1x128xf32> to vector<128x128xf32>
    %eq3A_246 = arith.cmpf oeq, %squeeze3A_245, %reduce_max3A_129 : vector<128x128xf32>
    %slice3A_247 = vector.extract_strided_slice %reshape3A_130 {offsets = [0, 5, 0], sizes = [128, 1, 128], strides = [1, 1, 1]} : vector<128x16x128xf32> to vector<128x1x128xf32>
    %squeeze3A_248 = vector.shape_cast %slice3A_247 : vector<128x1x128xf32> to vector<128x128xf32>
    %select_n3A_249 = arith.select %eq3A_246, %squeeze3A_248, %select_n3A_237 : vector<128x128xi1>, vector<128x128xf32>
    %slice3A_250 = vector.extract_strided_slice %reshape3A_131 {offsets = [0, 5, 0], sizes = [128, 1, 128], strides = [1, 1, 1]} : vector<128x16x128xf32> to vector<128x1x128xf32>
    %squeeze3A_251 = vector.shape_cast %slice3A_250 : vector<128x1x128xf32> to vector<128x128xf32>
    %select_n3A_252 = arith.select %eq3A_246, %squeeze3A_251, %select_n3A_240 : vector<128x128xi1>, vector<128x128xf32>
    %slice3A_253 = vector.extract_strided_slice %reshape3A_132 {offsets = [0, 5, 0], sizes = [128, 1, 128], strides = [1, 1, 1]} : vector<128x16x128xf32> to vector<128x1x128xf32>
    %squeeze3A_254 = vector.shape_cast %slice3A_253 : vector<128x1x128xf32> to vector<128x128xf32>
    %select_n3A_255 = arith.select %eq3A_246, %squeeze3A_254, %select_n3A_243 : vector<128x128xi1>, vector<128x128xf32>
    %slice3A_256 = vector.extract_strided_slice %reshape3A_128 {offsets = [0, 4, 0], sizes = [128, 1, 128], strides = [1, 1, 1]} : vector<128x16x128xf32> to vector<128x1x128xf32>
    %squeeze3A_257 = vector.shape_cast %slice3A_256 : vector<128x1x128xf32> to vector<128x128xf32>
    %eq3A_258 = arith.cmpf oeq, %squeeze3A_257, %reduce_max3A_129 : vector<128x128xf32>
    %slice3A_259 = vector.extract_strided_slice %reshape3A_130 {offsets = [0, 4, 0], sizes = [128, 1, 128], strides = [1, 1, 1]} : vector<128x16x128xf32> to vector<128x1x128xf32>
    %squeeze3A_260 = vector.shape_cast %slice3A_259 : vector<128x1x128xf32> to vector<128x128xf32>
    %select_n3A_261 = arith.select %eq3A_258, %squeeze3A_260, %select_n3A_249 : vector<128x128xi1>, vector<128x128xf32>
    %slice3A_262 = vector.extract_strided_slice %reshape3A_131 {offsets = [0, 4, 0], sizes = [128, 1, 128], strides = [1, 1, 1]} : vector<128x16x128xf32> to vector<128x1x128xf32>
    %squeeze3A_263 = vector.shape_cast %slice3A_262 : vector<128x1x128xf32> to vector<128x128xf32>
    %select_n3A_264 = arith.select %eq3A_258, %squeeze3A_263, %select_n3A_252 : vector<128x128xi1>, vector<128x128xf32>
    %slice3A_265 = vector.extract_strided_slice %reshape3A_132 {offsets = [0, 4, 0], sizes = [128, 1, 128], strides = [1, 1, 1]} : vector<128x16x128xf32> to vector<128x1x128xf32>
    %squeeze3A_266 = vector.shape_cast %slice3A_265 : vector<128x1x128xf32> to vector<128x128xf32>
    %select_n3A_267 = arith.select %eq3A_258, %squeeze3A_266, %select_n3A_255 : vector<128x128xi1>, vector<128x128xf32>
    %slice3A_268 = vector.extract_strided_slice %reshape3A_128 {offsets = [0, 3, 0], sizes = [128, 1, 128], strides = [1, 1, 1]} : vector<128x16x128xf32> to vector<128x1x128xf32>
    %squeeze3A_269 = vector.shape_cast %slice3A_268 : vector<128x1x128xf32> to vector<128x128xf32>
    %eq3A_270 = arith.cmpf oeq, %squeeze3A_269, %reduce_max3A_129 : vector<128x128xf32>
    %slice3A_271 = vector.extract_strided_slice %reshape3A_130 {offsets = [0, 3, 0], sizes = [128, 1, 128], strides = [1, 1, 1]} : vector<128x16x128xf32> to vector<128x1x128xf32>
    %squeeze3A_272 = vector.shape_cast %slice3A_271 : vector<128x1x128xf32> to vector<128x128xf32>
    %select_n3A_273 = arith.select %eq3A_270, %squeeze3A_272, %select_n3A_261 : vector<128x128xi1>, vector<128x128xf32>
    %slice3A_274 = vector.extract_strided_slice %reshape3A_131 {offsets = [0, 3, 0], sizes = [128, 1, 128], strides = [1, 1, 1]} : vector<128x16x128xf32> to vector<128x1x128xf32>
    %squeeze3A_275 = vector.shape_cast %slice3A_274 : vector<128x1x128xf32> to vector<128x128xf32>
    %select_n3A_276 = arith.select %eq3A_270, %squeeze3A_275, %select_n3A_264 : vector<128x128xi1>, vector<128x128xf32>
    %slice3A_277 = vector.extract_strided_slice %reshape3A_132 {offsets = [0, 3, 0], sizes = [128, 1, 128], strides = [1, 1, 1]} : vector<128x16x128xf32> to vector<128x1x128xf32>
    %squeeze3A_278 = vector.shape_cast %slice3A_277 : vector<128x1x128xf32> to vector<128x128xf32>
    %select_n3A_279 = arith.select %eq3A_270, %squeeze3A_278, %select_n3A_267 : vector<128x128xi1>, vector<128x128xf32>
    %slice3A_280 = vector.extract_strided_slice %reshape3A_128 {offsets = [0, 2, 0], sizes = [128, 1, 128], strides = [1, 1, 1]} : vector<128x16x128xf32> to vector<128x1x128xf32>
    %squeeze3A_281 = vector.shape_cast %slice3A_280 : vector<128x1x128xf32> to vector<128x128xf32>
    %eq3A_282 = arith.cmpf oeq, %squeeze3A_281, %reduce_max3A_129 : vector<128x128xf32>
    %slice3A_283 = vector.extract_strided_slice %reshape3A_130 {offsets = [0, 2, 0], sizes = [128, 1, 128], strides = [1, 1, 1]} : vector<128x16x128xf32> to vector<128x1x128xf32>
    %squeeze3A_284 = vector.shape_cast %slice3A_283 : vector<128x1x128xf32> to vector<128x128xf32>
    %select_n3A_285 = arith.select %eq3A_282, %squeeze3A_284, %select_n3A_273 : vector<128x128xi1>, vector<128x128xf32>
    %slice3A_286 = vector.extract_strided_slice %reshape3A_131 {offsets = [0, 2, 0], sizes = [128, 1, 128], strides = [1, 1, 1]} : vector<128x16x128xf32> to vector<128x1x128xf32>
    %squeeze3A_287 = vector.shape_cast %slice3A_286 : vector<128x1x128xf32> to vector<128x128xf32>
    %select_n3A_288 = arith.select %eq3A_282, %squeeze3A_287, %select_n3A_276 : vector<128x128xi1>, vector<128x128xf32>
    %slice3A_289 = vector.extract_strided_slice %reshape3A_132 {offsets = [0, 2, 0], sizes = [128, 1, 128], strides = [1, 1, 1]} : vector<128x16x128xf32> to vector<128x1x128xf32>
    %squeeze3A_290 = vector.shape_cast %slice3A_289 : vector<128x1x128xf32> to vector<128x128xf32>
    %select_n3A_291 = arith.select %eq3A_282, %squeeze3A_290, %select_n3A_279 : vector<128x128xi1>, vector<128x128xf32>
    %slice3A_292 = vector.extract_strided_slice %reshape3A_128 {offsets = [0, 1, 0], sizes = [128, 1, 128], strides = [1, 1, 1]} : vector<128x16x128xf32> to vector<128x1x128xf32>
    %squeeze3A_293 = vector.shape_cast %slice3A_292 : vector<128x1x128xf32> to vector<128x128xf32>
    %eq3A_294 = arith.cmpf oeq, %squeeze3A_293, %reduce_max3A_129 : vector<128x128xf32>
    %slice3A_295 = vector.extract_strided_slice %reshape3A_130 {offsets = [0, 1, 0], sizes = [128, 1, 128], strides = [1, 1, 1]} : vector<128x16x128xf32> to vector<128x1x128xf32>
    %squeeze3A_296 = vector.shape_cast %slice3A_295 : vector<128x1x128xf32> to vector<128x128xf32>
    %select_n3A_297 = arith.select %eq3A_294, %squeeze3A_296, %select_n3A_285 : vector<128x128xi1>, vector<128x128xf32>
    %slice3A_298 = vector.extract_strided_slice %reshape3A_131 {offsets = [0, 1, 0], sizes = [128, 1, 128], strides = [1, 1, 1]} : vector<128x16x128xf32> to vector<128x1x128xf32>
    %squeeze3A_299 = vector.shape_cast %slice3A_298 : vector<128x1x128xf32> to vector<128x128xf32>
    %select_n3A_300 = arith.select %eq3A_294, %squeeze3A_299, %select_n3A_288 : vector<128x128xi1>, vector<128x128xf32>
    %slice3A_301 = vector.extract_strided_slice %reshape3A_132 {offsets = [0, 1, 0], sizes = [128, 1, 128], strides = [1, 1, 1]} : vector<128x16x128xf32> to vector<128x1x128xf32>
    %squeeze3A_302 = vector.shape_cast %slice3A_301 : vector<128x1x128xf32> to vector<128x128xf32>
    %select_n3A_303 = arith.select %eq3A_294, %squeeze3A_302, %select_n3A_291 : vector<128x128xi1>, vector<128x128xf32>
    %slice3A_304 = vector.extract_strided_slice %reshape3A_128 {offsets = [0, 0, 0], sizes = [128, 1, 128], strides = [1, 1, 1]} : vector<128x16x128xf32> to vector<128x1x128xf32>
    %squeeze3A_305 = vector.shape_cast %slice3A_304 : vector<128x1x128xf32> to vector<128x128xf32>
    %eq3A_306 = arith.cmpf oeq, %squeeze3A_305, %reduce_max3A_129 : vector<128x128xf32>
    %slice3A_307 = vector.extract_strided_slice %reshape3A_130 {offsets = [0, 0, 0], sizes = [128, 1, 128], strides = [1, 1, 1]} : vector<128x16x128xf32> to vector<128x1x128xf32>
    %squeeze3A_308 = vector.shape_cast %slice3A_307 : vector<128x1x128xf32> to vector<128x128xf32>
    %select_n3A_309 = arith.select %eq3A_306, %squeeze3A_308, %select_n3A_297 : vector<128x128xi1>, vector<128x128xf32>
    %slice3A_310 = vector.extract_strided_slice %reshape3A_131 {offsets = [0, 0, 0], sizes = [128, 1, 128], strides = [1, 1, 1]} : vector<128x16x128xf32> to vector<128x1x128xf32>
    %squeeze3A_311 = vector.shape_cast %slice3A_310 : vector<128x1x128xf32> to vector<128x128xf32>
    %select_n3A_312 = arith.select %eq3A_306, %squeeze3A_311, %select_n3A_300 : vector<128x128xi1>, vector<128x128xf32>
    %slice3A_313 = vector.extract_strided_slice %reshape3A_132 {offsets = [0, 0, 0], sizes = [128, 1, 128], strides = [1, 1, 1]} : vector<128x16x128xf32> to vector<128x1x128xf32>
    %squeeze3A_314 = vector.shape_cast %slice3A_313 : vector<128x1x128xf32> to vector<128x128xf32>
    %select_n3A_315 = arith.select %eq3A_306, %squeeze3A_314, %select_n3A_303 : vector<128x128xi1>, vector<128x128xf32>
    %stack3A = vector.shape_cast %select_n3A_309 : vector<128x128xf32> to vector<128x1x128xf32>
    %stack3A_316 = vector.shape_cast %select_n3A_312 : vector<128x128xf32> to vector<128x1x128xf32>
    %stack3A_317 = vector.shape_cast %select_n3A_315 : vector<128x128xf32> to vector<128x1x128xf32>
    %stack3A_318 = tpu.concatenate %stack3A, %stack3A_316, %stack3A_317 in 1 : vector<128x1x128xf32>, vector<128x1x128xf32>, vector<128x1x128xf32> -> vector<128x3x128xf32>
    %swap3A = arith.constant 0 : index
    %swap3A_319 = arith.constant 0 : index
    %swap3A_320 = arith.constant 0 : index
    %swap3A_321 = arith.constant 0 : index
    %swap3A_322 = vector.load %arg7[%swap3A, %swap3A_319, %swap3A_320, %swap3A_321] : memref<1x128x3x128xf32, #tpu.memory_space<vmem>>, vector<1x128x3x128xf32>
    %swap3A_323 = vector.shape_cast %swap3A_322 : vector<1x128x3x128xf32> to vector<128x3x128xf32>
    %swap3A_324 = vector.shape_cast %stack3A_318 : vector<128x3x128xf32> to vector<1x128x3x128xf32>
    tpu.vector_store %arg7[%swap3A, %swap3A_319, %swap3A_320, %swap3A_321], %swap3A_324 {strides = array<i32>} : memref<1x128x3x128xf32, #tpu.memory_space<vmem>>, vector<1x128x3x128xf32>,
    return
  }
  func.func @transform_0(%arg0: i32, %arg1: i32) -> (i32, i32, i32, i32) {
    %c0_i32 = arith.constant 0 : i32
    %c0_i32_0 = arith.constant 0 : i32
    %c0_i32_1 = arith.constant 0 : i32
    return %arg0, %arg1, %c0_i32, %c0_i32_0 : i32, i32, i32, i32
  }
  func.func @transform_1(%arg0: i32, %arg1: i32) -> (i32, i32, i32, i32) {
    %c0_i32 = arith.constant 0 : i32
    %c0_i32_0 = arith.constant 0 : i32
    %c0_i32_1 = arith.constant 0 : i32
    return %arg0, %arg1, %c0_i32, %c0_i32_0 : i32, i32, i32, i32
  }
  func.func @transform_2(%arg0: i32, %arg1: i32) -> (i32, i32) {
    %c0_i32 = arith.constant 0 : i32
    %c0_i32_0 = arith.constant 0 : i32
    %c0_i32_1 = arith.constant 0 : i32
    return %c0_i32, %c0_i32_0 : i32, i32
  }
  func.func @transform_3(%arg0: i32, %arg1: i32) -> (i32, i32) {
    %c0_i32 = arith.constant 0 : i32
    %c0_i32_0 = arith.constant 0 : i32
    %c0_i32_1 = arith.constant 0 : i32
    return %c0_i32, %c0_i32_0 : i32, i32
  }
  func.func @transform_4(%arg0: i32, %arg1: i32) -> (i32, i32) {
    %c0_i32 = arith.constant 0 : i32
    %c0_i32_0 = arith.constant 0 : i32
    %c0_i32_1 = arith.constant 0 : i32
    return %c0_i32, %c0_i32_0 : i32, i32
  }
  func.func @transform_5(%arg0: i32, %arg1: i32) -> (i32, i32, i32, i32) {
    %c0_i32 = arith.constant 0 : i32
    %c0_i32_0 = arith.constant 0 : i32
    %c0_i32_1 = arith.constant 0 : i32
    return %arg0, %arg1, %c0_i32, %c0_i32_0 : i32, i32, i32, i32
  }
}

</mosaic_0001>

<sc_bundles>
// kernel: kernel.5.cloned.1.call-start
scs
__scs_entry_jumppad:
0x0: {  	(pc) =	sbr.rel $0x88, $3  }
0x1: {  	(tag) =	ssettag $0x0;
	lr =	simm.s32 $0x1  }
0x2: {  	[smem:$0x3F9C] =	sst lr;
	_ =	strace $0xD0000000  }
0x3: {  	_ = 	snop  }
0x4: {  	_ = 	snop  }
0x5: {  	_ = 	snop  }
0x6: {  	_ = 	snop  }
0x7: {  	_ = 	snop  }
__scs_overlays_trampoline_lowered:
0x8: {  	[smem:$0x3FAB] =	sst s0  }
0x9: {  	[smem:$0x3FAC] =	sst s1  }
0xa: {  	[smem:$0x3FAD] =	sst s2  }
0xb: {  	[smem:$0x3FAE] =	sst s3  }
0xc: {  	[smem:$0x3FAF] =	sst s4  }
0xd: {  	[smem:$0x3FB0] =	sst s5  }
0xe: {  	[smem:$0x3FB1] =	sst s6  }
0xf: {  	[smem:$0x3FB2] =	sst s7  }
0x10: {  	[smem:$0x3FB3] =	sst s8  }
0x11: {  	[smem:$0x3FB4] =	sst s9;
	s0 =	simm.s32 @!p0 $0x0  }
0x12: {  	s1 =	sld [smem:$0x3F9A];
	s0 =	simm.s32 @p0 $0x1  }
0x13: {  	[smem:$0x3FB5] =	sst s0;
	s0 =	simm.s32 @!p1 $0x0  }
0x14: {  	s2 =	sld [smem:$0x3F99];
	s0 =	simm.s32 @p1 $0x1  }
0x15: {  	[smem:$0x3FB6] =	sst s0;
	s0 =	simm.s32 @!p2 $0x0  }
0x16: {  	s3 =	sld [smem:$0x3FDB];
	s0 =	simm.s32 @p2 $0x1  }
0x17: {  	s4 =	simm.s32 $0x1BF5;
	[smem:$0x3FB8] =	sst s0  }
0x18: {  	s0 =	sld [smem:$0x3F9B];
	_ =	swait.ge [sflag:s4], $0x0  }
0x19: {  	s7 =	sld [smem:$0x3F9C]  }
0x1a: {  	s8 =	sadd.s32 $0xFFFFE003, lr  }
0x1b: {  	s9 =	sadd.s32 $0xFFFFFEF7, lr;
	s5 =	simm.s32 $0xFFFFFFFF;
	p2 =	slt.u32 s8, $0xFFFFF086  }
0x1c: {  	p1 =	slt.u32 s9, $0xF7A;
	s5 =	simm.s32 @!p2 $0x0  }
0x1d: {  	s5 =	simm.s32 @p1 $0x1;
	p0 =	seq.s32 s7, s2  }
0x1e: {  	s7 =	smul.u32 @!p0 $0xF7A, s2;
	p2 =	seq.s32 @!p0 s5, $0x0  }
0x1f: {  	s9 =	smul.u32 $0xF7A, s1;
	s8 =	simm.s32 @!p0 $0x1BF5;
	p2 =	por !p2, p0  }
0x20: {  	[sflag:s8] =	ssyncset.s32 @!p0 $0xFFFFF086;
	s6 =	sadd.s32 @!p0 s3, s7;
	s7 =	simm.s32 @!p0 $0x108  }
0x21: {  	s3 =	sadd.s32 s3, s9;
	s6 =	sadd.s32 @!p0 $0x88, s6;
	s7 =	simm.s32 @p2 $0x1082  }
0x22: {  	[simem:s7], [sflag:s8] =	dma.local @!p0 [hbm:s6], $0xF7A  }
0x23: {  	s9 =	sor.u32 $0xD0000000, s2;
	s6 =	simm.s32 $0x108;
	_ =	swait.ge @!p0 [sflag:s8], $0x0  }
0x24: {  	s3 =	sadd.s32 $0x88, s3;
	s6 =	simm.s32 @!p1 $0x1082;
	[sflag:s4] =	ssyncset.s32 $0xFFFFF086  }
0x25: {  	[simem:s6], [sflag:s4] =	dma.local [hbm:s3], $0xF7A  }
0x26: {  	[smem:$0x3F9C] =	sst s1;
	(tag) =	ssettag s2;
	_ =	strace s9  }
0x27: {  	s1 =	sld [smem:$0x3FAC]  }
0x28: {  	s2 =	sld [smem:$0x3FAD]  }
0x29: {  	s4 =	sld [smem:$0x3FAF]  }
0x2a: {  	p0 =	seq.s32 s5, $0x0;
	s5 =	sld [smem:$0x3FB0]  }
0x2b: {  	s6 =	sld [smem:$0x3FB1]  }
0x2c: {  	s7 =	sld [smem:$0x3FB2]  }
0x2d: {  	s3 =	simm.s32 $0x108;
	s8 =	sld [smem:$0x3FB3]  }
0x2e: {  	s3 =	simm.s32 @!p0 $0x1082;
	s9 =	sld [smem:$0x3FB4]  }
0x2f: {  	lr =	sadd.s32 s0, s3;
	s0 =	sld [smem:$0x3FAB]  }
0x30: {  	s3 =	sld [smem:$0x3FAE]  }
0x31: {  	[smem:$0x3FB7] =	sst s10  }
0x32: {  	s10 =	sld [smem:$0x3FB5];
	_ =	sdelay $0x3  }
0x33: {  	p0 =	seq.s32 s10, $0x1;
	s10 =	sld [smem:$0x3FB7];
	_ =	sdelay $0x3  }
0x34: {  	[smem:$0x3FB7] =	sst s10  }
0x35: {  	s10 =	sld [smem:$0x3FB6];
	_ =	sdelay $0x3  }
0x36: {  	p1 =	seq.s32 s10, $0x1;
	s10 =	sld [smem:$0x3FB7];
	_ =	sdelay $0x3  }
0x37: {  	[smem:$0x3FB7] =	sst s10  }
0x38: {  	s10 =	sld [smem:$0x3FB8]  }
0x39: {  	_ = 	snop;
	(pc) =	sbr.ind lr, $3  }
0x3a: {  	_ = 	snop  }
0x3b: {  	_ = 	snop  }
0x3c: {  	p2 =	seq.s32 s10, $0x1;
	s10 =	sld [smem:$0x3FB7]  }
0x3d: {  	_ =	shalt  }
0x3e: {  	_ =	shalt  }
0x3f: {  	_ =	shalt  }
0x40: {  	_ =	shalt  }
0x41: {  	_ =	shalt  }
0x42: {  	_ =	shalt  }
0x43: {  	_ =	shalt  }
0x44: {  	_ =	shalt  }
0x45: {  	_ =	shalt  }
0x46: {  	_ =	shalt  }
0x47: {  	_ =	shalt  }
0x48: {  	_ =	shalt  }
0x49: {  	_ =	shalt  }
0x4a: {  	_ =	shalt  }
0x4b: {  	_ =	shalt  }
0x4c: {  	_ =	shalt  }
0x4d: {  	_ =	shalt  }
0x4e: {  	_ =	shalt  }
0x4f: {  	_ =	shalt  }
0x50: {  	_ =	shalt  }
0x51: {  	_ =	shalt  }
0x52: {  	_ =	shalt  }
0x53: {  	_ =	shalt  }
0x54: {  	_ =	shalt  }
0x55: {  	_ =	shalt  }
0x56: {  	_ =	shalt  }
0x57: {  	_ =	shalt  }
0x58: {  	_ =	shalt  }
0x59: {  	_ =	shalt  }
0x5a: {  	_ =	shalt  }
0x5b: {  	_ =	shalt  }
0x5c: {  	_ =	shalt  }
0x5d: {  	_ =	shalt  }
0x5e: {  	_ =	shalt  }
0x5f: {  	_ =	shalt  }
0x60: {  	_ =	shalt  }
0x61: {  	_ =	shalt  }
0x62: {  	_ =	shalt  }
0x63: {  	_ =	shalt  }
0x64: {  	_ =	shalt  }
0x65: {  	_ =	shalt  }
0x66: {  	_ =	shalt  }
0x67: {  	_ =	shalt  }
0x68: {  	_ =	shalt  }
0x69: {  	_ =	shalt  }
0x6a: {  	_ =	shalt  }
0x6b: {  	_ =	shalt  }
0x6c: {  	_ =	shalt  }
0x6d: {  	_ =	shalt  }
0x6e: {  	_ =	shalt  }
0x6f: {  	_ =	shalt  }
0x70: {  	_ =	shalt  }
0x71: {  	_ =	shalt  }
0x72: {  	_ =	shalt  }
0x73: {  	_ =	shalt  }
0x74: {  	_ =	shalt  }
0x75: {  	_ =	shalt  }
0x76: {  	_ =	shalt  }
0x77: {  	_ =	shalt  }
0x78: {  	_ =	shalt  }
0x79: {  	_ =	shalt  }
0x7a: {  	_ =	shalt  }
0x7b: {  	_ =	shalt  }
0x7c: {  	_ =	shalt  }
0x7d: {  	_ =	shalt  }
0x7e: {  	_ =	shalt  }
0x7f: {  	_ =	shalt  }
0x80: {  	_ =	shalt  }
0x81: {  	_ =	shalt  }
0x82: {  	_ =	shalt  }
0x83: {  	_ =	shalt  }
0x84: {  	_ =	shalt  }
0x85: {  	_ =	shalt  }
0x86: {  	_ =	shalt  }
0x87: {  	_ =	shalt  }
.Lfunc_end0:
.L_simem_size_0:
called_computation_lowered:
.L_overlay_start_0:
0x88: {  	s2 =	sld [smem:$0x3FD9]  }
0x89: {  	s3 =	sld [smem:$0x3FFE];
	_ =	sdelay $0x1  }
0x8a: {  	s1 =	srdreg.scid  }
0x8b: {  	s0 =	sand.u32 $0x1, s1  }
0x8c: {  	s17 =	sshll.u32 s0, $0xA;
	s2 =	sadd.s32 s3, s2  }
0x8d: {  	s2 =	sadd.s32 s2, s17  }
0x8e: {  	[smem:$0x3FC3] =	sst s2  }
0x8f: {  	_ = 	snop  }
0x90: {  	s2 =	sld [smem:$0x3FD0];
	(tm) =	ssettm $0x1  }
0x91: {  	s18 =	sld [smem:$0x3FFB];
	_ =	sdelay $0x3  }
0x92: {  	_ =	strace s18  }
0x93: {  	s3 =	sld [smem:$0x3FFC];
	_ =	sdelay $0x3  }
0x94: {  	_ =	strace s3  }
0x95: {  	s3 =	sld [smem:$0x3FFD];
	_ =	sdelay $0x3  }
0x96: {  	_ =	strace s3  }
0x97: {  	_ =	strace $0x8FFFFFFF  }
0x98: {  	s19 =	sld [smem:$0x3FDB];
	_ =	sdelay $0x1  }
0x99: {  	s4 =	simm.s32 $_scs_section_size  }
0x9a: {  	s5 =	simm.s32 $_size__tile_overlayer_lowered;
	s6 =	simm.s32 $_tile_overlayer_lowered  }
0x9b: {  	s22 =	simm.s32 $0x1BFF;
	s21 =	sshll.u32 s6, $0x1;
	s3 =	sadd.s32 s4, s19  }
0x9c: {  	s7 =	simm.s32 $0x0;
	s20 =	sshll.u32 s5, $0x1;
	s5 =	sadd.s32 s21, s3  }
0x9d: {  	[timem:s7], [sflag:s22] =	dma.local [hbm:s5], s20  }
0x9e: {  	_ =	swait.ge [sflag:s22], s20  }
0x9f: {  	s4 =	ssub.s32 $0x0, s20;
	[sflag:s22] =	ssyncset.done $0x0  }
0xa0: {  	[sflag:s22] =	ssyncadd.s32 s4;
	_ =	sdelay $0x1  }
0xa1: {  	s23 =	simm.s32 $0x1B8B  }
0xa2: {  	_ =	swait.ge [sflag:s23], $0x1  }
0xa3: {  	[sflag:s23] =	ssyncset.done $0x0  }
0xa4: {  	s25 =	simm.s32 $0x1B8E;
	s24 =	sld [smem:$0x3FFE];
	[sflag:s23] =	ssyncadd.s32 $0xFFFFFFFF  }
0xa5: {  	s26 =	simm.s32 $execute0_lowered;
	[smem:$0x3FD2] =	sst s25  }
0xa6: {  	s5 =	sshll.u32 s26, $0x1;
	_ =	strace $0x80000046;
	[dreg:$0x1] =	wrdreg $0xFFFFFFFF  }
0xa7: {  	s28 =	simm.s32 $_size_execute0_lowered;
	s3 =	sadd.s32 s3, s5;
	[dreg:$0x0] =	wrdreg $0x0  }
0xa8: {  	s5 =	sshll.u32 s28, $0x1;
	[dreg:$0x2] =	wrdreg s3  }
0xa9: {  	[dreg:$0x3] =	wrdreg s5  }
0xaa: {  	[dreg:$0x4] =	wrdreg $0xC0  }
0xab: {  	_ =	task [dreg:s7], $0x5FFFF  }
0xac: {  	[dreg:$0x1] =	wrdreg $0xFFFFFFFF  }
0xad: {  	[dreg:$0x0] =	wrdreg $0x60  }
0xae: {  	[dreg:$0x2] =	wrdreg s2  }
0xaf: {  	[dreg:$0x3] =	wrdreg s24  }
0xb0: {  	[dreg:$0x4] =	wrdreg $0x9  }
0xb1: {  	_ =	task.clear_ibuf [dreg:s7], $0x5FFFF;
	_ =	strace $0x90000046  }
0xb2: {  	s29 =	simm.s32 $0x9;
	_ =	strace $0x80000048  }
0xb3: {  	_ =	swait.ge [sflag:s29], $0x1  }
0xb4: {  	[sflag:s29] =	ssyncadd.s32 $0xFFFFFFFF  }
0xb5: {  	_ =	strace $0x90000048  }
0xb6: {  	_ =	sfence  }
0xb7: {  	s30 =	sld [smem:$0x0];
	_ =	sdelay $0x2  }
0xb8: {  	s31 =	sshll.u32 s1, $0xD;
	s1 =	sshrl.u32 s1, $0x2  }
0xb9: {  	s3 =	sand.u32 $0x4000, s31;
	s1 =	sadd.s32 s1, s30  }
0xba: {  	s0 =	sor.u32 s3, s0;
	s1 =	sshll.u32 s1, $0x11  }
0xbb: {  	s0 =	sor.u32 s1, s0  }
0xbc: {  	s0 =	sadd.s32 $0x8F2B, s0  }
0xbd: {  	[sflag:s0] =	ssyncadd.remote.s32 $0x1  }
0xbe: {  	_ =	sfence.sel $0xFFFF  }
0xbf: {  	[dreg:$0x0] =	wrdreg $0xFFFFFFFF;
	(pc) =	sbr.abs _section_cstart, $3  }
0xc0: {  	[dreg:$0x1] =	wrdreg $0xFFFFFFFF  }
0xc1: {  	_ =	task.clear_ibuf [dreg:s7], $0x2FFFF;
	_ =	strace $0x9FFFFFFF  }
0xc2: {  	(tm) =	ssettm $0x7FFFFFFF  }
0xc3: {  	_ =	shalt  }
tec
execute0_lowered:
.L_overlay_start_1:
0x0: {  	(tag) =	ssettag $0x1  }
0x1: {  	s0 =	srdreg.scid  }
0x2: {  	s1 =	stileid.u32;
	s0 =	sand.u32 $0x1, s0  }
0x3: {  	s2 =	rddreg [dreg:$0x0];
	s1 =	sshll.u32 s1, $0x9;
	s3 =	sshll.u32 s0, $0x8  }
0x4: {  	s4 =	rddreg [dreg:$0x1];
	s1 =	sor.u32 s3, s1  }
0x5: {  	s3 =	simm.s32 $0x0;
	s5 =	smul.u32 $0x180, s1;
	s6 =	sadd.s32 s1, s4  }
0x6: {  	[smem:$0x7FF] =	sst s3;
	s4 =	sadd.s32 $0x3200, s4;
	s6 =	sadd.s32 $0x1200, s6  }
0x7: {  	_ =	strace $0x80000047;
	s7 =	sadd.s32 s4, s5;
	[dreg:$0x3] =	wrdreg s6  }
0x8: {  	s5 =	sadd.s32 $0x1800, s7;
	[dreg:$0x13] =	wrdreg s7  }
0x9: {  	s1 =	smul.u32 $0xC00, s1;
	s18 =	sadd.s32 $0x3000, s7;
	[dreg:$0x4] =	wrdreg s5  }
0xa: {  	s19 =	sadd.s32 $0x4800, s7;
	[dreg:$0x5] =	wrdreg s18  }
0xb: {  	s1 =	sshrl.u32 s1, $0x3;
	s20 =	sadd.s32 $0x6000, s7;
	[dreg:$0x6] =	wrdreg s19  }
0xc: {  	s21 =	sadd.s32 $0x7800, s7;
	s1 =	sadd.s32 s4, s1;
	[dreg:$0x7] =	wrdreg s20  }
0xd: {  	[dreg:$0x8] =	wrdreg s21;
	s4 =	sadd.s32 $0x9000, s1  }
0xe: {  	s22 =	sadd.s32 $0xA800, s1;
	[dreg:$0x9] =	wrdreg s4  }
0xf: {  	s23 =	sadd.s32 $0xC000, s1;
	[dreg:$0xa] =	wrdreg s22  }
0x10: {  	s24 =	sadd.s32 $0xD800, s1;
	[dreg:$0xb] =	wrdreg s23  }
0x11: {  	s0 =	ssub.s32 $0x2, s0;
	s25 =	sadd.s32 $0xF000, s1;
	[dreg:$0xc] =	wrdreg s24  }
0x12: {  	s29 =	sshrl.u32 s0, $0x1;
	s26 =	sadd.s32 $0x10800, s1;
	[dreg:$0xd] =	wrdreg s25  }
0x13: {  	s0 =	ssub.s32 s0, s29;
	s28 =	sadd.s32 $0x12000, s1;
	[dreg:$0xe] =	wrdreg s26  }
0x14: {  	s0 =	smax.u32 s0, $0x1;
	s30 =	sadd.s32 $0x13800, s1;
	[dreg:$0xf] =	wrdreg s28  }
0x15: {  	v2 =	vlaneseq.u32;
	s7 =	simm.s32 $0x3;
	s31 =	sadd.s32 $0x15000, s1;
	[dreg:$0x10] =	wrdreg s30  }
0x16: {  	vm0 =	vmmov $0xffff;
	vm1 =	vmmov $0xff;
	v1 =	vshrl.u32 v2, $0x3;
	s5 =	sadd.s32 $0x100, s2;
	s1 =	sadd.s32 $0x16800, s1;
	[dreg:$0x11] =	wrdreg s31  }
0x17: {  	v0 =	vand.u32 $0x7, v2;
	v2 =	vor.u32 $0x8, v2;
	v1 =	vmul.u32 $0x8, v1;
	[dreg:$0x12] =	wrdreg s1;
	s23 =	simm.s32 $0x1;
	s24 =	simm.s32 $0x2  }
.LBB2_1:
0x18: {  	[dreg:$0x14] =	wrdreg s0  }
0x19: {  	s25 =	rddreg [dreg:$0x3]  }
0x1a: {  	[tilespmem:s3], [sflag:$0x3] =	stream.linear.gather [hbm4b:s25+s3], $0x800, $0x38;
	[tilespmem:$0x18800] =	vst v63  }
0x1b: {  	_ =	swait.ge [sflag:s7], $0x800  }
0x1c: {  	[sflag:s7] =	ssyncset.done $0x0  }
0x1d: {  	[sflag:s7] =	ssyncadd.s32 $0xFFFFF800  }
0x1e: {  	v3 =	vld [tilespmem:$0x0];
	_ =	sdelay $0x4  }
0x1f: {  	v4 =	vshrl.u32 v3, $0x3  }
0x20: {  	v4 =	vmul.u32 $0x18, v4  }
0x21: {  	v3 =	vand.u32 $0x7, v3  }
0x22: {  	v3 =	vor.u32 v3, v4  }
0x23: {  	v4 =	vperm.xlane v3, v0;
	_ =	sdelay $0x1  }
0x24: {  	v4 =	vadd.s32 v1, v4;
	_ =	sdelay $0x1  }
0x25: {  	v3 =	vperm.xlane v3, v2;
	_ =	sdelay $0x1  }
0x26: {  	s9 =	simm.s32 $0x800;
	v3 =	vadd.s32 v1, v3  }
0x27: {  	[tilespmem:s9], [sflag:$0x1] =	stream.indirect_vreg.gather [hbm4b:s2+s3], $0x80, v4, vm0, $0xb8;
	[tilespmem:$0x18800] =	vst v63  }
0x28: {  	s10 =	simm.s32 $0x1000  }
0x29: {  	[tilespmem:s10], [sflag:$0x1] =	stream.indirect_vreg.gather [hbm4b:s5+s3], $0x80, v4, vm1, $0xb8;
	[tilespmem:$0x18800] =	vst v63  }
0x2a: {  	s11 =	simm.s32 $0x1400  }
0x2b: {  	[tilespmem:s11], [sflag:$0x1] =	stream.indirect_vreg.gather [hbm4b:s2+s3], $0x80, v3, vm0, $0xb8;
	[tilespmem:$0x18800] =	vst v63  }
0x2c: {  	s12 =	simm.s32 $0x1C00  }
0x2d: {  	[tilespmem:s12], [sflag:$0x1] =	stream.indirect_vreg.gather [hbm4b:s5+s3], $0x80, v3, vm1, $0xb8;
	[tilespmem:$0x18800] =	vst v63  }
0x2e: {  	v3 =	vld [tilespmem:$0x10];
	_ =	sdelay $0x4  }
0x2f: {  	v49 =	vshrl.u32 v3, $0x3  }
0x30: {  	v4 =	vmul.u32 $0x18, v49  }
0x31: {  	v3 =	vand.u32 $0x7, v3  }
0x32: {  	v3 =	vor.u32 v3, v4  }
0x33: {  	v4 =	vperm.xlane v3, v0;
	_ =	sdelay $0x1  }
0x34: {  	v4 =	vadd.s32 v1, v4;
	_ =	sdelay $0x1  }
0x35: {  	v3 =	vperm.xlane v3, v2;
	_ =	sdelay $0x1  }
0x36: {  	s13 =	simm.s32 $0x2000;
	v3 =	vadd.s32 v1, v3  }
0x37: {  	[tilespmem:s13], [sflag:$0x1] =	stream.indirect_vreg.gather [hbm4b:s2+s3], $0x80, v4, vm0, $0xb8;
	[tilespmem:$0x18800] =	vst v63  }
0x38: {  	s14 =	simm.s32 $0x2800  }
0x39: {  	[tilespmem:s14], [sflag:$0x1] =	stream.indirect_vreg.gather [hbm4b:s5+s3], $0x80, v4, vm1, $0xb8;
	[tilespmem:$0x18800] =	vst v63  }
0x3a: {  	s15 =	simm.s32 $0x2C00  }
0x3b: {  	[tilespmem:s15], [sflag:$0x1] =	stream.indirect_vreg.gather [hbm4b:s2+s3], $0x80, v3, vm0, $0xb8;
	[tilespmem:$0x18800] =	vst v63  }
0x3c: {  	s16 =	simm.s32 $0x3400  }
0x3d: {  	[tilespmem:s16], [sflag:$0x1] =	stream.indirect_vreg.gather [hbm4b:s5+s3], $0x80, v3, vm1, $0xb8;
	[tilespmem:$0x18800] =	vst v63  }
0x3e: {  	v3 =	vld [tilespmem:$0x20];
	_ =	sdelay $0x4  }
0x3f: {  	v50 =	vshrl.u32 v3, $0x3  }
0x40: {  	v4 =	vmul.u32 $0x18, v50  }
0x41: {  	v3 =	vand.u32 $0x7, v3  }
0x42: {  	v3 =	vor.u32 v3, v4  }
0x43: {  	v4 =	vperm.xlane v3, v0;
	_ =	sdelay $0x1  }
0x44: {  	v4 =	vadd.s32 v1, v4;
	_ =	sdelay $0x1  }
0x45: {  	v3 =	vperm.xlane v3, v2;
	_ =	sdelay $0x1  }
0x46: {  	s17 =	simm.s32 $0x3800;
	v3 =	vadd.s32 v1, v3  }
0x47: {  	[tilespmem:s17], [sflag:$0x1] =	stream.indirect_vreg.gather [hbm4b:s2+s3], $0x80, v4, vm0, $0xb8;
	[tilespmem:$0x18800] =	vst v63  }
0x48: {  	s18 =	simm.s32 $0x4000  }
0x49: {  	[tilespmem:s18], [sflag:$0x1] =	stream.indirect_vreg.gather [hbm4b:s5+s3], $0x80, v4, vm1, $0xb8;
	[tilespmem:$0x18800] =	vst v63  }
0x4a: {  	s19 =	simm.s32 $0x4400  }
0x4b: {  	[tilespmem:s19], [sflag:$0x1] =	stream.indirect_vreg.gather [hbm4b:s2+s3], $0x80, v3, vm0, $0xb8;
	[tilespmem:$0x18800] =	vst v63  }
0x4c: {  	s20 =	simm.s32 $0x4C00  }
0x4d: {  	[tilespmem:s20], [sflag:$0x1] =	stream.indirect_vreg.gather [hbm4b:s5+s3], $0x80, v3, vm1, $0xb8;
	[tilespmem:$0x18800] =	vst v63  }
0x4e: {  	v3 =	vld [tilespmem:$0x30];
	_ =	sdelay $0x4  }
0x4f: {  	v51 =	vshrl.u32 v3, $0x3  }
0x50: {  	v4 =	vmul.u32 $0x18, v51  }
0x51: {  	v3 =	vand.u32 $0x7, v3  }
0x52: {  	v3 =	vor.u32 v3, v4  }
0x53: {  	v4 =	vperm.xlane v3, v0;
	_ =	sdelay $0x1  }
0x54: {  	v4 =	vadd.s32 v1, v4;
	_ =	sdelay $0x1  }
0x55: {  	v3 =	vperm.xlane v3, v2;
	_ =	sdelay $0x1  }
0x56: {  	s21 =	simm.s32 $0x5000;
	v3 =	vadd.s32 v1, v3  }
0x57: {  	[tilespmem:s21], [sflag:$0x1] =	stream.indirect_vreg.gather [hbm4b:s2+s3], $0x80, v4, vm0, $0xb8;
	[tilespmem:$0x18800] =	vst v63  }
0x58: {  	s22 =	simm.s32 $0x5800  }
0x59: {  	[tilespmem:s22], [sflag:$0x1] =	stream.indirect_vreg.gather [hbm4b:s5+s3], $0x80, v4, vm1, $0xb8;
	[tilespmem:$0x18800] =	vst v63  }
0x5a: {  	s25 =	simm.s32 $0x5C00  }
0x5b: {  	[tilespmem:s25], [sflag:$0x1] =	stream.indirect_vreg.gather [hbm4b:s2+s3], $0x80, v3, vm0, $0xb8;
	[tilespmem:$0x18800] =	vst v63  }
0x5c: {  	s26 =	simm.s32 $0x6400  }
0x5d: {  	[tilespmem:s26], [sflag:$0x1] =	stream.indirect_vreg.gather [hbm4b:s5+s3], $0x80, v3, vm1, $0xb8;
	[tilespmem:$0x18800] =	vst v63  }
0x5e: {  	v3 =	vld [tilespmem:$0x40];
	_ =	sdelay $0x4  }
0x5f: {  	v52 =	vshrl.u32 v3, $0x3  }
0x60: {  	v4 =	vmul.u32 $0x18, v52  }
0x61: {  	v3 =	vand.u32 $0x7, v3  }
0x62: {  	v3 =	vor.u32 v3, v4  }
0x63: {  	v4 =	vperm.xlane v3, v0;
	_ =	sdelay $0x1  }
0x64: {  	v4 =	vadd.s32 v1, v4;
	_ =	sdelay $0x1  }
0x65: {  	v3 =	vperm.xlane v3, v2;
	_ =	sdelay $0x1  }
0x66: {  	s28 =	simm.s32 $0x6800;
	v3 =	vadd.s32 v1, v3  }
0x67: {  	[tilespmem:s28], [sflag:$0x1] =	stream.indirect_vreg.gather [hbm4b:s2+s3], $0x80, v4, vm0, $0xb8;
	[tilespmem:$0x18800] =	vst v63  }
0x68: {  	s29 =	simm.s32 $0x7000  }
0x69: {  	[tilespmem:s29], [sflag:$0x1] =	stream.indirect_vreg.gather [hbm4b:s5+s3], $0x80, v4, vm1, $0xb8;
	[tilespmem:$0x18800] =	vst v63  }
0x6a: {  	s30 =	simm.s32 $0x7400  }
0x6b: {  	[tilespmem:s30], [sflag:$0x1] =	stream.indirect_vreg.gather [hbm4b:s2+s3], $0x80, v3, vm0, $0xb8;
	[tilespmem:$0x18800] =	vst v63  }
0x6c: {  	s31 =	simm.s32 $0x7C00  }
0x6d: {  	[tilespmem:s31], [sflag:$0x1] =	stream.indirect_vreg.gather [hbm4b:s5+s3], $0x80, v3, vm1, $0xb8;
	[tilespmem:$0x18800] =	vst v63  }
0x6e: {  	v3 =	vld [tilespmem:$0x50];
	_ =	sdelay $0x4  }
0x6f: {  	v53 =	vshrl.u32 v3, $0x3  }
0x70: {  	v4 =	vmul.u32 $0x18, v53  }
0x71: {  	v3 =	vand.u32 $0x7, v3  }
0x72: {  	v3 =	vor.u32 v3, v4  }
0x73: {  	v4 =	vperm.xlane v3, v0;
	_ =	sdelay $0x1  }
0x74: {  	v4 =	vadd.s32 v1, v4;
	_ =	sdelay $0x1  }
0x75: {  	v3 =	vperm.xlane v3, v2;
	_ =	sdelay $0x1  }
0x76: {  	s1 =	simm.s32 $0x8000;
	v3 =	vadd.s32 v1, v3  }
0x77: {  	[tilespmem:s1], [sflag:$0x1] =	stream.indirect_vreg.gather [hbm4b:s2+s3], $0x80, v4, vm0, $0xb8;
	[tilespmem:$0x18800] =	vst v63  }
0x78: {  	s6 =	simm.s32 $0x8800  }
0x79: {  	[tilespmem:s6], [sflag:$0x1] =	stream.indirect_vreg.gather [hbm4b:s5+s3], $0x80, v4, vm1, $0xb8;
	[tilespmem:$0x18800] =	vst v63  }
0x7a: {  	s8 =	simm.s32 $0x8C00  }
0x7b: {  	[tilespmem:s8], [sflag:$0x1] =	stream.indirect_vreg.gather [hbm4b:s2+s3], $0x80, v3, vm0, $0xb8;
	[tilespmem:$0x18800] =	vst v63  }
0x7c: {  	s10 =	simm.s32 $0x9400  }
0x7d: {  	[tilespmem:s10], [sflag:$0x1] =	stream.indirect_vreg.gather [hbm4b:s5+s3], $0x80, v3, vm1, $0xb8;
	[tilespmem:$0x18800] =	vst v63  }
0x7e: {  	v3 =	vld [tilespmem:$0x60];
	_ =	sdelay $0x4  }
0x7f: {  	v54 =	vshrl.u32 v3, $0x3  }
0x80: {  	v4 =	vmul.u32 $0x18, v54  }
0x81: {  	v3 =	vand.u32 $0x7, v3  }
0x82: {  	v3 =	vor.u32 v3, v4  }
0x83: {  	v4 =	vperm.xlane v3, v0;
	_ =	sdelay $0x1  }
0x84: {  	v4 =	vadd.s32 v1, v4;
	_ =	sdelay $0x1  }
0x85: {  	v3 =	vperm.xlane v3, v2;
	_ =	sdelay $0x1  }
0x86: {  	s11 =	simm.s32 $0x9800;
	v3 =	vadd.s32 v1, v3  }
0x87: {  	[tilespmem:s11], [sflag:$0x1] =	stream.indirect_vreg.gather [hbm4b:s2+s3], $0x80, v4, vm0, $0xb8;
	[tilespmem:$0x18800] =	vst v63  }
0x88: {  	s13 =	simm.s32 $0xA000  }
0x89: {  	[tilespmem:s13], [sflag:$0x1] =	stream.indirect_vreg.gather [hbm4b:s5+s3], $0x80, v4, vm1, $0xb8;
	[tilespmem:$0x18800] =	vst v63  }
0x8a: {  	s14 =	simm.s32 $0xA400  }
0x8b: {  	[tilespmem:s14], [sflag:$0x1] =	stream.indirect_vreg.gather [hbm4b:s2+s3], $0x80, v3, vm0, $0xb8;
	[tilespmem:$0x18800] =	vst v63  }
0x8c: {  	s15 =	simm.s32 $0xAC00  }
0x8d: {  	[tilespmem:s15], [sflag:$0x1] =	stream.indirect_vreg.gather [hbm4b:s5+s3], $0x80, v3, vm1, $0xb8;
	[tilespmem:$0x18800] =	vst v63  }
0x8e: {  	v3 =	vld [tilespmem:$0x70];
	_ =	sdelay $0x4  }
0x8f: {  	v55 =	vshrl.u32 v3, $0x3  }
0x90: {  	v4 =	vmul.u32 $0x18, v55  }
0x91: {  	v3 =	vand.u32 $0x7, v3  }
0x92: {  	v3 =	vor.u32 v3, v4  }
0x93: {  	v4 =	vperm.xlane v3, v0;
	_ =	sdelay $0x1  }
0x94: {  	v4 =	vadd.s32 v1, v4;
	_ =	sdelay $0x1  }
0x95: {  	v3 =	vperm.xlane v3, v2;
	_ =	sdelay $0x1  }
0x96: {  	s18 =	simm.s32 $0xB000;
	v3 =	vadd.s32 v1, v3  }
0x97: {  	[tilespmem:s18], [sflag:$0x1] =	stream.indirect_vreg.gather [hbm4b:s2+s3], $0x80, v4, vm0, $0xb8;
	[tilespmem:$0x18800] =	vst v63  }
0x98: {  	s19 =	simm.s32 $0xB800  }
0x99: {  	[tilespmem:s19], [sflag:$0x1] =	stream.indirect_vreg.gather [hbm4b:s5+s3], $0x80, v4, vm1, $0xb8;
	[tilespmem:$0x18800] =	vst v63  }
0x9a: {  	s21 =	simm.s32 $0xBC00  }
0x9b: {  	[tilespmem:s21], [sflag:$0x1] =	stream.indirect_vreg.gather [hbm4b:s2+s3], $0x80, v3, vm0, $0xb8;
	[tilespmem:$0x18800] =	vst v63  }
0x9c: {  	s22 =	simm.s32 $0xC400  }
0x9d: {  	[tilespmem:s22], [sflag:$0x1] =	stream.indirect_vreg.gather [hbm4b:s5+s3], $0x80, v3, vm1, $0xb8;
	[tilespmem:$0x18800] =	vst v63  }
0x9e: {  	v3 =	vld [tilespmem:$0x80];
	_ =	sdelay $0x4  }
0x9f: {  	v56 =	vshrl.u32 v3, $0x3  }
0xa0: {  	v4 =	vmul.u32 $0x18, v56  }
0xa1: {  	v3 =	vand.u32 $0x7, v3  }
0xa2: {  	v3 =	vor.u32 v3, v4  }
0xa3: {  	v4 =	vperm.xlane v3, v0;
	_ =	sdelay $0x1  }
0xa4: {  	v4 =	vadd.s32 v1, v4;
	_ =	sdelay $0x1  }
0xa5: {  	v3 =	vperm.xlane v3, v2;
	_ =	sdelay $0x1  }
0xa6: {  	s25 =	simm.s32 $0xC800;
	v3 =	vadd.s32 v1, v3  }
0xa7: {  	[tilespmem:s25], [sflag:$0x2] =	stream.indirect_vreg.gather [hbm4b:s2+s3], $0x80, v4, vm0, $0xb8;
	[tilespmem:$0x18800] =	vst v63  }
0xa8: {  	s28 =	simm.s32 $0xD000  }
0xa9: {  	[tilespmem:s28], [sflag:$0x2] =	stream.indirect_vreg.gather [hbm4b:s5+s3], $0x80, v4, vm1, $0xb8;
	[tilespmem:$0x18800] =	vst v63  }
0xaa: {  	s29 =	simm.s32 $0xD400  }
0xab: {  	[tilespmem:s29], [sflag:$0x2] =	stream.indirect_vreg.gather [hbm4b:s2+s3], $0x80, v3, vm0, $0xb8;
	[tilespmem:$0x18800] =	vst v63  }
0xac: {  	s30 =	simm.s32 $0xDC00  }
0xad: {  	[tilespmem:s30], [sflag:$0x2] =	stream.indirect_vreg.gather [hbm4b:s5+s3], $0x80, v3, vm1, $0xb8;
	[tilespmem:$0x18800] =	vst v63  }
0xae: {  	v3 =	vld [tilespmem:$0x90];
	_ =	sdelay $0x4  }
0xaf: {  	v57 =	vshrl.u32 v3, $0x3  }
0xb0: {  	v4 =	vmul.u32 $0x18, v57  }
0xb1: {  	v3 =	vand.u32 $0x7, v3  }
0xb2: {  	v3 =	vor.u32 v3, v4  }
0xb3: {  	v4 =	vperm.xlane v3, v0;
	_ =	sdelay $0x1  }
0xb4: {  	v4 =	vadd.s32 v1, v4;
	_ =	sdelay $0x1  }
0xb5: {  	v3 =	vperm.xlane v3, v2;
	_ =	sdelay $0x1  }
0xb6: {  	s31 =	simm.s32 $0xE000;
	v3 =	vadd.s32 v1, v3  }
0xb7: {  	[tilespmem:s31], [sflag:$0x2] =	stream.indirect_vreg.gather [hbm4b:s2+s3], $0x80, v4, vm0, $0xb8;
	[tilespmem:$0x18800] =	vst v63  }
0xb8: {  	s0 =	simm.s32 $0xE800  }
0xb9: {  	[tilespmem:s0], [sflag:$0x2] =	stream.indirect_vreg.gather [hbm4b:s5+s3], $0x80, v4, vm1, $0xb8;
	[tilespmem:$0x18800] =	vst v63  }
0xba: {  	s1 =	simm.s32 $0xEC00  }
0xbb: {  	[tilespmem:s1], [sflag:$0x2] =	stream.indirect_vreg.gather [hbm4b:s2+s3], $0x80, v3, vm0, $0xb8;
	[tilespmem:$0x18800] =	vst v63  }
0xbc: {  	s6 =	simm.s32 $0xF400  }
0xbd: {  	[tilespmem:s6], [sflag:$0x2] =	stream.indirect_vreg.gather [hbm4b:s5+s3], $0x80, v3, vm1, $0xb8;
	[tilespmem:$0x18800] =	vst v63  }
0xbe: {  	v3 =	vld [tilespmem:$0xA0];
	_ =	sdelay $0x4  }
0xbf: {  	v58 =	vshrl.u32 v3, $0x3  }
0xc0: {  	v4 =	vmul.u32 $0x18, v58  }
0xc1: {  	v3 =	vand.u32 $0x7, v3  }
0xc2: {  	v3 =	vor.u32 v3, v4  }
0xc3: {  	v4 =	vperm.xlane v3, v0;
	_ =	sdelay $0x1  }
0xc4: {  	v4 =	vadd.s32 v1, v4;
	_ =	sdelay $0x1  }
0xc5: {  	v3 =	vperm.xlane v3, v2;
	_ =	sdelay $0x1  }
0xc6: {  	s8 =	simm.s32 $0xF800;
	v3 =	vadd.s32 v1, v3  }
0xc7: {  	[tilespmem:s8], [sflag:$0x2] =	stream.indirect_vreg.gather [hbm4b:s2+s3], $0x80, v4, vm0, $0xb8;
	[tilespmem:$0x18800] =	vst v63  }
0xc8: {  	s10 =	simm.s32 $0x10000  }
0xc9: {  	[tilespmem:s10], [sflag:$0x2] =	stream.indirect_vreg.gather [hbm4b:s5+s3], $0x80, v4, vm1, $0xb8;
	[tilespmem:$0x18800] =	vst v63  }
0xca: {  	s11 =	simm.s32 $0x10400  }
0xcb: {  	[tilespmem:s11], [sflag:$0x2] =	stream.indirect_vreg.gather [hbm4b:s2+s3], $0x80, v3, vm0, $0xb8;
	[tilespmem:$0x18800] =	vst v63  }
0xcc: {  	s13 =	simm.s32 $0x10C00  }
0xcd: {  	[tilespmem:s13], [sflag:$0x2] =	stream.indirect_vreg.gather [hbm4b:s5+s3], $0x80, v3, vm1, $0xb8;
	[tilespmem:$0x18800] =	vst v63  }
0xce: {  	v3 =	vld [tilespmem:$0xB0];
	_ =	sdelay $0x4  }
0xcf: {  	v59 =	vshrl.u32 v3, $0x3  }
0xd0: {  	v4 =	vmul.u32 $0x18, v59  }
0xd1: {  	v3 =	vand.u32 $0x7, v3  }
0xd2: {  	v3 =	vor.u32 v3, v4  }
0xd3: {  	v4 =	vperm.xlane v3, v0;
	_ =	sdelay $0x1  }
0xd4: {  	v4 =	vadd.s32 v1, v4;
	_ =	sdelay $0x1  }
0xd5: {  	v3 =	vperm.xlane v3, v2;
	_ =	sdelay $0x1  }
0xd6: {  	s14 =	simm.s32 $0x11000;
	v3 =	vadd.s32 v1, v3  }
0xd7: {  	[tilespmem:s14], [sflag:$0x2] =	stream.indirect_vreg.gather [hbm4b:s2+s3], $0x80, v4, vm0, $0xb8;
	[tilespmem:$0x18800] =	vst v63  }
0xd8: {  	s15 =	simm.s32 $0x11800  }
0xd9: {  	[tilespmem:s15], [sflag:$0x2] =	stream.indirect_vreg.gather [hbm4b:s5+s3], $0x80, v4, vm1, $0xb8;
	[tilespmem:$0x18800] =	vst v63  }
0xda: {  	s18 =	simm.s32 $0x11C00  }
0xdb: {  	[tilespmem:s18], [sflag:$0x2] =	stream.indirect_vreg.gather [hbm4b:s2+s3], $0x80, v3, vm0, $0xb8;
	[tilespmem:$0x18800] =	vst v63  }
0xdc: {  	s19 =	simm.s32 $0x12400  }
0xdd: {  	[tilespmem:s19], [sflag:$0x2] =	stream.indirect_vreg.gather [hbm4b:s5+s3], $0x80, v3, vm1, $0xb8;
	[tilespmem:$0x18800] =	vst v63  }
0xde: {  	v3 =	vld [tilespmem:$0xC0];
	_ =	sdelay $0x4  }
0xdf: {  	v60 =	vshrl.u32 v3, $0x3  }
0xe0: {  	v4 =	vmul.u32 $0x18, v60  }
0xe1: {  	v3 =	vand.u32 $0x7, v3  }
0xe2: {  	v3 =	vor.u32 v3, v4  }
0xe3: {  	v4 =	vperm.xlane v3, v0;
	_ =	sdelay $0x1  }
0xe4: {  	v4 =	vadd.s32 v1, v4;
	_ =	sdelay $0x1  }
0xe5: {  	v3 =	vperm.xlane v3, v2;
	_ =	sdelay $0x1  }
0xe6: {  	s21 =	simm.s32 $0x12800;
	v3 =	vadd.s32 v1, v3  }
0xe7: {  	[tilespmem:s21], [sflag:$0x2] =	stream.indirect_vreg.gather [hbm4b:s2+s3], $0x80, v4, vm0, $0xb8;
	[tilespmem:$0x18800] =	vst v63  }
0xe8: {  	s22 =	simm.s32 $0x13000  }
0xe9: {  	[tilespmem:s22], [sflag:$0x2] =	stream.indirect_vreg.gather [hbm4b:s5+s3], $0x80, v4, vm1, $0xb8;
	[tilespmem:$0x18800] =	vst v63  }
0xea: {  	s28 =	simm.s32 $0x13400  }
0xeb: {  	[tilespmem:s28], [sflag:$0x2] =	stream.indirect_vreg.gather [hbm4b:s2+s3], $0x80, v3, vm0, $0xb8;
	[tilespmem:$0x18800] =	vst v63  }
0xec: {  	s29 =	simm.s32 $0x13C00  }
0xed: {  	[tilespmem:s29], [sflag:$0x2] =	stream.indirect_vreg.gather [hbm4b:s5+s3], $0x80, v3, vm1, $0xb8;
	[tilespmem:$0x18800] =	vst v63  }
0xee: {  	v3 =	vld [tilespmem:$0xD0];
	_ =	sdelay $0x4  }
0xef: {  	v61 =	vshrl.u32 v3, $0x3  }
0xf0: {  	v4 =	vmul.u32 $0x18, v61  }
0xf1: {  	v3 =	vand.u32 $0x7, v3  }
0xf2: {  	v3 =	vor.u32 v3, v4  }
0xf3: {  	v4 =	vperm.xlane v3, v0;
	_ =	sdelay $0x1  }
0xf4: {  	v4 =	vadd.s32 v1, v4;
	_ =	sdelay $0x1  }
0xf5: {  	v3 =	vperm.xlane v3, v2;
	_ =	sdelay $0x1  }
0xf6: {  	s30 =	simm.s32 $0x14000;
	v3 =	vadd.s32 v1, v3  }
0xf7: {  	[tilespmem:s30], [sflag:$0x2] =	stream.indirect_vreg.gather [hbm4b:s2+s3], $0x80, v4, vm0, $0xb8;
	[tilespmem:$0x18800] =	vst v63  }
0xf8: {  	s31 =	simm.s32 $0x14800  }
0xf9: {  	[tilespmem:s31], [sflag:$0x2] =	stream.indirect_vreg.gather [hbm4b:s5+s3], $0x80, v4, vm1, $0xb8;
	[tilespmem:$0x18800] =	vst v63  }
0xfa: {  	s0 =	simm.s32 $0x14C00  }
0xfb: {  	[tilespmem:s0], [sflag:$0x2] =	stream.indirect_vreg.gather [hbm4b:s2+s3], $0x80, v3, vm0, $0xb8;
	[tilespmem:$0x18800] =	vst v63  }
0xfc: {  	s1 =	simm.s32 $0x15400  }
0xfd: {  	[tilespmem:s1], [sflag:$0x2] =	stream.indirect_vreg.gather [hbm4b:s5+s3], $0x80, v3, vm1, $0xb8;
	[tilespmem:$0x18800] =	vst v63  }
0xfe: {  	v3 =	vld [tilespmem:$0xE0];
	_ =	sdelay $0x4  }
0xff: {  	v62 =	vshrl.u32 v3, $0x3  }
0x100: {  	v4 =	vmul.u32 $0x18, v62  }
0x101: {  	v3 =	vand.u32 $0x7, v3  }
0x102: {  	v3 =	vor.u32 v3, v4  }
0x103: {  	v4 =	vperm.xlane v3, v0;
	_ =	sdelay $0x1  }
0x104: {  	v4 =	vadd.s32 v1, v4;
	_ =	sdelay $0x1  }
0x105: {  	v3 =	vperm.xlane v3, v2;
	_ =	sdelay $0x1  }
0x106: {  	s6 =	simm.s32 $0x15800;
	v3 =	vadd.s32 v1, v3  }
0x107: {  	[tilespmem:s6], [sflag:$0x2] =	stream.indirect_vreg.gather [hbm4b:s2+s3], $0x80, v4, vm0, $0xb8;
	[tilespmem:$0x18800] =	vst v63  }
0x108: {  	s8 =	simm.s32 $0x16000  }
0x109: {  	[tilespmem:s8], [sflag:$0x2] =	stream.indirect_vreg.gather [hbm4b:s5+s3], $0x80, v4, vm1, $0xb8;
	[tilespmem:$0x18800] =	vst v63  }
0x10a: {  	s10 =	simm.s32 $0x16400  }
0x10b: {  	[tilespmem:s10], [sflag:$0x2] =	stream.indirect_vreg.gather [hbm4b:s2+s3], $0x80, v3, vm0, $0xb8;
	[tilespmem:$0x18800] =	vst v63  }
0x10c: {  	s11 =	simm.s32 $0x16C00  }
0x10d: {  	[tilespmem:s11], [sflag:$0x2] =	stream.indirect_vreg.gather [hbm4b:s5+s3], $0x80, v3, vm1, $0xb8;
	[tilespmem:$0x18800] =	vst v63  }
0x10e: {  	v3 =	vld [tilespmem:$0xF0];
	_ =	sdelay $0x4  }
0x10f: {  	v63 =	vshrl.u32 v3, $0x3  }
0x110: {  	v4 =	vmul.u32 $0x18, v63  }
0x111: {  	v3 =	vand.u32 $0x7, v3  }
0x112: {  	v3 =	vor.u32 v3, v4  }
0x113: {  	v4 =	vperm.xlane v3, v0;
	_ =	sdelay $0x1  }
0x114: {  	v4 =	vadd.s32 v1, v4;
	_ =	sdelay $0x1  }
0x115: {  	v3 =	vperm.xlane v3, v2;
	_ =	sdelay $0x1  }
0x116: {  	s13 =	simm.s32 $0x17000;
	v3 =	vadd.s32 v1, v3  }
0x117: {  	[tilespmem:s13], [sflag:$0x2] =	stream.indirect_vreg.gather [hbm4b:s2+s3], $0x80, v4, vm0, $0xb8;
	[tilespmem:$0x18800] =	vst v63  }
0x118: {  	s14 =	simm.s32 $0x17800  }
0x119: {  	[tilespmem:s14], [sflag:$0x2] =	stream.indirect_vreg.gather [hbm4b:s5+s3], $0x80, v4, vm1, $0xb8;
	[tilespmem:$0x18800] =	vst v63  }
0x11a: {  	s15 =	simm.s32 $0x17C00  }
0x11b: {  	[tilespmem:s15], [sflag:$0x2] =	stream.indirect_vreg.gather [hbm4b:s2+s3], $0x80, v3, vm0, $0xb8;
	[tilespmem:$0x18800] =	vst v63  }
0x11c: {  	s18 =	simm.s32 $0x18400  }
0x11d: {  	[tilespmem:s18], [sflag:$0x2] =	stream.indirect_vreg.gather [hbm4b:s5+s3], $0x80, v3, vm1, $0xb8;
	[tilespmem:$0x18800] =	vst v63  }
0x11e: {  	_ =	swait.ge [sflag:s23], $0xC000  }
0x11f: {  	[sflag:s23] =	ssyncset.done $0x0  }
0x120: {  	s21 =	simm.s32 $0x800;
	s19 =	rddreg [dreg:$0x13];
	[sflag:s23] =	ssyncadd.s32 $0xFFFF4000  }
0x121: {  	[hbm4b:s19+s3] =	stream.linear.scatter [tilespmem:s21], [sflag:$0x3], $0xC000, $0x38;
	[tilespmem:$0x18800] =	vst v63  }
0x122: {  	_ =	swait.ge [sflag:s7], $0xC000  }
0x123: {  	[sflag:s7] =	ssyncset.done $0x0  }
0x124: {  	[sflag:s7] =	ssyncadd.s32 $0xFFFF4000  }
0x125: {  	v3 =	vld [tilespmem:$0x100];
	_ =	sdelay $0x4  }
0x126: {  	v8 =	vshrl.u32 v3, $0x3  }
0x127: {  	v4 =	vmul.u32 $0x18, v8  }
0x128: {  	v3 =	vand.u32 $0x7, v3  }
0x129: {  	v3 =	vor.u32 v3, v4  }
0x12a: {  	v4 =	vperm.xlane v3, v0;
	_ =	sdelay $0x1  }
0x12b: {  	v4 =	vadd.s32 v1, v4;
	_ =	sdelay $0x1  }
0x12c: {  	v3 =	vperm.xlane v3, v2;
	_ =	sdelay $0x1  }
0x12d: {  	v3 =	vadd.s32 v1, v3  }
0x12e: {  	[tilespmem:s21], [sflag:$0x1] =	stream.indirect_vreg.gather [hbm4b:s2+s3], $0x80, v4, vm0, $0xb8;
	[tilespmem:$0x18800] =	vst v63  }
0x12f: {  	s22 =	simm.s32 $0x1000  }
0x130: {  	[tilespmem:s22], [sflag:$0x1] =	stream.indirect_vreg.gather [hbm4b:s5+s3], $0x80, v4, vm1, $0xb8;
	[tilespmem:$0x18800] =	vst v63  }
0x131: {  	s1 =	simm.s32 $0x1400  }
0x132: {  	[tilespmem:s1], [sflag:$0x1] =	stream.indirect_vreg.gather [hbm4b:s2+s3], $0x80, v3, vm0, $0xb8;
	[tilespmem:$0x18800] =	vst v63  }
0x133: {  	s4 =	simm.s32 $0x1C00  }
0x134: {  	[tilespmem:s4], [sflag:$0x1] =	stream.indirect_vreg.gather [hbm4b:s5+s3], $0x80, v3, vm1, $0xb8;
	[tilespmem:$0x18800] =	vst v63  }
0x135: {  	v3 =	vld [tilespmem:$0x110];
	_ =	sdelay $0x4  }
0x136: {  	v9 =	vshrl.u32 v3, $0x3  }
0x137: {  	v4 =	vmul.u32 $0x18, v9  }
0x138: {  	v3 =	vand.u32 $0x7, v3  }
0x139: {  	v3 =	vor.u32 v3, v4  }
0x13a: {  	v4 =	vperm.xlane v3, v0;
	_ =	sdelay $0x1  }
0x13b: {  	v4 =	vadd.s32 v1, v4;
	_ =	sdelay $0x1  }
0x13c: {  	v3 =	vperm.xlane v3, v2;
	_ =	sdelay $0x1  }
0x13d: {  	s4 =	simm.s32 $0x2000;
	v3 =	vadd.s32 v1, v3  }
0x13e: {  	[tilespmem:s4], [sflag:$0x1] =	stream.indirect_vreg.gather [hbm4b:s2+s3], $0x80, v4, vm0, $0xb8;
	[tilespmem:$0x18800] =	vst v63  }
0x13f: {  	s6 =	simm.s32 $0x2800  }
0x140: {  	[tilespmem:s6], [sflag:$0x1] =	stream.indirect_vreg.gather [hbm4b:s5+s3], $0x80, v4, vm1, $0xb8;
	[tilespmem:$0x18800] =	vst v63  }
0x141: {  	s8 =	simm.s32 $0x2C00  }
0x142: {  	[tilespmem:s8], [sflag:$0x1] =	stream.indirect_vreg.gather [hbm4b:s2+s3], $0x80, v3, vm0, $0xb8;
	[tilespmem:$0x18800] =	vst v63  }
0x143: {  	s9 =	simm.s32 $0x3400  }
0x144: {  	[tilespmem:s9], [sflag:$0x1] =	stream.indirect_vreg.gather [hbm4b:s5+s3], $0x80, v3, vm1, $0xb8;
	[tilespmem:$0x18800] =	vst v63  }
0x145: {  	v3 =	vld [tilespmem:$0x120];
	_ =	sdelay $0x4  }
0x146: {  	v10 =	vshrl.u32 v3, $0x3  }
0x147: {  	v4 =	vmul.u32 $0x18, v10  }
0x148: {  	v3 =	vand.u32 $0x7, v3  }
0x149: {  	v3 =	vor.u32 v3, v4  }
0x14a: {  	v4 =	vperm.xlane v3, v0;
	_ =	sdelay $0x1  }
0x14b: {  	v4 =	vadd.s32 v1, v4;
	_ =	sdelay $0x1  }
0x14c: {  	v3 =	vperm.xlane v3, v2;
	_ =	sdelay $0x1  }
0x14d: {  	s9 =	simm.s32 $0x3800;
	v3 =	vadd.s32 v1, v3  }
0x14e: {  	[tilespmem:s9], [sflag:$0x1] =	stream.indirect_vreg.gather [hbm4b:s2+s3], $0x80, v4, vm0, $0xb8;
	[tilespmem:$0x18800] =	vst v63  }
0x14f: {  	s10 =	simm.s32 $0x4000  }
0x150: {  	[tilespmem:s10], [sflag:$0x1] =	stream.indirect_vreg.gather [hbm4b:s5+s3], $0x80, v4, vm1, $0xb8;
	[tilespmem:$0x18800] =	vst v63  }
0x151: {  	s11 =	simm.s32 $0x4400  }
0x152: {  	[tilespmem:s11], [sflag:$0x1] =	stream.indirect_vreg.gather [hbm4b:s2+s3], $0x80, v3, vm0, $0xb8;
	[tilespmem:$0x18800] =	vst v63  }
0x153: {  	s12 =	simm.s32 $0x4C00  }
0x154: {  	[tilespmem:s12], [sflag:$0x1] =	stream.indirect_vreg.gather [hbm4b:s5+s3], $0x80, v3, vm1, $0xb8;
	[tilespmem:$0x18800] =	vst v63  }
0x155: {  	v3 =	vld [tilespmem:$0x130];
	_ =	sdelay $0x4  }
0x156: {  	v11 =	vshrl.u32 v3, $0x3  }
0x157: {  	v4 =	vmul.u32 $0x18, v11  }
0x158: {  	v3 =	vand.u32 $0x7, v3  }
0x159: {  	v3 =	vor.u32 v3, v4  }
0x15a: {  	v4 =	vperm.xlane v3, v0;
	_ =	sdelay $0x1  }
0x15b: {  	v4 =	vadd.s32 v1, v4;
	_ =	sdelay $0x1  }
0x15c: {  	v3 =	vperm.xlane v3, v2;
	_ =	sdelay $0x1  }
0x15d: {  	s12 =	simm.s32 $0x5000;
	v3 =	vadd.s32 v1, v3  }
0x15e: {  	[tilespmem:s12], [sflag:$0x1] =	stream.indirect_vreg.gather [hbm4b:s2+s3], $0x80, v4, vm0, $0xb8;
	[tilespmem:$0x18800] =	vst v63  }
0x15f: {  	s13 =	simm.s32 $0x5800  }
0x160: {  	[tilespmem:s13], [sflag:$0x1] =	stream.indirect_vreg.gather [hbm4b:s5+s3], $0x80, v4, vm1, $0xb8;
	[tilespmem:$0x18800] =	vst v63  }
0x161: {  	s14 =	simm.s32 $0x5C00  }
0x162: {  	[tilespmem:s14], [sflag:$0x1] =	stream.indirect_vreg.gather [hbm4b:s2+s3], $0x80, v3, vm0, $0xb8;
	[tilespmem:$0x18800] =	vst v63  }
0x163: {  	s16 =	simm.s32 $0x6400  }
0x164: {  	[tilespmem:s16], [sflag:$0x1] =	stream.indirect_vreg.gather [hbm4b:s5+s3], $0x80, v3, vm1, $0xb8;
	[tilespmem:$0x18800] =	vst v63  }
0x165: {  	v3 =	vld [tilespmem:$0x140];
	_ =	sdelay $0x4  }
0x166: {  	v12 =	vshrl.u32 v3, $0x3  }
0x167: {  	v4 =	vmul.u32 $0x18, v12  }
0x168: {  	v3 =	vand.u32 $0x7, v3  }
0x169: {  	v3 =	vor.u32 v3, v4  }
0x16a: {  	v4 =	vperm.xlane v3, v0;
	_ =	sdelay $0x1  }
0x16b: {  	v4 =	vadd.s32 v1, v4;
	_ =	sdelay $0x1  }
0x16c: {  	v3 =	vperm.xlane v3, v2;
	_ =	sdelay $0x1  }
0x16d: {  	s18 =	simm.s32 $0x6800;
	v3 =	vadd.s32 v1, v3  }
0x16e: {  	[tilespmem:s18], [sflag:$0x1] =	stream.indirect_vreg.gather [hbm4b:s2+s3], $0x80, v4, vm0, $0xb8;
	[tilespmem:$0x18800] =	vst v63  }
0x16f: {  	s29 =	simm.s32 $0x7000  }
0x170: {  	[tilespmem:s29], [sflag:$0x1] =	stream.indirect_vreg.gather [hbm4b:s5+s3], $0x80, v4, vm1, $0xb8;
	[tilespmem:$0x18800] =	vst v63  }
0x171: {  	s30 =	simm.s32 $0x7400  }
0x172: {  	[tilespmem:s30], [sflag:$0x1] =	stream.indirect_vreg.gather [hbm4b:s2+s3], $0x80, v3, vm0, $0xb8;
	[tilespmem:$0x18800] =	vst v63  }
0x173: {  	s17 =	simm.s32 $0x7C00  }
0x174: {  	[tilespmem:s17], [sflag:$0x1] =	stream.indirect_vreg.gather [hbm4b:s5+s3], $0x80, v3, vm1, $0xb8;
	[tilespmem:$0x18800] =	vst v63  }
0x175: {  	v3 =	vld [tilespmem:$0x150];
	_ =	sdelay $0x4  }
0x176: {  	v13 =	vshrl.u32 v3, $0x3  }
0x177: {  	v4 =	vmul.u32 $0x18, v13  }
0x178: {  	v3 =	vand.u32 $0x7, v3  }
0x179: {  	v3 =	vor.u32 v3, v4  }
0x17a: {  	v4 =	vperm.xlane v3, v0;
	_ =	sdelay $0x1  }
0x17b: {  	v4 =	vadd.s32 v1, v4;
	_ =	sdelay $0x1  }
0x17c: {  	v3 =	vperm.xlane v3, v2;
	_ =	sdelay $0x1  }
0x17d: {  	s31 =	simm.s32 $0x8000;
	v3 =	vadd.s32 v1, v3  }
0x17e: {  	[tilespmem:s31], [sflag:$0x1] =	stream.indirect_vreg.gather [hbm4b:s2+s3], $0x80, v4, vm0, $0xb8;
	[tilespmem:$0x18800] =	vst v63  }
0x17f: {  	s17 =	simm.s32 $0x8800  }
0x180: {  	[tilespmem:s17], [sflag:$0x1] =	stream.indirect_vreg.gather [hbm4b:s5+s3], $0x80, v4, vm1, $0xb8;
	[tilespmem:$0x18800] =	vst v63  }
0x181: {  	s19 =	simm.s32 $0x8C00  }
0x182: {  	[tilespmem:s19], [sflag:$0x1] =	stream.indirect_vreg.gather [hbm4b:s2+s3], $0x80, v3, vm0, $0xb8;
	[tilespmem:$0x18800] =	vst v63  }
0x183: {  	s20 =	simm.s32 $0x9400  }
0x184: {  	[tilespmem:s20], [sflag:$0x1] =	stream.indirect_vreg.gather [hbm4b:s5+s3], $0x80, v3, vm1, $0xb8;
	[tilespmem:$0x18800] =	vst v63  }
0x185: {  	v3 =	vld [tilespmem:$0x160];
	_ =	sdelay $0x4  }
0x186: {  	v14 =	vshrl.u32 v3, $0x3  }
0x187: {  	v4 =	vmul.u32 $0x18, v14  }
0x188: {  	v3 =	vand.u32 $0x7, v3  }
0x189: {  	v3 =	vor.u32 v3, v4  }
0x18a: {  	v4 =	vperm.xlane v3, v0;
	_ =	sdelay $0x1  }
0x18b: {  	v4 =	vadd.s32 v1, v4;
	_ =	sdelay $0x1  }
0x18c: {  	v3 =	vperm.xlane v3, v2;
	_ =	sdelay $0x1  }
0x18d: {  	s20 =	simm.s32 $0x9800;
	v3 =	vadd.s32 v1, v3  }
0x18e: {  	[tilespmem:s20], [sflag:$0x1] =	stream.indirect_vreg.gather [hbm4b:s2+s3], $0x80, v4, vm0, $0xb8;
	[tilespmem:$0x18800] =	vst v63  }
0x18f: {  	s21 =	simm.s32 $0xA000  }
0x190: {  	[tilespmem:s21], [sflag:$0x1] =	stream.indirect_vreg.gather [hbm4b:s5+s3], $0x80, v4, vm1, $0xb8;
	[tilespmem:$0x18800] =	vst v63  }
0x191: {  	s22 =	simm.s32 $0xA400  }
0x192: {  	[tilespmem:s22], [sflag:$0x1] =	stream.indirect_vreg.gather [hbm4b:s2+s3], $0x80, v3, vm0, $0xb8;
	[tilespmem:$0x18800] =	vst v63  }
0x193: {  	s26 =	simm.s32 $0xAC00  }
0x194: {  	[tilespmem:s26], [sflag:$0x1] =	stream.indirect_vreg.gather [hbm4b:s5+s3], $0x80, v3, vm1, $0xb8;
	[tilespmem:$0x18800] =	vst v63  }
0x195: {  	v3 =	vld [tilespmem:$0x170];
	_ =	sdelay $0x4  }
0x196: {  	v15 =	vshrl.u32 v3, $0x3  }
0x197: {  	v4 =	vmul.u32 $0x18, v15  }
0x198: {  	v3 =	vand.u32 $0x7, v3  }
0x199: {  	v3 =	vor.u32 v3, v4  }
0x19a: {  	v4 =	vperm.xlane v3, v0;
	_ =	sdelay $0x1  }
0x19b: {  	v4 =	vadd.s32 v1, v4;
	_ =	sdelay $0x1  }
0x19c: {  	v3 =	vperm.xlane v3, v2;
	_ =	sdelay $0x1  }
0x19d: {  	s26 =	simm.s32 $0xB000;
	v3 =	vadd.s32 v1, v3  }
0x19e: {  	[tilespmem:s26], [sflag:$0x1] =	stream.indirect_vreg.gather [hbm4b:s2+s3], $0x80, v4, vm0, $0xb8;
	[tilespmem:$0x18800] =	vst v63  }
0x19f: {  	s28 =	simm.s32 $0xB800  }
0x1a0: {  	[tilespmem:s28], [sflag:$0x1] =	stream.indirect_vreg.gather [hbm4b:s5+s3], $0x80, v4, vm1, $0xb8;
	[tilespmem:$0x18800] =	vst v63  }
0x1a1: {  	s16 =	simm.s32 $0xBC00  }
0x1a2: {  	[tilespmem:s16], [sflag:$0x1] =	stream.indirect_vreg.gather [hbm4b:s2+s3], $0x80, v3, vm0, $0xb8;
	[tilespmem:$0x18800] =	vst v63  }
0x1a3: {  	s15 =	simm.s32 $0xC400  }
0x1a4: {  	[tilespmem:s15], [sflag:$0x1] =	stream.indirect_vreg.gather [hbm4b:s5+s3], $0x80, v3, vm1, $0xb8;
	[tilespmem:$0x18800] =	vst v63  }
0x1a5: {  	_ =	swait.ge [sflag:s24], $0xC000  }
0x1a6: {  	[sflag:s24] =	ssyncset.done $0x0  }
0x1a7: {  	s0 =	simm.s32 $0xC800;
	s25 =	rddreg [dreg:$0x4];
	[sflag:s24] =	ssyncadd.s32 $0xFFFF4000  }
0x1a8: {  	[hbm4b:s25+s3] =	stream.linear.scatter [tilespmem:s0], [sflag:$0x3], $0xC000, $0x38;
	[tilespmem:$0x18800] =	vst v63  }
0x1a9: {  	_ =	swait.ge [sflag:s7], $0xC000  }
0x1aa: {  	[sflag:s7] =	ssyncset.done $0x0  }
0x1ab: {  	[sflag:s7] =	ssyncadd.s32 $0xFFFF4000  }
0x1ac: {  	v3 =	vld [tilespmem:$0x180];
	_ =	sdelay $0x4  }
0x1ad: {  	v16 =	vshrl.u32 v3, $0x3  }
0x1ae: {  	v4 =	vmul.u32 $0x18, v16  }
0x1af: {  	v3 =	vand.u32 $0x7, v3  }
0x1b0: {  	v3 =	vor.u32 v3, v4  }
0x1b1: {  	v4 =	vperm.xlane v3, v0;
	_ =	sdelay $0x1  }
0x1b2: {  	v4 =	vadd.s32 v1, v4;
	_ =	sdelay $0x1  }
0x1b3: {  	v3 =	vperm.xlane v3, v2;
	_ =	sdelay $0x1  }
0x1b4: {  	v3 =	vadd.s32 v1, v3  }
0x1b5: {  	[tilespmem:s0], [sflag:$0x2] =	stream.indirect_vreg.gather [hbm4b:s2+s3], $0x80, v4, vm0, $0xb8;
	[tilespmem:$0x18800] =	vst v63  }
0x1b6: {  	s25 =	simm.s32 $0xD000  }
0x1b7: {  	[tilespmem:s25], [sflag:$0x2] =	stream.indirect_vreg.gather [hbm4b:s5+s3], $0x80, v4, vm1, $0xb8;
	[tilespmem:$0x18800] =	vst v63  }
0x1b8: {  	s25 =	simm.s32 $0xD400  }
0x1b9: {  	[tilespmem:s25], [sflag:$0x2] =	stream.indirect_vreg.gather [hbm4b:s2+s3], $0x80, v3, vm0, $0xb8;
	[tilespmem:$0x18800] =	vst v63  }
0x1ba: {  	s25 =	simm.s32 $0xDC00  }
0x1bb: {  	[tilespmem:s25], [sflag:$0x2] =	stream.indirect_vreg.gather [hbm4b:s5+s3], $0x80, v3, vm1, $0xb8;
	[tilespmem:$0x18800] =	vst v63  }
0x1bc: {  	v3 =	vld [tilespmem:$0x190];
	_ =	sdelay $0x4  }
0x1bd: {  	v17 =	vshrl.u32 v3, $0x3  }
0x1be: {  	v4 =	vmul.u32 $0x18, v17  }
0x1bf: {  	v3 =	vand.u32 $0x7, v3  }
0x1c0: {  	v3 =	vor.u32 v3, v4  }
0x1c1: {  	v4 =	vperm.xlane v3, v0;
	_ =	sdelay $0x1  }
0x1c2: {  	v4 =	vadd.s32 v1, v4;
	_ =	sdelay $0x1  }
0x1c3: {  	v3 =	vperm.xlane v3, v2;
	_ =	sdelay $0x1  }
0x1c4: {  	s25 =	simm.s32 $0xE000;
	v3 =	vadd.s32 v1, v3  }
0x1c5: {  	[tilespmem:s25], [sflag:$0x2] =	stream.indirect_vreg.gather [hbm4b:s2+s3], $0x80, v4, vm0, $0xb8;
	[tilespmem:$0x18800] =	vst v63  }
0x1c6: {  	s25 =	simm.s32 $0xE800  }
0x1c7: {  	[tilespmem:s25], [sflag:$0x2] =	stream.indirect_vreg.gather [hbm4b:s5+s3], $0x80, v4, vm1, $0xb8;
	[tilespmem:$0x18800] =	vst v63  }
0x1c8: {  	s25 =	simm.s32 $0xEC00  }
0x1c9: {  	[tilespmem:s25], [sflag:$0x2] =	stream.indirect_vreg.gather [hbm4b:s2+s3], $0x80, v3, vm0, $0xb8;
	[tilespmem:$0x18800] =	vst v63  }
0x1ca: {  	s25 =	simm.s32 $0xF400  }
0x1cb: {  	[tilespmem:s25], [sflag:$0x2] =	stream.indirect_vreg.gather [hbm4b:s5+s3], $0x80, v3, vm1, $0xb8;
	[tilespmem:$0x18800] =	vst v63  }
0x1cc: {  	v3 =	vld [tilespmem:$0x1A0];
	_ =	sdelay $0x4  }
0x1cd: {  	v18 =	vshrl.u32 v3, $0x3  }
0x1ce: {  	v4 =	vmul.u32 $0x18, v18  }
0x1cf: {  	v3 =	vand.u32 $0x7, v3  }
0x1d0: {  	v3 =	vor.u32 v3, v4  }
0x1d1: {  	v4 =	vperm.xlane v3, v0;
	_ =	sdelay $0x1  }
0x1d2: {  	v4 =	vadd.s32 v1, v4;
	_ =	sdelay $0x1  }
0x1d3: {  	v3 =	vperm.xlane v3, v2;
	_ =	sdelay $0x1  }
0x1d4: {  	s25 =	simm.s32 $0xF800;
	v3 =	vadd.s32 v1, v3  }
0x1d5: {  	[tilespmem:s25], [sflag:$0x2] =	stream.indirect_vreg.gather [hbm4b:s2+s3], $0x80, v4, vm0, $0xb8;
	[tilespmem:$0x18800] =	vst v63  }
0x1d6: {  	s25 =	simm.s32 $0x10000  }
0x1d7: {  	[tilespmem:s25], [sflag:$0x2] =	stream.indirect_vreg.gather [hbm4b:s5+s3], $0x80, v4, vm1, $0xb8;
	[tilespmem:$0x18800] =	vst v63  }
0x1d8: {  	s25 =	simm.s32 $0x10400  }
0x1d9: {  	[tilespmem:s25], [sflag:$0x2] =	stream.indirect_vreg.gather [hbm4b:s2+s3], $0x80, v3, vm0, $0xb8;
	[tilespmem:$0x18800] =	vst v63  }
0x1da: {  	s25 =	simm.s32 $0x10C00  }
0x1db: {  	[tilespmem:s25], [sflag:$0x2] =	stream.indirect_vreg.gather [hbm4b:s5+s3], $0x80, v3, vm1, $0xb8;
	[tilespmem:$0x18800] =	vst v63  }
0x1dc: {  	v3 =	vld [tilespmem:$0x1B0];
	_ =	sdelay $0x4  }
0x1dd: {  	v19 =	vshrl.u32 v3, $0x3  }
0x1de: {  	v4 =	vmul.u32 $0x18, v19  }
0x1df: {  	v3 =	vand.u32 $0x7, v3  }
0x1e0: {  	v3 =	vor.u32 v3, v4  }
0x1e1: {  	v4 =	vperm.xlane v3, v0;
	_ =	sdelay $0x1  }
0x1e2: {  	v4 =	vadd.s32 v1, v4;
	_ =	sdelay $0x1  }
0x1e3: {  	v3 =	vperm.xlane v3, v2;
	_ =	sdelay $0x1  }
0x1e4: {  	s25 =	simm.s32 $0x11000;
	v3 =	vadd.s32 v1, v3  }
0x1e5: {  	[tilespmem:s25], [sflag:$0x2] =	stream.indirect_vreg.gather [hbm4b:s2+s3], $0x80, v4, vm0, $0xb8;
	[tilespmem:$0x18800] =	vst v63  }
0x1e6: {  	s25 =	simm.s32 $0x11800  }
0x1e7: {  	[tilespmem:s25], [sflag:$0x2] =	stream.indirect_vreg.gather [hbm4b:s5+s3], $0x80, v4, vm1, $0xb8;
	[tilespmem:$0x18800] =	vst v63  }
0x1e8: {  	s25 =	simm.s32 $0x11C00  }
0x1e9: {  	[tilespmem:s25], [sflag:$0x2] =	stream.indirect_vreg.gather [hbm4b:s2+s3], $0x80, v3, vm0, $0xb8;
	[tilespmem:$0x18800] =	vst v63  }
0x1ea: {  	s25 =	simm.s32 $0x12400  }
0x1eb: {  	[tilespmem:s25], [sflag:$0x2] =	stream.indirect_vreg.gather [hbm4b:s5+s3], $0x80, v3, vm1, $0xb8;
	[tilespmem:$0x18800] =	vst v63  }
0x1ec: {  	v3 =	vld [tilespmem:$0x1C0];
	_ =	sdelay $0x4  }
0x1ed: {  	v20 =	vshrl.u32 v3, $0x3  }
0x1ee: {  	v4 =	vmul.u32 $0x18, v20  }
0x1ef: {  	v3 =	vand.u32 $0x7, v3  }
0x1f0: {  	v3 =	vor.u32 v3, v4  }
0x1f1: {  	v4 =	vperm.xlane v3, v0;
	_ =	sdelay $0x1  }
0x1f2: {  	v4 =	vadd.s32 v1, v4;
	_ =	sdelay $0x1  }
0x1f3: {  	v3 =	vperm.xlane v3, v2;
	_ =	sdelay $0x1  }
0x1f4: {  	s25 =	simm.s32 $0x12800;
	v3 =	vadd.s32 v1, v3  }
0x1f5: {  	[tilespmem:s25], [sflag:$0x2] =	stream.indirect_vreg.gather [hbm4b:s2+s3], $0x80, v4, vm0, $0xb8;
	[tilespmem:$0x18800] =	vst v63  }
0x1f6: {  	s25 =	simm.s32 $0x13000  }
0x1f7: {  	[tilespmem:s25], [sflag:$0x2] =	stream.indirect_vreg.gather [hbm4b:s5+s3], $0x80, v4, vm1, $0xb8;
	[tilespmem:$0x18800] =	vst v63  }
0x1f8: {  	s25 =	simm.s32 $0x13400  }
0x1f9: {  	[tilespmem:s25], [sflag:$0x2] =	stream.indirect_vreg.gather [hbm4b:s2+s3], $0x80, v3, vm0, $0xb8;
	[tilespmem:$0x18800] =	vst v63  }
0x1fa: {  	s25 =	simm.s32 $0x13C00  }
0x1fb: {  	[tilespmem:s25], [sflag:$0x2] =	stream.indirect_vreg.gather [hbm4b:s5+s3], $0x80, v3, vm1, $0xb8;
	[tilespmem:$0x18800] =	vst v63  }
0x1fc: {  	v3 =	vld [tilespmem:$0x1D0];
	_ =	sdelay $0x4  }
0x1fd: {  	v21 =	vshrl.u32 v3, $0x3  }
0x1fe: {  	v4 =	vmul.u32 $0x18, v21  }
0x1ff: {  	v3 =	vand.u32 $0x7, v3  }
0x200: {  	v3 =	vor.u32 v3, v4  }
0x201: {  	v4 =	vperm.xlane v3, v0;
	_ =	sdelay $0x1  }
0x202: {  	v4 =	vadd.s32 v1, v4;
	_ =	sdelay $0x1  }
0x203: {  	v3 =	vperm.xlane v3, v2;
	_ =	sdelay $0x1  }
0x204: {  	s25 =	simm.s32 $0x14000;
	v3 =	vadd.s32 v1, v3  }
0x205: {  	[tilespmem:s25], [sflag:$0x2] =	stream.indirect_vreg.gather [hbm4b:s2+s3], $0x80, v4, vm0, $0xb8;
	[tilespmem:$0x18800] =	vst v63  }
0x206: {  	s25 =	simm.s32 $0x14800  }
0x207: {  	[tilespmem:s25], [sflag:$0x2] =	stream.indirect_vreg.gather [hbm4b:s5+s3], $0x80, v4, vm1, $0xb8;
	[tilespmem:$0x18800] =	vst v63  }
0x208: {  	s25 =	simm.s32 $0x14C00  }
0x209: {  	[tilespmem:s25], [sflag:$0x2] =	stream.indirect_vreg.gather [hbm4b:s2+s3], $0x80, v3, vm0, $0xb8;
	[tilespmem:$0x18800] =	vst v63  }
0x20a: {  	s25 =	simm.s32 $0x15400  }
0x20b: {  	[tilespmem:s25], [sflag:$0x2] =	stream.indirect_vreg.gather [hbm4b:s5+s3], $0x80, v3, vm1, $0xb8;
	[tilespmem:$0x18800] =	vst v63  }
0x20c: {  	v3 =	vld [tilespmem:$0x1E0];
	_ =	sdelay $0x4  }
0x20d: {  	v22 =	vshrl.u32 v3, $0x3  }
0x20e: {  	v4 =	vmul.u32 $0x18, v22  }
0x20f: {  	v3 =	vand.u32 $0x7, v3  }
0x210: {  	v3 =	vor.u32 v3, v4  }
0x211: {  	v4 =	vperm.xlane v3, v0;
	_ =	sdelay $0x1  }
0x212: {  	v4 =	vadd.s32 v1, v4;
	_ =	sdelay $0x1  }
0x213: {  	v3 =	vperm.xlane v3, v2;
	_ =	sdelay $0x1  }
0x214: {  	s25 =	simm.s32 $0x15800;
	v3 =	vadd.s32 v1, v3  }
0x215: {  	[tilespmem:s25], [sflag:$0x2] =	stream.indirect_vreg.gather [hbm4b:s2+s3], $0x80, v4, vm0, $0xb8;
	[tilespmem:$0x18800] =	vst v63  }
0x216: {  	s25 =	simm.s32 $0x16000  }
0x217: {  	[tilespmem:s25], [sflag:$0x2] =	stream.indirect_vreg.gather [hbm4b:s5+s3], $0x80, v4, vm1, $0xb8;
	[tilespmem:$0x18800] =	vst v63  }
0x218: {  	s25 =	simm.s32 $0x16400  }
0x219: {  	[tilespmem:s25], [sflag:$0x2] =	stream.indirect_vreg.gather [hbm4b:s2+s3], $0x80, v3, vm0, $0xb8;
	[tilespmem:$0x18800] =	vst v63  }
0x21a: {  	s25 =	simm.s32 $0x16C00  }
0x21b: {  	[tilespmem:s25], [sflag:$0x2] =	stream.indirect_vreg.gather [hbm4b:s5+s3], $0x80, v3, vm1, $0xb8;
	[tilespmem:$0x18800] =	vst v63  }
0x21c: {  	v3 =	vld [tilespmem:$0x1F0];
	_ =	sdelay $0x4  }
0x21d: {  	v23 =	vshrl.u32 v3, $0x3  }
0x21e: {  	v4 =	vmul.u32 $0x18, v23  }
0x21f: {  	v3 =	vand.u32 $0x7, v3  }
0x220: {  	v3 =	vor.u32 v3, v4  }
0x221: {  	v4 =	vperm.xlane v3, v0;
	_ =	sdelay $0x1  }
0x222: {  	v4 =	vadd.s32 v1, v4;
	_ =	sdelay $0x1  }
0x223: {  	v3 =	vperm.xlane v3, v2;
	_ =	sdelay $0x1  }
0x224: {  	s25 =	simm.s32 $0x17000;
	v3 =	vadd.s32 v1, v3  }
0x225: {  	[tilespmem:s25], [sflag:$0x2] =	stream.indirect_vreg.gather [hbm4b:s2+s3], $0x80, v4, vm0, $0xb8;
	[tilespmem:$0x18800] =	vst v63  }
0x226: {  	s25 =	simm.s32 $0x17800  }
0x227: {  	[tilespmem:s25], [sflag:$0x2] =	stream.indirect_vreg.gather [hbm4b:s5+s3], $0x80, v4, vm1, $0xb8;
	[tilespmem:$0x18800] =	vst v63  }
0x228: {  	s25 =	simm.s32 $0x17C00  }
0x229: {  	[tilespmem:s25], [sflag:$0x2] =	stream.indirect_vreg.gather [hbm4b:s2+s3], $0x80, v3, vm0, $0xb8;
	[tilespmem:$0x18800] =	vst v63  }
0x22a: {  	s25 =	simm.s32 $0x18400  }
0x22b: {  	[tilespmem:s25], [sflag:$0x2] =	stream.indirect_vreg.gather [hbm4b:s5+s3], $0x80, v3, vm1, $0xb8;
	[tilespmem:$0x18800] =	vst v63  }
0x22c: {  	_ =	swait.ge [sflag:s23], $0xC000  }
0x22d: {  	[sflag:s23] =	ssyncset.done $0x0  }
0x22e: {  	s0 =	simm.s32 $0x800;
	s25 =	rddreg [dreg:$0x5];
	[sflag:s23] =	ssyncadd.s32 $0xFFFF4000  }
0x22f: {  	[hbm4b:s25+s3] =	stream.linear.scatter [tilespmem:s0], [sflag:$0x3], $0xC000, $0x38;
	[tilespmem:$0x18800] =	vst v63  }
0x230: {  	_ =	swait.ge [sflag:s7], $0xC000  }
0x231: {  	[sflag:s7] =	ssyncset.done $0x0  }
0x232: {  	[sflag:s7] =	ssyncadd.s32 $0xFFFF4000  }
0x233: {  	v3 =	vld [tilespmem:$0x200];
	_ =	sdelay $0x4  }
0x234: {  	v24 =	vshrl.u32 v3, $0x3  }
0x235: {  	v4 =	vmul.u32 $0x18, v24  }
0x236: {  	v3 =	vand.u32 $0x7, v3  }
0x237: {  	v3 =	vor.u32 v3, v4  }
0x238: {  	v4 =	vperm.xlane v3, v0;
	_ =	sdelay $0x1  }
0x239: {  	v4 =	vadd.s32 v1, v4;
	_ =	sdelay $0x1  }
0x23a: {  	v3 =	vperm.xlane v3, v2;
	_ =	sdelay $0x1  }
0x23b: {  	v3 =	vadd.s32 v1, v3  }
0x23c: {  	[tilespmem:s0], [sflag:$0x1] =	stream.indirect_vreg.gather [hbm4b:s2+s3], $0x80, v4, vm0, $0xb8;
	[tilespmem:$0x18800] =	vst v63  }
0x23d: {  	s25 =	simm.s32 $0x1000  }
0x23e: {  	[tilespmem:s25], [sflag:$0x1] =	stream.indirect_vreg.gather [hbm4b:s5+s3], $0x80, v4, vm1, $0xb8;
	[tilespmem:$0x18800] =	vst v63  }
0x23f: {  	_ = 	snop  }
0x240: {  	[tilespmem:s1], [sflag:$0x1] =	stream.indirect_vreg.gather [hbm4b:s2+s3], $0x80, v3, vm0, $0xb8;
	[tilespmem:$0x18800] =	vst v63  }
0x241: {  	s1 =	simm.s32 $0x1C00  }
0x242: {  	[tilespmem:s1], [sflag:$0x1] =	stream.indirect_vreg.gather [hbm4b:s5+s3], $0x80, v3, vm1, $0xb8;
	[tilespmem:$0x18800] =	vst v63  }
0x243: {  	v3 =	vld [tilespmem:$0x210];
	_ =	sdelay $0x4  }
0x244: {  	v25 =	vshrl.u32 v3, $0x3  }
0x245: {  	v4 =	vmul.u32 $0x18, v25  }
0x246: {  	v3 =	vand.u32 $0x7, v3  }
0x247: {  	v3 =	vor.u32 v3, v4  }
0x248: {  	v4 =	vperm.xlane v3, v0;
	_ =	sdelay $0x1  }
0x249: {  	v4 =	vadd.s32 v1, v4;
	_ =	sdelay $0x1  }
0x24a: {  	v3 =	vperm.xlane v3, v2;
	_ =	sdelay $0x1  }
0x24b: {  	v3 =	vadd.s32 v1, v3  }
0x24c: {  	[tilespmem:s4], [sflag:$0x1] =	stream.indirect_vreg.gather [hbm4b:s2+s3], $0x80, v4, vm0, $0xb8;
	[tilespmem:$0x18800] =	vst v63  }
0x24d: {  	_ = 	snop  }
0x24e: {  	[tilespmem:s6], [sflag:$0x1] =	stream.indirect_vreg.gather [hbm4b:s5+s3], $0x80, v4, vm1, $0xb8;
	[tilespmem:$0x18800] =	vst v63  }
0x24f: {  	_ = 	snop  }
0x250: {  	[tilespmem:s8], [sflag:$0x1] =	stream.indirect_vreg.gather [hbm4b:s2+s3], $0x80, v3, vm0, $0xb8;
	[tilespmem:$0x18800] =	vst v63  }
0x251: {  	s8 =	simm.s32 $0x3400  }
0x252: {  	[tilespmem:s8], [sflag:$0x1] =	stream.indirect_vreg.gather [hbm4b:s5+s3], $0x80, v3, vm1, $0xb8;
	[tilespmem:$0x18800] =	vst v63  }
0x253: {  	v3 =	vld [tilespmem:$0x220];
	_ =	sdelay $0x4  }
0x254: {  	v26 =	vshrl.u32 v3, $0x3  }
0x255: {  	v4 =	vmul.u32 $0x18, v26  }
0x256: {  	v3 =	vand.u32 $0x7, v3  }
0x257: {  	v3 =	vor.u32 v3, v4  }
0x258: {  	v4 =	vperm.xlane v3, v0;
	_ =	sdelay $0x1  }
0x259: {  	v4 =	vadd.s32 v1, v4;
	_ =	sdelay $0x1  }
0x25a: {  	v3 =	vperm.xlane v3, v2;
	_ =	sdelay $0x1  }
0x25b: {  	v3 =	vadd.s32 v1, v3  }
0x25c: {  	[tilespmem:s9], [sflag:$0x1] =	stream.indirect_vreg.gather [hbm4b:s2+s3], $0x80, v4, vm0, $0xb8;
	[tilespmem:$0x18800] =	vst v63  }
0x25d: {  	_ = 	snop  }
0x25e: {  	[tilespmem:s10], [sflag:$0x1] =	stream.indirect_vreg.gather [hbm4b:s5+s3], $0x80, v4, vm1, $0xb8;
	[tilespmem:$0x18800] =	vst v63  }
0x25f: {  	_ = 	snop  }
0x260: {  	[tilespmem:s11], [sflag:$0x1] =	stream.indirect_vreg.gather [hbm4b:s2+s3], $0x80, v3, vm0, $0xb8;
	[tilespmem:$0x18800] =	vst v63  }
0x261: {  	s11 =	simm.s32 $0x4C00  }
0x262: {  	[tilespmem:s11], [sflag:$0x1] =	stream.indirect_vreg.gather [hbm4b:s5+s3], $0x80, v3, vm1, $0xb8;
	[tilespmem:$0x18800] =	vst v63  }
0x263: {  	v3 =	vld [tilespmem:$0x230];
	_ =	sdelay $0x4  }
0x264: {  	v27 =	vshrl.u32 v3, $0x3  }
0x265: {  	v4 =	vmul.u32 $0x18, v27  }
0x266: {  	v3 =	vand.u32 $0x7, v3  }
0x267: {  	v3 =	vor.u32 v3, v4  }
0x268: {  	v4 =	vperm.xlane v3, v0;
	_ =	sdelay $0x1  }
0x269: {  	v4 =	vadd.s32 v1, v4;
	_ =	sdelay $0x1  }
0x26a: {  	v3 =	vperm.xlane v3, v2;
	_ =	sdelay $0x1  }
0x26b: {  	v3 =	vadd.s32 v1, v3  }
0x26c: {  	[tilespmem:s12], [sflag:$0x1] =	stream.indirect_vreg.gather [hbm4b:s2+s3], $0x80, v4, vm0, $0xb8;
	[tilespmem:$0x18800] =	vst v63  }
0x26d: {  	_ = 	snop  }
0x26e: {  	[tilespmem:s13], [sflag:$0x1] =	stream.indirect_vreg.gather [hbm4b:s5+s3], $0x80, v4, vm1, $0xb8;
	[tilespmem:$0x18800] =	vst v63  }
0x26f: {  	_ = 	snop  }
0x270: {  	[tilespmem:s14], [sflag:$0x1] =	stream.indirect_vreg.gather [hbm4b:s2+s3], $0x80, v3, vm0, $0xb8;
	[tilespmem:$0x18800] =	vst v63  }
0x271: {  	s13 =	simm.s32 $0x6400  }
0x272: {  	[tilespmem:s13], [sflag:$0x1] =	stream.indirect_vreg.gather [hbm4b:s5+s3], $0x80, v3, vm1, $0xb8;
	[tilespmem:$0x18800] =	vst v63  }
0x273: {  	v3 =	vld [tilespmem:$0x240];
	_ =	sdelay $0x4  }
0x274: {  	v28 =	vshrl.u32 v3, $0x3  }
0x275: {  	v4 =	vmul.u32 $0x18, v28  }
0x276: {  	v3 =	vand.u32 $0x7, v3  }
0x277: {  	v3 =	vor.u32 v3, v4  }
0x278: {  	v4 =	vperm.xlane v3, v0;
	_ =	sdelay $0x1  }
0x279: {  	v4 =	vadd.s32 v1, v4;
	_ =	sdelay $0x1  }
0x27a: {  	v3 =	vperm.xlane v3, v2;
	_ =	sdelay $0x1  }
0x27b: {  	v3 =	vadd.s32 v1, v3  }
0x27c: {  	[tilespmem:s18], [sflag:$0x1] =	stream.indirect_vreg.gather [hbm4b:s2+s3], $0x80, v4, vm0, $0xb8;
	[tilespmem:$0x18800] =	vst v63  }
0x27d: {  	_ = 	snop  }
0x27e: {  	[tilespmem:s29], [sflag:$0x1] =	stream.indirect_vreg.gather [hbm4b:s5+s3], $0x80, v4, vm1, $0xb8;
	[tilespmem:$0x18800] =	vst v63  }
0x27f: {  	_ = 	snop  }
0x280: {  	[tilespmem:s30], [sflag:$0x1] =	stream.indirect_vreg.gather [hbm4b:s2+s3], $0x80, v3, vm0, $0xb8;
	[tilespmem:$0x18800] =	vst v63  }
0x281: {  	s14 =	simm.s32 $0x7C00  }
0x282: {  	[tilespmem:s14], [sflag:$0x1] =	stream.indirect_vreg.gather [hbm4b:s5+s3], $0x80, v3, vm1, $0xb8;
	[tilespmem:$0x18800] =	vst v63  }
0x283: {  	v3 =	vld [tilespmem:$0x250];
	_ =	sdelay $0x4  }
0x284: {  	v29 =	vshrl.u32 v3, $0x3  }
0x285: {  	v4 =	vmul.u32 $0x18, v29  }
0x286: {  	v3 =	vand.u32 $0x7, v3  }
0x287: {  	v3 =	vor.u32 v3, v4  }
0x288: {  	v4 =	vperm.xlane v3, v0;
	_ =	sdelay $0x1  }
0x289: {  	v4 =	vadd.s32 v1, v4;
	_ =	sdelay $0x1  }
0x28a: {  	v3 =	vperm.xlane v3, v2;
	_ =	sdelay $0x1  }
0x28b: {  	v3 =	vadd.s32 v1, v3  }
0x28c: {  	[tilespmem:s31], [sflag:$0x1] =	stream.indirect_vreg.gather [hbm4b:s2+s3], $0x80, v4, vm0, $0xb8;
	[tilespmem:$0x18800] =	vst v63  }
0x28d: {  	_ = 	snop  }
0x28e: {  	[tilespmem:s17], [sflag:$0x1] =	stream.indirect_vreg.gather [hbm4b:s5+s3], $0x80, v4, vm1, $0xb8;
	[tilespmem:$0x18800] =	vst v63  }
0x28f: {  	_ = 	snop  }
0x290: {  	[tilespmem:s19], [sflag:$0x1] =	stream.indirect_vreg.gather [hbm4b:s2+s3], $0x80, v3, vm0, $0xb8;
	[tilespmem:$0x18800] =	vst v63  }
0x291: {  	s18 =	simm.s32 $0x9400  }
0x292: {  	[tilespmem:s18], [sflag:$0x1] =	stream.indirect_vreg.gather [hbm4b:s5+s3], $0x80, v3, vm1, $0xb8;
	[tilespmem:$0x18800] =	vst v63  }
0x293: {  	v3 =	vld [tilespmem:$0x260];
	_ =	sdelay $0x4  }
0x294: {  	v30 =	vshrl.u32 v3, $0x3  }
0x295: {  	v4 =	vmul.u32 $0x18, v30  }
0x296: {  	v3 =	vand.u32 $0x7, v3  }
0x297: {  	v3 =	vor.u32 v3, v4  }
0x298: {  	v4 =	vperm.xlane v3, v0;
	_ =	sdelay $0x1  }
0x299: {  	v4 =	vadd.s32 v1, v4;
	_ =	sdelay $0x1  }
0x29a: {  	v3 =	vperm.xlane v3, v2;
	_ =	sdelay $0x1  }
0x29b: {  	v3 =	vadd.s32 v1, v3  }
0x29c: {  	[tilespmem:s20], [sflag:$0x1] =	stream.indirect_vreg.gather [hbm4b:s2+s3], $0x80, v4, vm0, $0xb8;
	[tilespmem:$0x18800] =	vst v63  }
0x29d: {  	_ = 	snop  }
0x29e: {  	[tilespmem:s21], [sflag:$0x1] =	stream.indirect_vreg.gather [hbm4b:s5+s3], $0x80, v4, vm1, $0xb8;
	[tilespmem:$0x18800] =	vst v63  }
0x29f: {  	_ = 	snop  }
0x2a0: {  	[tilespmem:s22], [sflag:$0x1] =	stream.indirect_vreg.gather [hbm4b:s2+s3], $0x80, v3, vm0, $0xb8;
	[tilespmem:$0x18800] =	vst v63  }
0x2a1: {  	s19 =	simm.s32 $0xAC00  }
0x2a2: {  	[tilespmem:s19], [sflag:$0x1] =	stream.indirect_vreg.gather [hbm4b:s5+s3], $0x80, v3, vm1, $0xb8;
	[tilespmem:$0x18800] =	vst v63  }
0x2a3: {  	v3 =	vld [tilespmem:$0x270];
	_ =	sdelay $0x4  }
0x2a4: {  	v31 =	vshrl.u32 v3, $0x3  }
0x2a5: {  	v4 =	vmul.u32 $0x18, v31  }
0x2a6: {  	v3 =	vand.u32 $0x7, v3  }
0x2a7: {  	v3 =	vor.u32 v3, v4  }
0x2a8: {  	v4 =	vperm.xlane v3, v0;
	_ =	sdelay $0x1  }
0x2a9: {  	v4 =	vadd.s32 v1, v4;
	_ =	sdelay $0x1  }
0x2aa: {  	v3 =	vperm.xlane v3, v2;
	_ =	sdelay $0x1  }
0x2ab: {  	v3 =	vadd.s32 v1, v3  }
0x2ac: {  	[tilespmem:s26], [sflag:$0x1] =	stream.indirect_vreg.gather [hbm4b:s2+s3], $0x80, v4, vm0, $0xb8;
	[tilespmem:$0x18800] =	vst v63  }
0x2ad: {  	_ = 	snop  }
0x2ae: {  	[tilespmem:s28], [sflag:$0x1] =	stream.indirect_vreg.gather [hbm4b:s5+s3], $0x80, v4, vm1, $0xb8;
	[tilespmem:$0x18800] =	vst v63  }
0x2af: {  	_ = 	snop  }
0x2b0: {  	[tilespmem:s16], [sflag:$0x1] =	stream.indirect_vreg.gather [hbm4b:s2+s3], $0x80, v3, vm0, $0xb8;
	[tilespmem:$0x18800] =	vst v63  }
0x2b1: {  	_ = 	snop  }
0x2b2: {  	[tilespmem:s15], [sflag:$0x1] =	stream.indirect_vreg.gather [hbm4b:s5+s3], $0x80, v3, vm1, $0xb8;
	[tilespmem:$0x18800] =	vst v63  }
0x2b3: {  	_ =	swait.ge [sflag:s24], $0xC000  }
0x2b4: {  	[sflag:s24] =	ssyncset.done $0x0  }
0x2b5: {  	s21 =	simm.s32 $0xC800;
	s20 =	rddreg [dreg:$0x6];
	[sflag:s24] =	ssyncadd.s32 $0xFFFF4000  }
0x2b6: {  	[hbm4b:s20+s3] =	stream.linear.scatter [tilespmem:s21], [sflag:$0x3], $0xC000, $0x38;
	[tilespmem:$0x18800] =	vst v63  }
0x2b7: {  	_ =	swait.ge [sflag:s7], $0xC000  }
0x2b8: {  	[sflag:s7] =	ssyncset.done $0x0  }
0x2b9: {  	[sflag:s7] =	ssyncadd.s32 $0xFFFF4000  }
0x2ba: {  	v3 =	vld [tilespmem:$0x280];
	_ =	sdelay $0x4  }
0x2bb: {  	v32 =	vshrl.u32 v3, $0x3  }
0x2bc: {  	v4 =	vmul.u32 $0x18, v32  }
0x2bd: {  	v3 =	vand.u32 $0x7, v3  }
0x2be: {  	v3 =	vor.u32 v3, v4  }
0x2bf: {  	v4 =	vperm.xlane v3, v0;
	_ =	sdelay $0x1  }
0x2c0: {  	v4 =	vadd.s32 v1, v4;
	_ =	sdelay $0x1  }
0x2c1: {  	v3 =	vperm.xlane v3, v2;
	_ =	sdelay $0x1  }
0x2c2: {  	v3 =	vadd.s32 v1, v3  }
0x2c3: {  	[tilespmem:s21], [sflag:$0x2] =	stream.indirect_vreg.gather [hbm4b:s2+s3], $0x80, v4, vm0, $0xb8;
	[tilespmem:$0x18800] =	vst v63  }
0x2c4: {  	s1 =	simm.s32 $0xD000  }
0x2c5: {  	[tilespmem:s1], [sflag:$0x2] =	stream.indirect_vreg.gather [hbm4b:s5+s3], $0x80, v4, vm1, $0xb8;
	[tilespmem:$0x18800] =	vst v63  }
0x2c6: {  	s22 =	simm.s32 $0xD400  }
0x2c7: {  	[tilespmem:s22], [sflag:$0x2] =	stream.indirect_vreg.gather [hbm4b:s2+s3], $0x80, v3, vm0, $0xb8;
	[tilespmem:$0x18800] =	vst v63  }
0x2c8: {  	s15 =	simm.s32 $0xDC00  }
0x2c9: {  	[tilespmem:s15], [sflag:$0x2] =	stream.indirect_vreg.gather [hbm4b:s5+s3], $0x80, v3, vm1, $0xb8;
	[tilespmem:$0x18800] =	vst v63  }
0x2ca: {  	v3 =	vld [tilespmem:$0x290];
	_ =	sdelay $0x4  }
0x2cb: {  	v33 =	vshrl.u32 v3, $0x3  }
0x2cc: {  	v4 =	vmul.u32 $0x18, v33  }
0x2cd: {  	v3 =	vand.u32 $0x7, v3  }
0x2ce: {  	v3 =	vor.u32 v3, v4  }
0x2cf: {  	v4 =	vperm.xlane v3, v0;
	_ =	sdelay $0x1  }
0x2d0: {  	v4 =	vadd.s32 v1, v4;
	_ =	sdelay $0x1  }
0x2d1: {  	v3 =	vperm.xlane v3, v2;
	_ =	sdelay $0x1  }
0x2d2: {  	s4 =	simm.s32 $0xE000;
	v3 =	vadd.s32 v1, v3  }
0x2d3: {  	[tilespmem:s4], [sflag:$0x2] =	stream.indirect_vreg.gather [hbm4b:s2+s3], $0x80, v4, vm0, $0xb8;
	[tilespmem:$0x18800] =	vst v63  }
0x2d4: {  	s6 =	simm.s32 $0xE800  }
0x2d5: {  	[tilespmem:s6], [sflag:$0x2] =	stream.indirect_vreg.gather [hbm4b:s5+s3], $0x80, v4, vm1, $0xb8;
	[tilespmem:$0x18800] =	vst v63  }
0x2d6: {  	s8 =	simm.s32 $0xEC00  }
0x2d7: {  	[tilespmem:s8], [sflag:$0x2] =	stream.indirect_vreg.gather [hbm4b:s2+s3], $0x80, v3, vm0, $0xb8;
	[tilespmem:$0x18800] =	vst v63  }
0x2d8: {  	s25 =	simm.s32 $0xF400  }
0x2d9: {  	[tilespmem:s25], [sflag:$0x2] =	stream.indirect_vreg.gather [hbm4b:s5+s3], $0x80, v3, vm1, $0xb8;
	[tilespmem:$0x18800] =	vst v63  }
0x2da: {  	v3 =	vld [tilespmem:$0x2A0];
	_ =	sdelay $0x4  }
0x2db: {  	v34 =	vshrl.u32 v3, $0x3  }
0x2dc: {  	v4 =	vmul.u32 $0x18, v34  }
0x2dd: {  	v3 =	vand.u32 $0x7, v3  }
0x2de: {  	v3 =	vor.u32 v3, v4  }
0x2df: {  	v4 =	vperm.xlane v3, v0;
	_ =	sdelay $0x1  }
0x2e0: {  	v4 =	vadd.s32 v1, v4;
	_ =	sdelay $0x1  }
0x2e1: {  	v3 =	vperm.xlane v3, v2;
	_ =	sdelay $0x1  }
0x2e2: {  	s9 =	simm.s32 $0xF800;
	v3 =	vadd.s32 v1, v3  }
0x2e3: {  	[tilespmem:s9], [sflag:$0x2] =	stream.indirect_vreg.gather [hbm4b:s2+s3], $0x80, v4, vm0, $0xb8;
	[tilespmem:$0x18800] =	vst v63  }
0x2e4: {  	s10 =	simm.s32 $0x10000  }
0x2e5: {  	[tilespmem:s10], [sflag:$0x2] =	stream.indirect_vreg.gather [hbm4b:s5+s3], $0x80, v4, vm1, $0xb8;
	[tilespmem:$0x18800] =	vst v63  }
0x2e6: {  	s11 =	simm.s32 $0x10400  }
0x2e7: {  	[tilespmem:s11], [sflag:$0x2] =	stream.indirect_vreg.gather [hbm4b:s2+s3], $0x80, v3, vm0, $0xb8;
	[tilespmem:$0x18800] =	vst v63  }
0x2e8: {  	s26 =	simm.s32 $0x10C00  }
0x2e9: {  	[tilespmem:s26], [sflag:$0x2] =	stream.indirect_vreg.gather [hbm4b:s5+s3], $0x80, v3, vm1, $0xb8;
	[tilespmem:$0x18800] =	vst v63  }
0x2ea: {  	v3 =	vld [tilespmem:$0x2B0];
	_ =	sdelay $0x4  }
0x2eb: {  	v35 =	vshrl.u32 v3, $0x3  }
0x2ec: {  	v4 =	vmul.u32 $0x18, v35  }
0x2ed: {  	v3 =	vand.u32 $0x7, v3  }
0x2ee: {  	v3 =	vor.u32 v3, v4  }
0x2ef: {  	v4 =	vperm.xlane v3, v0;
	_ =	sdelay $0x1  }
0x2f0: {  	v4 =	vadd.s32 v1, v4;
	_ =	sdelay $0x1  }
0x2f1: {  	v3 =	vperm.xlane v3, v2;
	_ =	sdelay $0x1  }
0x2f2: {  	s12 =	simm.s32 $0x11000;
	v3 =	vadd.s32 v1, v3  }
0x2f3: {  	[tilespmem:s12], [sflag:$0x2] =	stream.indirect_vreg.gather [hbm4b:s2+s3], $0x80, v4, vm0, $0xb8;
	[tilespmem:$0x18800] =	vst v63  }
0x2f4: {  	s13 =	simm.s32 $0x11800  }
0x2f5: {  	[tilespmem:s13], [sflag:$0x2] =	stream.indirect_vreg.gather [hbm4b:s5+s3], $0x80, v4, vm1, $0xb8;
	[tilespmem:$0x18800] =	vst v63  }
0x2f6: {  	s14 =	simm.s32 $0x11C00  }
0x2f7: {  	[tilespmem:s14], [sflag:$0x2] =	stream.indirect_vreg.gather [hbm4b:s2+s3], $0x80, v3, vm0, $0xb8;
	[tilespmem:$0x18800] =	vst v63  }
0x2f8: {  	s28 =	simm.s32 $0x12400  }
0x2f9: {  	[tilespmem:s28], [sflag:$0x2] =	stream.indirect_vreg.gather [hbm4b:s5+s3], $0x80, v3, vm1, $0xb8;
	[tilespmem:$0x18800] =	vst v63  }
0x2fa: {  	v3 =	vld [tilespmem:$0x2C0];
	_ =	sdelay $0x4  }
0x2fb: {  	v36 =	vshrl.u32 v3, $0x3  }
0x2fc: {  	v4 =	vmul.u32 $0x18, v36  }
0x2fd: {  	v3 =	vand.u32 $0x7, v3  }
0x2fe: {  	v3 =	vor.u32 v3, v4  }
0x2ff: {  	v4 =	vperm.xlane v3, v0;
	_ =	sdelay $0x1  }
0x300: {  	v4 =	vadd.s32 v1, v4;
	_ =	sdelay $0x1  }
0x301: {  	v3 =	vperm.xlane v3, v2;
	_ =	sdelay $0x1  }
0x302: {  	s16 =	simm.s32 $0x12800;
	v3 =	vadd.s32 v1, v3  }
0x303: {  	[tilespmem:s16], [sflag:$0x2] =	stream.indirect_vreg.gather [hbm4b:s2+s3], $0x80, v4, vm0, $0xb8;
	[tilespmem:$0x18800] =	vst v63  }
0x304: {  	s17 =	simm.s32 $0x13000  }
0x305: {  	[tilespmem:s17], [sflag:$0x2] =	stream.indirect_vreg.gather [hbm4b:s5+s3], $0x80, v4, vm1, $0xb8;
	[tilespmem:$0x18800] =	vst v63  }
0x306: {  	s18 =	simm.s32 $0x13400  }
0x307: {  	[tilespmem:s18], [sflag:$0x2] =	stream.indirect_vreg.gather [hbm4b:s2+s3], $0x80, v3, vm0, $0xb8;
	[tilespmem:$0x18800] =	vst v63  }
0x308: {  	s29 =	simm.s32 $0x13C00  }
0x309: {  	[tilespmem:s29], [sflag:$0x2] =	stream.indirect_vreg.gather [hbm4b:s5+s3], $0x80, v3, vm1, $0xb8;
	[tilespmem:$0x18800] =	vst v63  }
0x30a: {  	v3 =	vld [tilespmem:$0x2D0];
	_ =	sdelay $0x4  }
0x30b: {  	v37 =	vshrl.u32 v3, $0x3  }
0x30c: {  	v4 =	vmul.u32 $0x18, v37  }
0x30d: {  	v3 =	vand.u32 $0x7, v3  }
0x30e: {  	v3 =	vor.u32 v3, v4  }
0x30f: {  	v4 =	vperm.xlane v3, v0;
	_ =	sdelay $0x1  }
0x310: {  	v4 =	vadd.s32 v1, v4;
	_ =	sdelay $0x1  }
0x311: {  	v3 =	vperm.xlane v3, v2;
	_ =	sdelay $0x1  }
0x312: {  	s19 =	simm.s32 $0x14000;
	v3 =	vadd.s32 v1, v3  }
0x313: {  	[tilespmem:s19], [sflag:$0x2] =	stream.indirect_vreg.gather [hbm4b:s2+s3], $0x80, v4, vm0, $0xb8;
	[tilespmem:$0x18800] =	vst v63  }
0x314: {  	s20 =	simm.s32 $0x14800  }
0x315: {  	[tilespmem:s20], [sflag:$0x2] =	stream.indirect_vreg.gather [hbm4b:s5+s3], $0x80, v4, vm1, $0xb8;
	[tilespmem:$0x18800] =	vst v63  }
0x316: {  	s21 =	simm.s32 $0x14C00  }
0x317: {  	[tilespmem:s21], [sflag:$0x2] =	stream.indirect_vreg.gather [hbm4b:s2+s3], $0x80, v3, vm0, $0xb8;
	[tilespmem:$0x18800] =	vst v63  }
0x318: {  	s30 =	simm.s32 $0x15400  }
0x319: {  	[tilespmem:s30], [sflag:$0x2] =	stream.indirect_vreg.gather [hbm4b:s5+s3], $0x80, v3, vm1, $0xb8;
	[tilespmem:$0x18800] =	vst v63  }
0x31a: {  	v3 =	vld [tilespmem:$0x2E0];
	_ =	sdelay $0x4  }
0x31b: {  	v38 =	vshrl.u32 v3, $0x3  }
0x31c: {  	v4 =	vmul.u32 $0x18, v38  }
0x31d: {  	v3 =	vand.u32 $0x7, v3  }
0x31e: {  	v3 =	vor.u32 v3, v4  }
0x31f: {  	v4 =	vperm.xlane v3, v0;
	_ =	sdelay $0x1  }
0x320: {  	v4 =	vadd.s32 v1, v4;
	_ =	sdelay $0x1  }
0x321: {  	v3 =	vperm.xlane v3, v2;
	_ =	sdelay $0x1  }
0x322: {  	s22 =	simm.s32 $0x15800;
	v3 =	vadd.s32 v1, v3  }
0x323: {  	[tilespmem:s22], [sflag:$0x2] =	stream.indirect_vreg.gather [hbm4b:s2+s3], $0x80, v4, vm0, $0xb8;
	[tilespmem:$0x18800] =	vst v63  }
0x324: {  	s26 =	simm.s32 $0x16000  }
0x325: {  	[tilespmem:s26], [sflag:$0x2] =	stream.indirect_vreg.gather [hbm4b:s5+s3], $0x80, v4, vm1, $0xb8;
	[tilespmem:$0x18800] =	vst v63  }
0x326: {  	s28 =	simm.s32 $0x16400  }
0x327: {  	[tilespmem:s28], [sflag:$0x2] =	stream.indirect_vreg.gather [hbm4b:s2+s3], $0x80, v3, vm0, $0xb8;
	[tilespmem:$0x18800] =	vst v63  }
0x328: {  	s31 =	simm.s32 $0x16C00  }
0x329: {  	[tilespmem:s31], [sflag:$0x2] =	stream.indirect_vreg.gather [hbm4b:s5+s3], $0x80, v3, vm1, $0xb8;
	[tilespmem:$0x18800] =	vst v63  }
0x32a: {  	v3 =	vld [tilespmem:$0x2F0];
	_ =	sdelay $0x4  }
0x32b: {  	v39 =	vshrl.u32 v3, $0x3  }
0x32c: {  	v4 =	vmul.u32 $0x18, v39  }
0x32d: {  	v3 =	vand.u32 $0x7, v3  }
0x32e: {  	v3 =	vor.u32 v3, v4  }
0x32f: {  	v4 =	vperm.xlane v3, v0;
	_ =	sdelay $0x1  }
0x330: {  	v4 =	vadd.s32 v1, v4;
	_ =	sdelay $0x1  }
0x331: {  	v3 =	vperm.xlane v3, v2;
	_ =	sdelay $0x1  }
0x332: {  	s29 =	simm.s32 $0x17000;
	v3 =	vadd.s32 v1, v3  }
0x333: {  	[tilespmem:s29], [sflag:$0x2] =	stream.indirect_vreg.gather [hbm4b:s2+s3], $0x80, v4, vm0, $0xb8;
	[tilespmem:$0x18800] =	vst v63  }
0x334: {  	s30 =	simm.s32 $0x17800  }
0x335: {  	[tilespmem:s30], [sflag:$0x2] =	stream.indirect_vreg.gather [hbm4b:s5+s3], $0x80, v4, vm1, $0xb8;
	[tilespmem:$0x18800] =	vst v63  }
0x336: {  	s31 =	simm.s32 $0x17C00  }
0x337: {  	[tilespmem:s31], [sflag:$0x2] =	stream.indirect_vreg.gather [hbm4b:s2+s3], $0x80, v3, vm0, $0xb8;
	[tilespmem:$0x18800] =	vst v63  }
0x338: {  	s25 =	simm.s32 $0x18400  }
0x339: {  	[tilespmem:s25], [sflag:$0x2] =	stream.indirect_vreg.gather [hbm4b:s5+s3], $0x80, v3, vm1, $0xb8;
	[tilespmem:$0x18800] =	vst v63  }
0x33a: {  	_ =	swait.ge [sflag:s23], $0xC000  }
0x33b: {  	[sflag:s23] =	ssyncset.done $0x0  }
0x33c: {  	s0 =	simm.s32 $0x800;
	s25 =	rddreg [dreg:$0x7];
	[sflag:s23] =	ssyncadd.s32 $0xFFFF4000  }
0x33d: {  	[hbm4b:s25+s3] =	stream.linear.scatter [tilespmem:s0], [sflag:$0x3], $0xC000, $0x38;
	[tilespmem:$0x18800] =	vst v63  }
0x33e: {  	_ =	swait.ge [sflag:s7], $0xC000  }
0x33f: {  	[sflag:s7] =	ssyncset.done $0x0  }
0x340: {  	[sflag:s7] =	ssyncadd.s32 $0xFFFF4000  }
0x341: {  	v3 =	vld [tilespmem:$0x300];
	_ =	sdelay $0x4  }
0x342: {  	v40 =	vshrl.u32 v3, $0x3  }
0x343: {  	v4 =	vmul.u32 $0x18, v40  }
0x344: {  	v3 =	vand.u32 $0x7, v3  }
0x345: {  	v3 =	vor.u32 v3, v4  }
0x346: {  	v4 =	vperm.xlane v3, v0;
	_ =	sdelay $0x1  }
0x347: {  	v4 =	vadd.s32 v1, v4;
	_ =	sdelay $0x1  }
0x348: {  	v3 =	vperm.xlane v3, v2;
	_ =	sdelay $0x1  }
0x349: {  	v3 =	vadd.s32 v1, v3  }
0x34a: {  	[tilespmem:s0], [sflag:$0x1] =	stream.indirect_vreg.gather [hbm4b:s2+s3], $0x80, v4, vm0, $0xb8;
	[tilespmem:$0x18800] =	vst v63  }
0x34b: {  	s25 =	simm.s32 $0x1000  }
0x34c: {  	[tilespmem:s25], [sflag:$0x1] =	stream.indirect_vreg.gather [hbm4b:s5+s3], $0x80, v4, vm1, $0xb8;
	[tilespmem:$0x18800] =	vst v63  }
0x34d: {  	s25 =	simm.s32 $0x1400  }
0x34e: {  	[tilespmem:s25], [sflag:$0x1] =	stream.indirect_vreg.gather [hbm4b:s2+s3], $0x80, v3, vm0, $0xb8;
	[tilespmem:$0x18800] =	vst v63  }
0x34f: {  	s25 =	simm.s32 $0x1C00  }
0x350: {  	[tilespmem:s25], [sflag:$0x1] =	stream.indirect_vreg.gather [hbm4b:s5+s3], $0x80, v3, vm1, $0xb8;
	[tilespmem:$0x18800] =	vst v63  }
0x351: {  	v3 =	vld [tilespmem:$0x310];
	_ =	sdelay $0x4  }
0x352: {  	v41 =	vshrl.u32 v3, $0x3  }
0x353: {  	v4 =	vmul.u32 $0x18, v41  }
0x354: {  	v3 =	vand.u32 $0x7, v3  }
0x355: {  	v3 =	vor.u32 v3, v4  }
0x356: {  	v4 =	vperm.xlane v3, v0;
	_ =	sdelay $0x1  }
0x357: {  	v4 =	vadd.s32 v1, v4;
	_ =	sdelay $0x1  }
0x358: {  	v3 =	vperm.xlane v3, v2;
	_ =	sdelay $0x1  }
0x359: {  	s25 =	simm.s32 $0x2000;
	v3 =	vadd.s32 v1, v3  }
0x35a: {  	[tilespmem:s25], [sflag:$0x1] =	stream.indirect_vreg.gather [hbm4b:s2+s3], $0x80, v4, vm0, $0xb8;
	[tilespmem:$0x18800] =	vst v63  }
0x35b: {  	s25 =	simm.s32 $0x2800  }
0x35c: {  	[tilespmem:s25], [sflag:$0x1] =	stream.indirect_vreg.gather [hbm4b:s5+s3], $0x80, v4, vm1, $0xb8;
	[tilespmem:$0x18800] =	vst v63  }
0x35d: {  	s25 =	simm.s32 $0x2C00  }
0x35e: {  	[tilespmem:s25], [sflag:$0x1] =	stream.indirect_vreg.gather [hbm4b:s2+s3], $0x80, v3, vm0, $0xb8;
	[tilespmem:$0x18800] =	vst v63  }
0x35f: {  	s25 =	simm.s32 $0x3400  }
0x360: {  	[tilespmem:s25], [sflag:$0x1] =	stream.indirect_vreg.gather [hbm4b:s5+s3], $0x80, v3, vm1, $0xb8;
	[tilespmem:$0x18800] =	vst v63  }
0x361: {  	v3 =	vld [tilespmem:$0x320];
	_ =	sdelay $0x4  }
0x362: {  	v42 =	vshrl.u32 v3, $0x3  }
0x363: {  	v4 =	vmul.u32 $0x18, v42  }
0x364: {  	v3 =	vand.u32 $0x7, v3  }
0x365: {  	v3 =	vor.u32 v3, v4  }
0x366: {  	v4 =	vperm.xlane v3, v0;
	_ =	sdelay $0x1  }
0x367: {  	v4 =	vadd.s32 v1, v4;
	_ =	sdelay $0x1  }
0x368: {  	v3 =	vperm.xlane v3, v2;
	_ =	sdelay $0x1  }
0x369: {  	s25 =	simm.s32 $0x3800;
	v3 =	vadd.s32 v1, v3  }
0x36a: {  	[tilespmem:s25], [sflag:$0x1] =	stream.indirect_vreg.gather [hbm4b:s2+s3], $0x80, v4, vm0, $0xb8;
	[tilespmem:$0x18800] =	vst v63  }
0x36b: {  	s25 =	simm.s32 $0x4000  }
0x36c: {  	[tilespmem:s25], [sflag:$0x1] =	stream.indirect_vreg.gather [hbm4b:s5+s3], $0x80, v4, vm1, $0xb8;
	[tilespmem:$0x18800] =	vst v63  }
0x36d: {  	s25 =	simm.s32 $0x4400  }
0x36e: {  	[tilespmem:s25], [sflag:$0x1] =	stream.indirect_vreg.gather [hbm4b:s2+s3], $0x80, v3, vm0, $0xb8;
	[tilespmem:$0x18800] =	vst v63  }
0x36f: {  	s25 =	simm.s32 $0x4C00  }
0x370: {  	[tilespmem:s25], [sflag:$0x1] =	stream.indirect_vreg.gather [hbm4b:s5+s3], $0x80, v3, vm1, $0xb8;
	[tilespmem:$0x18800] =	vst v63  }
0x371: {  	v3 =	vld [tilespmem:$0x330];
	_ =	sdelay $0x4  }
0x372: {  	v43 =	vshrl.u32 v3, $0x3  }
0x373: {  	v4 =	vmul.u32 $0x18, v43  }
0x374: {  	v3 =	vand.u32 $0x7, v3  }
0x375: {  	v3 =	vor.u32 v3, v4  }
0x376: {  	v4 =	vperm.xlane v3, v0;
	_ =	sdelay $0x1  }
0x377: {  	v4 =	vadd.s32 v1, v4;
	_ =	sdelay $0x1  }
0x378: {  	v3 =	vperm.xlane v3, v2;
	_ =	sdelay $0x1  }
0x379: {  	s25 =	simm.s32 $0x5000;
	v3 =	vadd.s32 v1, v3  }
0x37a: {  	[tilespmem:s25], [sflag:$0x1] =	stream.indirect_vreg.gather [hbm4b:s2+s3], $0x80, v4, vm0, $0xb8;
	[tilespmem:$0x18800] =	vst v63  }
0x37b: {  	s25 =	simm.s32 $0x5800  }
0x37c: {  	[tilespmem:s25], [sflag:$0x1] =	stream.indirect_vreg.gather [hbm4b:s5+s3], $0x80, v4, vm1, $0xb8;
	[tilespmem:$0x18800] =	vst v63  }
0x37d: {  	s25 =	simm.s32 $0x5C00  }
0x37e: {  	[tilespmem:s25], [sflag:$0x1] =	stream.indirect_vreg.gather [hbm4b:s2+s3], $0x80, v3, vm0, $0xb8;
	[tilespmem:$0x18800] =	vst v63  }
0x37f: {  	s25 =	simm.s32 $0x6400  }
0x380: {  	[tilespmem:s25], [sflag:$0x1] =	stream.indirect_vreg.gather [hbm4b:s5+s3], $0x80, v3, vm1, $0xb8;
	[tilespmem:$0x18800] =	vst v63  }
0x381: {  	v3 =	vld [tilespmem:$0x340];
	_ =	sdelay $0x4  }
0x382: {  	v44 =	vshrl.u32 v3, $0x3  }
0x383: {  	v4 =	vmul.u32 $0x18, v44  }
0x384: {  	v3 =	vand.u32 $0x7, v3  }
0x385: {  	v3 =	vor.u32 v3, v4  }
0x386: {  	v4 =	vperm.xlane v3, v0;
	_ =	sdelay $0x1  }
0x387: {  	v4 =	vadd.s32 v1, v4;
	_ =	sdelay $0x1  }
0x388: {  	v3 =	vperm.xlane v3, v2;
	_ =	sdelay $0x1  }
0x389: {  	s25 =	simm.s32 $0x6800;
	v3 =	vadd.s32 v1, v3  }
0x38a: {  	[tilespmem:s25], [sflag:$0x1] =	stream.indirect_vreg.gather [hbm4b:s2+s3], $0x80, v4, vm0, $0xb8;
	[tilespmem:$0x18800] =	vst v63  }
0x38b: {  	s25 =	simm.s32 $0x7000  }
0x38c: {  	[tilespmem:s25], [sflag:$0x1] =	stream.indirect_vreg.gather [hbm4b:s5+s3], $0x80, v4, vm1, $0xb8;
	[tilespmem:$0x18800] =	vst v63  }
0x38d: {  	s25 =	simm.s32 $0x7400  }
0x38e: {  	[tilespmem:s25], [sflag:$0x1] =	stream.indirect_vreg.gather [hbm4b:s2+s3], $0x80, v3, vm0, $0xb8;
	[tilespmem:$0x18800] =	vst v63  }
0x38f: {  	s25 =	simm.s32 $0x7C00  }
0x390: {  	[tilespmem:s25], [sflag:$0x1] =	stream.indirect_vreg.gather [hbm4b:s5+s3], $0x80, v3, vm1, $0xb8;
	[tilespmem:$0x18800] =	vst v63  }
0x391: {  	v3 =	vld [tilespmem:$0x350];
	_ =	sdelay $0x4  }
0x392: {  	v45 =	vshrl.u32 v3, $0x3  }
0x393: {  	v4 =	vmul.u32 $0x18, v45  }
0x394: {  	v3 =	vand.u32 $0x7, v3  }
0x395: {  	v3 =	vor.u32 v3, v4  }
0x396: {  	v4 =	vperm.xlane v3, v0;
	_ =	sdelay $0x1  }
0x397: {  	v4 =	vadd.s32 v1, v4;
	_ =	sdelay $0x1  }
0x398: {  	v3 =	vperm.xlane v3, v2;
	_ =	sdelay $0x1  }
0x399: {  	s25 =	simm.s32 $0x8000;
	v3 =	vadd.s32 v1, v3  }
0x39a: {  	[tilespmem:s25], [sflag:$0x1] =	stream.indirect_vreg.gather [hbm4b:s2+s3], $0x80, v4, vm0, $0xb8;
	[tilespmem:$0x18800] =	vst v63  }
0x39b: {  	s25 =	simm.s32 $0x8800  }
0x39c: {  	[tilespmem:s25], [sflag:$0x1] =	stream.indirect_vreg.gather [hbm4b:s5+s3], $0x80, v4, vm1, $0xb8;
	[tilespmem:$0x18800] =	vst v63  }
0x39d: {  	s25 =	simm.s32 $0x8C00  }
0x39e: {  	[tilespmem:s25], [sflag:$0x1] =	stream.indirect_vreg.gather [hbm4b:s2+s3], $0x80, v3, vm0, $0xb8;
	[tilespmem:$0x18800] =	vst v63  }
0x39f: {  	s25 =	simm.s32 $0x9400  }
0x3a0: {  	[tilespmem:s25], [sflag:$0x1] =	stream.indirect_vreg.gather [hbm4b:s5+s3], $0x80, v3, vm1, $0xb8;
	[tilespmem:$0x18800] =	vst v63  }
0x3a1: {  	v3 =	vld [tilespmem:$0x360];
	_ =	sdelay $0x4  }
0x3a2: {  	v46 =	vshrl.u32 v3, $0x3  }
0x3a3: {  	v4 =	vmul.u32 $0x18, v46  }
0x3a4: {  	v3 =	vand.u32 $0x7, v3  }
0x3a5: {  	v3 =	vor.u32 v3, v4  }
0x3a6: {  	v4 =	vperm.xlane v3, v0;
	_ =	sdelay $0x1  }
0x3a7: {  	v4 =	vadd.s32 v1, v4;
	_ =	sdelay $0x1  }
0x3a8: {  	v3 =	vperm.xlane v3, v2;
	_ =	sdelay $0x1  }
0x3a9: {  	s25 =	simm.s32 $0x9800;
	v3 =	vadd.s32 v1, v3  }
0x3aa: {  	[tilespmem:s25], [sflag:$0x1] =	stream.indirect_vreg.gather [hbm4b:s2+s3], $0x80, v4, vm0, $0xb8;
	[tilespmem:$0x18800] =	vst v63  }
0x3ab: {  	s25 =	simm.s32 $0xA000  }
0x3ac: {  	[tilespmem:s25], [sflag:$0x1] =	stream.indirect_vreg.gather [hbm4b:s5+s3], $0x80, v4, vm1, $0xb8;
	[tilespmem:$0x18800] =	vst v63  }
0x3ad: {  	s25 =	simm.s32 $0xA400  }
0x3ae: {  	[tilespmem:s25], [sflag:$0x1] =	stream.indirect_vreg.gather [hbm4b:s2+s3], $0x80, v3, vm0, $0xb8;
	[tilespmem:$0x18800] =	vst v63  }
0x3af: {  	s25 =	simm.s32 $0xAC00  }
0x3b0: {  	[tilespmem:s25], [sflag:$0x1] =	stream.indirect_vreg.gather [hbm4b:s5+s3], $0x80, v3, vm1, $0xb8;
	[tilespmem:$0x18800] =	vst v63  }
0x3b1: {  	v3 =	vld [tilespmem:$0x370];
	_ =	sdelay $0x4  }
0x3b2: {  	v47 =	vshrl.u32 v3, $0x3  }
0x3b3: {  	v4 =	vmul.u32 $0x18, v47  }
0x3b4: {  	v3 =	vand.u32 $0x7, v3  }
0x3b5: {  	v3 =	vor.u32 v3, v4  }
0x3b6: {  	v4 =	vperm.xlane v3, v0;
	_ =	sdelay $0x1  }
0x3b7: {  	v4 =	vadd.s32 v1, v4;
	_ =	sdelay $0x1  }
0x3b8: {  	v3 =	vperm.xlane v3, v2;
	_ =	sdelay $0x1  }
0x3b9: {  	s25 =	simm.s32 $0xB000;
	v3 =	vadd.s32 v1, v3  }
0x3ba: {  	[tilespmem:s25], [sflag:$0x1] =	stream.indirect_vreg.gather [hbm4b:s2+s3], $0x80, v4, vm0, $0xb8;
	[tilespmem:$0x18800] =	vst v63  }
0x3bb: {  	s25 =	simm.s32 $0xB800  }
0x3bc: {  	[tilespmem:s25], [sflag:$0x1] =	stream.indirect_vreg.gather [hbm4b:s5+s3], $0x80, v4, vm1, $0xb8;
	[tilespmem:$0x18800] =	vst v63  }
0x3bd: {  	s25 =	simm.s32 $0xBC00  }
0x3be: {  	[tilespmem:s25], [sflag:$0x1] =	stream.indirect_vreg.gather [hbm4b:s2+s3], $0x80, v3, vm0, $0xb8;
	[tilespmem:$0x18800] =	vst v63  }
0x3bf: {  	s25 =	simm.s32 $0xC400  }
0x3c0: {  	[tilespmem:s25], [sflag:$0x1] =	stream.indirect_vreg.gather [hbm4b:s5+s3], $0x80, v3, vm1, $0xb8;
	[tilespmem:$0x18800] =	vst v63  }
0x3c1: {  	_ =	swait.ge [sflag:s24], $0xC000  }
0x3c2: {  	[sflag:s24] =	ssyncset.done $0x0  }
0x3c3: {  	s0 =	simm.s32 $0xC800;
	s25 =	rddreg [dreg:$0x8];
	[sflag:s24] =	ssyncadd.s32 $0xFFFF4000  }
0x3c4: {  	[hbm4b:s25+s3] =	stream.linear.scatter [tilespmem:s0], [sflag:$0x3], $0xC000, $0x38;
	[tilespmem:$0x18800] =	vst v63  }
0x3c5: {  	_ =	swait.ge [sflag:s7], $0xC000  }
0x3c6: {  	[sflag:s7] =	ssyncset.done $0x0  }
0x3c7: {  	[sflag:s7] =	ssyncadd.s32 $0xFFFF4000  }
0x3c8: {  	v3 =	vld [tilespmem:$0x380];
	_ =	sdelay $0x4  }
0x3c9: {  	v48 =	vshrl.u32 v3, $0x3  }
0x3ca: {  	v4 =	vmul.u32 $0x18, v48  }
0x3cb: {  	v3 =	vand.u32 $0x7, v3  }
0x3cc: {  	v3 =	vor.u32 v3, v4  }
0x3cd: {  	v4 =	vperm.xlane v3, v0;
	_ =	sdelay $0x1  }
0x3ce: {  	v4 =	vadd.s32 v1, v4;
	_ =	sdelay $0x1  }
0x3cf: {  	v3 =	vperm.xlane v3, v2;
	_ =	sdelay $0x1  }
0x3d0: {  	v3 =	vadd.s32 v1, v3  }
0x3d1: {  	[tilespmem:s0], [sflag:$0x2] =	stream.indirect_vreg.gather [hbm4b:s2+s3], $0x80, v4, vm0, $0xb8;
	[tilespmem:$0x18800] =	vst v63  }
0x3d2: {  	_ = 	snop  }
0x3d3: {  	[tilespmem:s1], [sflag:$0x2] =	stream.indirect_vreg.gather [hbm4b:s5+s3], $0x80, v4, vm1, $0xb8;
	[tilespmem:$0x18800] =	vst v63  }
0x3d4: {  	s1 =	simm.s32 $0xD400  }
0x3d5: {  	[tilespmem:s1], [sflag:$0x2] =	stream.indirect_vreg.gather [hbm4b:s2+s3], $0x80, v3, vm0, $0xb8;
	[tilespmem:$0x18800] =	vst v63  }
0x3d6: {  	_ = 	snop  }
0x3d7: {  	[tilespmem:s15], [sflag:$0x2] =	stream.indirect_vreg.gather [hbm4b:s5+s3], $0x80, v3, vm1, $0xb8;
	[tilespmem:$0x18800] =	vst v63  }
0x3d8: {  	v3 =	vld [tilespmem:$0x390];
	_ =	sdelay $0x4  }
0x3d9: {  	v49 =	vshrl.u32 v3, $0x3  }
0x3da: {  	v4 =	vmul.u32 $0x18, v49  }
0x3db: {  	v3 =	vand.u32 $0x7, v3  }
0x3dc: {  	v3 =	vor.u32 v3, v4  }
0x3dd: {  	v4 =	vperm.xlane v3, v0;
	_ =	sdelay $0x1  }
0x3de: {  	v4 =	vadd.s32 v1, v4;
	_ =	sdelay $0x1  }
0x3df: {  	v3 =	vperm.xlane v3, v2;
	_ =	sdelay $0x1  }
0x3e0: {  	v3 =	vadd.s32 v1, v3  }
0x3e1: {  	[tilespmem:s4], [sflag:$0x2] =	stream.indirect_vreg.gather [hbm4b:s2+s3], $0x80, v4, vm0, $0xb8;
	[tilespmem:$0x18800] =	vst v63  }
0x3e2: {  	_ = 	snop  }
0x3e3: {  	[tilespmem:s6], [sflag:$0x2] =	stream.indirect_vreg.gather [hbm4b:s5+s3], $0x80, v4, vm1, $0xb8;
	[tilespmem:$0x18800] =	vst v63  }
0x3e4: {  	_ = 	snop  }
0x3e5: {  	[tilespmem:s8], [sflag:$0x2] =	stream.indirect_vreg.gather [hbm4b:s2+s3], $0x80, v3, vm0, $0xb8;
	[tilespmem:$0x18800] =	vst v63  }
0x3e6: {  	s8 =	simm.s32 $0xF400  }
0x3e7: {  	[tilespmem:s8], [sflag:$0x2] =	stream.indirect_vreg.gather [hbm4b:s5+s3], $0x80, v3, vm1, $0xb8;
	[tilespmem:$0x18800] =	vst v63  }
0x3e8: {  	v3 =	vld [tilespmem:$0x3A0];
	_ =	sdelay $0x4  }
0x3e9: {  	v50 =	vshrl.u32 v3, $0x3  }
0x3ea: {  	v4 =	vmul.u32 $0x18, v50  }
0x3eb: {  	v3 =	vand.u32 $0x7, v3  }
0x3ec: {  	v3 =	vor.u32 v3, v4  }
0x3ed: {  	v4 =	vperm.xlane v3, v0;
	_ =	sdelay $0x1  }
0x3ee: {  	v4 =	vadd.s32 v1, v4;
	_ =	sdelay $0x1  }
0x3ef: {  	v3 =	vperm.xlane v3, v2;
	_ =	sdelay $0x1  }
0x3f0: {  	v3 =	vadd.s32 v1, v3  }
0x3f1: {  	[tilespmem:s9], [sflag:$0x2] =	stream.indirect_vreg.gather [hbm4b:s2+s3], $0x80, v4, vm0, $0xb8;
	[tilespmem:$0x18800] =	vst v63  }
0x3f2: {  	_ = 	snop  }
0x3f3: {  	[tilespmem:s10], [sflag:$0x2] =	stream.indirect_vreg.gather [hbm4b:s5+s3], $0x80, v4, vm1, $0xb8;
	[tilespmem:$0x18800] =	vst v63  }
0x3f4: {  	_ = 	snop  }
0x3f5: {  	[tilespmem:s11], [sflag:$0x2] =	stream.indirect_vreg.gather [hbm4b:s2+s3], $0x80, v3, vm0, $0xb8;
	[tilespmem:$0x18800] =	vst v63  }
0x3f6: {  	s11 =	simm.s32 $0x10C00  }
0x3f7: {  	[tilespmem:s11], [sflag:$0x2] =	stream.indirect_vreg.gather [hbm4b:s5+s3], $0x80, v3, vm1, $0xb8;
	[tilespmem:$0x18800] =	vst v63  }
0x3f8: {  	v3 =	vld [tilespmem:$0x3B0];
	_ =	sdelay $0x4  }
0x3f9: {  	v51 =	vshrl.u32 v3, $0x3  }
0x3fa: {  	v4 =	vmul.u32 $0x18, v51  }
0x3fb: {  	v3 =	vand.u32 $0x7, v3  }
0x3fc: {  	v3 =	vor.u32 v3, v4  }
0x3fd: {  	v4 =	vperm.xlane v3, v0;
	_ =	sdelay $0x1  }
0x3fe: {  	v4 =	vadd.s32 v1, v4;
	_ =	sdelay $0x1  }
0x3ff: {  	v3 =	vperm.xlane v3, v2;
	_ =	sdelay $0x1  }
0x400: {  	v3 =	vadd.s32 v1, v3  }
0x401: {  	[tilespmem:s12], [sflag:$0x2] =	stream.indirect_vreg.gather [hbm4b:s2+s3], $0x80, v4, vm0, $0xb8;
	[tilespmem:$0x18800] =	vst v63  }
0x402: {  	_ = 	snop  }
0x403: {  	[tilespmem:s13], [sflag:$0x2] =	stream.indirect_vreg.gather [hbm4b:s5+s3], $0x80, v4, vm1, $0xb8;
	[tilespmem:$0x18800] =	vst v63  }
0x404: {  	_ = 	snop  }
0x405: {  	[tilespmem:s14], [sflag:$0x2] =	stream.indirect_vreg.gather [hbm4b:s2+s3], $0x80, v3, vm0, $0xb8;
	[tilespmem:$0x18800] =	vst v63  }
0x406: {  	s14 =	simm.s32 $0x12400  }
0x407: {  	[tilespmem:s14], [sflag:$0x2] =	stream.indirect_vreg.gather [hbm4b:s5+s3], $0x80, v3, vm1, $0xb8;
	[tilespmem:$0x18800] =	vst v63  }
0x408: {  	v3 =	vld [tilespmem:$0x3C0];
	_ =	sdelay $0x4  }
0x409: {  	v52 =	vshrl.u32 v3, $0x3  }
0x40a: {  	v4 =	vmul.u32 $0x18, v52  }
0x40b: {  	v3 =	vand.u32 $0x7, v3  }
0x40c: {  	v3 =	vor.u32 v3, v4  }
0x40d: {  	v4 =	vperm.xlane v3, v0;
	_ =	sdelay $0x1  }
0x40e: {  	v4 =	vadd.s32 v1, v4;
	_ =	sdelay $0x1  }
0x40f: {  	v3 =	vperm.xlane v3, v2;
	_ =	sdelay $0x1  }
0x410: {  	v3 =	vadd.s32 v1, v3  }
0x411: {  	[tilespmem:s16], [sflag:$0x2] =	stream.indirect_vreg.gather [hbm4b:s2+s3], $0x80, v4, vm0, $0xb8;
	[tilespmem:$0x18800] =	vst v63  }
0x412: {  	_ = 	snop  }
0x413: {  	[tilespmem:s17], [sflag:$0x2] =	stream.indirect_vreg.gather [hbm4b:s5+s3], $0x80, v4, vm1, $0xb8;
	[tilespmem:$0x18800] =	vst v63  }
0x414: {  	_ = 	snop  }
0x415: {  	[tilespmem:s18], [sflag:$0x2] =	stream.indirect_vreg.gather [hbm4b:s2+s3], $0x80, v3, vm0, $0xb8;
	[tilespmem:$0x18800] =	vst v63  }
0x416: {  	s25 =	simm.s32 $0x13C00  }
0x417: {  	[tilespmem:s25], [sflag:$0x2] =	stream.indirect_vreg.gather [hbm4b:s5+s3], $0x80, v3, vm1, $0xb8;
	[tilespmem:$0x18800] =	vst v63  }
0x418: {  	v3 =	vld [tilespmem:$0x3D0];
	_ =	sdelay $0x4  }
0x419: {  	v53 =	vshrl.u32 v3, $0x3  }
0x41a: {  	v4 =	vmul.u32 $0x18, v53  }
0x41b: {  	v3 =	vand.u32 $0x7, v3  }
0x41c: {  	v3 =	vor.u32 v3, v4  }
0x41d: {  	v4 =	vperm.xlane v3, v0;
	_ =	sdelay $0x1  }
0x41e: {  	v4 =	vadd.s32 v1, v4;
	_ =	sdelay $0x1  }
0x41f: {  	v3 =	vperm.xlane v3, v2;
	_ =	sdelay $0x1  }
0x420: {  	v3 =	vadd.s32 v1, v3  }
0x421: {  	[tilespmem:s19], [sflag:$0x2] =	stream.indirect_vreg.gather [hbm4b:s2+s3], $0x80, v4, vm0, $0xb8;
	[tilespmem:$0x18800] =	vst v63  }
0x422: {  	_ = 	snop  }
0x423: {  	[tilespmem:s20], [sflag:$0x2] =	stream.indirect_vreg.gather [hbm4b:s5+s3], $0x80, v4, vm1, $0xb8;
	[tilespmem:$0x18800] =	vst v63  }
0x424: {  	_ = 	snop  }
0x425: {  	[tilespmem:s21], [sflag:$0x2] =	stream.indirect_vreg.gather [hbm4b:s2+s3], $0x80, v3, vm0, $0xb8;
	[tilespmem:$0x18800] =	vst v63  }
0x426: {  	s1 =	simm.s32 $0x15400  }
0x427: {  	[tilespmem:s1], [sflag:$0x2] =	stream.indirect_vreg.gather [hbm4b:s5+s3], $0x80, v3, vm1, $0xb8;
	[tilespmem:$0x18800] =	vst v63  }
0x428: {  	v3 =	vld [tilespmem:$0x3E0];
	_ =	sdelay $0x4  }
0x429: {  	v54 =	vshrl.u32 v3, $0x3  }
0x42a: {  	v4 =	vmul.u32 $0x18, v54  }
0x42b: {  	v3 =	vand.u32 $0x7, v3  }
0x42c: {  	v3 =	vor.u32 v3, v4  }
0x42d: {  	v4 =	vperm.xlane v3, v0;
	_ =	sdelay $0x1  }
0x42e: {  	v4 =	vadd.s32 v1, v4;
	_ =	sdelay $0x1  }
0x42f: {  	v3 =	vperm.xlane v3, v2;
	_ =	sdelay $0x1  }
0x430: {  	v3 =	vadd.s32 v1, v3  }
0x431: {  	[tilespmem:s22], [sflag:$0x2] =	stream.indirect_vreg.gather [hbm4b:s2+s3], $0x80, v4, vm0, $0xb8;
	[tilespmem:$0x18800] =	vst v63  }
0x432: {  	_ = 	snop  }
0x433: {  	[tilespmem:s26], [sflag:$0x2] =	stream.indirect_vreg.gather [hbm4b:s5+s3], $0x80, v4, vm1, $0xb8;
	[tilespmem:$0x18800] =	vst v63  }
0x434: {  	_ = 	snop  }
0x435: {  	[tilespmem:s28], [sflag:$0x2] =	stream.indirect_vreg.gather [hbm4b:s2+s3], $0x80, v3, vm0, $0xb8;
	[tilespmem:$0x18800] =	vst v63  }
0x436: {  	s4 =	simm.s32 $0x16C00  }
0x437: {  	[tilespmem:s4], [sflag:$0x2] =	stream.indirect_vreg.gather [hbm4b:s5+s3], $0x80, v3, vm1, $0xb8;
	[tilespmem:$0x18800] =	vst v63  }
0x438: {  	v3 =	vld [tilespmem:$0x3F0];
	_ =	sdelay $0x4  }
0x439: {  	v55 =	vshrl.u32 v3, $0x3  }
0x43a: {  	v4 =	vmul.u32 $0x18, v55  }
0x43b: {  	v3 =	vand.u32 $0x7, v3  }
0x43c: {  	v3 =	vor.u32 v3, v4  }
0x43d: {  	v4 =	vperm.xlane v3, v0;
	_ =	sdelay $0x1  }
0x43e: {  	v4 =	vadd.s32 v1, v4;
	_ =	sdelay $0x1  }
0x43f: {  	v3 =	vperm.xlane v3, v2;
	_ =	sdelay $0x1  }
0x440: {  	v3 =	vadd.s32 v1, v3  }
0x441: {  	[tilespmem:s29], [sflag:$0x2] =	stream.indirect_vreg.gather [hbm4b:s2+s3], $0x80, v4, vm0, $0xb8;
	[tilespmem:$0x18800] =	vst v63  }
0x442: {  	_ = 	snop  }
0x443: {  	[tilespmem:s30], [sflag:$0x2] =	stream.indirect_vreg.gather [hbm4b:s5+s3], $0x80, v4, vm1, $0xb8;
	[tilespmem:$0x18800] =	vst v63  }
0x444: {  	_ = 	snop  }
0x445: {  	[tilespmem:s31], [sflag:$0x2] =	stream.indirect_vreg.gather [hbm4b:s2+s3], $0x80, v3, vm0, $0xb8;
	[tilespmem:$0x18800] =	vst v63  }
0x446: {  	s6 =	simm.s32 $0x18400  }
0x447: {  	[tilespmem:s6], [sflag:$0x2] =	stream.indirect_vreg.gather [hbm4b:s5+s3], $0x80, v3, vm1, $0xb8;
	[tilespmem:$0x18800] =	vst v63  }
0x448: {  	_ =	swait.ge [sflag:s23], $0xC000  }
0x449: {  	[sflag:s23] =	ssyncset.done $0x0  }
0x44a: {  	s10 =	simm.s32 $0x800;
	s9 =	rddreg [dreg:$0x9];
	[sflag:s23] =	ssyncadd.s32 $0xFFFF4000  }
0x44b: {  	[hbm4b:s9+s3] =	stream.linear.scatter [tilespmem:s10], [sflag:$0x3], $0xC000, $0x38;
	[tilespmem:$0x18800] =	vst v63  }
0x44c: {  	_ =	swait.ge [sflag:s7], $0xC000  }
0x44d: {  	[sflag:s7] =	ssyncset.done $0x0  }
0x44e: {  	[sflag:s7] =	ssyncadd.s32 $0xFFFF4000  }
0x44f: {  	v3 =	vld [tilespmem:$0x400];
	_ =	sdelay $0x4  }
0x450: {  	v56 =	vshrl.u32 v3, $0x3  }
0x451: {  	v4 =	vmul.u32 $0x18, v56  }
0x452: {  	v3 =	vand.u32 $0x7, v3  }
0x453: {  	v3 =	vor.u32 v3, v4  }
0x454: {  	v4 =	vperm.xlane v3, v0;
	_ =	sdelay $0x1  }
0x455: {  	v4 =	vadd.s32 v1, v4;
	_ =	sdelay $0x1  }
0x456: {  	v3 =	vperm.xlane v3, v2;
	_ =	sdelay $0x1  }
0x457: {  	v3 =	vadd.s32 v1, v3  }
0x458: {  	[tilespmem:s10], [sflag:$0x1] =	stream.indirect_vreg.gather [hbm4b:s2+s3], $0x80, v4, vm0, $0xb8;
	[tilespmem:$0x18800] =	vst v63  }
0x459: {  	s11 =	simm.s32 $0x1000  }
0x45a: {  	[tilespmem:s11], [sflag:$0x1] =	stream.indirect_vreg.gather [hbm4b:s5+s3], $0x80, v4, vm1, $0xb8;
	[tilespmem:$0x18800] =	vst v63  }
0x45b: {  	s12 =	simm.s32 $0x1400  }
0x45c: {  	[tilespmem:s12], [sflag:$0x1] =	stream.indirect_vreg.gather [hbm4b:s2+s3], $0x80, v3, vm0, $0xb8;
	[tilespmem:$0x18800] =	vst v63  }
0x45d: {  	s13 =	simm.s32 $0x1C00  }
0x45e: {  	[tilespmem:s13], [sflag:$0x1] =	stream.indirect_vreg.gather [hbm4b:s5+s3], $0x80, v3, vm1, $0xb8;
	[tilespmem:$0x18800] =	vst v63  }
0x45f: {  	v3 =	vld [tilespmem:$0x410];
	_ =	sdelay $0x4  }
0x460: {  	v57 =	vshrl.u32 v3, $0x3  }
0x461: {  	v4 =	vmul.u32 $0x18, v57  }
0x462: {  	v3 =	vand.u32 $0x7, v3  }
0x463: {  	v3 =	vor.u32 v3, v4  }
0x464: {  	v4 =	vperm.xlane v3, v0;
	_ =	sdelay $0x1  }
0x465: {  	v4 =	vadd.s32 v1, v4;
	_ =	sdelay $0x1  }
0x466: {  	v3 =	vperm.xlane v3, v2;
	_ =	sdelay $0x1  }
0x467: {  	s14 =	simm.s32 $0x2000;
	v3 =	vadd.s32 v1, v3  }
0x468: {  	[tilespmem:s14], [sflag:$0x1] =	stream.indirect_vreg.gather [hbm4b:s2+s3], $0x80, v4, vm0, $0xb8;
	[tilespmem:$0x18800] =	vst v63  }
0x469: {  	s16 =	simm.s32 $0x2800  }
0x46a: {  	[tilespmem:s16], [sflag:$0x1] =	stream.indirect_vreg.gather [hbm4b:s5+s3], $0x80, v4, vm1, $0xb8;
	[tilespmem:$0x18800] =	vst v63  }
0x46b: {  	s17 =	simm.s32 $0x2C00  }
0x46c: {  	[tilespmem:s17], [sflag:$0x1] =	stream.indirect_vreg.gather [hbm4b:s2+s3], $0x80, v3, vm0, $0xb8;
	[tilespmem:$0x18800] =	vst v63  }
0x46d: {  	s18 =	simm.s32 $0x3400  }
0x46e: {  	[tilespmem:s18], [sflag:$0x1] =	stream.indirect_vreg.gather [hbm4b:s5+s3], $0x80, v3, vm1, $0xb8;
	[tilespmem:$0x18800] =	vst v63  }
0x46f: {  	v3 =	vld [tilespmem:$0x420];
	_ =	sdelay $0x4  }
0x470: {  	v58 =	vshrl.u32 v3, $0x3  }
0x471: {  	v4 =	vmul.u32 $0x18, v58  }
0x472: {  	v3 =	vand.u32 $0x7, v3  }
0x473: {  	v3 =	vor.u32 v3, v4  }
0x474: {  	v4 =	vperm.xlane v3, v0;
	_ =	sdelay $0x1  }
0x475: {  	v4 =	vadd.s32 v1, v4;
	_ =	sdelay $0x1  }
0x476: {  	v3 =	vperm.xlane v3, v2;
	_ =	sdelay $0x1  }
0x477: {  	s19 =	simm.s32 $0x3800;
	v3 =	vadd.s32 v1, v3  }
0x478: {  	[tilespmem:s19], [sflag:$0x1] =	stream.indirect_vreg.gather [hbm4b:s2+s3], $0x80, v4, vm0, $0xb8;
	[tilespmem:$0x18800] =	vst v63  }
0x479: {  	s20 =	simm.s32 $0x4000  }
0x47a: {  	[tilespmem:s20], [sflag:$0x1] =	stream.indirect_vreg.gather [hbm4b:s5+s3], $0x80, v4, vm1, $0xb8;
	[tilespmem:$0x18800] =	vst v63  }
0x47b: {  	s21 =	simm.s32 $0x4400  }
0x47c: {  	[tilespmem:s21], [sflag:$0x1] =	stream.indirect_vreg.gather [hbm4b:s2+s3], $0x80, v3, vm0, $0xb8;
	[tilespmem:$0x18800] =	vst v63  }
0x47d: {  	s22 =	simm.s32 $0x4C00  }
0x47e: {  	[tilespmem:s22], [sflag:$0x1] =	stream.indirect_vreg.gather [hbm4b:s5+s3], $0x80, v3, vm1, $0xb8;
	[tilespmem:$0x18800] =	vst v63  }
0x47f: {  	v3 =	vld [tilespmem:$0x430];
	_ =	sdelay $0x4  }
0x480: {  	v59 =	vshrl.u32 v3, $0x3  }
0x481: {  	v4 =	vmul.u32 $0x18, v59  }
0x482: {  	v3 =	vand.u32 $0x7, v3  }
0x483: {  	v3 =	vor.u32 v3, v4  }
0x484: {  	v4 =	vperm.xlane v3, v0;
	_ =	sdelay $0x1  }
0x485: {  	v4 =	vadd.s32 v1, v4;
	_ =	sdelay $0x1  }
0x486: {  	v3 =	vperm.xlane v3, v2;
	_ =	sdelay $0x1  }
0x487: {  	s25 =	simm.s32 $0x5000;
	v3 =	vadd.s32 v1, v3  }
0x488: {  	[tilespmem:s25], [sflag:$0x1] =	stream.indirect_vreg.gather [hbm4b:s2+s3], $0x80, v4, vm0, $0xb8;
	[tilespmem:$0x18800] =	vst v63  }
0x489: {  	s26 =	simm.s32 $0x5800  }
0x48a: {  	[tilespmem:s26], [sflag:$0x1] =	stream.indirect_vreg.gather [hbm4b:s5+s3], $0x80, v4, vm1, $0xb8;
	[tilespmem:$0x18800] =	vst v63  }
0x48b: {  	s28 =	simm.s32 $0x5C00  }
0x48c: {  	[tilespmem:s28], [sflag:$0x1] =	stream.indirect_vreg.gather [hbm4b:s2+s3], $0x80, v3, vm0, $0xb8;
	[tilespmem:$0x18800] =	vst v63  }
0x48d: {  	s29 =	simm.s32 $0x6400  }
0x48e: {  	[tilespmem:s29], [sflag:$0x1] =	stream.indirect_vreg.gather [hbm4b:s5+s3], $0x80, v3, vm1, $0xb8;
	[tilespmem:$0x18800] =	vst v63  }
0x48f: {  	v3 =	vld [tilespmem:$0x440];
	_ =	sdelay $0x4  }
0x490: {  	v60 =	vshrl.u32 v3, $0x3  }
0x491: {  	v4 =	vmul.u32 $0x18, v60  }
0x492: {  	v3 =	vand.u32 $0x7, v3  }
0x493: {  	v3 =	vor.u32 v3, v4  }
0x494: {  	v4 =	vperm.xlane v3, v0;
	_ =	sdelay $0x1  }
0x495: {  	v4 =	vadd.s32 v1, v4;
	_ =	sdelay $0x1  }
0x496: {  	v3 =	vperm.xlane v3, v2;
	_ =	sdelay $0x1  }
0x497: {  	s30 =	simm.s32 $0x6800;
	v3 =	vadd.s32 v1, v3  }
0x498: {  	[tilespmem:s30], [sflag:$0x1] =	stream.indirect_vreg.gather [hbm4b:s2+s3], $0x80, v4, vm0, $0xb8;
	[tilespmem:$0x18800] =	vst v63  }
0x499: {  	s31 =	simm.s32 $0x7000  }
0x49a: {  	[tilespmem:s31], [sflag:$0x1] =	stream.indirect_vreg.gather [hbm4b:s5+s3], $0x80, v4, vm1, $0xb8;
	[tilespmem:$0x18800] =	vst v63  }
0x49b: {  	s1 =	simm.s32 $0x7400  }
0x49c: {  	[tilespmem:s1], [sflag:$0x1] =	stream.indirect_vreg.gather [hbm4b:s2+s3], $0x80, v3, vm0, $0xb8;
	[tilespmem:$0x18800] =	vst v63  }
0x49d: {  	s4 =	simm.s32 $0x7C00  }
0x49e: {  	[tilespmem:s4], [sflag:$0x1] =	stream.indirect_vreg.gather [hbm4b:s5+s3], $0x80, v3, vm1, $0xb8;
	[tilespmem:$0x18800] =	vst v63  }
0x49f: {  	v3 =	vld [tilespmem:$0x450];
	_ =	sdelay $0x4  }
0x4a0: {  	v61 =	vshrl.u32 v3, $0x3  }
0x4a1: {  	v4 =	vmul.u32 $0x18, v61  }
0x4a2: {  	v3 =	vand.u32 $0x7, v3  }
0x4a3: {  	v3 =	vor.u32 v3, v4  }
0x4a4: {  	v4 =	vperm.xlane v3, v0;
	_ =	sdelay $0x1  }
0x4a5: {  	v4 =	vadd.s32 v1, v4;
	_ =	sdelay $0x1  }
0x4a6: {  	v3 =	vperm.xlane v3, v2;
	_ =	sdelay $0x1  }
0x4a7: {  	s6 =	simm.s32 $0x8000;
	v3 =	vadd.s32 v1, v3  }
0x4a8: {  	[tilespmem:s6], [sflag:$0x1] =	stream.indirect_vreg.gather [hbm4b:s2+s3], $0x80, v4, vm0, $0xb8;
	[tilespmem:$0x18800] =	vst v63  }
0x4a9: {  	s9 =	simm.s32 $0x8800  }
0x4aa: {  	[tilespmem:s9], [sflag:$0x1] =	stream.indirect_vreg.gather [hbm4b:s5+s3], $0x80, v4, vm1, $0xb8;
	[tilespmem:$0x18800] =	vst v63  }
0x4ab: {  	s10 =	simm.s32 $0x8C00  }
0x4ac: {  	[tilespmem:s10], [sflag:$0x1] =	stream.indirect_vreg.gather [hbm4b:s2+s3], $0x80, v3, vm0, $0xb8;
	[tilespmem:$0x18800] =	vst v63  }
0x4ad: {  	s11 =	simm.s32 $0x9400  }
0x4ae: {  	[tilespmem:s11], [sflag:$0x1] =	stream.indirect_vreg.gather [hbm4b:s5+s3], $0x80, v3, vm1, $0xb8;
	[tilespmem:$0x18800] =	vst v63  }
0x4af: {  	v3 =	vld [tilespmem:$0x460];
	_ =	sdelay $0x4  }
0x4b0: {  	v62 =	vshrl.u32 v3, $0x3  }
0x4b1: {  	v4 =	vmul.u32 $0x18, v62  }
0x4b2: {  	v3 =	vand.u32 $0x7, v3  }
0x4b3: {  	v3 =	vor.u32 v3, v4  }
0x4b4: {  	v4 =	vperm.xlane v3, v0;
	_ =	sdelay $0x1  }
0x4b5: {  	v4 =	vadd.s32 v1, v4;
	_ =	sdelay $0x1  }
0x4b6: {  	v3 =	vperm.xlane v3, v2;
	_ =	sdelay $0x1  }
0x4b7: {  	s12 =	simm.s32 $0x9800;
	v3 =	vadd.s32 v1, v3  }
0x4b8: {  	[tilespmem:s12], [sflag:$0x1] =	stream.indirect_vreg.gather [hbm4b:s2+s3], $0x80, v4, vm0, $0xb8;
	[tilespmem:$0x18800] =	vst v63  }
0x4b9: {  	s13 =	simm.s32 $0xA000  }
0x4ba: {  	[tilespmem:s13], [sflag:$0x1] =	stream.indirect_vreg.gather [hbm4b:s5+s3], $0x80, v4, vm1, $0xb8;
	[tilespmem:$0x18800] =	vst v63  }
0x4bb: {  	s14 =	simm.s32 $0xA400  }
0x4bc: {  	[tilespmem:s14], [sflag:$0x1] =	stream.indirect_vreg.gather [hbm4b:s2+s3], $0x80, v3, vm0, $0xb8;
	[tilespmem:$0x18800] =	vst v63  }
0x4bd: {  	s16 =	simm.s32 $0xAC00  }
0x4be: {  	[tilespmem:s16], [sflag:$0x1] =	stream.indirect_vreg.gather [hbm4b:s5+s3], $0x80, v3, vm1, $0xb8;
	[tilespmem:$0x18800] =	vst v63  }
0x4bf: {  	v3 =	vld [tilespmem:$0x470];
	_ =	sdelay $0x4  }
0x4c0: {  	v63 =	vshrl.u32 v3, $0x3  }
0x4c1: {  	v4 =	vmul.u32 $0x18, v63  }
0x4c2: {  	v3 =	vand.u32 $0x7, v3  }
0x4c3: {  	v3 =	vor.u32 v3, v4  }
0x4c4: {  	v4 =	vperm.xlane v3, v0;
	_ =	sdelay $0x1  }
0x4c5: {  	v4 =	vadd.s32 v1, v4;
	_ =	sdelay $0x1  }
0x4c6: {  	v3 =	vperm.xlane v3, v2;
	_ =	sdelay $0x1  }
0x4c7: {  	s17 =	simm.s32 $0xB000;
	v3 =	vadd.s32 v1, v3  }
0x4c8: {  	[tilespmem:s17], [sflag:$0x1] =	stream.indirect_vreg.gather [hbm4b:s2+s3], $0x80, v4, vm0, $0xb8;
	[tilespmem:$0x18800] =	vst v63  }
0x4c9: {  	s18 =	simm.s32 $0xB800  }
0x4ca: {  	[tilespmem:s18], [sflag:$0x1] =	stream.indirect_vreg.gather [hbm4b:s5+s3], $0x80, v4, vm1, $0xb8;
	[tilespmem:$0x18800] =	vst v63  }
0x4cb: {  	s19 =	simm.s32 $0xBC00  }
0x4cc: {  	[tilespmem:s19], [sflag:$0x1] =	stream.indirect_vreg.gather [hbm4b:s2+s3], $0x80, v3, vm0, $0xb8;
	[tilespmem:$0x18800] =	vst v63  }
0x4cd: {  	s20 =	simm.s32 $0xC400  }
0x4ce: {  	[tilespmem:s20], [sflag:$0x1] =	stream.indirect_vreg.gather [hbm4b:s5+s3], $0x80, v3, vm1, $0xb8;
	[tilespmem:$0x18800] =	vst v63  }
0x4cf: {  	_ =	swait.ge [sflag:s24], $0xC000  }
0x4d0: {  	[sflag:s24] =	ssyncset.done $0x0  }
0x4d1: {  	s22 =	simm.s32 $0xC800;
	s21 =	rddreg [dreg:$0xa];
	[sflag:s24] =	ssyncadd.s32 $0xFFFF4000  }
0x4d2: {  	[hbm4b:s21+s3] =	stream.linear.scatter [tilespmem:s22], [sflag:$0x3], $0xC000, $0x38;
	[tilespmem:$0x18800] =	vst v63  }
0x4d3: {  	_ =	swait.ge [sflag:s7], $0xC000  }
0x4d4: {  	[sflag:s7] =	ssyncset.done $0x0  }
0x4d5: {  	[sflag:s7] =	ssyncadd.s32 $0xFFFF4000  }
0x4d6: {  	v3 =	vld [tilespmem:$0x480];
	_ =	sdelay $0x4  }
0x4d7: {  	v8 =	vshrl.u32 v3, $0x3  }
0x4d8: {  	v4 =	vmul.u32 $0x18, v8  }
0x4d9: {  	v3 =	vand.u32 $0x7, v3  }
0x4da: {  	v3 =	vor.u32 v3, v4  }
0x4db: {  	v4 =	vperm.xlane v3, v0;
	_ =	sdelay $0x1  }
0x4dc: {  	v4 =	vadd.s32 v1, v4;
	_ =	sdelay $0x1  }
0x4dd: {  	v3 =	vperm.xlane v3, v2;
	_ =	sdelay $0x1  }
0x4de: {  	v3 =	vadd.s32 v1, v3  }
0x4df: {  	[tilespmem:s22], [sflag:$0x2] =	stream.indirect_vreg.gather [hbm4b:s2+s3], $0x80, v4, vm0, $0xb8;
	[tilespmem:$0x18800] =	vst v63  }
0x4e0: {  	s6 =	simm.s32 $0xD000  }
0x4e1: {  	[tilespmem:s6], [sflag:$0x2] =	stream.indirect_vreg.gather [hbm4b:s5+s3], $0x80, v4, vm1, $0xb8;
	[tilespmem:$0x18800] =	vst v63  }
0x4e2: {  	s4 =	simm.s32 $0xD400  }
0x4e3: {  	[tilespmem:s4], [sflag:$0x2] =	stream.indirect_vreg.gather [hbm4b:s2+s3], $0x80, v3, vm0, $0xb8;
	[tilespmem:$0x18800] =	vst v63  }
0x4e4: {  	s15 =	simm.s32 $0xDC00  }
0x4e5: {  	[tilespmem:s15], [sflag:$0x2] =	stream.indirect_vreg.gather [hbm4b:s5+s3], $0x80, v3, vm1, $0xb8;
	[tilespmem:$0x18800] =	vst v63  }
0x4e6: {  	v3 =	vld [tilespmem:$0x490];
	_ =	sdelay $0x4  }
0x4e7: {  	v9 =	vshrl.u32 v3, $0x3  }
0x4e8: {  	v4 =	vmul.u32 $0x18, v9  }
0x4e9: {  	v3 =	vand.u32 $0x7, v3  }
0x4ea: {  	v3 =	vor.u32 v3, v4  }
0x4eb: {  	v4 =	vperm.xlane v3, v0;
	_ =	sdelay $0x1  }
0x4ec: {  	v4 =	vadd.s32 v1, v4;
	_ =	sdelay $0x1  }
0x4ed: {  	v3 =	vperm.xlane v3, v2;
	_ =	sdelay $0x1  }
0x4ee: {  	s9 =	simm.s32 $0xE000;
	v3 =	vadd.s32 v1, v3  }
0x4ef: {  	[tilespmem:s9], [sflag:$0x2] =	stream.indirect_vreg.gather [hbm4b:s2+s3], $0x80, v4, vm0, $0xb8;
	[tilespmem:$0x18800] =	vst v63  }
0x4f0: {  	s10 =	simm.s32 $0xE800  }
0x4f1: {  	[tilespmem:s10], [sflag:$0x2] =	stream.indirect_vreg.gather [hbm4b:s5+s3], $0x80, v4, vm1, $0xb8;
	[tilespmem:$0x18800] =	vst v63  }
0x4f2: {  	s11 =	simm.s32 $0xEC00  }
0x4f3: {  	[tilespmem:s11], [sflag:$0x2] =	stream.indirect_vreg.gather [hbm4b:s2+s3], $0x80, v3, vm0, $0xb8;
	[tilespmem:$0x18800] =	vst v63  }
0x4f4: {  	s8 =	simm.s32 $0xF400  }
0x4f5: {  	[tilespmem:s8], [sflag:$0x2] =	stream.indirect_vreg.gather [hbm4b:s5+s3], $0x80, v3, vm1, $0xb8;
	[tilespmem:$0x18800] =	vst v63  }
0x4f6: {  	v3 =	vld [tilespmem:$0x4A0];
	_ =	sdelay $0x4  }
0x4f7: {  	v10 =	vshrl.u32 v3, $0x3  }
0x4f8: {  	v4 =	vmul.u32 $0x18, v10  }
0x4f9: {  	v3 =	vand.u32 $0x7, v3  }
0x4fa: {  	v3 =	vor.u32 v3, v4  }
0x4fb: {  	v4 =	vperm.xlane v3, v0;
	_ =	sdelay $0x1  }
0x4fc: {  	v4 =	vadd.s32 v1, v4;
	_ =	sdelay $0x1  }
0x4fd: {  	v3 =	vperm.xlane v3, v2;
	_ =	sdelay $0x1  }
0x4fe: {  	s12 =	simm.s32 $0xF800;
	v3 =	vadd.s32 v1, v3  }
0x4ff: {  	[tilespmem:s12], [sflag:$0x2] =	stream.indirect_vreg.gather [hbm4b:s2+s3], $0x80, v4, vm0, $0xb8;
	[tilespmem:$0x18800] =	vst v63  }
0x500: {  	s13 =	simm.s32 $0x10000  }
0x501: {  	[tilespmem:s13], [sflag:$0x2] =	stream.indirect_vreg.gather [hbm4b:s5+s3], $0x80, v4, vm1, $0xb8;
	[tilespmem:$0x18800] =	vst v63  }
0x502: {  	s14 =	simm.s32 $0x10400  }
0x503: {  	[tilespmem:s14], [sflag:$0x2] =	stream.indirect_vreg.gather [hbm4b:s2+s3], $0x80, v3, vm0, $0xb8;
	[tilespmem:$0x18800] =	vst v63  }
0x504: {  	s26 =	simm.s32 $0x10C00  }
0x505: {  	[tilespmem:s26], [sflag:$0x2] =	stream.indirect_vreg.gather [hbm4b:s5+s3], $0x80, v3, vm1, $0xb8;
	[tilespmem:$0x18800] =	vst v63  }
0x506: {  	v3 =	vld [tilespmem:$0x4B0];
	_ =	sdelay $0x4  }
0x507: {  	v11 =	vshrl.u32 v3, $0x3  }
0x508: {  	v4 =	vmul.u32 $0x18, v11  }
0x509: {  	v3 =	vand.u32 $0x7, v3  }
0x50a: {  	v3 =	vor.u32 v3, v4  }
0x50b: {  	v4 =	vperm.xlane v3, v0;
	_ =	sdelay $0x1  }
0x50c: {  	v4 =	vadd.s32 v1, v4;
	_ =	sdelay $0x1  }
0x50d: {  	v3 =	vperm.xlane v3, v2;
	_ =	sdelay $0x1  }
0x50e: {  	s15 =	simm.s32 $0x11000;
	v3 =	vadd.s32 v1, v3  }
0x50f: {  	[tilespmem:s15], [sflag:$0x2] =	stream.indirect_vreg.gather [hbm4b:s2+s3], $0x80, v4, vm0, $0xb8;
	[tilespmem:$0x18800] =	vst v63  }
0x510: {  	s16 =	simm.s32 $0x11800  }
0x511: {  	[tilespmem:s16], [sflag:$0x2] =	stream.indirect_vreg.gather [hbm4b:s5+s3], $0x80, v4, vm1, $0xb8;
	[tilespmem:$0x18800] =	vst v63  }
0x512: {  	s17 =	simm.s32 $0x11C00  }
0x513: {  	[tilespmem:s17], [sflag:$0x2] =	stream.indirect_vreg.gather [hbm4b:s2+s3], $0x80, v3, vm0, $0xb8;
	[tilespmem:$0x18800] =	vst v63  }
0x514: {  	s28 =	simm.s32 $0x12400  }
0x515: {  	[tilespmem:s28], [sflag:$0x2] =	stream.indirect_vreg.gather [hbm4b:s5+s3], $0x80, v3, vm1, $0xb8;
	[tilespmem:$0x18800] =	vst v63  }
0x516: {  	v3 =	vld [tilespmem:$0x4C0];
	_ =	sdelay $0x4  }
0x517: {  	v12 =	vshrl.u32 v3, $0x3  }
0x518: {  	v4 =	vmul.u32 $0x18, v12  }
0x519: {  	v3 =	vand.u32 $0x7, v3  }
0x51a: {  	v3 =	vor.u32 v3, v4  }
0x51b: {  	v4 =	vperm.xlane v3, v0;
	_ =	sdelay $0x1  }
0x51c: {  	v4 =	vadd.s32 v1, v4;
	_ =	sdelay $0x1  }
0x51d: {  	v3 =	vperm.xlane v3, v2;
	_ =	sdelay $0x1  }
0x51e: {  	s18 =	simm.s32 $0x12800;
	v3 =	vadd.s32 v1, v3  }
0x51f: {  	[tilespmem:s18], [sflag:$0x2] =	stream.indirect_vreg.gather [hbm4b:s2+s3], $0x80, v4, vm0, $0xb8;
	[tilespmem:$0x18800] =	vst v63  }
0x520: {  	s19 =	simm.s32 $0x13000  }
0x521: {  	[tilespmem:s19], [sflag:$0x2] =	stream.indirect_vreg.gather [hbm4b:s5+s3], $0x80, v4, vm1, $0xb8;
	[tilespmem:$0x18800] =	vst v63  }
0x522: {  	s20 =	simm.s32 $0x13400  }
0x523: {  	[tilespmem:s20], [sflag:$0x2] =	stream.indirect_vreg.gather [hbm4b:s2+s3], $0x80, v3, vm0, $0xb8;
	[tilespmem:$0x18800] =	vst v63  }
0x524: {  	s29 =	simm.s32 $0x13C00  }
0x525: {  	[tilespmem:s29], [sflag:$0x2] =	stream.indirect_vreg.gather [hbm4b:s5+s3], $0x80, v3, vm1, $0xb8;
	[tilespmem:$0x18800] =	vst v63  }
0x526: {  	v3 =	vld [tilespmem:$0x4D0];
	_ =	sdelay $0x4  }
0x527: {  	v13 =	vshrl.u32 v3, $0x3  }
0x528: {  	v4 =	vmul.u32 $0x18, v13  }
0x529: {  	v3 =	vand.u32 $0x7, v3  }
0x52a: {  	v3 =	vor.u32 v3, v4  }
0x52b: {  	v4 =	vperm.xlane v3, v0;
	_ =	sdelay $0x1  }
0x52c: {  	v4 =	vadd.s32 v1, v4;
	_ =	sdelay $0x1  }
0x52d: {  	v3 =	vperm.xlane v3, v2;
	_ =	sdelay $0x1  }
0x52e: {  	s21 =	simm.s32 $0x14000;
	v3 =	vadd.s32 v1, v3  }
0x52f: {  	[tilespmem:s21], [sflag:$0x2] =	stream.indirect_vreg.gather [hbm4b:s2+s3], $0x80, v4, vm0, $0xb8;
	[tilespmem:$0x18800] =	vst v63  }
0x530: {  	s22 =	simm.s32 $0x14800  }
0x531: {  	[tilespmem:s22], [sflag:$0x2] =	stream.indirect_vreg.gather [hbm4b:s5+s3], $0x80, v4, vm1, $0xb8;
	[tilespmem:$0x18800] =	vst v63  }
0x532: {  	s26 =	simm.s32 $0x14C00  }
0x533: {  	[tilespmem:s26], [sflag:$0x2] =	stream.indirect_vreg.gather [hbm4b:s2+s3], $0x80, v3, vm0, $0xb8;
	[tilespmem:$0x18800] =	vst v63  }
0x534: {  	s30 =	simm.s32 $0x15400  }
0x535: {  	[tilespmem:s30], [sflag:$0x2] =	stream.indirect_vreg.gather [hbm4b:s5+s3], $0x80, v3, vm1, $0xb8;
	[tilespmem:$0x18800] =	vst v63  }
0x536: {  	v3 =	vld [tilespmem:$0x4E0];
	_ =	sdelay $0x4  }
0x537: {  	v14 =	vshrl.u32 v3, $0x3  }
0x538: {  	v4 =	vmul.u32 $0x18, v14  }
0x539: {  	v3 =	vand.u32 $0x7, v3  }
0x53a: {  	v3 =	vor.u32 v3, v4  }
0x53b: {  	v4 =	vperm.xlane v3, v0;
	_ =	sdelay $0x1  }
0x53c: {  	v4 =	vadd.s32 v1, v4;
	_ =	sdelay $0x1  }
0x53d: {  	v3 =	vperm.xlane v3, v2;
	_ =	sdelay $0x1  }
0x53e: {  	s28 =	simm.s32 $0x15800;
	v3 =	vadd.s32 v1, v3  }
0x53f: {  	[tilespmem:s28], [sflag:$0x2] =	stream.indirect_vreg.gather [hbm4b:s2+s3], $0x80, v4, vm0, $0xb8;
	[tilespmem:$0x18800] =	vst v63  }
0x540: {  	s29 =	simm.s32 $0x16000  }
0x541: {  	[tilespmem:s29], [sflag:$0x2] =	stream.indirect_vreg.gather [hbm4b:s5+s3], $0x80, v4, vm1, $0xb8;
	[tilespmem:$0x18800] =	vst v63  }
0x542: {  	s30 =	simm.s32 $0x16400  }
0x543: {  	[tilespmem:s30], [sflag:$0x2] =	stream.indirect_vreg.gather [hbm4b:s2+s3], $0x80, v3, vm0, $0xb8;
	[tilespmem:$0x18800] =	vst v63  }
0x544: {  	s31 =	simm.s32 $0x16C00  }
0x545: {  	[tilespmem:s31], [sflag:$0x2] =	stream.indirect_vreg.gather [hbm4b:s5+s3], $0x80, v3, vm1, $0xb8;
	[tilespmem:$0x18800] =	vst v63  }
0x546: {  	v3 =	vld [tilespmem:$0x4F0];
	_ =	sdelay $0x4  }
0x547: {  	v15 =	vshrl.u32 v3, $0x3  }
0x548: {  	v4 =	vmul.u32 $0x18, v15  }
0x549: {  	v3 =	vand.u32 $0x7, v3  }
0x54a: {  	v3 =	vor.u32 v3, v4  }
0x54b: {  	v4 =	vperm.xlane v3, v0;
	_ =	sdelay $0x1  }
0x54c: {  	v4 =	vadd.s32 v1, v4;
	_ =	sdelay $0x1  }
0x54d: {  	v3 =	vperm.xlane v3, v2;
	_ =	sdelay $0x1  }
0x54e: {  	s31 =	simm.s32 $0x17000;
	v3 =	vadd.s32 v1, v3  }
0x54f: {  	[tilespmem:s31], [sflag:$0x2] =	stream.indirect_vreg.gather [hbm4b:s2+s3], $0x80, v4, vm0, $0xb8;
	[tilespmem:$0x18800] =	vst v63  }
0x550: {  	s1 =	simm.s32 $0x17800  }
0x551: {  	[tilespmem:s1], [sflag:$0x2] =	stream.indirect_vreg.gather [hbm4b:s5+s3], $0x80, v4, vm1, $0xb8;
	[tilespmem:$0x18800] =	vst v63  }
0x552: {  	s8 =	simm.s32 $0x17C00  }
0x553: {  	[tilespmem:s8], [sflag:$0x2] =	stream.indirect_vreg.gather [hbm4b:s2+s3], $0x80, v3, vm0, $0xb8;
	[tilespmem:$0x18800] =	vst v63  }
0x554: {  	s25 =	simm.s32 $0x18400  }
0x555: {  	[tilespmem:s25], [sflag:$0x2] =	stream.indirect_vreg.gather [hbm4b:s5+s3], $0x80, v3, vm1, $0xb8;
	[tilespmem:$0x18800] =	vst v63  }
0x556: {  	_ =	swait.ge [sflag:s23], $0xC000  }
0x557: {  	[sflag:s23] =	ssyncset.done $0x0  }
0x558: {  	s1 =	simm.s32 $0x800;
	s0 =	rddreg [dreg:$0xb];
	[sflag:s23] =	ssyncadd.s32 $0xFFFF4000  }
0x559: {  	[hbm4b:s0+s3] =	stream.linear.scatter [tilespmem:s1], [sflag:$0x3], $0xC000, $0x38;
	[tilespmem:$0x18800] =	vst v63  }
0x55a: {  	_ =	swait.ge [sflag:s7], $0xC000  }
0x55b: {  	[sflag:s7] =	ssyncset.done $0x0  }
0x55c: {  	[sflag:s7] =	ssyncadd.s32 $0xFFFF4000  }
0x55d: {  	v3 =	vld [tilespmem:$0x500];
	_ =	sdelay $0x4  }
0x55e: {  	v16 =	vshrl.u32 v3, $0x3  }
0x55f: {  	v4 =	vmul.u32 $0x18, v16  }
0x560: {  	v3 =	vand.u32 $0x7, v3  }
0x561: {  	v3 =	vor.u32 v3, v4  }
0x562: {  	v4 =	vperm.xlane v3, v0;
	_ =	sdelay $0x1  }
0x563: {  	v4 =	vadd.s32 v1, v4;
	_ =	sdelay $0x1  }
0x564: {  	v3 =	vperm.xlane v3, v2;
	_ =	sdelay $0x1  }
0x565: {  	v3 =	vadd.s32 v1, v3  }
0x566: {  	[tilespmem:s1], [sflag:$0x1] =	stream.indirect_vreg.gather [hbm4b:s2+s3], $0x80, v4, vm0, $0xb8;
	[tilespmem:$0x18800] =	vst v63  }
0x567: {  	s8 =	simm.s32 $0x1000  }
0x568: {  	[tilespmem:s8], [sflag:$0x1] =	stream.indirect_vreg.gather [hbm4b:s5+s3], $0x80, v4, vm1, $0xb8;
	[tilespmem:$0x18800] =	vst v63  }
0x569: {  	s8 =	simm.s32 $0x1400  }
0x56a: {  	[tilespmem:s8], [sflag:$0x1] =	stream.indirect_vreg.gather [hbm4b:s2+s3], $0x80, v3, vm0, $0xb8;
	[tilespmem:$0x18800] =	vst v63  }
0x56b: {  	s25 =	simm.s32 $0x1C00  }
0x56c: {  	[tilespmem:s25], [sflag:$0x1] =	stream.indirect_vreg.gather [hbm4b:s5+s3], $0x80, v3, vm1, $0xb8;
	[tilespmem:$0x18800] =	vst v63  }
0x56d: {  	v3 =	vld [tilespmem:$0x510];
	_ =	sdelay $0x4  }
0x56e: {  	v17 =	vshrl.u32 v3, $0x3  }
0x56f: {  	v4 =	vmul.u32 $0x18, v17  }
0x570: {  	v3 =	vand.u32 $0x7, v3  }
0x571: {  	v3 =	vor.u32 v3, v4  }
0x572: {  	v4 =	vperm.xlane v3, v0;
	_ =	sdelay $0x1  }
0x573: {  	v4 =	vadd.s32 v1, v4;
	_ =	sdelay $0x1  }
0x574: {  	v3 =	vperm.xlane v3, v2;
	_ =	sdelay $0x1  }
0x575: {  	s25 =	simm.s32 $0x2000;
	v3 =	vadd.s32 v1, v3  }
0x576: {  	[tilespmem:s25], [sflag:$0x1] =	stream.indirect_vreg.gather [hbm4b:s2+s3], $0x80, v4, vm0, $0xb8;
	[tilespmem:$0x18800] =	vst v63  }
0x577: {  	s25 =	simm.s32 $0x2800  }
0x578: {  	[tilespmem:s25], [sflag:$0x1] =	stream.indirect_vreg.gather [hbm4b:s5+s3], $0x80, v4, vm1, $0xb8;
	[tilespmem:$0x18800] =	vst v63  }
0x579: {  	s25 =	simm.s32 $0x2C00  }
0x57a: {  	[tilespmem:s25], [sflag:$0x1] =	stream.indirect_vreg.gather [hbm4b:s2+s3], $0x80, v3, vm0, $0xb8;
	[tilespmem:$0x18800] =	vst v63  }
0x57b: {  	s25 =	simm.s32 $0x3400  }
0x57c: {  	[tilespmem:s25], [sflag:$0x1] =	stream.indirect_vreg.gather [hbm4b:s5+s3], $0x80, v3, vm1, $0xb8;
	[tilespmem:$0x18800] =	vst v63  }
0x57d: {  	v3 =	vld [tilespmem:$0x520];
	_ =	sdelay $0x4  }
0x57e: {  	v18 =	vshrl.u32 v3, $0x3  }
0x57f: {  	v4 =	vmul.u32 $0x18, v18  }
0x580: {  	v3 =	vand.u32 $0x7, v3  }
0x581: {  	v3 =	vor.u32 v3, v4  }
0x582: {  	v4 =	vperm.xlane v3, v0;
	_ =	sdelay $0x1  }
0x583: {  	v4 =	vadd.s32 v1, v4;
	_ =	sdelay $0x1  }
0x584: {  	v3 =	vperm.xlane v3, v2;
	_ =	sdelay $0x1  }
0x585: {  	s25 =	simm.s32 $0x3800;
	v3 =	vadd.s32 v1, v3  }
0x586: {  	[tilespmem:s25], [sflag:$0x1] =	stream.indirect_vreg.gather [hbm4b:s2+s3], $0x80, v4, vm0, $0xb8;
	[tilespmem:$0x18800] =	vst v63  }
0x587: {  	s25 =	simm.s32 $0x4000  }
0x588: {  	[tilespmem:s25], [sflag:$0x1] =	stream.indirect_vreg.gather [hbm4b:s5+s3], $0x80, v4, vm1, $0xb8;
	[tilespmem:$0x18800] =	vst v63  }
0x589: {  	s25 =	simm.s32 $0x4400  }
0x58a: {  	[tilespmem:s25], [sflag:$0x1] =	stream.indirect_vreg.gather [hbm4b:s2+s3], $0x80, v3, vm0, $0xb8;
	[tilespmem:$0x18800] =	vst v63  }
0x58b: {  	s25 =	simm.s32 $0x4C00  }
0x58c: {  	[tilespmem:s25], [sflag:$0x1] =	stream.indirect_vreg.gather [hbm4b:s5+s3], $0x80, v3, vm1, $0xb8;
	[tilespmem:$0x18800] =	vst v63  }
0x58d: {  	v3 =	vld [tilespmem:$0x530];
	_ =	sdelay $0x4  }
0x58e: {  	v19 =	vshrl.u32 v3, $0x3  }
0x58f: {  	v4 =	vmul.u32 $0x18, v19  }
0x590: {  	v3 =	vand.u32 $0x7, v3  }
0x591: {  	v3 =	vor.u32 v3, v4  }
0x592: {  	v4 =	vperm.xlane v3, v0;
	_ =	sdelay $0x1  }
0x593: {  	v4 =	vadd.s32 v1, v4;
	_ =	sdelay $0x1  }
0x594: {  	v3 =	vperm.xlane v3, v2;
	_ =	sdelay $0x1  }
0x595: {  	s25 =	simm.s32 $0x5000;
	v3 =	vadd.s32 v1, v3  }
0x596: {  	[tilespmem:s25], [sflag:$0x1] =	stream.indirect_vreg.gather [hbm4b:s2+s3], $0x80, v4, vm0, $0xb8;
	[tilespmem:$0x18800] =	vst v63  }
0x597: {  	s25 =	simm.s32 $0x5800  }
0x598: {  	[tilespmem:s25], [sflag:$0x1] =	stream.indirect_vreg.gather [hbm4b:s5+s3], $0x80, v4, vm1, $0xb8;
	[tilespmem:$0x18800] =	vst v63  }
0x599: {  	s25 =	simm.s32 $0x5C00  }
0x59a: {  	[tilespmem:s25], [sflag:$0x1] =	stream.indirect_vreg.gather [hbm4b:s2+s3], $0x80, v3, vm0, $0xb8;
	[tilespmem:$0x18800] =	vst v63  }
0x59b: {  	s25 =	simm.s32 $0x6400  }
0x59c: {  	[tilespmem:s25], [sflag:$0x1] =	stream.indirect_vreg.gather [hbm4b:s5+s3], $0x80, v3, vm1, $0xb8;
	[tilespmem:$0x18800] =	vst v63  }
0x59d: {  	v3 =	vld [tilespmem:$0x540];
	_ =	sdelay $0x4  }
0x59e: {  	v20 =	vshrl.u32 v3, $0x3  }
0x59f: {  	v4 =	vmul.u32 $0x18, v20  }
0x5a0: {  	v3 =	vand.u32 $0x7, v3  }
0x5a1: {  	v3 =	vor.u32 v3, v4  }
0x5a2: {  	v4 =	vperm.xlane v3, v0;
	_ =	sdelay $0x1  }
0x5a3: {  	v4 =	vadd.s32 v1, v4;
	_ =	sdelay $0x1  }
0x5a4: {  	v3 =	vperm.xlane v3, v2;
	_ =	sdelay $0x1  }
0x5a5: {  	s25 =	simm.s32 $0x6800;
	v3 =	vadd.s32 v1, v3  }
0x5a6: {  	[tilespmem:s25], [sflag:$0x1] =	stream.indirect_vreg.gather [hbm4b:s2+s3], $0x80, v4, vm0, $0xb8;
	[tilespmem:$0x18800] =	vst v63  }
0x5a7: {  	s25 =	simm.s32 $0x7000  }
0x5a8: {  	[tilespmem:s25], [sflag:$0x1] =	stream.indirect_vreg.gather [hbm4b:s5+s3], $0x80, v4, vm1, $0xb8;
	[tilespmem:$0x18800] =	vst v63  }
0x5a9: {  	s25 =	simm.s32 $0x7400  }
0x5aa: {  	[tilespmem:s25], [sflag:$0x1] =	stream.indirect_vreg.gather [hbm4b:s2+s3], $0x80, v3, vm0, $0xb8;
	[tilespmem:$0x18800] =	vst v63  }
0x5ab: {  	s25 =	simm.s32 $0x7C00  }
0x5ac: {  	[tilespmem:s25], [sflag:$0x1] =	stream.indirect_vreg.gather [hbm4b:s5+s3], $0x80, v3, vm1, $0xb8;
	[tilespmem:$0x18800] =	vst v63  }
0x5ad: {  	v3 =	vld [tilespmem:$0x550];
	_ =	sdelay $0x4  }
0x5ae: {  	v21 =	vshrl.u32 v3, $0x3  }
0x5af: {  	v4 =	vmul.u32 $0x18, v21  }
0x5b0: {  	v3 =	vand.u32 $0x7, v3  }
0x5b1: {  	v3 =	vor.u32 v3, v4  }
0x5b2: {  	v4 =	vperm.xlane v3, v0;
	_ =	sdelay $0x1  }
0x5b3: {  	v4 =	vadd.s32 v1, v4;
	_ =	sdelay $0x1  }
0x5b4: {  	v3 =	vperm.xlane v3, v2;
	_ =	sdelay $0x1  }
0x5b5: {  	s25 =	simm.s32 $0x8000;
	v3 =	vadd.s32 v1, v3  }
0x5b6: {  	[tilespmem:s25], [sflag:$0x1] =	stream.indirect_vreg.gather [hbm4b:s2+s3], $0x80, v4, vm0, $0xb8;
	[tilespmem:$0x18800] =	vst v63  }
0x5b7: {  	s25 =	simm.s32 $0x8800  }
0x5b8: {  	[tilespmem:s25], [sflag:$0x1] =	stream.indirect_vreg.gather [hbm4b:s5+s3], $0x80, v4, vm1, $0xb8;
	[tilespmem:$0x18800] =	vst v63  }
0x5b9: {  	s25 =	simm.s32 $0x8C00  }
0x5ba: {  	[tilespmem:s25], [sflag:$0x1] =	stream.indirect_vreg.gather [hbm4b:s2+s3], $0x80, v3, vm0, $0xb8;
	[tilespmem:$0x18800] =	vst v63  }
0x5bb: {  	s25 =	simm.s32 $0x9400  }
0x5bc: {  	[tilespmem:s25], [sflag:$0x1] =	stream.indirect_vreg.gather [hbm4b:s5+s3], $0x80, v3, vm1, $0xb8;
	[tilespmem:$0x18800] =	vst v63  }
0x5bd: {  	v3 =	vld [tilespmem:$0x560];
	_ =	sdelay $0x4  }
0x5be: {  	v22 =	vshrl.u32 v3, $0x3  }
0x5bf: {  	v4 =	vmul.u32 $0x18, v22  }
0x5c0: {  	v3 =	vand.u32 $0x7, v3  }
0x5c1: {  	v3 =	vor.u32 v3, v4  }
0x5c2: {  	v4 =	vperm.xlane v3, v0;
	_ =	sdelay $0x1  }
0x5c3: {  	v4 =	vadd.s32 v1, v4;
	_ =	sdelay $0x1  }
0x5c4: {  	v3 =	vperm.xlane v3, v2;
	_ =	sdelay $0x1  }
0x5c5: {  	s25 =	simm.s32 $0x9800;
	v3 =	vadd.s32 v1, v3  }
0x5c6: {  	[tilespmem:s25], [sflag:$0x1] =	stream.indirect_vreg.gather [hbm4b:s2+s3], $0x80, v4, vm0, $0xb8;
	[tilespmem:$0x18800] =	vst v63  }
0x5c7: {  	s25 =	simm.s32 $0xA000  }
0x5c8: {  	[tilespmem:s25], [sflag:$0x1] =	stream.indirect_vreg.gather [hbm4b:s5+s3], $0x80, v4, vm1, $0xb8;
	[tilespmem:$0x18800] =	vst v63  }
0x5c9: {  	s25 =	simm.s32 $0xA400  }
0x5ca: {  	[tilespmem:s25], [sflag:$0x1] =	stream.indirect_vreg.gather [hbm4b:s2+s3], $0x80, v3, vm0, $0xb8;
	[tilespmem:$0x18800] =	vst v63  }
0x5cb: {  	s25 =	simm.s32 $0xAC00  }
0x5cc: {  	[tilespmem:s25], [sflag:$0x1] =	stream.indirect_vreg.gather [hbm4b:s5+s3], $0x80, v3, vm1, $0xb8;
	[tilespmem:$0x18800] =	vst v63  }
0x5cd: {  	v3 =	vld [tilespmem:$0x570];
	_ =	sdelay $0x4  }
0x5ce: {  	v23 =	vshrl.u32 v3, $0x3  }
0x5cf: {  	v4 =	vmul.u32 $0x18, v23  }
0x5d0: {  	v3 =	vand.u32 $0x7, v3  }
0x5d1: {  	v3 =	vor.u32 v3, v4  }
0x5d2: {  	v4 =	vperm.xlane v3, v0;
	_ =	sdelay $0x1  }
0x5d3: {  	v4 =	vadd.s32 v1, v4;
	_ =	sdelay $0x1  }
0x5d4: {  	v3 =	vperm.xlane v3, v2;
	_ =	sdelay $0x1  }
0x5d5: {  	s25 =	simm.s32 $0xB000;
	v3 =	vadd.s32 v1, v3  }
0x5d6: {  	[tilespmem:s25], [sflag:$0x1] =	stream.indirect_vreg.gather [hbm4b:s2+s3], $0x80, v4, vm0, $0xb8;
	[tilespmem:$0x18800] =	vst v63  }
0x5d7: {  	s25 =	simm.s32 $0xB800  }
0x5d8: {  	[tilespmem:s25], [sflag:$0x1] =	stream.indirect_vreg.gather [hbm4b:s5+s3], $0x80, v4, vm1, $0xb8;
	[tilespmem:$0x18800] =	vst v63  }
0x5d9: {  	s25 =	simm.s32 $0xBC00  }
0x5da: {  	[tilespmem:s25], [sflag:$0x1] =	stream.indirect_vreg.gather [hbm4b:s2+s3], $0x80, v3, vm0, $0xb8;
	[tilespmem:$0x18800] =	vst v63  }
0x5db: {  	s25 =	simm.s32 $0xC400  }
0x5dc: {  	[tilespmem:s25], [sflag:$0x1] =	stream.indirect_vreg.gather [hbm4b:s5+s3], $0x80, v3, vm1, $0xb8;
	[tilespmem:$0x18800] =	vst v63  }
0x5dd: {  	_ =	swait.ge [sflag:s24], $0xC000  }
0x5de: {  	[sflag:s24] =	ssyncset.done $0x0  }
0x5df: {  	s0 =	simm.s32 $0xC800;
	s25 =	rddreg [dreg:$0xc];
	[sflag:s24] =	ssyncadd.s32 $0xFFFF4000  }
0x5e0: {  	[hbm4b:s25+s3] =	stream.linear.scatter [tilespmem:s0], [sflag:$0x3], $0xC000, $0x38;
	[tilespmem:$0x18800] =	vst v63  }
0x5e1: {  	_ =	swait.ge [sflag:s7], $0xC000  }
0x5e2: {  	[sflag:s7] =	ssyncset.done $0x0  }
0x5e3: {  	[sflag:s7] =	ssyncadd.s32 $0xFFFF4000  }
0x5e4: {  	v3 =	vld [tilespmem:$0x580];
	_ =	sdelay $0x4  }
0x5e5: {  	v24 =	vshrl.u32 v3, $0x3  }
0x5e6: {  	v4 =	vmul.u32 $0x18, v24  }
0x5e7: {  	v3 =	vand.u32 $0x7, v3  }
0x5e8: {  	v3 =	vor.u32 v3, v4  }
0x5e9: {  	v4 =	vperm.xlane v3, v0;
	_ =	sdelay $0x1  }
0x5ea: {  	v4 =	vadd.s32 v1, v4;
	_ =	sdelay $0x1  }
0x5eb: {  	v3 =	vperm.xlane v3, v2;
	_ =	sdelay $0x1  }
0x5ec: {  	v3 =	vadd.s32 v1, v3  }
0x5ed: {  	[tilespmem:s0], [sflag:$0x2] =	stream.indirect_vreg.gather [hbm4b:s2+s3], $0x80, v4, vm0, $0xb8;
	[tilespmem:$0x18800] =	vst v63  }
0x5ee: {  	_ = 	snop  }
0x5ef: {  	[tilespmem:s6], [sflag:$0x2] =	stream.indirect_vreg.gather [hbm4b:s5+s3], $0x80, v4, vm1, $0xb8;
	[tilespmem:$0x18800] =	vst v63  }
0x5f0: {  	_ = 	snop  }
0x5f1: {  	[tilespmem:s4], [sflag:$0x2] =	stream.indirect_vreg.gather [hbm4b:s2+s3], $0x80, v3, vm0, $0xb8;
	[tilespmem:$0x18800] =	vst v63  }
0x5f2: {  	s6 =	simm.s32 $0xDC00  }
0x5f3: {  	[tilespmem:s6], [sflag:$0x2] =	stream.indirect_vreg.gather [hbm4b:s5+s3], $0x80, v3, vm1, $0xb8;
	[tilespmem:$0x18800] =	vst v63  }
0x5f4: {  	v3 =	vld [tilespmem:$0x590];
	_ =	sdelay $0x4  }
0x5f5: {  	v25 =	vshrl.u32 v3, $0x3  }
0x5f6: {  	v4 =	vmul.u32 $0x18, v25  }
0x5f7: {  	v3 =	vand.u32 $0x7, v3  }
0x5f8: {  	v3 =	vor.u32 v3, v4  }
0x5f9: {  	v4 =	vperm.xlane v3, v0;
	_ =	sdelay $0x1  }
0x5fa: {  	v4 =	vadd.s32 v1, v4;
	_ =	sdelay $0x1  }
0x5fb: {  	v3 =	vperm.xlane v3, v2;
	_ =	sdelay $0x1  }
0x5fc: {  	v3 =	vadd.s32 v1, v3  }
0x5fd: {  	[tilespmem:s9], [sflag:$0x2] =	stream.indirect_vreg.gather [hbm4b:s2+s3], $0x80, v4, vm0, $0xb8;
	[tilespmem:$0x18800] =	vst v63  }
0x5fe: {  	_ = 	snop  }
0x5ff: {  	[tilespmem:s10], [sflag:$0x2] =	stream.indirect_vreg.gather [hbm4b:s5+s3], $0x80, v4, vm1, $0xb8;
	[tilespmem:$0x18800] =	vst v63  }
0x600: {  	_ = 	snop  }
0x601: {  	[tilespmem:s11], [sflag:$0x2] =	stream.indirect_vreg.gather [hbm4b:s2+s3], $0x80, v3, vm0, $0xb8;
	[tilespmem:$0x18800] =	vst v63  }
0x602: {  	s4 =	simm.s32 $0xF400  }
0x603: {  	[tilespmem:s4], [sflag:$0x2] =	stream.indirect_vreg.gather [hbm4b:s5+s3], $0x80, v3, vm1, $0xb8;
	[tilespmem:$0x18800] =	vst v63  }
0x604: {  	v3 =	vld [tilespmem:$0x5A0];
	_ =	sdelay $0x4  }
0x605: {  	v26 =	vshrl.u32 v3, $0x3  }
0x606: {  	v4 =	vmul.u32 $0x18, v26  }
0x607: {  	v3 =	vand.u32 $0x7, v3  }
0x608: {  	v3 =	vor.u32 v3, v4  }
0x609: {  	v4 =	vperm.xlane v3, v0;
	_ =	sdelay $0x1  }
0x60a: {  	v4 =	vadd.s32 v1, v4;
	_ =	sdelay $0x1  }
0x60b: {  	v3 =	vperm.xlane v3, v2;
	_ =	sdelay $0x1  }
0x60c: {  	v3 =	vadd.s32 v1, v3  }
0x60d: {  	[tilespmem:s12], [sflag:$0x2] =	stream.indirect_vreg.gather [hbm4b:s2+s3], $0x80, v4, vm0, $0xb8;
	[tilespmem:$0x18800] =	vst v63  }
0x60e: {  	_ = 	snop  }
0x60f: {  	[tilespmem:s13], [sflag:$0x2] =	stream.indirect_vreg.gather [hbm4b:s5+s3], $0x80, v4, vm1, $0xb8;
	[tilespmem:$0x18800] =	vst v63  }
0x610: {  	_ = 	snop  }
0x611: {  	[tilespmem:s14], [sflag:$0x2] =	stream.indirect_vreg.gather [hbm4b:s2+s3], $0x80, v3, vm0, $0xb8;
	[tilespmem:$0x18800] =	vst v63  }
0x612: {  	s14 =	simm.s32 $0x10C00  }
0x613: {  	[tilespmem:s14], [sflag:$0x2] =	stream.indirect_vreg.gather [hbm4b:s5+s3], $0x80, v3, vm1, $0xb8;
	[tilespmem:$0x18800] =	vst v63  }
0x614: {  	v3 =	vld [tilespmem:$0x5B0];
	_ =	sdelay $0x4  }
0x615: {  	v27 =	vshrl.u32 v3, $0x3  }
0x616: {  	v4 =	vmul.u32 $0x18, v27  }
0x617: {  	v3 =	vand.u32 $0x7, v3  }
0x618: {  	v3 =	vor.u32 v3, v4  }
0x619: {  	v4 =	vperm.xlane v3, v0;
	_ =	sdelay $0x1  }
0x61a: {  	v4 =	vadd.s32 v1, v4;
	_ =	sdelay $0x1  }
0x61b: {  	v3 =	vperm.xlane v3, v2;
	_ =	sdelay $0x1  }
0x61c: {  	v3 =	vadd.s32 v1, v3  }
0x61d: {  	[tilespmem:s15], [sflag:$0x2] =	stream.indirect_vreg.gather [hbm4b:s2+s3], $0x80, v4, vm0, $0xb8;
	[tilespmem:$0x18800] =	vst v63  }
0x61e: {  	_ = 	snop  }
0x61f: {  	[tilespmem:s16], [sflag:$0x2] =	stream.indirect_vreg.gather [hbm4b:s5+s3], $0x80, v4, vm1, $0xb8;
	[tilespmem:$0x18800] =	vst v63  }
0x620: {  	_ = 	snop  }
0x621: {  	[tilespmem:s17], [sflag:$0x2] =	stream.indirect_vreg.gather [hbm4b:s2+s3], $0x80, v3, vm0, $0xb8;
	[tilespmem:$0x18800] =	vst v63  }
0x622: {  	s17 =	simm.s32 $0x12400  }
0x623: {  	[tilespmem:s17], [sflag:$0x2] =	stream.indirect_vreg.gather [hbm4b:s5+s3], $0x80, v3, vm1, $0xb8;
	[tilespmem:$0x18800] =	vst v63  }
0x624: {  	v3 =	vld [tilespmem:$0x5C0];
	_ =	sdelay $0x4  }
0x625: {  	v28 =	vshrl.u32 v3, $0x3  }
0x626: {  	v4 =	vmul.u32 $0x18, v28  }
0x627: {  	v3 =	vand.u32 $0x7, v3  }
0x628: {  	v3 =	vor.u32 v3, v4  }
0x629: {  	v4 =	vperm.xlane v3, v0;
	_ =	sdelay $0x1  }
0x62a: {  	v4 =	vadd.s32 v1, v4;
	_ =	sdelay $0x1  }
0x62b: {  	v3 =	vperm.xlane v3, v2;
	_ =	sdelay $0x1  }
0x62c: {  	v3 =	vadd.s32 v1, v3  }
0x62d: {  	[tilespmem:s18], [sflag:$0x2] =	stream.indirect_vreg.gather [hbm4b:s2+s3], $0x80, v4, vm0, $0xb8;
	[tilespmem:$0x18800] =	vst v63  }
0x62e: {  	_ = 	snop  }
0x62f: {  	[tilespmem:s19], [sflag:$0x2] =	stream.indirect_vreg.gather [hbm4b:s5+s3], $0x80, v4, vm1, $0xb8;
	[tilespmem:$0x18800] =	vst v63  }
0x630: {  	_ = 	snop  }
0x631: {  	[tilespmem:s20], [sflag:$0x2] =	stream.indirect_vreg.gather [hbm4b:s2+s3], $0x80, v3, vm0, $0xb8;
	[tilespmem:$0x18800] =	vst v63  }
0x632: {  	s25 =	simm.s32 $0x13C00  }
0x633: {  	[tilespmem:s25], [sflag:$0x2] =	stream.indirect_vreg.gather [hbm4b:s5+s3], $0x80, v3, vm1, $0xb8;
	[tilespmem:$0x18800] =	vst v63  }
0x634: {  	v3 =	vld [tilespmem:$0x5D0];
	_ =	sdelay $0x4  }
0x635: {  	v29 =	vshrl.u32 v3, $0x3  }
0x636: {  	v4 =	vmul.u32 $0x18, v29  }
0x637: {  	v3 =	vand.u32 $0x7, v3  }
0x638: {  	v3 =	vor.u32 v3, v4  }
0x639: {  	v4 =	vperm.xlane v3, v0;
	_ =	sdelay $0x1  }
0x63a: {  	v4 =	vadd.s32 v1, v4;
	_ =	sdelay $0x1  }
0x63b: {  	v3 =	vperm.xlane v3, v2;
	_ =	sdelay $0x1  }
0x63c: {  	v3 =	vadd.s32 v1, v3  }
0x63d: {  	[tilespmem:s21], [sflag:$0x2] =	stream.indirect_vreg.gather [hbm4b:s2+s3], $0x80, v4, vm0, $0xb8;
	[tilespmem:$0x18800] =	vst v63  }
0x63e: {  	_ = 	snop  }
0x63f: {  	[tilespmem:s22], [sflag:$0x2] =	stream.indirect_vreg.gather [hbm4b:s5+s3], $0x80, v4, vm1, $0xb8;
	[tilespmem:$0x18800] =	vst v63  }
0x640: {  	_ = 	snop  }
0x641: {  	[tilespmem:s26], [sflag:$0x2] =	stream.indirect_vreg.gather [hbm4b:s2+s3], $0x80, v3, vm0, $0xb8;
	[tilespmem:$0x18800] =	vst v63  }
0x642: {  	s26 =	simm.s32 $0x15400  }
0x643: {  	[tilespmem:s26], [sflag:$0x2] =	stream.indirect_vreg.gather [hbm4b:s5+s3], $0x80, v3, vm1, $0xb8;
	[tilespmem:$0x18800] =	vst v63  }
0x644: {  	v3 =	vld [tilespmem:$0x5E0];
	_ =	sdelay $0x4  }
0x645: {  	v30 =	vshrl.u32 v3, $0x3  }
0x646: {  	v4 =	vmul.u32 $0x18, v30  }
0x647: {  	v3 =	vand.u32 $0x7, v3  }
0x648: {  	v3 =	vor.u32 v3, v4  }
0x649: {  	v4 =	vperm.xlane v3, v0;
	_ =	sdelay $0x1  }
0x64a: {  	v4 =	vadd.s32 v1, v4;
	_ =	sdelay $0x1  }
0x64b: {  	v3 =	vperm.xlane v3, v2;
	_ =	sdelay $0x1  }
0x64c: {  	v3 =	vadd.s32 v1, v3  }
0x64d: {  	[tilespmem:s28], [sflag:$0x2] =	stream.indirect_vreg.gather [hbm4b:s2+s3], $0x80, v4, vm0, $0xb8;
	[tilespmem:$0x18800] =	vst v63  }
0x64e: {  	_ = 	snop  }
0x64f: {  	[tilespmem:s29], [sflag:$0x2] =	stream.indirect_vreg.gather [hbm4b:s5+s3], $0x80, v4, vm1, $0xb8;
	[tilespmem:$0x18800] =	vst v63  }
0x650: {  	_ = 	snop  }
0x651: {  	[tilespmem:s30], [sflag:$0x2] =	stream.indirect_vreg.gather [hbm4b:s2+s3], $0x80, v3, vm0, $0xb8;
	[tilespmem:$0x18800] =	vst v63  }
0x652: {  	s28 =	simm.s32 $0x16C00  }
0x653: {  	[tilespmem:s28], [sflag:$0x2] =	stream.indirect_vreg.gather [hbm4b:s5+s3], $0x80, v3, vm1, $0xb8;
	[tilespmem:$0x18800] =	vst v63  }
0x654: {  	v3 =	vld [tilespmem:$0x5F0];
	_ =	sdelay $0x4  }
0x655: {  	v31 =	vshrl.u32 v3, $0x3  }
0x656: {  	v4 =	vmul.u32 $0x18, v31  }
0x657: {  	v3 =	vand.u32 $0x7, v3  }
0x658: {  	v3 =	vor.u32 v3, v4  }
0x659: {  	v4 =	vperm.xlane v3, v0;
	_ =	sdelay $0x1  }
0x65a: {  	v4 =	vadd.s32 v1, v4;
	_ =	sdelay $0x1  }
0x65b: {  	v3 =	vperm.xlane v3, v2;
	_ =	sdelay $0x1  }
0x65c: {  	v3 =	vadd.s32 v1, v3  }
0x65d: {  	[tilespmem:s31], [sflag:$0x2] =	stream.indirect_vreg.gather [hbm4b:s2+s3], $0x80, v4, vm0, $0xb8;
	[tilespmem:$0x18800] =	vst v63  }
0x65e: {  	s29 =	simm.s32 $0x17800  }
0x65f: {  	[tilespmem:s29], [sflag:$0x2] =	stream.indirect_vreg.gather [hbm4b:s5+s3], $0x80, v4, vm1, $0xb8;
	[tilespmem:$0x18800] =	vst v63  }
0x660: {  	s30 =	simm.s32 $0x17C00  }
0x661: {  	[tilespmem:s30], [sflag:$0x2] =	stream.indirect_vreg.gather [hbm4b:s2+s3], $0x80, v3, vm0, $0xb8;
	[tilespmem:$0x18800] =	vst v63  }
0x662: {  	s31 =	simm.s32 $0x18400  }
0x663: {  	[tilespmem:s31], [sflag:$0x2] =	stream.indirect_vreg.gather [hbm4b:s5+s3], $0x80, v3, vm1, $0xb8;
	[tilespmem:$0x18800] =	vst v63  }
0x664: {  	_ =	swait.ge [sflag:s23], $0xC000  }
0x665: {  	[sflag:s23] =	ssyncset.done $0x0  }
0x666: {  	s1 =	simm.s32 $0x800;
	s9 =	rddreg [dreg:$0xd];
	[sflag:s23] =	ssyncadd.s32 $0xFFFF4000  }
0x667: {  	[hbm4b:s9+s3] =	stream.linear.scatter [tilespmem:s1], [sflag:$0x3], $0xC000, $0x38;
	[tilespmem:$0x18800] =	vst v63  }
0x668: {  	_ =	swait.ge [sflag:s7], $0xC000  }
0x669: {  	[sflag:s7] =	ssyncset.done $0x0  }
0x66a: {  	[sflag:s7] =	ssyncadd.s32 $0xFFFF4000  }
0x66b: {  	v3 =	vld [tilespmem:$0x600];
	_ =	sdelay $0x4  }
0x66c: {  	v32 =	vshrl.u32 v3, $0x3  }
0x66d: {  	v4 =	vmul.u32 $0x18, v32  }
0x66e: {  	v3 =	vand.u32 $0x7, v3  }
0x66f: {  	v3 =	vor.u32 v3, v4  }
0x670: {  	v4 =	vperm.xlane v3, v0;
	_ =	sdelay $0x1  }
0x671: {  	v4 =	vadd.s32 v1, v4;
	_ =	sdelay $0x1  }
0x672: {  	v3 =	vperm.xlane v3, v2;
	_ =	sdelay $0x1  }
0x673: {  	v3 =	vadd.s32 v1, v3  }
0x674: {  	[tilespmem:s1], [sflag:$0x1] =	stream.indirect_vreg.gather [hbm4b:s2+s3], $0x80, v4, vm0, $0xb8;
	[tilespmem:$0x18800] =	vst v63  }
0x675: {  	s10 =	simm.s32 $0x1000  }
0x676: {  	[tilespmem:s10], [sflag:$0x1] =	stream.indirect_vreg.gather [hbm4b:s5+s3], $0x80, v4, vm1, $0xb8;
	[tilespmem:$0x18800] =	vst v63  }
0x677: {  	_ = 	snop  }
0x678: {  	[tilespmem:s8], [sflag:$0x1] =	stream.indirect_vreg.gather [hbm4b:s2+s3], $0x80, v3, vm0, $0xb8;
	[tilespmem:$0x18800] =	vst v63  }
0x679: {  	s8 =	simm.s32 $0x1C00  }
0x67a: {  	[tilespmem:s8], [sflag:$0x1] =	stream.indirect_vreg.gather [hbm4b:s5+s3], $0x80, v3, vm1, $0xb8;
	[tilespmem:$0x18800] =	vst v63  }
0x67b: {  	v3 =	vld [tilespmem:$0x610];
	_ =	sdelay $0x4  }
0x67c: {  	v33 =	vshrl.u32 v3, $0x3  }
0x67d: {  	v4 =	vmul.u32 $0x18, v33  }
0x67e: {  	v3 =	vand.u32 $0x7, v3  }
0x67f: {  	v3 =	vor.u32 v3, v4  }
0x680: {  	v4 =	vperm.xlane v3, v0;
	_ =	sdelay $0x1  }
0x681: {  	v4 =	vadd.s32 v1, v4;
	_ =	sdelay $0x1  }
0x682: {  	v3 =	vperm.xlane v3, v2;
	_ =	sdelay $0x1  }
0x683: {  	s11 =	simm.s32 $0x2000;
	v3 =	vadd.s32 v1, v3  }
0x684: {  	[tilespmem:s11], [sflag:$0x1] =	stream.indirect_vreg.gather [hbm4b:s2+s3], $0x80, v4, vm0, $0xb8;
	[tilespmem:$0x18800] =	vst v63  }
0x685: {  	s12 =	simm.s32 $0x2800  }
0x686: {  	[tilespmem:s12], [sflag:$0x1] =	stream.indirect_vreg.gather [hbm4b:s5+s3], $0x80, v4, vm1, $0xb8;
	[tilespmem:$0x18800] =	vst v63  }
0x687: {  	s13 =	simm.s32 $0x2C00  }
0x688: {  	[tilespmem:s13], [sflag:$0x1] =	stream.indirect_vreg.gather [hbm4b:s2+s3], $0x80, v3, vm0, $0xb8;
	[tilespmem:$0x18800] =	vst v63  }
0x689: {  	s14 =	simm.s32 $0x3400  }
0x68a: {  	[tilespmem:s14], [sflag:$0x1] =	stream.indirect_vreg.gather [hbm4b:s5+s3], $0x80, v3, vm1, $0xb8;
	[tilespmem:$0x18800] =	vst v63  }
0x68b: {  	v3 =	vld [tilespmem:$0x620];
	_ =	sdelay $0x4  }
0x68c: {  	v34 =	vshrl.u32 v3, $0x3  }
0x68d: {  	v4 =	vmul.u32 $0x18, v34  }
0x68e: {  	v3 =	vand.u32 $0x7, v3  }
0x68f: {  	v3 =	vor.u32 v3, v4  }
0x690: {  	v4 =	vperm.xlane v3, v0;
	_ =	sdelay $0x1  }
0x691: {  	v4 =	vadd.s32 v1, v4;
	_ =	sdelay $0x1  }
0x692: {  	v3 =	vperm.xlane v3, v2;
	_ =	sdelay $0x1  }
0x693: {  	s15 =	simm.s32 $0x3800;
	v3 =	vadd.s32 v1, v3  }
0x694: {  	[tilespmem:s15], [sflag:$0x1] =	stream.indirect_vreg.gather [hbm4b:s2+s3], $0x80, v4, vm0, $0xb8;
	[tilespmem:$0x18800] =	vst v63  }
0x695: {  	s16 =	simm.s32 $0x4000  }
0x696: {  	[tilespmem:s16], [sflag:$0x1] =	stream.indirect_vreg.gather [hbm4b:s5+s3], $0x80, v4, vm1, $0xb8;
	[tilespmem:$0x18800] =	vst v63  }
0x697: {  	s17 =	simm.s32 $0x4400  }
0x698: {  	[tilespmem:s17], [sflag:$0x1] =	stream.indirect_vreg.gather [hbm4b:s2+s3], $0x80, v3, vm0, $0xb8;
	[tilespmem:$0x18800] =	vst v63  }
0x699: {  	s16 =	simm.s32 $0x4C00  }
0x69a: {  	[tilespmem:s16], [sflag:$0x1] =	stream.indirect_vreg.gather [hbm4b:s5+s3], $0x80, v3, vm1, $0xb8;
	[tilespmem:$0x18800] =	vst v63  }
0x69b: {  	v3 =	vld [tilespmem:$0x630];
	_ =	sdelay $0x4  }
0x69c: {  	v35 =	vshrl.u32 v3, $0x3  }
0x69d: {  	v4 =	vmul.u32 $0x18, v35  }
0x69e: {  	v3 =	vand.u32 $0x7, v3  }
0x69f: {  	v3 =	vor.u32 v3, v4  }
0x6a0: {  	v4 =	vperm.xlane v3, v0;
	_ =	sdelay $0x1  }
0x6a1: {  	v4 =	vadd.s32 v1, v4;
	_ =	sdelay $0x1  }
0x6a2: {  	v3 =	vperm.xlane v3, v2;
	_ =	sdelay $0x1  }
0x6a3: {  	s18 =	simm.s32 $0x5000;
	v3 =	vadd.s32 v1, v3  }
0x6a4: {  	[tilespmem:s18], [sflag:$0x1] =	stream.indirect_vreg.gather [hbm4b:s2+s3], $0x80, v4, vm0, $0xb8;
	[tilespmem:$0x18800] =	vst v63  }
0x6a5: {  	s19 =	simm.s32 $0x5800  }
0x6a6: {  	[tilespmem:s19], [sflag:$0x1] =	stream.indirect_vreg.gather [hbm4b:s5+s3], $0x80, v4, vm1, $0xb8;
	[tilespmem:$0x18800] =	vst v63  }
0x6a7: {  	s20 =	simm.s32 $0x5C00  }
0x6a8: {  	[tilespmem:s20], [sflag:$0x1] =	stream.indirect_vreg.gather [hbm4b:s2+s3], $0x80, v3, vm0, $0xb8;
	[tilespmem:$0x18800] =	vst v63  }
0x6a9: {  	s21 =	simm.s32 $0x6400  }
0x6aa: {  	[tilespmem:s21], [sflag:$0x1] =	stream.indirect_vreg.gather [hbm4b:s5+s3], $0x80, v3, vm1, $0xb8;
	[tilespmem:$0x18800] =	vst v63  }
0x6ab: {  	v3 =	vld [tilespmem:$0x640];
	_ =	sdelay $0x4  }
0x6ac: {  	v36 =	vshrl.u32 v3, $0x3  }
0x6ad: {  	v4 =	vmul.u32 $0x18, v36  }
0x6ae: {  	v3 =	vand.u32 $0x7, v3  }
0x6af: {  	v3 =	vor.u32 v3, v4  }
0x6b0: {  	v4 =	vperm.xlane v3, v0;
	_ =	sdelay $0x1  }
0x6b1: {  	v4 =	vadd.s32 v1, v4;
	_ =	sdelay $0x1  }
0x6b2: {  	v3 =	vperm.xlane v3, v2;
	_ =	sdelay $0x1  }
0x6b3: {  	s22 =	simm.s32 $0x6800;
	v3 =	vadd.s32 v1, v3  }
0x6b4: {  	[tilespmem:s22], [sflag:$0x1] =	stream.indirect_vreg.gather [hbm4b:s2+s3], $0x80, v4, vm0, $0xb8;
	[tilespmem:$0x18800] =	vst v63  }
0x6b5: {  	s25 =	simm.s32 $0x7000  }
0x6b6: {  	[tilespmem:s25], [sflag:$0x1] =	stream.indirect_vreg.gather [hbm4b:s5+s3], $0x80, v4, vm1, $0xb8;
	[tilespmem:$0x18800] =	vst v63  }
0x6b7: {  	s26 =	simm.s32 $0x7400  }
0x6b8: {  	[tilespmem:s26], [sflag:$0x1] =	stream.indirect_vreg.gather [hbm4b:s2+s3], $0x80, v3, vm0, $0xb8;
	[tilespmem:$0x18800] =	vst v63  }
0x6b9: {  	s9 =	simm.s32 $0x7C00  }
0x6ba: {  	[tilespmem:s9], [sflag:$0x1] =	stream.indirect_vreg.gather [hbm4b:s5+s3], $0x80, v3, vm1, $0xb8;
	[tilespmem:$0x18800] =	vst v63  }
0x6bb: {  	v3 =	vld [tilespmem:$0x650];
	_ =	sdelay $0x4  }
0x6bc: {  	v37 =	vshrl.u32 v3, $0x3  }
0x6bd: {  	v4 =	vmul.u32 $0x18, v37  }
0x6be: {  	v3 =	vand.u32 $0x7, v3  }
0x6bf: {  	v3 =	vor.u32 v3, v4  }
0x6c0: {  	v4 =	vperm.xlane v3, v0;
	_ =	sdelay $0x1  }
0x6c1: {  	v4 =	vadd.s32 v1, v4;
	_ =	sdelay $0x1  }
0x6c2: {  	v3 =	vperm.xlane v3, v2;
	_ =	sdelay $0x1  }
0x6c3: {  	s28 =	simm.s32 $0x8000;
	v3 =	vadd.s32 v1, v3  }
0x6c4: {  	[tilespmem:s28], [sflag:$0x1] =	stream.indirect_vreg.gather [hbm4b:s2+s3], $0x80, v4, vm0, $0xb8;
	[tilespmem:$0x18800] =	vst v63  }
0x6c5: {  	s29 =	simm.s32 $0x8800  }
0x6c6: {  	[tilespmem:s29], [sflag:$0x1] =	stream.indirect_vreg.gather [hbm4b:s5+s3], $0x80, v4, vm1, $0xb8;
	[tilespmem:$0x18800] =	vst v63  }
0x6c7: {  	s30 =	simm.s32 $0x8C00  }
0x6c8: {  	[tilespmem:s30], [sflag:$0x1] =	stream.indirect_vreg.gather [hbm4b:s2+s3], $0x80, v3, vm0, $0xb8;
	[tilespmem:$0x18800] =	vst v63  }
0x6c9: {  	s31 =	simm.s32 $0x9400  }
0x6ca: {  	[tilespmem:s31], [sflag:$0x1] =	stream.indirect_vreg.gather [hbm4b:s5+s3], $0x80, v3, vm1, $0xb8;
	[tilespmem:$0x18800] =	vst v63  }
0x6cb: {  	v3 =	vld [tilespmem:$0x660];
	_ =	sdelay $0x4  }
0x6cc: {  	v38 =	vshrl.u32 v3, $0x3  }
0x6cd: {  	v4 =	vmul.u32 $0x18, v38  }
0x6ce: {  	v3 =	vand.u32 $0x7, v3  }
0x6cf: {  	v3 =	vor.u32 v3, v4  }
0x6d0: {  	v4 =	vperm.xlane v3, v0;
	_ =	sdelay $0x1  }
0x6d1: {  	v4 =	vadd.s32 v1, v4;
	_ =	sdelay $0x1  }
0x6d2: {  	v3 =	vperm.xlane v3, v2;
	_ =	sdelay $0x1  }
0x6d3: {  	s11 =	simm.s32 $0x9800;
	v3 =	vadd.s32 v1, v3  }
0x6d4: {  	[tilespmem:s11], [sflag:$0x1] =	stream.indirect_vreg.gather [hbm4b:s2+s3], $0x80, v4, vm0, $0xb8;
	[tilespmem:$0x18800] =	vst v63  }
0x6d5: {  	s12 =	simm.s32 $0xA000  }
0x6d6: {  	[tilespmem:s12], [sflag:$0x1] =	stream.indirect_vreg.gather [hbm4b:s5+s3], $0x80, v4, vm1, $0xb8;
	[tilespmem:$0x18800] =	vst v63  }
0x6d7: {  	s13 =	simm.s32 $0xA400  }
0x6d8: {  	[tilespmem:s13], [sflag:$0x1] =	stream.indirect_vreg.gather [hbm4b:s2+s3], $0x80, v3, vm0, $0xb8;
	[tilespmem:$0x18800] =	vst v63  }
0x6d9: {  	s10 =	simm.s32 $0xAC00  }
0x6da: {  	[tilespmem:s10], [sflag:$0x1] =	stream.indirect_vreg.gather [hbm4b:s5+s3], $0x80, v3, vm1, $0xb8;
	[tilespmem:$0x18800] =	vst v63  }
0x6db: {  	v3 =	vld [tilespmem:$0x670];
	_ =	sdelay $0x4  }
0x6dc: {  	v39 =	vshrl.u32 v3, $0x3  }
0x6dd: {  	v4 =	vmul.u32 $0x18, v39  }
0x6de: {  	v3 =	vand.u32 $0x7, v3  }
0x6df: {  	v3 =	vor.u32 v3, v4  }
0x6e0: {  	v4 =	vperm.xlane v3, v0;
	_ =	sdelay $0x1  }
0x6e1: {  	v4 =	vadd.s32 v1, v4;
	_ =	sdelay $0x1  }
0x6e2: {  	v3 =	vperm.xlane v3, v2;
	_ =	sdelay $0x1  }
0x6e3: {  	s14 =	simm.s32 $0xB000;
	v3 =	vadd.s32 v1, v3  }
0x6e4: {  	[tilespmem:s14], [sflag:$0x1] =	stream.indirect_vreg.gather [hbm4b:s2+s3], $0x80, v4, vm0, $0xb8;
	[tilespmem:$0x18800] =	vst v63  }
0x6e5: {  	s1 =	simm.s32 $0xB800  }
0x6e6: {  	[tilespmem:s1], [sflag:$0x1] =	stream.indirect_vreg.gather [hbm4b:s5+s3], $0x80, v4, vm1, $0xb8;
	[tilespmem:$0x18800] =	vst v63  }
0x6e7: {  	s1 =	simm.s32 $0xBC00  }
0x6e8: {  	[tilespmem:s1], [sflag:$0x1] =	stream.indirect_vreg.gather [hbm4b:s2+s3], $0x80, v3, vm0, $0xb8;
	[tilespmem:$0x18800] =	vst v63  }
0x6e9: {  	s15 =	simm.s32 $0xC400  }
0x6ea: {  	[tilespmem:s15], [sflag:$0x1] =	stream.indirect_vreg.gather [hbm4b:s5+s3], $0x80, v3, vm1, $0xb8;
	[tilespmem:$0x18800] =	vst v63  }
0x6eb: {  	_ =	swait.ge [sflag:s24], $0xC000  }
0x6ec: {  	[sflag:s24] =	ssyncset.done $0x0  }
0x6ed: {  	s0 =	simm.s32 $0xC800;
	s17 =	rddreg [dreg:$0xe];
	[sflag:s24] =	ssyncadd.s32 $0xFFFF4000  }
0x6ee: {  	[hbm4b:s17+s3] =	stream.linear.scatter [tilespmem:s0], [sflag:$0x3], $0xC000, $0x38;
	[tilespmem:$0x18800] =	vst v63  }
0x6ef: {  	_ =	swait.ge [sflag:s7], $0xC000  }
0x6f0: {  	[sflag:s7] =	ssyncset.done $0x0  }
0x6f1: {  	[sflag:s7] =	ssyncadd.s32 $0xFFFF4000  }
0x6f2: {  	v3 =	vld [tilespmem:$0x680];
	_ =	sdelay $0x4  }
0x6f3: {  	v40 =	vshrl.u32 v3, $0x3  }
0x6f4: {  	v4 =	vmul.u32 $0x18, v40  }
0x6f5: {  	v3 =	vand.u32 $0x7, v3  }
0x6f6: {  	v3 =	vor.u32 v3, v4  }
0x6f7: {  	v4 =	vperm.xlane v3, v0;
	_ =	sdelay $0x1  }
0x6f8: {  	v4 =	vadd.s32 v1, v4;
	_ =	sdelay $0x1  }
0x6f9: {  	v3 =	vperm.xlane v3, v2;
	_ =	sdelay $0x1  }
0x6fa: {  	v3 =	vadd.s32 v1, v3  }
0x6fb: {  	[tilespmem:s0], [sflag:$0x2] =	stream.indirect_vreg.gather [hbm4b:s2+s3], $0x80, v4, vm0, $0xb8;
	[tilespmem:$0x18800] =	vst v63  }
0x6fc: {  	s18 =	simm.s32 $0xD000  }
0x6fd: {  	[tilespmem:s18], [sflag:$0x2] =	stream.indirect_vreg.gather [hbm4b:s5+s3], $0x80, v4, vm1, $0xb8;
	[tilespmem:$0x18800] =	vst v63  }
0x6fe: {  	s19 =	simm.s32 $0xD400  }
0x6ff: {  	[tilespmem:s19], [sflag:$0x2] =	stream.indirect_vreg.gather [hbm4b:s2+s3], $0x80, v3, vm0, $0xb8;
	[tilespmem:$0x18800] =	vst v63  }
0x700: {  	_ = 	snop  }
0x701: {  	[tilespmem:s6], [sflag:$0x2] =	stream.indirect_vreg.gather [hbm4b:s5+s3], $0x80, v3, vm1, $0xb8;
	[tilespmem:$0x18800] =	vst v63  }
0x702: {  	v3 =	vld [tilespmem:$0x690];
	_ =	sdelay $0x4  }
0x703: {  	v41 =	vshrl.u32 v3, $0x3  }
0x704: {  	v4 =	vmul.u32 $0x18, v41  }
0x705: {  	v3 =	vand.u32 $0x7, v3  }
0x706: {  	v3 =	vor.u32 v3, v4  }
0x707: {  	v4 =	vperm.xlane v3, v0;
	_ =	sdelay $0x1  }
0x708: {  	v4 =	vadd.s32 v1, v4;
	_ =	sdelay $0x1  }
0x709: {  	v3 =	vperm.xlane v3, v2;
	_ =	sdelay $0x1  }
0x70a: {  	s20 =	simm.s32 $0xE000;
	v3 =	vadd.s32 v1, v3  }
0x70b: {  	[tilespmem:s20], [sflag:$0x2] =	stream.indirect_vreg.gather [hbm4b:s2+s3], $0x80, v4, vm0, $0xb8;
	[tilespmem:$0x18800] =	vst v63  }
0x70c: {  	s21 =	simm.s32 $0xE800  }
0x70d: {  	[tilespmem:s21], [sflag:$0x2] =	stream.indirect_vreg.gather [hbm4b:s5+s3], $0x80, v4, vm1, $0xb8;
	[tilespmem:$0x18800] =	vst v63  }
0x70e: {  	s22 =	simm.s32 $0xEC00  }
0x70f: {  	[tilespmem:s22], [sflag:$0x2] =	stream.indirect_vreg.gather [hbm4b:s2+s3], $0x80, v3, vm0, $0xb8;
	[tilespmem:$0x18800] =	vst v63  }
0x710: {  	_ = 	snop  }
0x711: {  	[tilespmem:s4], [sflag:$0x2] =	stream.indirect_vreg.gather [hbm4b:s5+s3], $0x80, v3, vm1, $0xb8;
	[tilespmem:$0x18800] =	vst v63  }
0x712: {  	v3 =	vld [tilespmem:$0x6A0];
	_ =	sdelay $0x4  }
0x713: {  	v42 =	vshrl.u32 v3, $0x3  }
0x714: {  	v4 =	vmul.u32 $0x18, v42  }
0x715: {  	v3 =	vand.u32 $0x7, v3  }
0x716: {  	v3 =	vor.u32 v3, v4  }
0x717: {  	v4 =	vperm.xlane v3, v0;
	_ =	sdelay $0x1  }
0x718: {  	v4 =	vadd.s32 v1, v4;
	_ =	sdelay $0x1  }
0x719: {  	v3 =	vperm.xlane v3, v2;
	_ =	sdelay $0x1  }
0x71a: {  	s25 =	simm.s32 $0xF800;
	v3 =	vadd.s32 v1, v3  }
0x71b: {  	[tilespmem:s25], [sflag:$0x2] =	stream.indirect_vreg.gather [hbm4b:s2+s3], $0x80, v4, vm0, $0xb8;
	[tilespmem:$0x18800] =	vst v63  }
0x71c: {  	s26 =	simm.s32 $0x10000  }
0x71d: {  	[tilespmem:s26], [sflag:$0x2] =	stream.indirect_vreg.gather [hbm4b:s5+s3], $0x80, v4, vm1, $0xb8;
	[tilespmem:$0x18800] =	vst v63  }
0x71e: {  	s28 =	simm.s32 $0x10400  }
0x71f: {  	[tilespmem:s28], [sflag:$0x2] =	stream.indirect_vreg.gather [hbm4b:s2+s3], $0x80, v3, vm0, $0xb8;
	[tilespmem:$0x18800] =	vst v63  }
0x720: {  	s29 =	simm.s32 $0x10C00  }
0x721: {  	[tilespmem:s29], [sflag:$0x2] =	stream.indirect_vreg.gather [hbm4b:s5+s3], $0x80, v3, vm1, $0xb8;
	[tilespmem:$0x18800] =	vst v63  }
0x722: {  	v3 =	vld [tilespmem:$0x6B0];
	_ =	sdelay $0x4  }
0x723: {  	v43 =	vshrl.u32 v3, $0x3  }
0x724: {  	v4 =	vmul.u32 $0x18, v43  }
0x725: {  	v3 =	vand.u32 $0x7, v3  }
0x726: {  	v3 =	vor.u32 v3, v4  }
0x727: {  	v4 =	vperm.xlane v3, v0;
	_ =	sdelay $0x1  }
0x728: {  	v4 =	vadd.s32 v1, v4;
	_ =	sdelay $0x1  }
0x729: {  	v3 =	vperm.xlane v3, v2;
	_ =	sdelay $0x1  }
0x72a: {  	s30 =	simm.s32 $0x11000;
	v3 =	vadd.s32 v1, v3  }
0x72b: {  	[tilespmem:s30], [sflag:$0x2] =	stream.indirect_vreg.gather [hbm4b:s2+s3], $0x80, v4, vm0, $0xb8;
	[tilespmem:$0x18800] =	vst v63  }
0x72c: {  	s31 =	simm.s32 $0x11800  }
0x72d: {  	[tilespmem:s31], [sflag:$0x2] =	stream.indirect_vreg.gather [hbm4b:s5+s3], $0x80, v4, vm1, $0xb8;
	[tilespmem:$0x18800] =	vst v63  }
0x72e: {  	s4 =	simm.s32 $0x11C00  }
0x72f: {  	[tilespmem:s4], [sflag:$0x2] =	stream.indirect_vreg.gather [hbm4b:s2+s3], $0x80, v3, vm0, $0xb8;
	[tilespmem:$0x18800] =	vst v63  }
0x730: {  	s25 =	simm.s32 $0x12400  }
0x731: {  	[tilespmem:s25], [sflag:$0x2] =	stream.indirect_vreg.gather [hbm4b:s5+s3], $0x80, v3, vm1, $0xb8;
	[tilespmem:$0x18800] =	vst v63  }
0x732: {  	v3 =	vld [tilespmem:$0x6C0];
	_ =	sdelay $0x4  }
0x733: {  	v44 =	vshrl.u32 v3, $0x3  }
0x734: {  	v4 =	vmul.u32 $0x18, v44  }
0x735: {  	v3 =	vand.u32 $0x7, v3  }
0x736: {  	v3 =	vor.u32 v3, v4  }
0x737: {  	v4 =	vperm.xlane v3, v0;
	_ =	sdelay $0x1  }
0x738: {  	v4 =	vadd.s32 v1, v4;
	_ =	sdelay $0x1  }
0x739: {  	v3 =	vperm.xlane v3, v2;
	_ =	sdelay $0x1  }
0x73a: {  	s28 =	simm.s32 $0x12800;
	v3 =	vadd.s32 v1, v3  }
0x73b: {  	[tilespmem:s28], [sflag:$0x2] =	stream.indirect_vreg.gather [hbm4b:s2+s3], $0x80, v4, vm0, $0xb8;
	[tilespmem:$0x18800] =	vst v63  }
0x73c: {  	s29 =	simm.s32 $0x13000  }
0x73d: {  	[tilespmem:s29], [sflag:$0x2] =	stream.indirect_vreg.gather [hbm4b:s5+s3], $0x80, v4, vm1, $0xb8;
	[tilespmem:$0x18800] =	vst v63  }
0x73e: {  	s30 =	simm.s32 $0x13400  }
0x73f: {  	[tilespmem:s30], [sflag:$0x2] =	stream.indirect_vreg.gather [hbm4b:s2+s3], $0x80, v3, vm0, $0xb8;
	[tilespmem:$0x18800] =	vst v63  }
0x740: {  	s31 =	simm.s32 $0x13C00  }
0x741: {  	[tilespmem:s31], [sflag:$0x2] =	stream.indirect_vreg.gather [hbm4b:s5+s3], $0x80, v3, vm1, $0xb8;
	[tilespmem:$0x18800] =	vst v63  }
0x742: {  	v3 =	vld [tilespmem:$0x6D0];
	_ =	sdelay $0x4  }
0x743: {  	v45 =	vshrl.u32 v3, $0x3  }
0x744: {  	v4 =	vmul.u32 $0x18, v45  }
0x745: {  	v3 =	vand.u32 $0x7, v3  }
0x746: {  	v3 =	vor.u32 v3, v4  }
0x747: {  	v4 =	vperm.xlane v3, v0;
	_ =	sdelay $0x1  }
0x748: {  	v4 =	vadd.s32 v1, v4;
	_ =	sdelay $0x1  }
0x749: {  	v3 =	vperm.xlane v3, v2;
	_ =	sdelay $0x1  }
0x74a: {  	s4 =	simm.s32 $0x14000;
	v3 =	vadd.s32 v1, v3  }
0x74b: {  	[tilespmem:s4], [sflag:$0x2] =	stream.indirect_vreg.gather [hbm4b:s2+s3], $0x80, v4, vm0, $0xb8;
	[tilespmem:$0x18800] =	vst v63  }
0x74c: {  	s25 =	simm.s32 $0x14800  }
0x74d: {  	[tilespmem:s25], [sflag:$0x2] =	stream.indirect_vreg.gather [hbm4b:s5+s3], $0x80, v4, vm1, $0xb8;
	[tilespmem:$0x18800] =	vst v63  }
0x74e: {  	s4 =	simm.s32 $0x14C00  }
0x74f: {  	[tilespmem:s4], [sflag:$0x2] =	stream.indirect_vreg.gather [hbm4b:s2+s3], $0x80, v3, vm0, $0xb8;
	[tilespmem:$0x18800] =	vst v63  }
0x750: {  	s25 =	simm.s32 $0x15400  }
0x751: {  	[tilespmem:s25], [sflag:$0x2] =	stream.indirect_vreg.gather [hbm4b:s5+s3], $0x80, v3, vm1, $0xb8;
	[tilespmem:$0x18800] =	vst v63  }
0x752: {  	v3 =	vld [tilespmem:$0x6E0];
	_ =	sdelay $0x4  }
0x753: {  	v46 =	vshrl.u32 v3, $0x3  }
0x754: {  	v4 =	vmul.u32 $0x18, v46  }
0x755: {  	v3 =	vand.u32 $0x7, v3  }
0x756: {  	v3 =	vor.u32 v3, v4  }
0x757: {  	v4 =	vperm.xlane v3, v0;
	_ =	sdelay $0x1  }
0x758: {  	v4 =	vadd.s32 v1, v4;
	_ =	sdelay $0x1  }
0x759: {  	v3 =	vperm.xlane v3, v2;
	_ =	sdelay $0x1  }
0x75a: {  	s4 =	simm.s32 $0x15800;
	v3 =	vadd.s32 v1, v3  }
0x75b: {  	[tilespmem:s4], [sflag:$0x2] =	stream.indirect_vreg.gather [hbm4b:s2+s3], $0x80, v4, vm0, $0xb8;
	[tilespmem:$0x18800] =	vst v63  }
0x75c: {  	s25 =	simm.s32 $0x16000  }
0x75d: {  	[tilespmem:s25], [sflag:$0x2] =	stream.indirect_vreg.gather [hbm4b:s5+s3], $0x80, v4, vm1, $0xb8;
	[tilespmem:$0x18800] =	vst v63  }
0x75e: {  	s4 =	simm.s32 $0x16400  }
0x75f: {  	[tilespmem:s4], [sflag:$0x2] =	stream.indirect_vreg.gather [hbm4b:s2+s3], $0x80, v3, vm0, $0xb8;
	[tilespmem:$0x18800] =	vst v63  }
0x760: {  	s25 =	simm.s32 $0x16C00  }
0x761: {  	[tilespmem:s25], [sflag:$0x2] =	stream.indirect_vreg.gather [hbm4b:s5+s3], $0x80, v3, vm1, $0xb8;
	[tilespmem:$0x18800] =	vst v63  }
0x762: {  	v3 =	vld [tilespmem:$0x6F0];
	_ =	sdelay $0x4  }
0x763: {  	v47 =	vshrl.u32 v3, $0x3  }
0x764: {  	v4 =	vmul.u32 $0x18, v47  }
0x765: {  	v3 =	vand.u32 $0x7, v3  }
0x766: {  	v3 =	vor.u32 v3, v4  }
0x767: {  	v4 =	vperm.xlane v3, v0;
	_ =	sdelay $0x1  }
0x768: {  	v4 =	vadd.s32 v1, v4;
	_ =	sdelay $0x1  }
0x769: {  	v3 =	vperm.xlane v3, v2;
	_ =	sdelay $0x1  }
0x76a: {  	s4 =	simm.s32 $0x17000;
	v3 =	vadd.s32 v1, v3  }
0x76b: {  	[tilespmem:s4], [sflag:$0x2] =	stream.indirect_vreg.gather [hbm4b:s2+s3], $0x80, v4, vm0, $0xb8;
	[tilespmem:$0x18800] =	vst v63  }
0x76c: {  	s25 =	simm.s32 $0x17800  }
0x76d: {  	[tilespmem:s25], [sflag:$0x2] =	stream.indirect_vreg.gather [hbm4b:s5+s3], $0x80, v4, vm1, $0xb8;
	[tilespmem:$0x18800] =	vst v63  }
0x76e: {  	s4 =	simm.s32 $0x17C00  }
0x76f: {  	[tilespmem:s4], [sflag:$0x2] =	stream.indirect_vreg.gather [hbm4b:s2+s3], $0x80, v3, vm0, $0xb8;
	[tilespmem:$0x18800] =	vst v63  }
0x770: {  	s25 =	simm.s32 $0x18400  }
0x771: {  	[tilespmem:s25], [sflag:$0x2] =	stream.indirect_vreg.gather [hbm4b:s5+s3], $0x80, v3, vm1, $0xb8;
	[tilespmem:$0x18800] =	vst v63  }
0x772: {  	_ =	swait.ge [sflag:s23], $0xC000  }
0x773: {  	[sflag:s23] =	ssyncset.done $0x0  }
0x774: {  	s4 =	simm.s32 $0x800;
	s0 =	rddreg [dreg:$0xf];
	[sflag:s23] =	ssyncadd.s32 $0xFFFF4000  }
0x775: {  	[hbm4b:s0+s3] =	stream.linear.scatter [tilespmem:s4], [sflag:$0x3], $0xC000, $0x38;
	[tilespmem:$0x18800] =	vst v63  }
0x776: {  	_ =	swait.ge [sflag:s7], $0xC000  }
0x777: {  	[sflag:s7] =	ssyncset.done $0x0  }
0x778: {  	[sflag:s7] =	ssyncadd.s32 $0xFFFF4000  }
0x779: {  	v3 =	vld [tilespmem:$0x700];
	_ =	sdelay $0x4  }
0x77a: {  	v48 =	vshrl.u32 v3, $0x3  }
0x77b: {  	v4 =	vmul.u32 $0x18, v48  }
0x77c: {  	v3 =	vand.u32 $0x7, v3  }
0x77d: {  	v3 =	vor.u32 v3, v4  }
0x77e: {  	v4 =	vperm.xlane v3, v0;
	_ =	sdelay $0x1  }
0x77f: {  	v4 =	vadd.s32 v1, v4;
	_ =	sdelay $0x1  }
0x780: {  	v3 =	vperm.xlane v3, v2;
	_ =	sdelay $0x1  }
0x781: {  	v3 =	vadd.s32 v1, v3  }
0x782: {  	[tilespmem:s4], [sflag:$0x1] =	stream.indirect_vreg.gather [hbm4b:s2+s3], $0x80, v4, vm0, $0xb8;
	[tilespmem:$0x18800] =	vst v63  }
0x783: {  	s25 =	simm.s32 $0x1000  }
0x784: {  	[tilespmem:s25], [sflag:$0x1] =	stream.indirect_vreg.gather [hbm4b:s5+s3], $0x80, v4, vm1, $0xb8;
	[tilespmem:$0x18800] =	vst v63  }
0x785: {  	s25 =	simm.s32 $0x1400  }
0x786: {  	[tilespmem:s25], [sflag:$0x1] =	stream.indirect_vreg.gather [hbm4b:s2+s3], $0x80, v3, vm0, $0xb8;
	[tilespmem:$0x18800] =	vst v63  }
0x787: {  	_ = 	snop  }
0x788: {  	[tilespmem:s8], [sflag:$0x1] =	stream.indirect_vreg.gather [hbm4b:s5+s3], $0x80, v3, vm1, $0xb8;
	[tilespmem:$0x18800] =	vst v63  }
0x789: {  	v3 =	vld [tilespmem:$0x710];
	_ =	sdelay $0x4  }
0x78a: {  	v49 =	vshrl.u32 v3, $0x3  }
0x78b: {  	v4 =	vmul.u32 $0x18, v49  }
0x78c: {  	v3 =	vand.u32 $0x7, v3  }
0x78d: {  	v3 =	vor.u32 v3, v4  }
0x78e: {  	v4 =	vperm.xlane v3, v0;
	_ =	sdelay $0x1  }
0x78f: {  	v4 =	vadd.s32 v1, v4;
	_ =	sdelay $0x1  }
0x790: {  	v3 =	vperm.xlane v3, v2;
	_ =	sdelay $0x1  }
0x791: {  	s25 =	simm.s32 $0x2000;
	v3 =	vadd.s32 v1, v3  }
0x792: {  	[tilespmem:s25], [sflag:$0x1] =	stream.indirect_vreg.gather [hbm4b:s2+s3], $0x80, v4, vm0, $0xb8;
	[tilespmem:$0x18800] =	vst v63  }
0x793: {  	s8 =	simm.s32 $0x2800  }
0x794: {  	[tilespmem:s8], [sflag:$0x1] =	stream.indirect_vreg.gather [hbm4b:s5+s3], $0x80, v4, vm1, $0xb8;
	[tilespmem:$0x18800] =	vst v63  }
0x795: {  	s25 =	simm.s32 $0x2C00  }
0x796: {  	[tilespmem:s25], [sflag:$0x1] =	stream.indirect_vreg.gather [hbm4b:s2+s3], $0x80, v3, vm0, $0xb8;
	[tilespmem:$0x18800] =	vst v63  }
0x797: {  	s8 =	simm.s32 $0x3400  }
0x798: {  	[tilespmem:s8], [sflag:$0x1] =	stream.indirect_vreg.gather [hbm4b:s5+s3], $0x80, v3, vm1, $0xb8;
	[tilespmem:$0x18800] =	vst v63  }
0x799: {  	v3 =	vld [tilespmem:$0x720];
	_ =	sdelay $0x4  }
0x79a: {  	v50 =	vshrl.u32 v3, $0x3  }
0x79b: {  	v4 =	vmul.u32 $0x18, v50  }
0x79c: {  	v3 =	vand.u32 $0x7, v3  }
0x79d: {  	v3 =	vor.u32 v3, v4  }
0x79e: {  	v4 =	vperm.xlane v3, v0;
	_ =	sdelay $0x1  }
0x79f: {  	v4 =	vadd.s32 v1, v4;
	_ =	sdelay $0x1  }
0x7a0: {  	v3 =	vperm.xlane v3, v2;
	_ =	sdelay $0x1  }
0x7a1: {  	s25 =	simm.s32 $0x3800;
	v3 =	vadd.s32 v1, v3  }
0x7a2: {  	[tilespmem:s25], [sflag:$0x1] =	stream.indirect_vreg.gather [hbm4b:s2+s3], $0x80, v4, vm0, $0xb8;
	[tilespmem:$0x18800] =	vst v63  }
0x7a3: {  	s8 =	simm.s32 $0x4000  }
0x7a4: {  	[tilespmem:s8], [sflag:$0x1] =	stream.indirect_vreg.gather [hbm4b:s5+s3], $0x80, v4, vm1, $0xb8;
	[tilespmem:$0x18800] =	vst v63  }
0x7a5: {  	s25 =	simm.s32 $0x4400  }
0x7a6: {  	[tilespmem:s25], [sflag:$0x1] =	stream.indirect_vreg.gather [hbm4b:s2+s3], $0x80, v3, vm0, $0xb8;
	[tilespmem:$0x18800] =	vst v63  }
0x7a7: {  	_ = 	snop  }
0x7a8: {  	[tilespmem:s16], [sflag:$0x1] =	stream.indirect_vreg.gather [hbm4b:s5+s3], $0x80, v3, vm1, $0xb8;
	[tilespmem:$0x18800] =	vst v63  }
0x7a9: {  	v3 =	vld [tilespmem:$0x730];
	_ =	sdelay $0x4  }
0x7aa: {  	v51 =	vshrl.u32 v3, $0x3  }
0x7ab: {  	v4 =	vmul.u32 $0x18, v51  }
0x7ac: {  	v3 =	vand.u32 $0x7, v3  }
0x7ad: {  	v3 =	vor.u32 v3, v4  }
0x7ae: {  	v4 =	vperm.xlane v3, v0;
	_ =	sdelay $0x1  }
0x7af: {  	v4 =	vadd.s32 v1, v4;
	_ =	sdelay $0x1  }
0x7b0: {  	v3 =	vperm.xlane v3, v2;
	_ =	sdelay $0x1  }
0x7b1: {  	s8 =	simm.s32 $0x5000;
	v3 =	vadd.s32 v1, v3  }
0x7b2: {  	[tilespmem:s8], [sflag:$0x1] =	stream.indirect_vreg.gather [hbm4b:s2+s3], $0x80, v4, vm0, $0xb8;
	[tilespmem:$0x18800] =	vst v63  }
0x7b3: {  	s16 =	simm.s32 $0x5800  }
0x7b4: {  	[tilespmem:s16], [sflag:$0x1] =	stream.indirect_vreg.gather [hbm4b:s5+s3], $0x80, v4, vm1, $0xb8;
	[tilespmem:$0x18800] =	vst v63  }
0x7b5: {  	s25 =	simm.s32 $0x5C00  }
0x7b6: {  	[tilespmem:s25], [sflag:$0x1] =	stream.indirect_vreg.gather [hbm4b:s2+s3], $0x80, v3, vm0, $0xb8;
	[tilespmem:$0x18800] =	vst v63  }
0x7b7: {  	s8 =	simm.s32 $0x6400  }
0x7b8: {  	[tilespmem:s8], [sflag:$0x1] =	stream.indirect_vreg.gather [hbm4b:s5+s3], $0x80, v3, vm1, $0xb8;
	[tilespmem:$0x18800] =	vst v63  }
0x7b9: {  	v3 =	vld [tilespmem:$0x740];
	_ =	sdelay $0x4  }
0x7ba: {  	v52 =	vshrl.u32 v3, $0x3  }
0x7bb: {  	v4 =	vmul.u32 $0x18, v52  }
0x7bc: {  	v3 =	vand.u32 $0x7, v3  }
0x7bd: {  	v3 =	vor.u32 v3, v4  }
0x7be: {  	v4 =	vperm.xlane v3, v0;
	_ =	sdelay $0x1  }
0x7bf: {  	v4 =	vadd.s32 v1, v4;
	_ =	sdelay $0x1  }
0x7c0: {  	v3 =	vperm.xlane v3, v2;
	_ =	sdelay $0x1  }
0x7c1: {  	s16 =	simm.s32 $0x6800;
	v3 =	vadd.s32 v1, v3  }
0x7c2: {  	[tilespmem:s16], [sflag:$0x1] =	stream.indirect_vreg.gather [hbm4b:s2+s3], $0x80, v4, vm0, $0xb8;
	[tilespmem:$0x18800] =	vst v63  }
0x7c3: {  	s25 =	simm.s32 $0x7000  }
0x7c4: {  	[tilespmem:s25], [sflag:$0x1] =	stream.indirect_vreg.gather [hbm4b:s5+s3], $0x80, v4, vm1, $0xb8;
	[tilespmem:$0x18800] =	vst v63  }
0x7c5: {  	s8 =	simm.s32 $0x7400  }
0x7c6: {  	[tilespmem:s8], [sflag:$0x1] =	stream.indirect_vreg.gather [hbm4b:s2+s3], $0x80, v3, vm0, $0xb8;
	[tilespmem:$0x18800] =	vst v63  }
0x7c7: {  	_ = 	snop  }
0x7c8: {  	[tilespmem:s9], [sflag:$0x1] =	stream.indirect_vreg.gather [hbm4b:s5+s3], $0x80, v3, vm1, $0xb8;
	[tilespmem:$0x18800] =	vst v63  }
0x7c9: {  	v3 =	vld [tilespmem:$0x750];
	_ =	sdelay $0x4  }
0x7ca: {  	v53 =	vshrl.u32 v3, $0x3  }
0x7cb: {  	v4 =	vmul.u32 $0x18, v53  }
0x7cc: {  	v3 =	vand.u32 $0x7, v3  }
0x7cd: {  	v3 =	vor.u32 v3, v4  }
0x7ce: {  	v4 =	vperm.xlane v3, v0;
	_ =	sdelay $0x1  }
0x7cf: {  	v4 =	vadd.s32 v1, v4;
	_ =	sdelay $0x1  }
0x7d0: {  	v3 =	vperm.xlane v3, v2;
	_ =	sdelay $0x1  }
0x7d1: {  	s16 =	simm.s32 $0x8000;
	v3 =	vadd.s32 v1, v3  }
0x7d2: {  	[tilespmem:s16], [sflag:$0x1] =	stream.indirect_vreg.gather [hbm4b:s2+s3], $0x80, v4, vm0, $0xb8;
	[tilespmem:$0x18800] =	vst v63  }
0x7d3: {  	s25 =	simm.s32 $0x8800  }
0x7d4: {  	[tilespmem:s25], [sflag:$0x1] =	stream.indirect_vreg.gather [hbm4b:s5+s3], $0x80, v4, vm1, $0xb8;
	[tilespmem:$0x18800] =	vst v63  }
0x7d5: {  	s8 =	simm.s32 $0x8C00  }
0x7d6: {  	[tilespmem:s8], [sflag:$0x1] =	stream.indirect_vreg.gather [hbm4b:s2+s3], $0x80, v3, vm0, $0xb8;
	[tilespmem:$0x18800] =	vst v63  }
0x7d7: {  	s9 =	simm.s32 $0x9400  }
0x7d8: {  	[tilespmem:s9], [sflag:$0x1] =	stream.indirect_vreg.gather [hbm4b:s5+s3], $0x80, v3, vm1, $0xb8;
	[tilespmem:$0x18800] =	vst v63  }
0x7d9: {  	v3 =	vld [tilespmem:$0x760];
	_ =	sdelay $0x4  }
0x7da: {  	v54 =	vshrl.u32 v3, $0x3  }
0x7db: {  	v4 =	vmul.u32 $0x18, v54  }
0x7dc: {  	v3 =	vand.u32 $0x7, v3  }
0x7dd: {  	v3 =	vor.u32 v3, v4  }
0x7de: {  	v4 =	vperm.xlane v3, v0;
	_ =	sdelay $0x1  }
0x7df: {  	v4 =	vadd.s32 v1, v4;
	_ =	sdelay $0x1  }
0x7e0: {  	v3 =	vperm.xlane v3, v2;
	_ =	sdelay $0x1  }
0x7e1: {  	v3 =	vadd.s32 v1, v3  }
0x7e2: {  	[tilespmem:s11], [sflag:$0x1] =	stream.indirect_vreg.gather [hbm4b:s2+s3], $0x80, v4, vm0, $0xb8;
	[tilespmem:$0x18800] =	vst v63  }
0x7e3: {  	_ = 	snop  }
0x7e4: {  	[tilespmem:s12], [sflag:$0x1] =	stream.indirect_vreg.gather [hbm4b:s5+s3], $0x80, v4, vm1, $0xb8;
	[tilespmem:$0x18800] =	vst v63  }
0x7e5: {  	_ = 	snop  }
0x7e6: {  	[tilespmem:s13], [sflag:$0x1] =	stream.indirect_vreg.gather [hbm4b:s2+s3], $0x80, v3, vm0, $0xb8;
	[tilespmem:$0x18800] =	vst v63  }
0x7e7: {  	_ = 	snop  }
0x7e8: {  	[tilespmem:s10], [sflag:$0x1] =	stream.indirect_vreg.gather [hbm4b:s5+s3], $0x80, v3, vm1, $0xb8;
	[tilespmem:$0x18800] =	vst v63  }
0x7e9: {  	v3 =	vld [tilespmem:$0x770];
	_ =	sdelay $0x4  }
0x7ea: {  	v55 =	vshrl.u32 v3, $0x3  }
0x7eb: {  	v4 =	vmul.u32 $0x18, v55  }
0x7ec: {  	v3 =	vand.u32 $0x7, v3  }
0x7ed: {  	v3 =	vor.u32 v3, v4  }
0x7ee: {  	v4 =	vperm.xlane v3, v0;
	_ =	sdelay $0x1  }
0x7ef: {  	v4 =	vadd.s32 v1, v4;
	_ =	sdelay $0x1  }
0x7f0: {  	v3 =	vperm.xlane v3, v2;
	_ =	sdelay $0x1  }
0x7f1: {  	v3 =	vadd.s32 v1, v3  }
0x7f2: {  	[tilespmem:s14], [sflag:$0x1] =	stream.indirect_vreg.gather [hbm4b:s2+s3], $0x80, v4, vm0, $0xb8;
	[tilespmem:$0x18800] =	vst v63  }
0x7f3: {  	s14 =	simm.s32 $0xB800  }
0x7f4: {  	[tilespmem:s14], [sflag:$0x1] =	stream.indirect_vreg.gather [hbm4b:s5+s3], $0x80, v4, vm1, $0xb8;
	[tilespmem:$0x18800] =	vst v63  }
0x7f5: {  	_ = 	snop  }
0x7f6: {  	[tilespmem:s1], [sflag:$0x1] =	stream.indirect_vreg.gather [hbm4b:s2+s3], $0x80, v3, vm0, $0xb8;
	[tilespmem:$0x18800] =	vst v63  }
0x7f7: {  	_ = 	snop  }
0x7f8: {  	[tilespmem:s15], [sflag:$0x1] =	stream.indirect_vreg.gather [hbm4b:s5+s3], $0x80, v3, vm1, $0xb8;
	[tilespmem:$0x18800] =	vst v63  }
0x7f9: {  	_ =	swait.ge [sflag:s24], $0xC000  }
0x7fa: {  	[sflag:s24] =	ssyncset.done $0x0  }
0x7fb: {  	s16 =	simm.s32 $0xC800;
	s15 =	rddreg [dreg:$0x10];
	[sflag:s24] =	ssyncadd.s32 $0xFFFF4000  }
0x7fc: {  	[hbm4b:s15+s3] =	stream.linear.scatter [tilespmem:s16], [sflag:$0x3], $0xC000, $0x38;
	[tilespmem:$0x18800] =	vst v63  }
0x7fd: {  	_ =	swait.ge [sflag:s7], $0xC000  }
0x7fe: {  	[sflag:s7] =	ssyncset.done $0x0  }
0x7ff: {  	[sflag:s7] =	ssyncadd.s32 $0xFFFF4000  }
0x800: {  	v3 =	vld [tilespmem:$0x780];
	_ =	sdelay $0x4  }
0x801: {  	v56 =	vshrl.u32 v3, $0x3  }
0x802: {  	v4 =	vmul.u32 $0x18, v56  }
0x803: {  	v3 =	vand.u32 $0x7, v3  }
0x804: {  	v3 =	vor.u32 v3, v4  }
0x805: {  	v4 =	vperm.xlane v3, v0;
	_ =	sdelay $0x1  }
0x806: {  	v4 =	vadd.s32 v1, v4;
	_ =	sdelay $0x1  }
0x807: {  	v3 =	vperm.xlane v3, v2;
	_ =	sdelay $0x1  }
0x808: {  	v3 =	vadd.s32 v1, v3  }
0x809: {  	[tilespmem:s16], [sflag:$0x2] =	stream.indirect_vreg.gather [hbm4b:s2+s3], $0x80, v4, vm0, $0xb8;
	[tilespmem:$0x18800] =	vst v63  }
0x80a: {  	s25 =	simm.s32 $0xD000  }
0x80b: {  	[tilespmem:s25], [sflag:$0x2] =	stream.indirect_vreg.gather [hbm4b:s5+s3], $0x80, v4, vm1, $0xb8;
	[tilespmem:$0x18800] =	vst v63  }
0x80c: {  	s8 =	simm.s32 $0xD400  }
0x80d: {  	[tilespmem:s8], [sflag:$0x2] =	stream.indirect_vreg.gather [hbm4b:s2+s3], $0x80, v3, vm0, $0xb8;
	[tilespmem:$0x18800] =	vst v63  }
0x80e: {  	s10 =	simm.s32 $0xDC00  }
0x80f: {  	[tilespmem:s10], [sflag:$0x2] =	stream.indirect_vreg.gather [hbm4b:s5+s3], $0x80, v3, vm1, $0xb8;
	[tilespmem:$0x18800] =	vst v63  }
0x810: {  	v3 =	vld [tilespmem:$0x790];
	_ =	sdelay $0x4  }
0x811: {  	v57 =	vshrl.u32 v3, $0x3  }
0x812: {  	v4 =	vmul.u32 $0x18, v57  }
0x813: {  	v3 =	vand.u32 $0x7, v3  }
0x814: {  	v3 =	vor.u32 v3, v4  }
0x815: {  	v4 =	vperm.xlane v3, v0;
	_ =	sdelay $0x1  }
0x816: {  	v4 =	vadd.s32 v1, v4;
	_ =	sdelay $0x1  }
0x817: {  	v3 =	vperm.xlane v3, v2;
	_ =	sdelay $0x1  }
0x818: {  	s6 =	simm.s32 $0xE000;
	v3 =	vadd.s32 v1, v3  }
0x819: {  	[tilespmem:s6], [sflag:$0x2] =	stream.indirect_vreg.gather [hbm4b:s2+s3], $0x80, v4, vm0, $0xb8;
	[tilespmem:$0x18800] =	vst v63  }
0x81a: {  	s11 =	simm.s32 $0xE800  }
0x81b: {  	[tilespmem:s11], [sflag:$0x2] =	stream.indirect_vreg.gather [hbm4b:s5+s3], $0x80, v4, vm1, $0xb8;
	[tilespmem:$0x18800] =	vst v63  }
0x81c: {  	s17 =	simm.s32 $0xEC00  }
0x81d: {  	[tilespmem:s17], [sflag:$0x2] =	stream.indirect_vreg.gather [hbm4b:s2+s3], $0x80, v3, vm0, $0xb8;
	[tilespmem:$0x18800] =	vst v63  }
0x81e: {  	s12 =	simm.s32 $0xF400  }
0x81f: {  	[tilespmem:s12], [sflag:$0x2] =	stream.indirect_vreg.gather [hbm4b:s5+s3], $0x80, v3, vm1, $0xb8;
	[tilespmem:$0x18800] =	vst v63  }
0x820: {  	v3 =	vld [tilespmem:$0x7A0];
	_ =	sdelay $0x4  }
0x821: {  	v58 =	vshrl.u32 v3, $0x3  }
0x822: {  	v4 =	vmul.u32 $0x18, v58  }
0x823: {  	v3 =	vand.u32 $0x7, v3  }
0x824: {  	v3 =	vor.u32 v3, v4  }
0x825: {  	v4 =	vperm.xlane v3, v0;
	_ =	sdelay $0x1  }
0x826: {  	v4 =	vadd.s32 v1, v4;
	_ =	sdelay $0x1  }
0x827: {  	v3 =	vperm.xlane v3, v2;
	_ =	sdelay $0x1  }
0x828: {  	s18 =	simm.s32 $0xF800;
	v3 =	vadd.s32 v1, v3  }
0x829: {  	[tilespmem:s18], [sflag:$0x2] =	stream.indirect_vreg.gather [hbm4b:s2+s3], $0x80, v4, vm0, $0xb8;
	[tilespmem:$0x18800] =	vst v63  }
0x82a: {  	s19 =	simm.s32 $0x10000  }
0x82b: {  	[tilespmem:s19], [sflag:$0x2] =	stream.indirect_vreg.gather [hbm4b:s5+s3], $0x80, v4, vm1, $0xb8;
	[tilespmem:$0x18800] =	vst v63  }
0x82c: {  	s20 =	simm.s32 $0x10400  }
0x82d: {  	[tilespmem:s20], [sflag:$0x2] =	stream.indirect_vreg.gather [hbm4b:s2+s3], $0x80, v3, vm0, $0xb8;
	[tilespmem:$0x18800] =	vst v63  }
0x82e: {  	s13 =	simm.s32 $0x10C00  }
0x82f: {  	[tilespmem:s13], [sflag:$0x2] =	stream.indirect_vreg.gather [hbm4b:s5+s3], $0x80, v3, vm1, $0xb8;
	[tilespmem:$0x18800] =	vst v63  }
0x830: {  	v3 =	vld [tilespmem:$0x7B0];
	_ =	sdelay $0x4  }
0x831: {  	v59 =	vshrl.u32 v3, $0x3  }
0x832: {  	v4 =	vmul.u32 $0x18, v59  }
0x833: {  	v3 =	vand.u32 $0x7, v3  }
0x834: {  	v3 =	vor.u32 v3, v4  }
0x835: {  	v4 =	vperm.xlane v3, v0;
	_ =	sdelay $0x1  }
0x836: {  	v4 =	vadd.s32 v1, v4;
	_ =	sdelay $0x1  }
0x837: {  	v3 =	vperm.xlane v3, v2;
	_ =	sdelay $0x1  }
0x838: {  	s21 =	simm.s32 $0x11000;
	v3 =	vadd.s32 v1, v3  }
0x839: {  	[tilespmem:s21], [sflag:$0x2] =	stream.indirect_vreg.gather [hbm4b:s2+s3], $0x80, v4, vm0, $0xb8;
	[tilespmem:$0x18800] =	vst v63  }
0x83a: {  	s22 =	simm.s32 $0x11800  }
0x83b: {  	[tilespmem:s22], [sflag:$0x2] =	stream.indirect_vreg.gather [hbm4b:s5+s3], $0x80, v4, vm1, $0xb8;
	[tilespmem:$0x18800] =	vst v63  }
0x83c: {  	s26 =	simm.s32 $0x11C00  }
0x83d: {  	[tilespmem:s26], [sflag:$0x2] =	stream.indirect_vreg.gather [hbm4b:s2+s3], $0x80, v3, vm0, $0xb8;
	[tilespmem:$0x18800] =	vst v63  }
0x83e: {  	s14 =	simm.s32 $0x12400  }
0x83f: {  	[tilespmem:s14], [sflag:$0x2] =	stream.indirect_vreg.gather [hbm4b:s5+s3], $0x80, v3, vm1, $0xb8;
	[tilespmem:$0x18800] =	vst v63  }
0x840: {  	v3 =	vld [tilespmem:$0x7C0];
	_ =	sdelay $0x4  }
0x841: {  	v60 =	vshrl.u32 v3, $0x3  }
0x842: {  	v4 =	vmul.u32 $0x18, v60  }
0x843: {  	v3 =	vand.u32 $0x7, v3  }
0x844: {  	v3 =	vor.u32 v3, v4  }
0x845: {  	v4 =	vperm.xlane v3, v0;
	_ =	sdelay $0x1  }
0x846: {  	v4 =	vadd.s32 v1, v4;
	_ =	sdelay $0x1  }
0x847: {  	v3 =	vperm.xlane v3, v2;
	_ =	sdelay $0x1  }
0x848: {  	s28 =	simm.s32 $0x12800;
	v3 =	vadd.s32 v1, v3  }
0x849: {  	[tilespmem:s28], [sflag:$0x2] =	stream.indirect_vreg.gather [hbm4b:s2+s3], $0x80, v4, vm0, $0xb8;
	[tilespmem:$0x18800] =	vst v63  }
0x84a: {  	s29 =	simm.s32 $0x13000  }
0x84b: {  	[tilespmem:s29], [sflag:$0x2] =	stream.indirect_vreg.gather [hbm4b:s5+s3], $0x80, v4, vm1, $0xb8;
	[tilespmem:$0x18800] =	vst v63  }
0x84c: {  	s30 =	simm.s32 $0x13400  }
0x84d: {  	[tilespmem:s30], [sflag:$0x2] =	stream.indirect_vreg.gather [hbm4b:s2+s3], $0x80, v3, vm0, $0xb8;
	[tilespmem:$0x18800] =	vst v63  }
0x84e: {  	s15 =	simm.s32 $0x13C00  }
0x84f: {  	[tilespmem:s15], [sflag:$0x2] =	stream.indirect_vreg.gather [hbm4b:s5+s3], $0x80, v3, vm1, $0xb8;
	[tilespmem:$0x18800] =	vst v63  }
0x850: {  	v3 =	vld [tilespmem:$0x7D0];
	_ =	sdelay $0x4  }
0x851: {  	v61 =	vshrl.u32 v3, $0x3  }
0x852: {  	v4 =	vmul.u32 $0x18, v61  }
0x853: {  	v3 =	vand.u32 $0x7, v3  }
0x854: {  	v3 =	vor.u32 v3, v4  }
0x855: {  	v4 =	vperm.xlane v3, v0;
	_ =	sdelay $0x1  }
0x856: {  	v4 =	vadd.s32 v1, v4;
	_ =	sdelay $0x1  }
0x857: {  	v3 =	vperm.xlane v3, v2;
	_ =	sdelay $0x1  }
0x858: {  	s31 =	simm.s32 $0x14000;
	v3 =	vadd.s32 v1, v3  }
0x859: {  	[tilespmem:s31], [sflag:$0x2] =	stream.indirect_vreg.gather [hbm4b:s2+s3], $0x80, v4, vm0, $0xb8;
	[tilespmem:$0x18800] =	vst v63  }
0x85a: {  	s16 =	simm.s32 $0x14800  }
0x85b: {  	[tilespmem:s16], [sflag:$0x2] =	stream.indirect_vreg.gather [hbm4b:s5+s3], $0x80, v4, vm1, $0xb8;
	[tilespmem:$0x18800] =	vst v63  }
0x85c: {  	s17 =	simm.s32 $0x14C00  }
0x85d: {  	[tilespmem:s17], [sflag:$0x2] =	stream.indirect_vreg.gather [hbm4b:s2+s3], $0x80, v3, vm0, $0xb8;
	[tilespmem:$0x18800] =	vst v63  }
0x85e: {  	s18 =	simm.s32 $0x15400  }
0x85f: {  	[tilespmem:s18], [sflag:$0x2] =	stream.indirect_vreg.gather [hbm4b:s5+s3], $0x80, v3, vm1, $0xb8;
	[tilespmem:$0x18800] =	vst v63  }
0x860: {  	v3 =	vld [tilespmem:$0x7E0];
	_ =	sdelay $0x4  }
0x861: {  	v62 =	vshrl.u32 v3, $0x3  }
0x862: {  	v4 =	vmul.u32 $0x18, v62  }
0x863: {  	v3 =	vand.u32 $0x7, v3  }
0x864: {  	v3 =	vor.u32 v3, v4  }
0x865: {  	v4 =	vperm.xlane v3, v0;
	_ =	sdelay $0x1  }
0x866: {  	v4 =	vadd.s32 v1, v4;
	_ =	sdelay $0x1  }
0x867: {  	v3 =	vperm.xlane v3, v2;
	_ =	sdelay $0x1  }
0x868: {  	s19 =	simm.s32 $0x15800;
	v3 =	vadd.s32 v1, v3  }
0x869: {  	[tilespmem:s19], [sflag:$0x2] =	stream.indirect_vreg.gather [hbm4b:s2+s3], $0x80, v4, vm0, $0xb8;
	[tilespmem:$0x18800] =	vst v63  }
0x86a: {  	s20 =	simm.s32 $0x16000  }
0x86b: {  	[tilespmem:s20], [sflag:$0x2] =	stream.indirect_vreg.gather [hbm4b:s5+s3], $0x80, v4, vm1, $0xb8;
	[tilespmem:$0x18800] =	vst v63  }
0x86c: {  	s21 =	simm.s32 $0x16400  }
0x86d: {  	[tilespmem:s21], [sflag:$0x2] =	stream.indirect_vreg.gather [hbm4b:s2+s3], $0x80, v3, vm0, $0xb8;
	[tilespmem:$0x18800] =	vst v63  }
0x86e: {  	s22 =	simm.s32 $0x16C00  }
0x86f: {  	[tilespmem:s22], [sflag:$0x2] =	stream.indirect_vreg.gather [hbm4b:s5+s3], $0x80, v3, vm1, $0xb8;
	[tilespmem:$0x18800] =	vst v63  }
0x870: {  	v3 =	vld [tilespmem:$0x7F0];
	_ =	sdelay $0x4  }
0x871: {  	v63 =	vshrl.u32 v3, $0x3  }
0x872: {  	v4 =	vmul.u32 $0x18, v63  }
0x873: {  	v3 =	vand.u32 $0x7, v3  }
0x874: {  	v3 =	vor.u32 v3, v4  }
0x875: {  	v4 =	vperm.xlane v3, v0;
	_ =	sdelay $0x1  }
0x876: {  	v4 =	vadd.s32 v1, v4;
	_ =	sdelay $0x1  }
0x877: {  	v3 =	vperm.xlane v3, v2;
	_ =	sdelay $0x1  }
0x878: {  	s25 =	simm.s32 $0x17000;
	v3 =	vadd.s32 v1, v3  }
0x879: {  	[tilespmem:s25], [sflag:$0x2] =	stream.indirect_vreg.gather [hbm4b:s2+s3], $0x80, v4, vm0, $0xb8;
	[tilespmem:$0x18800] =	vst v63  }
0x87a: {  	s26 =	simm.s32 $0x17800  }
0x87b: {  	[tilespmem:s26], [sflag:$0x2] =	stream.indirect_vreg.gather [hbm4b:s5+s3], $0x80, v4, vm1, $0xb8;
	[tilespmem:$0x18800] =	vst v63  }
0x87c: {  	s28 =	simm.s32 $0x17C00  }
0x87d: {  	[tilespmem:s28], [sflag:$0x2] =	stream.indirect_vreg.gather [hbm4b:s2+s3], $0x80, v3, vm0, $0xb8;
	[tilespmem:$0x18800] =	vst v63  }
0x87e: {  	s29 =	simm.s32 $0x18400  }
0x87f: {  	[tilespmem:s29], [sflag:$0x2] =	stream.indirect_vreg.gather [hbm4b:s5+s3], $0x80, v3, vm1, $0xb8;
	[tilespmem:$0x18800] =	vst v63  }
0x880: {  	s9 =	rddreg [dreg:$0x14];
	_ =	swait.ge [sflag:s23], $0xC000  }
0x881: {  	[sflag:s23] =	ssyncset.done $0x0  }
0x882: {  	s4 =	simm.s32 $0x800;
	s30 =	rddreg [dreg:$0x11];
	[sflag:s23] =	ssyncadd.s32 $0xFFFF4000  }
0x883: {  	[hbm4b:s30+s3] =	stream.linear.scatter [tilespmem:s4], [sflag:$0x3], $0xC000, $0x38;
	[tilespmem:$0x18800] =	vst v63  }
0x884: {  	_ =	swait.ge [sflag:s7], $0xC000  }
0x885: {  	[sflag:s7] =	ssyncset.done $0x0  }
0x886: {  	[sflag:s7] =	ssyncadd.s32 $0xFFFF4000  }
0x887: {  	_ =	swait.ge [sflag:s24], $0xC000  }
0x888: {  	s1 =	simm.s32 $0xC800;
	p0 =	sne.s32 s9, $0x1;
	[sflag:s24] =	ssyncset.done $0x0  }
.Ltmp0:
0x889: {  	s31 =	rddreg [dreg:$0x12];
	[sflag:s24] =	ssyncadd.s32 $0xFFFF4000;
	(pc) =	sbr.rel @p0 .LBB2_1-.Ltmp0, $4  }
0x88a: {  	[hbm4b:s31+s3] =	stream.linear.scatter [tilespmem:s1], [sflag:$0x3], $0xC000, $0x38;
	[tilespmem:$0x18800] =	vst v63  }
0x88b: {  	_ =	swait.ge [sflag:s7], $0xC000  }
0x88c: {  	[sflag:s7] =	ssyncset.done $0x0  }
0x88d: {  	s0 =	sadd.s32 $0xFFFFFFFF, s9;
	[sflag:s7] =	ssyncadd.s32 $0xFFFF4000  }
0x88e: {  	_ =	sfence.sel $0x180000  }
0x88f: {  	[bflag:$0x0] =	sbarrier.arrive $0xFFFF  }
0x890: {  	_ =	strace $0x90000047  }
0x891: {  	s0 =	stileid.u32;
	[bflag:$0x2] =	sbarrier.arrive $0xFFFF  }
0x892: {  	p0 =	sne.s32 s0, $0x0;
	s0 =	rddreg [dreg:$0x2]  }
0x893: {  	s0 =	sadd.s32 @!p0 $0x100000, s0  }
0x894: {  	[sflag:s0] =	ssyncadd.tile.s32 @!p0 $0x1;
	_ =	shalt  }
.Lfunc_end2:
_tile_overlayer_lowered:
.L_overlay_start_2:
0x895: {  	(tag) =	ssettag $0x2  }
0x896: {  	s0 =	rddreg [dreg:$0x0];
	s2 =	stileid.u32  }
0x897: {  	s1 =	rddreg [dreg:$0x1];
	p0 =	sne.s32 s2, $0x0  }
0x898: {  	s3 =	rddreg [dreg:$0x2];
	[bflag:$0x3] =	sbarrier.arrive $0xFFFF;
	s2 =	simm.s32 @!p0 $0x1C03  }
0x899: {  	[timem:s3], [sflag:s2] =	dma.local @!p0 [hbm:s0], s1  }
0x89a: {  	s0 =	simm.s32 @!p0 $0x3  }
0x89b: {  	_ =	swait.ge @!p0 [sflag:s0], s1  }
0x89c: {  	s1 =	ssub.s32 @!p0 $0x0, s1;
	[sflag:s0] =	ssyncset.done @!p0 $0x0  }
0x89d: {  	[sflag:s0] =	ssyncadd.s32 @!p0 s1  }
0x89e: {  	[bflag:$0x3] =	sbarrier.arrive $0xFFFF  }
0x89f: {  	_ =	shalt  }

</sc_bundles>
